<compile_context>
chip_gen: v7x
topology: tpu7x:2x2x1
jax: 0.10.2.dev20260603
libtpu: 0.0.44.dev20260713+nightly
codegen_flags: <defaults>
</compile_context>

<pallas_src>
import functools

import jax
import jax.numpy as jnp
from jax import lax
from jax.experimental import pallas as pl
from jax.experimental.pallas import tpu as pltpu
from jax.experimental.pallas import tpu_sc as plsc

N = 100000
E = 3200000
B = 128
D = 16
VOCAB = 1032

NS = 16
CH = 128
CHE = 256
NP = 100352
EP = 3276800
NPR = NP // 8
ECH = EP // CHE
NCH_N = NP // (NS * CH)
NCH_E = EP // (NS * CHE)
AGRP = 8
NBUF = 4
GLAG = 2
DLAG = 8
ROWS_PER_TILE = NP // NS
PBLK = 784
NBLK = NPR // PBLK

_f32 = jnp.float32
_i32 = jnp.int32

_SC_PARAMS = pltpu.CompilerParams(use_tc_tiling_on_sc=False)


@functools.cache
def _build_sc_emb_deg():
    @functools.partial(
        pl.kernel,
        out_type=(
            jax.ShapeDtypeStruct((NP, D), _f32),
            jax.ShapeDtypeStruct((NP, D), _f32),
            jax.ShapeDtypeStruct((NP, D), jnp.bfloat16),
            jax.ShapeDtypeStruct((NP, D), jnp.bfloat16),
        ),
        mesh=plsc.VectorSubcoreMesh(core_axis_name="c", subcore_axis_name="s"),
        compiler_params=_SC_PARAMS,
        scratch_types=[
            pltpu.VMEM_SHARED((NP, D), jnp.bfloat16),
            pltpu.VMEM((NCH_N, CH), _i32),
            pltpu.VMEM((3, AGRP * CHE), _i32),
            pltpu.VMEM((2, CH, D), _f32),
            pltpu.VMEM((CHE, D), jnp.bfloat16),
            pltpu.SemaphoreType.DMA((2,)),
            pltpu.SemaphoreType.DMA,
            pltpu.SemaphoreType.DMA,
        ],
    )
    def sc_emb_deg(x_r, x_l, e_r, e_l, emb, zeros, ones,
                   h0_r, h0_l, deg_r, deg_l,
                   acc, xbuf, ibuf, rows, ones_v, gsem, ssem, dsem):
        c = lax.axis_index("c")
        t = lax.axis_index("s")
        sl = pl.ds(t * ROWS_PER_TILE, ROWS_PER_TILE)
        ngrp = NCH_E // AGRP

        def side(x_hbm, e_hbm, h0_hbm, deg_hbm):
            pltpu.sync_copy(zeros.at[sl], acc.at[sl])
            pltpu.sync_copy(ones, ones_v)
            pltpu.sync_copy(x_hbm.at[t], xbuf)

            def h0_start(k, b):
                pltpu.make_async_copy(emb.at[xbuf.at[k]], rows.at[b],
                                      gsem.at[b]).start()

            def h0_wait(b):
                pltpu.make_async_copy(emb.at[xbuf.at[0]], rows.at[b],
                                      gsem.at[b]).wait()

            h0_start(0, 0)

            @pl.loop(0, NCH_N)
            def _(k):
                b = lax.rem(k, 2)

                @pl.when(k + 1 < NCH_N)
                def _():
                    h0_start(k + 1, 1 - b)

                h0_wait(b)
                pltpu.sync_copy(rows.at[b],
                                h0_hbm.at[pl.ds((t * NCH_N + k) * CH, CH)])

            plsc.subcore_barrier()

            def stage_start(g):
                base = EP + (t * NCH_E + g * AGRP) * CHE
                pltpu.make_async_copy(e_hbm.at[pl.ds(base, AGRP * CHE)],
                                      ibuf.at[lax.rem(g, 3)], ssem).start()

            def stage_wait(g):
                pltpu.make_async_copy(e_hbm.at[pl.ds(EP, AGRP * CHE)],
                                      ibuf.at[lax.rem(g, 3)], ssem).wait()

            def dscat_start(g, r):
                pltpu.make_async_copy(
                    ones_v,
                    acc.at[ibuf.at[lax.rem(g, 3), pl.ds(r * CHE, CHE)]],
                    dsem,
                ).start(add=True)

            def dscat_wait():
                pltpu.make_async_copy(ones_v, acc.at[ibuf.at[0, pl.ds(0, CHE)]],
                                      dsem).wait()

            stage_start(0)
            stage_wait(0)
            stage_start(1)

            @pl.loop(0, NCH_E)
            def _(i):
                g = lax.div(i, AGRP)
                r = lax.rem(i, AGRP)

                @pl.when((r == 0) & (g > 0))
                def _():
                    stage_wait(g)

                    @pl.when(g + 1 < ngrp)
                    def _():
                        stage_start(g + 1)

                dscat_start(g, r)

                @pl.when(i >= DLAG)
                def _():
                    dscat_wait()

            @pl.loop(0, DLAG)
            def _(i):
                dscat_wait()

            plsc.subcore_barrier()
            pltpu.sync_copy(acc.at[sl], deg_hbm.at[sl])

        @pl.when(c == 0)
        def _():
            side(x_r, e_r, h0_r, deg_r)

        @pl.when(c == 1)
        def _():
            side(x_l, e_l, h0_l, deg_l)

    return sc_emb_deg


@functools.cache
def _build_sc_aggregate():
    @functools.partial(
        pl.kernel,
        out_type=(
            jax.ShapeDtypeStruct((NP, D), _f32),
            jax.ShapeDtypeStruct((NP, D), _f32),
        ),
        mesh=plsc.VectorSubcoreMesh(core_axis_name="c", subcore_axis_name="s"),
        compiler_params=_SC_PARAMS,
        scratch_types=[
            pltpu.VMEM_SHARED((NP, D), _f32),
            pltpu.VMEM((3, AGRP * CHE), _i32),
            pltpu.VMEM((3, AGRP * CHE), _i32),
            pltpu.VMEM((NBUF, CHE, D), _f32),
            pltpu.SemaphoreType.DMA((NBUF,)),
            pltpu.SemaphoreType.DMA((NBUF,)),
            pltpu.SemaphoreType.DMA,
        ],
    )
    def sc_aggregate(y_r, y_l, e_r, e_l, zeros,
                     out_r, out_l,
                     acc, sbuf, dbuf, rows, gsem, ksem, ssem):
        c = lax.axis_index("c")
        t = lax.axis_index("s")
        sl = pl.ds(t * ROWS_PER_TILE, ROWS_PER_TILE)
        ngrp = NCH_E // AGRP
        m = NCH_E

        def side(y_hbm, e_hbm, out_hbm):
            pltpu.sync_copy(zeros.at[sl], acc.at[sl])
            plsc.subcore_barrier()

            def stage_start(g):
                base = (t * NCH_E + g * AGRP) * CHE
                slot = lax.rem(g, 3)
                pltpu.make_async_copy(e_hbm.at[pl.ds(base, AGRP * CHE)],
                                      sbuf.at[slot], ssem).start()
                pltpu.make_async_copy(e_hbm.at[pl.ds(EP + base, AGRP * CHE)],
                                      dbuf.at[slot], ssem).start()

            def stage_wait(g):
                slot = lax.rem(g, 3)
                pltpu.make_async_copy(e_hbm.at[pl.ds(0, AGRP * CHE)],
                                      sbuf.at[slot], ssem).wait()
                pltpu.make_async_copy(e_hbm.at[pl.ds(EP, AGRP * CHE)],
                                      dbuf.at[slot], ssem).wait()

            def gather_start(i, b):
                pltpu.make_async_copy(
                    y_hbm.at[sbuf.at[lax.rem(lax.div(i, AGRP), 3),
                                     pl.ds(lax.rem(i, AGRP) * CHE, CHE)]],
                    rows.at[b], gsem.at[b]).start()

            def gather_wait(b):
                pltpu.make_async_copy(y_hbm.at[sbuf.at[0, pl.ds(0, CHE)]],
                                      rows.at[b], gsem.at[b]).wait()

            def scat_start(i, b):
                pltpu.make_async_copy(
                    rows.at[b],
                    acc.at[dbuf.at[lax.rem(lax.div(i, AGRP), 3),
                                   pl.ds(lax.rem(i, AGRP) * CHE, CHE)]],
                    ksem.at[b]).start(add=True)

            def scat_wait(b):
                pltpu.make_async_copy(rows.at[b],
                                      acc.at[dbuf.at[0, pl.ds(0, CHE)]],
                                      ksem.at[b]).wait()

            stage_start(0)
            stage_wait(0)
            stage_start(1)

            @pl.loop(0, m)
            def _(i):
                g = lax.div(i, AGRP)
                r = lax.rem(i, AGRP)

                @pl.when((r == 0) & (g > 0))
                def _():
                    stage_wait(g)

                    @pl.when(g + 1 < ngrp)
                    def _():
                        stage_start(g + 1)

                b = lax.rem(i, NBUF)

                @pl.when(i >= NBUF)
                def _():
                    scat_wait(b)

                gather_start(i, b)

                @pl.when(i >= GLAG)
                def _():
                    b2 = lax.rem(i - GLAG, NBUF)
                    gather_wait(b2)
                    scat_start(i - GLAG, b2)

            @pl.loop(m, m + GLAG)
            def _(i):
                b2 = lax.rem(i - GLAG, NBUF)
                gather_wait(b2)
                scat_start(i - GLAG, b2)

            @pl.loop(0, NBUF)
            def _(b):
                scat_wait(b)

            plsc.subcore_barrier()
            pltpu.sync_copy(acc.at[sl], out_hbm.at[sl])

        @pl.when(c == 0)
        def _():
            side(y_r, e_r, out_r)

        @pl.when(c == 1)
        def _():
            side(y_l, e_l, out_l)

    return sc_aggregate


def _tc_y1(h0, deg, W1bd):
    def body(h_ref, d_ref, w_ref, y_ref):
        dinv = lax.rsqrt(d_ref[...] + 1.0)
        y_ref[...] = jnp.dot(h_ref[...], w_ref[...],
                             preferred_element_type=_f32) * dinv

    return pl.pallas_call(
        body,
        grid=(NBLK,),
        in_specs=[
            pl.BlockSpec((PBLK, 128), lambda i: (i, 0)),
            pl.BlockSpec((PBLK, 128), lambda i: (i, 0)),
            pl.BlockSpec((128, 128), lambda i: (0, 0)),
        ],
        out_specs=pl.BlockSpec((PBLK, 128), lambda i: (i, 0)),
        out_shape=jax.ShapeDtypeStruct((NPR, 128), _f32),
    )(h0, deg, W1bd)


def _tc_y2(acc1, y1, deg, W2bd, b1p):
    def body(a_ref, y_ref, d_ref, w_ref, b_ref, o_ref):
        dinv = lax.rsqrt(d_ref[...] + 1.0)
        h1 = (a_ref[...] + y_ref[...]) * dinv + b_ref[0:1, :]
        h1 = jnp.maximum(h1, 0.0)
        o_ref[...] = jnp.dot(h1, w_ref[...], preferred_element_type=_f32) * dinv

    return pl.pallas_call(
        body,
        grid=(NBLK,),
        in_specs=[
            pl.BlockSpec((PBLK, 128), lambda i: (i, 0)),
            pl.BlockSpec((PBLK, 128), lambda i: (i, 0)),
            pl.BlockSpec((PBLK, 128), lambda i: (i, 0)),
            pl.BlockSpec((128, 128), lambda i: (0, 0)),
            pl.BlockSpec((8, 128), lambda i: (0, 0)),
        ],
        out_specs=pl.BlockSpec((PBLK, 128), lambda i: (i, 0)),
        out_shape=jax.ShapeDtypeStruct((NPR, 128), _f32),
    )(acc1, y1, deg, W2bd, b1p)


def _tc_epilogue(acc_r, y_r, deg_r, batch_r, acc_l, y_l, deg_l, batch_l,
                 b2p, Wfc8, bfc8):
    nodes = PBLK * 8

    def body(ar, yr, dr, br, al, yl, dl, bl, b2_ref, w_ref, bf_ref, o_ref,
             s_r, c_r, s_l, c_l):
        i = pl.program_id(0)

        @pl.when(i == 0)
        def _():
            s_r[...] = jnp.zeros_like(s_r)
            c_r[...] = jnp.zeros_like(c_r)
            s_l[...] = jnp.zeros_like(s_l)
            c_l[...] = jnp.zeros_like(c_l)

        def side(a_ref, y_ref, d_ref, b_ref, s_scr, c_scr):
            dinv = lax.rsqrt(d_ref[...] + 1.0)
            h2p = (a_ref[...] + y_ref[...]) * dinv + b2_ref[0:1, :]
            bid8 = b_ref[0]
            s = jnp.zeros((B, D), _f32)
            cnt = jnp.zeros((B, 1), _f32)
            for k in range(8):
                row = bid8[k:k + 1, :]
                oh = (lax.broadcasted_iota(_i32, (B, PBLK), 0)
                      == row).astype(_f32)
                s = s + jnp.dot(oh, h2p[:, 16 * k:16 * (k + 1)],
                                preferred_element_type=_f32)
                cnt = cnt + jnp.sum(oh, axis=1, keepdims=True)
            s_scr[...] += s
            c_scr[...] += cnt

        side(ar, yr, dr, br, s_r, c_r)
        side(al, yl, dl, bl, s_l, c_l)

        @pl.when(i == NBLK - 1)
        def _():
            mr = s_r[...] / jnp.maximum(c_r[...], 1.0)
            ml = s_l[...] / jnp.maximum(c_l[...], 1.0)
            hcat = jnp.concatenate([mr, ml], axis=1)
            out = lax.dot_general(hcat, w_ref[...],
                                  (((1,), (1,)), ((), ())),
                                  preferred_element_type=_f32)
            o_ref[...] = out + bf_ref[0:1, :]

    node_spec = pl.BlockSpec((PBLK, 128), lambda i: (i, 0))
    batch_spec = pl.BlockSpec((1, 8, PBLK), lambda i: (i, 0, 0))
    return pl.pallas_call(
        body,
        grid=(NBLK,),
        in_specs=[
            node_spec, node_spec, node_spec, batch_spec,
            node_spec, node_spec, node_spec, batch_spec,
            pl.BlockSpec((8, 128), lambda i: (0, 0)),
            pl.BlockSpec((8, 2 * D), lambda i: (0, 0)),
            pl.BlockSpec((8, 8), lambda i: (0, 0)),
        ],
        out_specs=pl.BlockSpec((B, 8), lambda i: (0, 0)),
        out_shape=jax.ShapeDtypeStruct((B, 8), _f32),
        scratch_shapes=[
            pltpu.VMEM((B, D), _f32),
            pltpu.VMEM((B, 1), _f32),
            pltpu.VMEM((B, D), _f32),
            pltpu.VMEM((B, 1), _f32),
        ],
    )(acc_r, y_r, deg_r, batch_r, acc_l, y_l, deg_l, batch_l, b2p, Wfc8, bfc8)


def _prep_nodes(x):
    xp = jnp.concatenate([x.astype(_i32), jnp.zeros((NP - N,), _i32)])
    return xp.reshape(NS, NCH_N, CH)


def _prep_edges(ei):
    src = jnp.concatenate([ei[0].astype(_i32), jnp.zeros((EP - E,), _i32)])
    dst = jnp.concatenate([ei[1].astype(_i32), jnp.full((EP - E,), N, _i32)])
    return jnp.concatenate([src, dst])


def _prep_batch(b):
    bp = jnp.concatenate([b.astype(_i32), jnp.full((NP - N,), B + 7, _i32)])
    return bp.reshape(NBLK, PBLK, 8).transpose(0, 2, 1)


def kernel(receptor_x, receptor_edge_index, receptor_batch,
           ligand_x, ligand_edge_index, ligand_batch,
           emb_table, W1, b1, W2, b2, Wfc, bfc):
    x_r = _prep_nodes(receptor_x)
    x_l = _prep_nodes(ligand_x)
    e_r = _prep_edges(receptor_edge_index)
    e_l = _prep_edges(ligand_edge_index)
    batch_r = _prep_batch(receptor_batch)
    batch_l = _prep_batch(ligand_batch)

    zeros = jnp.zeros((NP, D), _f32)
    zeros_bf = jnp.zeros((NP, D), jnp.bfloat16)
    ones_bf = jnp.ones((CHE, D), jnp.bfloat16)
    eye8 = jnp.eye(8, dtype=_f32)
    W1bd = jnp.kron(eye8, W1)
    W2bd = jnp.kron(eye8, W2)
    b1p = jnp.tile(jnp.tile(b1, 8)[None, :], (8, 1))
    b2p = jnp.tile(jnp.tile(b2, 8)[None, :], (8, 1))
    Wfc8 = jnp.concatenate([Wfc, jnp.zeros((2, 2 * D), _f32)], axis=0)
    bfc8 = jnp.tile(jnp.concatenate([bfc, jnp.zeros((2,), _f32)])[None, :],
                    (8, 1))

    def pack(a):
        return jnp.reshape(a, (NPR, 128))

    def unpack(a):
        return jnp.reshape(a, (NP, D))

    h0_r, h0_l, deg_r, deg_l = _build_sc_emb_deg()(
        x_r, x_l, e_r, e_l, emb_table, zeros_bf, ones_bf)
    deg_r = deg_r.astype(_f32)
    deg_l = deg_l.astype(_f32)
    h0_r, h0_l, deg_r, deg_l = map(pack, (h0_r, h0_l, deg_r, deg_l))

    y1_r = _tc_y1(h0_r, deg_r, W1bd)
    y1_l = _tc_y1(h0_l, deg_l, W1bd)

    acc1_r, acc1_l = _build_sc_aggregate()(
        unpack(y1_r), unpack(y1_l), e_r, e_l, zeros)
    acc1_r, acc1_l = pack(acc1_r), pack(acc1_l)

    y2_r = _tc_y2(acc1_r, y1_r, deg_r, W2bd, b1p)
    y2_l = _tc_y2(acc1_l, y1_l, deg_l, W2bd, b1p)

    acc2_r, acc2_l = _build_sc_aggregate()(
        unpack(y2_r), unpack(y2_l), e_r, e_l, zeros)
    acc2_r, acc2_l = pack(acc2_r), pack(acc2_l)

    out8 = _tc_epilogue(acc2_r, y2_r, deg_r, batch_r,
                        acc2_l, y2_l, deg_l, batch_l,
                        b2p, Wfc8, bfc8)
    return (out8[:, :3], out8[:, 3:6])

# --- scband reference (transcript-rebuilt; emitter-appended) ---
"""Pipeline reference for scband-dummy-denoising-model-54631984005193 (READ-ONLY COPY).

The authoritative reference and input builder live on the scoring server;
editing this copy changes nothing except your own understanding.
"""

import jax, jax.numpy as jnp
import numpy as np

N = 100000
E = 3200000
B = 128
D = 16
VOCAB = 1032


def setup_inputs(seed: int = 0) -> dict:
    key = jax.random.key(seed)
    ks = jax.random.split(key, 16)
    inp = {}
    inp["receptor_x"] = jax.random.randint(ks[0], (N,), 0, VOCAB)
    inp["receptor_edge_index"] = jax.random.randint(ks[1], (2, E), 0, N)
    inp["receptor_batch"] = jnp.sort(jax.random.randint(ks[2], (N,), 0, B))
    inp["ligand_x"] = jax.random.randint(ks[3], (N,), 0, VOCAB)
    inp["ligand_edge_index"] = jax.random.randint(ks[4], (2, E), 0, N)
    inp["ligand_batch"] = jnp.sort(jax.random.randint(ks[5], (N,), 0, B))
    # learned parameters (xavier-normal-ish init, biases zero as in init_params)
    inp["emb_table"] = jax.random.normal(ks[6], (VOCAB, D), dtype=jnp.float32) * 0.06
    inp["W1"] = jax.random.normal(ks[7], (D, D), dtype=jnp.float32) * 0.25
    inp["b1"] = jnp.zeros((D,), dtype=jnp.float32)
    inp["W2"] = jax.random.normal(ks[8], (D, D), dtype=jnp.float32) * 0.25
    inp["b2"] = jnp.zeros((D,), dtype=jnp.float32)
    inp["Wfc"] = jax.random.normal(ks[9], (6, 2 * D), dtype=jnp.float32) * 0.23
    inp["bfc"] = jnp.zeros((6,), dtype=jnp.float32)
    return inp


def _gcn_conv(x, src, dst, W, b, n):
    # PyG GCNConv: add self loops + symmetric D^{-1/2} (A+I) D^{-1/2} normalization
    xw = x @ W
    deg = jnp.zeros((n,), x.dtype).at[dst].add(1.0) + 1.0  # +1 for self loop
    dinv = jax.lax.rsqrt(deg)
    norm = dinv[src] * dinv[dst]
    msg = xw[src] * norm[:, None]
    agg = jnp.zeros((n, xw.shape[1]), x.dtype).at[dst].add(msg)
    agg = agg + xw * (dinv * dinv)[:, None]  # self-loop term
    return agg + b


def _protein_embeds(x_idx, edge_index, batch_ids, emb_table, W1, b1, W2, b2):
    n = x_idx.shape[0]
    h = jnp.take(emb_table, x_idx, axis=0)
    src, dst = edge_index[0], edge_index[1]
    h = jax.nn.relu(_gcn_conv(h, src, dst, W1, b1, n))
    h = _gcn_conv(h, src, dst, W2, b2, n)  # last layer: no activation (PyG BasicGNN)
    s = jax.ops.segment_sum(h, batch_ids, num_segments=B)
    cnt = jax.ops.segment_sum(jnp.ones((n,), h.dtype), batch_ids, num_segments=B)
    return s / jnp.maximum(cnt, 1.0)[:, None]  # global_mean_pool


def reference(receptor_x, receptor_edge_index, receptor_batch,
              ligand_x, ligand_edge_index, ligand_batch,
              emb_table, W1, b1, W2, b2, Wfc, bfc):
    r = _protein_embeds(receptor_x, receptor_edge_index, receptor_batch, emb_table, W1, b1, W2, b2)
    l = _protein_embeds(ligand_x, ligand_edge_index, ligand_batch, emb_table, W1, b1, W2, b2)
    h = jnp.concatenate([r, l], axis=1)
    out = h @ Wfc.T + bfc
    return (out[:, :3], out[:, 3:])

if __name__ == "__main__":
    import jax
    _d = setup_inputs()
    print(jax.jit(kernel)(*tuple(_d.values())))

</pallas_src>

<mosaic_0001>
#map = affine_map<(d0, d1) -> (0, 0)>
#map1 = affine_map<(d0, d1) -> (0)>
module attributes {stable_mosaic.version = 14 : i64} {
  func.func @sc_aggregate(%arg0: i32, %arg1: i32, %arg2: memref<100352x16xf32, #tpu.memory_space<hbm>>, %arg3: memref<100352x16xf32, #tpu.memory_space<hbm>>, %arg4: memref<6553600xi32, #tpu.memory_space<hbm>>, %arg5: memref<6553600xi32, #tpu.memory_space<hbm>>, %arg6: memref<100352x16xf32, #tpu.memory_space<hbm>>, %arg7: memref<100352x16xf32, #tpu.memory_space<hbm>>, %arg8: memref<100352x16xf32, #tpu.memory_space<hbm>>, %arg9: memref<100352x16xf32, #tpu.memory_space<vmem_shared>>, %arg10: memref<3x2048xi32, #tpu.memory_space<vmem>>, %arg11: memref<3x2048xi32, #tpu.memory_space<vmem>>, %arg12: memref<4x256x16xf32, #tpu.memory_space<vmem>>, %arg13: memref<4x!tpu.dma_semaphore, #tpu.memory_space<semaphore_mem>>, %arg14: memref<4x!tpu.dma_semaphore, #tpu.memory_space<semaphore_mem>>, %arg15: memref<!tpu.dma_semaphore, #tpu.memory_space<semaphore_mem>>) attributes {dimension_semantics = [#tpu.dimension_semantics<core_parallel>, #tpu.dimension_semantics<subcore_parallel>], iteration_bounds = array<i64: 2, 16>, scalar_prefetch = 0 : i64, scratch_operands = 7 : i64, tpu.core_type = #tpu.core_type<sc_vector_subcore>, window_params = [{transform_indices = #map}, {transform_indices = #map}, {transform_indices = #map1}, {transform_indices = #map1}, {transform_indices = #map}, {transform_indices = #map}, {transform_indices = #map}]} {
    %mul3A = arith.constant 6272 : i32
    %mul3A_0 = arith.muli %arg1, %mul3A : i32
    %eq3A = arith.constant 0 : i32
    %eq3A_1 = arith.cmpi eq, %arg0, %eq3A : i32
    %convert_element_type3A = arith.extui %eq3A_1 : i1 to i32
    %cond3A = arith.constant 0 : i32
    %cond3A_2 = arith.cmpi ne, %convert_element_type3A, %cond3A : i32
    scf.if %cond3A_2 {
      "tpu.region"() ({
        %run_scoped3A = tpu.sem_alloc : memref<!tpu.dma_semaphore, #tpu.memory_space<semaphore_mem>>
        %dma_start3A_96 = arith.constant 0 : i32
        %dma_start3A_97 = tpu.memref_slice %arg9[%mul3A_0, %dma_start3A_96] : memref<100352x16xf32, #tpu.memory_space<vmem_shared>> -> memref<6272x16xf32, #tpu.memory_space<vmem_shared>>
        %dma_start3A_98 = arith.constant 0 : i32
        %dma_start3A_99 = tpu.memref_slice %arg6[%mul3A_0, %dma_start3A_98] : memref<100352x16xf32, #tpu.memory_space<hbm>> -> memref<6272x16xf32, #tpu.memory_space<hbm>>
        tpu.enqueue_dma source(%dma_start3A_99 : memref<6272x16xf32, #tpu.memory_space<hbm>>) target(%dma_start3A_97 : memref<6272x16xf32, #tpu.memory_space<vmem_shared>>) target_semaphore(%run_scoped3A : memref<!tpu.dma_semaphore, #tpu.memory_space<semaphore_mem>>)
        %dma_wait3A_100 = arith.constant 0 : i32
        %dma_wait3A_101 = tpu.memref_slice %arg9[%mul3A_0, %dma_wait3A_100] : memref<100352x16xf32, #tpu.memory_space<vmem_shared>> -> memref<6272x16xf32, #tpu.memory_space<vmem_shared>>
        %dma_wait3A_102 = arith.constant 0 : i32
        %dma_wait3A_103 = tpu.memref_slice %arg6[%mul3A_0, %dma_wait3A_102] : memref<100352x16xf32, #tpu.memory_space<hbm>> -> memref<6272x16xf32, #tpu.memory_space<hbm>>
        tpu.wait_dma2 semaphore(%run_scoped3A : memref<!tpu.dma_semaphore, #tpu.memory_space<semaphore_mem>>) src(%dma_wait3A_103 : memref<6272x16xf32, #tpu.memory_space<hbm>>) dst(%dma_wait3A_101 : memref<6272x16xf32, #tpu.memory_space<vmem_shared>>)
        tpu.yield
      }) : () -> ()
      %barrier3A = arith.constant 0 : index
      tpu.barrier barrier_id(%barrier3A)
      %mul3A_8 = arith.constant 800 : i32
      %mul3A_9 = arith.muli %arg1, %mul3A_8 : i32
      %add3A = arith.constant 0 : i32
      %add3A_10 = arith.addi %mul3A_9, %add3A : i32
      %mul3A_11 = arith.constant 256 : i32
      %mul3A_12 = arith.muli %add3A_10, %mul3A_11 : i32
      %rem3A = arith.constant 0 : i32
      %rem3A_13 = arith.constant 3 : i32
      %rem3A_14 = arith.remsi %rem3A, %rem3A_13 : i32
      %dma_start3A = arith.constant 0 : i32
      %dma_start3A_15 = tpu.memref_slice %arg10[%rem3A_14, %dma_start3A] : memref<3x2048xi32, #tpu.memory_space<vmem>> -> memref<1x2048xi32, #tpu.memory_space<vmem>>
      %dma_start3A_16 = tpu.memref_squeeze %dma_start3A_15 : memref<1x2048xi32, #tpu.memory_space<vmem>> -> memref<2048xi32, #tpu.memory_space<vmem>>
      %dma_start3A_17 = tpu.memref_slice %arg4[%mul3A_12] : memref<6553600xi32, #tpu.memory_space<hbm>> -> memref<2048xi32, #tpu.memory_space<hbm>>
      %dma_start3A_18 = arith.constant 0 : i32
      %dma_start3A_19 = tpu.memref_slice %arg10[%rem3A_14, %dma_start3A_18] : memref<3x2048xi32, #tpu.memory_space<vmem>> -> memref<1x2048xi32, #tpu.memory_space<vmem>>
      %dma_start3A_20 = tpu.memref_squeeze %dma_start3A_19 : memref<1x2048xi32, #tpu.memory_space<vmem>> -> memref<2048xi32, #tpu.memory_space<vmem>>
      %dma_start3A_21 = tpu.memref_slice %arg4[%mul3A_12] : memref<6553600xi32, #tpu.memory_space<hbm>> -> memref<2048xi32, #tpu.memory_space<hbm>>
      tpu.enqueue_dma source(%dma_start3A_21 : memref<2048xi32, #tpu.memory_space<hbm>>) target(%dma_start3A_20 : memref<2048xi32, #tpu.memory_space<vmem>>) target_semaphore(%arg15 : memref<!tpu.dma_semaphore, #tpu.memory_space<semaphore_mem>>)
      %add3A_22 = arith.constant 3276800 : i32
      %add3A_23 = arith.addi %add3A_22, %mul3A_12 : i32
      %dma_start3A_24 = arith.constant 0 : i32
      %dma_start3A_25 = tpu.memref_slice %arg11[%rem3A_14, %dma_start3A_24] : memref<3x2048xi32, #tpu.memory_space<vmem>> -> memref<1x2048xi32, #tpu.memory_space<vmem>>
      %dma_start3A_26 = tpu.memref_squeeze %dma_start3A_25 : memref<1x2048xi32, #tpu.memory_space<vmem>> -> memref<2048xi32, #tpu.memory_space<vmem>>
      %dma_start3A_27 = tpu.memref_slice %arg4[%add3A_23] : memref<6553600xi32, #tpu.memory_space<hbm>> -> memref<2048xi32, #tpu.memory_space<hbm>>
      %dma_start3A_28 = arith.constant 0 : i32
      %dma_start3A_29 = tpu.memref_slice %arg11[%rem3A_14, %dma_start3A_28] : memref<3x2048xi32, #tpu.memory_space<vmem>> -> memref<1x2048xi32, #tpu.memory_space<vmem>>
      %dma_start3A_30 = tpu.memref_squeeze %dma_start3A_29 : memref<1x2048xi32, #tpu.memory_space<vmem>> -> memref<2048xi32, #tpu.memory_space<vmem>>
      %dma_start3A_31 = tpu.memref_slice %arg4[%add3A_23] : memref<6553600xi32, #tpu.memory_space<hbm>> -> memref<2048xi32, #tpu.memory_space<hbm>>
      tpu.enqueue_dma source(%dma_start3A_31 : memref<2048xi32, #tpu.memory_space<hbm>>) target(%dma_start3A_30 : memref<2048xi32, #tpu.memory_space<vmem>>) target_semaphore(%arg15 : memref<!tpu.dma_semaphore, #tpu.memory_space<semaphore_mem>>)
      %rem3A_32 = arith.constant 0 : i32
      %rem3A_33 = arith.constant 3 : i32
      %rem3A_34 = arith.remsi %rem3A_32, %rem3A_33 : i32
      %dma_wait3A = arith.constant 0 : i32
      %dma_wait3A_35 = tpu.memref_slice %arg10[%rem3A_34, %dma_wait3A] : memref<3x2048xi32, #tpu.memory_space<vmem>> -> memref<1x2048xi32, #tpu.memory_space<vmem>>
      %dma_wait3A_36 = tpu.memref_squeeze %dma_wait3A_35 : memref<1x2048xi32, #tpu.memory_space<vmem>> -> memref<2048xi32, #tpu.memory_space<vmem>>
      %dma_wait3A_37 = arith.constant 0 : i32
      %dma_wait3A_38 = tpu.memref_slice %arg4[%dma_wait3A_37] : memref<6553600xi32, #tpu.memory_space<hbm>> -> memref<2048xi32, #tpu.memory_space<hbm>>
      %dma_wait3A_39 = arith.constant 0 : i32
      %dma_wait3A_40 = tpu.memref_slice %arg10[%rem3A_34, %dma_wait3A_39] : memref<3x2048xi32, #tpu.memory_space<vmem>> -> memref<1x2048xi32, #tpu.memory_space<vmem>>
      %dma_wait3A_41 = tpu.memref_squeeze %dma_wait3A_40 : memref<1x2048xi32, #tpu.memory_space<vmem>> -> memref<2048xi32, #tpu.memory_space<vmem>>
      %dma_wait3A_42 = arith.constant 0 : i32
      %dma_wait3A_43 = tpu.memref_slice %arg4[%dma_wait3A_42] : memref<6553600xi32, #tpu.memory_space<hbm>> -> memref<2048xi32, #tpu.memory_space<hbm>>
      tpu.wait_dma2 semaphore(%arg15 : memref<!tpu.dma_semaphore, #tpu.memory_space<semaphore_mem>>) src(%dma_wait3A_43 : memref<2048xi32, #tpu.memory_space<hbm>>) dst(%dma_wait3A_41 : memref<2048xi32, #tpu.memory_space<vmem>>)
      %dma_wait3A_44 = arith.constant 0 : i32
      %dma_wait3A_45 = tpu.memref_slice %arg11[%rem3A_34, %dma_wait3A_44] : memref<3x2048xi32, #tpu.memory_space<vmem>> -> memref<1x2048xi32, #tpu.memory_space<vmem>>
      %dma_wait3A_46 = tpu.memref_squeeze %dma_wait3A_45 : memref<1x2048xi32, #tpu.memory_space<vmem>> -> memref<2048xi32, #tpu.memory_space<vmem>>
      %dma_wait3A_47 = arith.constant 3276800 : i32
      %dma_wait3A_48 = tpu.memref_slice %arg4[%dma_wait3A_47] : memref<6553600xi32, #tpu.memory_space<hbm>> -> memref<2048xi32, #tpu.memory_space<hbm>>
      %dma_wait3A_49 = arith.constant 0 : i32
      %dma_wait3A_50 = tpu.memref_slice %arg11[%rem3A_34, %dma_wait3A_49] : memref<3x2048xi32, #tpu.memory_space<vmem>> -> memref<1x2048xi32, #tpu.memory_space<vmem>>
      %dma_wait3A_51 = tpu.memref_squeeze %dma_wait3A_50 : memref<1x2048xi32, #tpu.memory_space<vmem>> -> memref<2048xi32, #tpu.memory_space<vmem>>
      %dma_wait3A_52 = arith.constant 3276800 : i32
      %dma_wait3A_53 = tpu.memref_slice %arg4[%dma_wait3A_52] : memref<6553600xi32, #tpu.memory_space<hbm>> -> memref<2048xi32, #tpu.memory_space<hbm>>
      tpu.wait_dma2 semaphore(%arg15 : memref<!tpu.dma_semaphore, #tpu.memory_space<semaphore_mem>>) src(%dma_wait3A_53 : memref<2048xi32, #tpu.memory_space<hbm>>) dst(%dma_wait3A_51 : memref<2048xi32, #tpu.memory_space<vmem>>)
      %mul3A_54 = arith.constant 800 : i32
      %mul3A_55 = arith.muli %arg1, %mul3A_54 : i32
      %add3A_56 = arith.constant 8 : i32
      %add3A_57 = arith.addi %mul3A_55, %add3A_56 : i32
      %mul3A_58 = arith.constant 256 : i32
      %mul3A_59 = arith.muli %add3A_57, %mul3A_58 : i32
      %rem3A_60 = arith.constant 1 : i32
      %rem3A_61 = arith.constant 3 : i32
      %rem3A_62 = arith.remsi %rem3A_60, %rem3A_61 : i32
      %dma_start3A_63 = arith.constant 0 : i32
      %dma_start3A_64 = tpu.memref_slice %arg10[%rem3A_62, %dma_start3A_63] : memref<3x2048xi32, #tpu.memory_space<vmem>> -> memref<1x2048xi32, #tpu.memory_space<vmem>>
      %dma_start3A_65 = tpu.memref_squeeze %dma_start3A_64 : memref<1x2048xi32, #tpu.memory_space<vmem>> -> memref<2048xi32, #tpu.memory_space<vmem>>
      %dma_start3A_66 = tpu.memref_slice %arg4[%mul3A_59] : memref<6553600xi32, #tpu.memory_space<hbm>> -> memref<2048xi32, #tpu.memory_space<hbm>>
      %dma_start3A_67 = arith.constant 0 : i32
      %dma_start3A_68 = tpu.memref_slice %arg10[%rem3A_62, %dma_start3A_67] : memref<3x2048xi32, #tpu.memory_space<vmem>> -> memref<1x2048xi32, #tpu.memory_space<vmem>>
      %dma_start3A_69 = tpu.memref_squeeze %dma_start3A_68 : memref<1x2048xi32, #tpu.memory_space<vmem>> -> memref<2048xi32, #tpu.memory_space<vmem>>
      %dma_start3A_70 = tpu.memref_slice %arg4[%mul3A_59] : memref<6553600xi32, #tpu.memory_space<hbm>> -> memref<2048xi32, #tpu.memory_space<hbm>>
      tpu.enqueue_dma source(%dma_start3A_70 : memref<2048xi32, #tpu.memory_space<hbm>>) target(%dma_start3A_69 : memref<2048xi32, #tpu.memory_space<vmem>>) target_semaphore(%arg15 : memref<!tpu.dma_semaphore, #tpu.memory_space<semaphore_mem>>)
      %add3A_71 = arith.constant 3276800 : i32
      %add3A_72 = arith.addi %add3A_71, %mul3A_59 : i32
      %dma_start3A_73 = arith.constant 0 : i32
      %dma_start3A_74 = tpu.memref_slice %arg11[%rem3A_62, %dma_start3A_73] : memref<3x2048xi32, #tpu.memory_space<vmem>> -> memref<1x2048xi32, #tpu.memory_space<vmem>>
      %dma_start3A_75 = tpu.memref_squeeze %dma_start3A_74 : memref<1x2048xi32, #tpu.memory_space<vmem>> -> memref<2048xi32, #tpu.memory_space<vmem>>
      %dma_start3A_76 = tpu.memref_slice %arg4[%add3A_72] : memref<6553600xi32, #tpu.memory_space<hbm>> -> memref<2048xi32, #tpu.memory_space<hbm>>
      %dma_start3A_77 = arith.constant 0 : i32
      %dma_start3A_78 = tpu.memref_slice %arg11[%rem3A_62, %dma_start3A_77] : memref<3x2048xi32, #tpu.memory_space<vmem>> -> memref<1x2048xi32, #tpu.memory_space<vmem>>
      %dma_start3A_79 = tpu.memref_squeeze %dma_start3A_78 : memref<1x2048xi32, #tpu.memory_space<vmem>> -> memref<2048xi32, #tpu.memory_space<vmem>>
      %dma_start3A_80 = tpu.memref_slice %arg4[%add3A_72] : memref<6553600xi32, #tpu.memory_space<hbm>> -> memref<2048xi32, #tpu.memory_space<hbm>>
      tpu.enqueue_dma source(%dma_start3A_80 : memref<2048xi32, #tpu.memory_space<hbm>>) target(%dma_start3A_79 : memref<2048xi32, #tpu.memory_space<vmem>>) target_semaphore(%arg15 : memref<!tpu.dma_semaphore, #tpu.memory_space<semaphore_mem>>)
      %scan3A = arith.constant 0 : i32
      %scan3A_81 = arith.constant 800 : i32
      %scan3A_82 = arith.addi %scan3A, %scan3A_81 : i32
      %scan3A_83 = arith.constant 1 : i32
      scf.for %scan3A_96 = %scan3A to %scan3A_82 step %scan3A_83  : i32 {
        %mul3A_97 = arith.constant 1 : i32
        %mul3A_98 = arith.muli %scan3A_96, %mul3A_97 : i32
        %add3A_99 = arith.constant 0 : i32
        %add3A_100 = arith.addi %add3A_99, %mul3A_98 : i32
        %div3A = arith.constant 8 : i32
        %div3A_101 = arith.divsi %add3A_100, %div3A : i32
        %rem3A_102 = arith.constant 8 : i32
        %rem3A_103 = arith.remsi %add3A_100, %rem3A_102 : i32
        %eq3A_104 = arith.constant 0 : i32
        %eq3A_105 = arith.cmpi eq, %rem3A_103, %eq3A_104 : i32
        %gt3A = arith.constant 0 : i32
        %gt3A_106 = arith.cmpi sgt, %div3A_101, %gt3A : i32
        %and3A = arith.andi %eq3A_105, %gt3A_106 : i1
        %convert_element_type3A_107 = arith.extui %and3A : i1 to i32
        %cond3A_108 = arith.constant 0 : i32
        %cond3A_109 = arith.cmpi ne, %convert_element_type3A_107, %cond3A_108 : i32
        scf.if %cond3A_109 {
          %rem3A_140 = arith.constant 3 : i32
          %rem3A_141 = arith.remsi %div3A_101, %rem3A_140 : i32
          %dma_wait3A_142 = arith.constant 0 : i32
          %dma_wait3A_143 = tpu.memref_slice %arg10[%rem3A_141, %dma_wait3A_142] : memref<3x2048xi32, #tpu.memory_space<vmem>> -> memref<1x2048xi32, #tpu.memory_space<vmem>>
          %dma_wait3A_144 = tpu.memref_squeeze %dma_wait3A_143 : memref<1x2048xi32, #tpu.memory_space<vmem>> -> memref<2048xi32, #tpu.memory_space<vmem>>
          %dma_wait3A_145 = arith.constant 0 : i32
          %dma_wait3A_146 = tpu.memref_slice %arg4[%dma_wait3A_145] : memref<6553600xi32, #tpu.memory_space<hbm>> -> memref<2048xi32, #tpu.memory_space<hbm>>
          %dma_wait3A_147 = arith.constant 0 : i32
          %dma_wait3A_148 = tpu.memref_slice %arg10[%rem3A_141, %dma_wait3A_147] : memref<3x2048xi32, #tpu.memory_space<vmem>> -> memref<1x2048xi32, #tpu.memory_space<vmem>>
          %dma_wait3A_149 = tpu.memref_squeeze %dma_wait3A_148 : memref<1x2048xi32, #tpu.memory_space<vmem>> -> memref<2048xi32, #tpu.memory_space<vmem>>
          %dma_wait3A_150 = arith.constant 0 : i32
          %dma_wait3A_151 = tpu.memref_slice %arg4[%dma_wait3A_150] : memref<6553600xi32, #tpu.memory_space<hbm>> -> memref<2048xi32, #tpu.memory_space<hbm>>
          tpu.wait_dma2 semaphore(%arg15 : memref<!tpu.dma_semaphore, #tpu.memory_space<semaphore_mem>>) src(%dma_wait3A_151 : memref<2048xi32, #tpu.memory_space<hbm>>) dst(%dma_wait3A_149 : memref<2048xi32, #tpu.memory_space<vmem>>)
          %dma_wait3A_152 = arith.constant 0 : i32
          %dma_wait3A_153 = tpu.memref_slice %arg11[%rem3A_141, %dma_wait3A_152] : memref<3x2048xi32, #tpu.memory_space<vmem>> -> memref<1x2048xi32, #tpu.memory_space<vmem>>
          %dma_wait3A_154 = tpu.memref_squeeze %dma_wait3A_153 : memref<1x2048xi32, #tpu.memory_space<vmem>> -> memref<2048xi32, #tpu.memory_space<vmem>>
          %dma_wait3A_155 = arith.constant 3276800 : i32
          %dma_wait3A_156 = tpu.memref_slice %arg4[%dma_wait3A_155] : memref<6553600xi32, #tpu.memory_space<hbm>> -> memref<2048xi32, #tpu.memory_space<hbm>>
          %dma_wait3A_157 = arith.constant 0 : i32
          %dma_wait3A_158 = tpu.memref_slice %arg11[%rem3A_141, %dma_wait3A_157] : memref<3x2048xi32, #tpu.memory_space<vmem>> -> memref<1x2048xi32, #tpu.memory_space<vmem>>
          %dma_wait3A_159 = tpu.memref_squeeze %dma_wait3A_158 : memref<1x2048xi32, #tpu.memory_space<vmem>> -> memref<2048xi32, #tpu.memory_space<vmem>>
          %dma_wait3A_160 = arith.constant 3276800 : i32
          %dma_wait3A_161 = tpu.memref_slice %arg4[%dma_wait3A_160] : memref<6553600xi32, #tpu.memory_space<hbm>> -> memref<2048xi32, #tpu.memory_space<hbm>>
          tpu.wait_dma2 semaphore(%arg15 : memref<!tpu.dma_semaphore, #tpu.memory_space<semaphore_mem>>) src(%dma_wait3A_161 : memref<2048xi32, #tpu.memory_space<hbm>>) dst(%dma_wait3A_159 : memref<2048xi32, #tpu.memory_space<vmem>>)
          %add3A_162 = arith.constant 1 : i32
          %add3A_163 = arith.addi %div3A_101, %add3A_162 : i32
          %lt3A = arith.constant 100 : i32
          %lt3A_164 = arith.cmpi slt, %add3A_163, %lt3A : i32
          %convert_element_type3A_165 = arith.extui %lt3A_164 : i1 to i32
          %cond3A_166 = arith.constant 0 : i32
          %cond3A_167 = arith.cmpi ne, %convert_element_type3A_165, %cond3A_166 : i32
          scf.if %cond3A_167 {
            %add3A_168 = arith.constant 1 : i32
            %add3A_169 = arith.addi %div3A_101, %add3A_168 : i32
            %mul3A_170 = arith.constant 800 : i32
            %mul3A_171 = arith.muli %arg1, %mul3A_170 : i32
            %mul3A_172 = arith.constant 8 : i32
            %mul3A_173 = arith.muli %add3A_169, %mul3A_172 : i32
            %add3A_174 = arith.addi %mul3A_171, %mul3A_173 : i32
            %mul3A_175 = arith.constant 256 : i32
            %mul3A_176 = arith.muli %add3A_174, %mul3A_175 : i32
            %rem3A_177 = arith.constant 3 : i32
            %rem3A_178 = arith.remsi %add3A_169, %rem3A_177 : i32
            %dma_start3A_179 = arith.constant 0 : i32
            %dma_start3A_180 = tpu.memref_slice %arg10[%rem3A_178, %dma_start3A_179] : memref<3x2048xi32, #tpu.memory_space<vmem>> -> memref<1x2048xi32, #tpu.memory_space<vmem>>
            %dma_start3A_181 = tpu.memref_squeeze %dma_start3A_180 : memref<1x2048xi32, #tpu.memory_space<vmem>> -> memref<2048xi32, #tpu.memory_space<vmem>>
            %dma_start3A_182 = tpu.memref_slice %arg4[%mul3A_176] : memref<6553600xi32, #tpu.memory_space<hbm>> -> memref<2048xi32, #tpu.memory_space<hbm>>
            %dma_start3A_183 = arith.constant 0 : i32
            %dma_start3A_184 = tpu.memref_slice %arg10[%rem3A_178, %dma_start3A_183] : memref<3x2048xi32, #tpu.memory_space<vmem>> -> memref<1x2048xi32, #tpu.memory_space<vmem>>
            %dma_start3A_185 = tpu.memref_squeeze %dma_start3A_184 : memref<1x2048xi32, #tpu.memory_space<vmem>> -> memref<2048xi32, #tpu.memory_space<vmem>>
            %dma_start3A_186 = tpu.memref_slice %arg4[%mul3A_176] : memref<6553600xi32, #tpu.memory_space<hbm>> -> memref<2048xi32, #tpu.memory_space<hbm>>
            tpu.enqueue_dma source(%dma_start3A_186 : memref<2048xi32, #tpu.memory_space<hbm>>) target(%dma_start3A_185 : memref<2048xi32, #tpu.memory_space<vmem>>) target_semaphore(%arg15 : memref<!tpu.dma_semaphore, #tpu.memory_space<semaphore_mem>>)
            %add3A_187 = arith.constant 3276800 : i32
            %add3A_188 = arith.addi %add3A_187, %mul3A_176 : i32
            %dma_start3A_189 = arith.constant 0 : i32
            %dma_start3A_190 = tpu.memref_slice %arg11[%rem3A_178, %dma_start3A_189] : memref<3x2048xi32, #tpu.memory_space<vmem>> -> memref<1x2048xi32, #tpu.memory_space<vmem>>
            %dma_start3A_191 = tpu.memref_squeeze %dma_start3A_190 : memref<1x2048xi32, #tpu.memory_space<vmem>> -> memref<2048xi32, #tpu.memory_space<vmem>>
            %dma_start3A_192 = tpu.memref_slice %arg4[%add3A_188] : memref<6553600xi32, #tpu.memory_space<hbm>> -> memref<2048xi32, #tpu.memory_space<hbm>>
            %dma_start3A_193 = arith.constant 0 : i32
            %dma_start3A_194 = tpu.memref_slice %arg11[%rem3A_178, %dma_start3A_193] : memref<3x2048xi32, #tpu.memory_space<vmem>> -> memref<1x2048xi32, #tpu.memory_space<vmem>>
            %dma_start3A_195 = tpu.memref_squeeze %dma_start3A_194 : memref<1x2048xi32, #tpu.memory_space<vmem>> -> memref<2048xi32, #tpu.memory_space<vmem>>
            %dma_start3A_196 = tpu.memref_slice %arg4[%add3A_188] : memref<6553600xi32, #tpu.memory_space<hbm>> -> memref<2048xi32, #tpu.memory_space<hbm>>
            tpu.enqueue_dma source(%dma_start3A_196 : memref<2048xi32, #tpu.memory_space<hbm>>) target(%dma_start3A_195 : memref<2048xi32, #tpu.memory_space<vmem>>) target_semaphore(%arg15 : memref<!tpu.dma_semaphore, #tpu.memory_space<semaphore_mem>>)
          } else {
          }
        } else {
        }
        %rem3A_110 = arith.constant 4 : i32
        %rem3A_111 = arith.remsi %add3A_100, %rem3A_110 : i32
        %ge3A = arith.constant 4 : i32
        %ge3A_112 = arith.cmpi sge, %add3A_100, %ge3A : i32
        %convert_element_type3A_113 = arith.extui %ge3A_112 : i1 to i32
        %cond3A_114 = arith.constant 0 : i32
        %cond3A_115 = arith.cmpi ne, %convert_element_type3A_113, %cond3A_114 : i32
        scf.if %cond3A_115 {
          %dma_wait3A_140 = arith.constant 0 : i32
          %dma_wait3A_141 = arith.constant 0 : i32
          %dma_wait3A_142 = arith.constant 0 : i32
          %dma_wait3A_143 = tpu.memref_slice %arg12[%rem3A_111, %dma_wait3A_141, %dma_wait3A_142] : memref<4x256x16xf32, #tpu.memory_space<vmem>> -> memref<1x256x16xf32, #tpu.memory_space<vmem>>
          %dma_wait3A_144 = tpu.memref_squeeze %dma_wait3A_143 : memref<1x256x16xf32, #tpu.memory_space<vmem>> -> memref<256x16xf32, #tpu.memory_space<vmem>>
          %dma_wait3A_145 = arith.constant 0 : i32
          %dma_wait3A_146 = tpu.memref_slice %arg11[%dma_wait3A_140, %dma_wait3A_145] : memref<3x2048xi32, #tpu.memory_space<vmem>> -> memref<1x256xi32, #tpu.memory_space<vmem>>
          %dma_wait3A_147 = tpu.memref_squeeze %dma_wait3A_146 : memref<1x256xi32, #tpu.memory_space<vmem>> -> memref<256xi32, #tpu.memory_space<vmem>>
          %dma_wait3A_148 = arith.constant 0 : i32
          %dma_wait3A_149 = arith.constant 0 : i32
          %dma_wait3A_150 = tpu.memref_slice %arg9[%dma_wait3A_148, %dma_wait3A_149] : memref<100352x16xf32, #tpu.memory_space<vmem_shared>> -> memref<100352x16xf32, #tpu.memory_space<vmem_shared>>
          %dma_wait3A_151 = tpu.memref_slice %arg14[%rem3A_111] : memref<4x!tpu.dma_semaphore, #tpu.memory_space<semaphore_mem>> -> memref<1x!tpu.dma_semaphore, #tpu.memory_space<semaphore_mem>>
          %dma_wait3A_152 = tpu.memref_squeeze %dma_wait3A_151 : memref<1x!tpu.dma_semaphore, #tpu.memory_space<semaphore_mem>> -> memref<!tpu.dma_semaphore, #tpu.memory_space<semaphore_mem>>
          tpu.wait_indirect_dma semaphore(%dma_wait3A_152 : memref<!tpu.dma_semaphore, #tpu.memory_space<semaphore_mem>>) src(%dma_wait3A_144 : memref<256x16xf32, #tpu.memory_space<vmem>>) dst(%dma_wait3A_150 : memref<100352x16xf32, #tpu.memory_space<vmem_shared>>)
        } else {
        }
        %div3A_116 = arith.constant 8 : i32
        %div3A_117 = arith.divsi %add3A_100, %div3A_116 : i32
        %rem3A_118 = arith.constant 3 : i32
        %rem3A_119 = arith.remsi %div3A_117, %rem3A_118 : i32
        %rem3A_120 = arith.constant 8 : i32
        %rem3A_121 = arith.remsi %add3A_100, %rem3A_120 : i32
        %mul3A_122 = arith.constant 256 : i32
        %mul3A_123 = arith.muli %rem3A_121, %mul3A_122 : i32
        %dma_start3A_124 = arith.constant 0 : i32
        %dma_start3A_125 = arith.constant 0 : i32
        %dma_start3A_126 = tpu.memref_slice %arg12[%rem3A_111, %dma_start3A_124, %dma_start3A_125] : memref<4x256x16xf32, #tpu.memory_space<vmem>> -> memref<1x256x16xf32, #tpu.memory_space<vmem>>
        %dma_start3A_127 = tpu.memref_squeeze %dma_start3A_126 : memref<1x256x16xf32, #tpu.memory_space<vmem>> -> memref<256x16xf32, #tpu.memory_space<vmem>>
        %dma_start3A_128 = tpu.memref_slice %arg10[%rem3A_119, %mul3A_123] : memref<3x2048xi32, #tpu.memory_space<vmem>> -> memref<1x256xi32, #tpu.memory_space<vmem>>
        %dma_start3A_129 = tpu.memref_squeeze %dma_start3A_128 : memref<1x256xi32, #tpu.memory_space<vmem>> -> memref<256xi32, #tpu.memory_space<vmem>>
        %dma_start3A_130 = arith.constant 0 : i32
        %dma_start3A_131 = arith.constant 0 : i32
        %dma_start3A_132 = tpu.memref_slice %arg2[%dma_start3A_130, %dma_start3A_131] : memref<100352x16xf32, #tpu.memory_space<hbm>> -> memref<100352x16xf32, #tpu.memory_space<hbm>>
        %dma_start3A_133 = tpu.memref_slice %arg13[%rem3A_111] : memref<4x!tpu.dma_semaphore, #tpu.memory_space<semaphore_mem>> -> memref<1x!tpu.dma_semaphore, #tpu.memory_space<semaphore_mem>>
        %dma_start3A_134 = tpu.memref_squeeze %dma_start3A_133 : memref<1x!tpu.dma_semaphore, #tpu.memory_space<semaphore_mem>> -> memref<!tpu.dma_semaphore, #tpu.memory_space<semaphore_mem>>
        tpu.enqueue_indirect_dma source(%dma_start3A_132 : memref<100352x16xf32, #tpu.memory_space<hbm>>) target(%dma_start3A_127 : memref<256x16xf32, #tpu.memory_space<vmem>>) offsets(%dma_start3A_129 : memref<256xi32, #tpu.memory_space<vmem>>) semaphore(%dma_start3A_134 : memref<!tpu.dma_semaphore, #tpu.memory_space<semaphore_mem>>)
        %ge3A_135 = arith.constant 2 : i32
        %ge3A_136 = arith.cmpi sge, %add3A_100, %ge3A_135 : i32
        %convert_element_type3A_137 = arith.extui %ge3A_136 : i1 to i32
        %cond3A_138 = arith.constant 0 : i32
        %cond3A_139 = arith.cmpi ne, %convert_element_type3A_137, %cond3A_138 : i32
        scf.if %cond3A_139 {
          %sub3A = arith.constant 2 : i32
          %sub3A_140 = arith.subi %add3A_100, %sub3A : i32
          %rem3A_141 = arith.constant 4 : i32
          %rem3A_142 = arith.remsi %sub3A_140, %rem3A_141 : i32
          %dma_wait3A_143 = arith.constant 0 : i32
          %dma_wait3A_144 = arith.constant 0 : i32
          %dma_wait3A_145 = arith.constant 0 : i32
          %dma_wait3A_146 = tpu.memref_slice %arg12[%rem3A_142, %dma_wait3A_144, %dma_wait3A_145] : memref<4x256x16xf32, #tpu.memory_space<vmem>> -> memref<1x256x16xf32, #tpu.memory_space<vmem>>
          %dma_wait3A_147 = tpu.memref_squeeze %dma_wait3A_146 : memref<1x256x16xf32, #tpu.memory_space<vmem>> -> memref<256x16xf32, #tpu.memory_space<vmem>>
          %dma_wait3A_148 = arith.constant 0 : i32
          %dma_wait3A_149 = tpu.memref_slice %arg10[%dma_wait3A_143, %dma_wait3A_148] : memref<3x2048xi32, #tpu.memory_space<vmem>> -> memref<1x256xi32, #tpu.memory_space<vmem>>
          %dma_wait3A_150 = tpu.memref_squeeze %dma_wait3A_149 : memref<1x256xi32, #tpu.memory_space<vmem>> -> memref<256xi32, #tpu.memory_space<vmem>>
          %dma_wait3A_151 = arith.constant 0 : i32
          %dma_wait3A_152 = arith.constant 0 : i32
          %dma_wait3A_153 = tpu.memref_slice %arg2[%dma_wait3A_151, %dma_wait3A_152] : memref<100352x16xf32, #tpu.memory_space<hbm>> -> memref<100352x16xf32, #tpu.memory_space<hbm>>
          %dma_wait3A_154 = tpu.memref_slice %arg13[%rem3A_142] : memref<4x!tpu.dma_semaphore, #tpu.memory_space<semaphore_mem>> -> memref<1x!tpu.dma_semaphore, #tpu.memory_space<semaphore_mem>>
          %dma_wait3A_155 = tpu.memref_squeeze %dma_wait3A_154 : memref<1x!tpu.dma_semaphore, #tpu.memory_space<semaphore_mem>> -> memref<!tpu.dma_semaphore, #tpu.memory_space<semaphore_mem>>
          tpu.wait_indirect_dma semaphore(%dma_wait3A_155 : memref<!tpu.dma_semaphore, #tpu.memory_space<semaphore_mem>>) src(%dma_wait3A_153 : memref<100352x16xf32, #tpu.memory_space<hbm>>) dst(%dma_wait3A_147 : memref<256x16xf32, #tpu.memory_space<vmem>>)
          %sub3A_156 = arith.constant 2 : i32
          %sub3A_157 = arith.subi %add3A_100, %sub3A_156 : i32
          %div3A_158 = arith.constant 8 : i32
          %div3A_159 = arith.divsi %sub3A_157, %div3A_158 : i32
          %rem3A_160 = arith.constant 3 : i32
          %rem3A_161 = arith.remsi %div3A_159, %rem3A_160 : i32
          %rem3A_162 = arith.constant 8 : i32
          %rem3A_163 = arith.remsi %sub3A_157, %rem3A_162 : i32
          %mul3A_164 = arith.constant 256 : i32
          %mul3A_165 = arith.muli %rem3A_163, %mul3A_164 : i32
          %dma_start3A_166 = arith.constant 0 : i32
          %dma_start3A_167 = arith.constant 0 : i32
          %dma_start3A_168 = tpu.memref_slice %arg12[%rem3A_142, %dma_start3A_166, %dma_start3A_167] : memref<4x256x16xf32, #tpu.memory_space<vmem>> -> memref<1x256x16xf32, #tpu.memory_space<vmem>>
          %dma_start3A_169 = tpu.memref_squeeze %dma_start3A_168 : memref<1x256x16xf32, #tpu.memory_space<vmem>> -> memref<256x16xf32, #tpu.memory_space<vmem>>
          %dma_start3A_170 = tpu.memref_slice %arg11[%rem3A_161, %mul3A_165] : memref<3x2048xi32, #tpu.memory_space<vmem>> -> memref<1x256xi32, #tpu.memory_space<vmem>>
          %dma_start3A_171 = tpu.memref_squeeze %dma_start3A_170 : memref<1x256xi32, #tpu.memory_space<vmem>> -> memref<256xi32, #tpu.memory_space<vmem>>
          %dma_start3A_172 = arith.constant 0 : i32
          %dma_start3A_173 = arith.constant 0 : i32
          %dma_start3A_174 = tpu.memref_slice %arg9[%dma_start3A_172, %dma_start3A_173] : memref<100352x16xf32, #tpu.memory_space<vmem_shared>> -> memref<100352x16xf32, #tpu.memory_space<vmem_shared>>
          %dma_start3A_175 = tpu.memref_slice %arg14[%rem3A_142] : memref<4x!tpu.dma_semaphore, #tpu.memory_space<semaphore_mem>> -> memref<1x!tpu.dma_semaphore, #tpu.memory_space<semaphore_mem>>
          %dma_start3A_176 = tpu.memref_squeeze %dma_start3A_175 : memref<1x!tpu.dma_semaphore, #tpu.memory_space<semaphore_mem>> -> memref<!tpu.dma_semaphore, #tpu.memory_space<semaphore_mem>>
          tpu.enqueue_indirect_dma source(%dma_start3A_169 : memref<256x16xf32, #tpu.memory_space<vmem>>) target(%dma_start3A_174 : memref<100352x16xf32, #tpu.memory_space<vmem_shared>>) offsets(%dma_start3A_171 : memref<256xi32, #tpu.memory_space<vmem>>) semaphore(%dma_start3A_176 : memref<!tpu.dma_semaphore, #tpu.memory_space<semaphore_mem>>) {add = true}
        } else {
        }
      }
      %scan3A_84 = arith.constant 800 : i32
      %scan3A_85 = arith.constant 0 : i32
      %scan3A_86 = arith.constant 2 : i32
      %scan3A_87 = arith.addi %scan3A_85, %scan3A_86 : i32
      %scan3A_88 = arith.constant 1 : i32
      scf.for %scan3A_96 = %scan3A_85 to %scan3A_87 step %scan3A_88  : i32 {
        %mul3A_97 = arith.constant 1 : i32
        %mul3A_98 = arith.muli %scan3A_96, %mul3A_97 : i32
        %add3A_99 = arith.constant 800 : i32
        %add3A_100 = arith.addi %add3A_99, %mul3A_98 : i32
        %sub3A = arith.constant 2 : i32
        %sub3A_101 = arith.subi %add3A_100, %sub3A : i32
        %rem3A_102 = arith.constant 4 : i32
        %rem3A_103 = arith.remsi %sub3A_101, %rem3A_102 : i32
        %dma_wait3A_104 = arith.constant 0 : i32
        %dma_wait3A_105 = arith.constant 0 : i32
        %dma_wait3A_106 = arith.constant 0 : i32
        %dma_wait3A_107 = tpu.memref_slice %arg12[%rem3A_103, %dma_wait3A_105, %dma_wait3A_106] : memref<4x256x16xf32, #tpu.memory_space<vmem>> -> memref<1x256x16xf32, #tpu.memory_space<vmem>>
        %dma_wait3A_108 = tpu.memref_squeeze %dma_wait3A_107 : memref<1x256x16xf32, #tpu.memory_space<vmem>> -> memref<256x16xf32, #tpu.memory_space<vmem>>
        %dma_wait3A_109 = arith.constant 0 : i32
        %dma_wait3A_110 = tpu.memref_slice %arg10[%dma_wait3A_104, %dma_wait3A_109] : memref<3x2048xi32, #tpu.memory_space<vmem>> -> memref<1x256xi32, #tpu.memory_space<vmem>>
        %dma_wait3A_111 = tpu.memref_squeeze %dma_wait3A_110 : memref<1x256xi32, #tpu.memory_space<vmem>> -> memref<256xi32, #tpu.memory_space<vmem>>
        %dma_wait3A_112 = arith.constant 0 : i32
        %dma_wait3A_113 = arith.constant 0 : i32
        %dma_wait3A_114 = tpu.memref_slice %arg2[%dma_wait3A_112, %dma_wait3A_113] : memref<100352x16xf32, #tpu.memory_space<hbm>> -> memref<100352x16xf32, #tpu.memory_space<hbm>>
        %dma_wait3A_115 = tpu.memref_slice %arg13[%rem3A_103] : memref<4x!tpu.dma_semaphore, #tpu.memory_space<semaphore_mem>> -> memref<1x!tpu.dma_semaphore, #tpu.memory_space<semaphore_mem>>
        %dma_wait3A_116 = tpu.memref_squeeze %dma_wait3A_115 : memref<1x!tpu.dma_semaphore, #tpu.memory_space<semaphore_mem>> -> memref<!tpu.dma_semaphore, #tpu.memory_space<semaphore_mem>>
        tpu.wait_indirect_dma semaphore(%dma_wait3A_116 : memref<!tpu.dma_semaphore, #tpu.memory_space<semaphore_mem>>) src(%dma_wait3A_114 : memref<100352x16xf32, #tpu.memory_space<hbm>>) dst(%dma_wait3A_108 : memref<256x16xf32, #tpu.memory_space<vmem>>)
        %sub3A_117 = arith.constant 2 : i32
        %sub3A_118 = arith.subi %add3A_100, %sub3A_117 : i32
        %div3A = arith.constant 8 : i32
        %div3A_119 = arith.divsi %sub3A_118, %div3A : i32
        %rem3A_120 = arith.constant 3 : i32
        %rem3A_121 = arith.remsi %div3A_119, %rem3A_120 : i32
        %rem3A_122 = arith.constant 8 : i32
        %rem3A_123 = arith.remsi %sub3A_118, %rem3A_122 : i32
        %mul3A_124 = arith.constant 256 : i32
        %mul3A_125 = arith.muli %rem3A_123, %mul3A_124 : i32
        %dma_start3A_126 = arith.constant 0 : i32
        %dma_start3A_127 = arith.constant 0 : i32
        %dma_start3A_128 = tpu.memref_slice %arg12[%rem3A_103, %dma_start3A_126, %dma_start3A_127] : memref<4x256x16xf32, #tpu.memory_space<vmem>> -> memref<1x256x16xf32, #tpu.memory_space<vmem>>
        %dma_start3A_129 = tpu.memref_squeeze %dma_start3A_128 : memref<1x256x16xf32, #tpu.memory_space<vmem>> -> memref<256x16xf32, #tpu.memory_space<vmem>>
        %dma_start3A_130 = tpu.memref_slice %arg11[%rem3A_121, %mul3A_125] : memref<3x2048xi32, #tpu.memory_space<vmem>> -> memref<1x256xi32, #tpu.memory_space<vmem>>
        %dma_start3A_131 = tpu.memref_squeeze %dma_start3A_130 : memref<1x256xi32, #tpu.memory_space<vmem>> -> memref<256xi32, #tpu.memory_space<vmem>>
        %dma_start3A_132 = arith.constant 0 : i32
        %dma_start3A_133 = arith.constant 0 : i32
        %dma_start3A_134 = tpu.memref_slice %arg9[%dma_start3A_132, %dma_start3A_133] : memref<100352x16xf32, #tpu.memory_space<vmem_shared>> -> memref<100352x16xf32, #tpu.memory_space<vmem_shared>>
        %dma_start3A_135 = tpu.memref_slice %arg14[%rem3A_103] : memref<4x!tpu.dma_semaphore, #tpu.memory_space<semaphore_mem>> -> memref<1x!tpu.dma_semaphore, #tpu.memory_space<semaphore_mem>>
        %dma_start3A_136 = tpu.memref_squeeze %dma_start3A_135 : memref<1x!tpu.dma_semaphore, #tpu.memory_space<semaphore_mem>> -> memref<!tpu.dma_semaphore, #tpu.memory_space<semaphore_mem>>
        tpu.enqueue_indirect_dma source(%dma_start3A_129 : memref<256x16xf32, #tpu.memory_space<vmem>>) target(%dma_start3A_134 : memref<100352x16xf32, #tpu.memory_space<vmem_shared>>) offsets(%dma_start3A_131 : memref<256xi32, #tpu.memory_space<vmem>>) semaphore(%dma_start3A_136 : memref<!tpu.dma_semaphore, #tpu.memory_space<semaphore_mem>>) {add = true}
      }
      %scan3A_89 = arith.constant 2 : i32
      %scan3A_90 = arith.constant 0 : i32
      %scan3A_91 = arith.constant 4 : i32
      %scan3A_92 = arith.addi %scan3A_90, %scan3A_91 : i32
      %scan3A_93 = arith.constant 1 : i32
      scf.for %scan3A_96 = %scan3A_90 to %scan3A_92 step %scan3A_93  : i32 {
        %mul3A_97 = arith.constant 1 : i32
        %mul3A_98 = arith.muli %scan3A_96, %mul3A_97 : i32
        %add3A_99 = arith.constant 0 : i32
        %add3A_100 = arith.addi %add3A_99, %mul3A_98 : i32
        %dma_wait3A_101 = arith.constant 0 : i32
        %dma_wait3A_102 = arith.constant 0 : i32
        %dma_wait3A_103 = arith.constant 0 : i32
        %dma_wait3A_104 = tpu.memref_slice %arg12[%add3A_100, %dma_wait3A_102, %dma_wait3A_103] : memref<4x256x16xf32, #tpu.memory_space<vmem>> -> memref<1x256x16xf32, #tpu.memory_space<vmem>>
        %dma_wait3A_105 = tpu.memref_squeeze %dma_wait3A_104 : memref<1x256x16xf32, #tpu.memory_space<vmem>> -> memref<256x16xf32, #tpu.memory_space<vmem>>
        %dma_wait3A_106 = arith.constant 0 : i32
        %dma_wait3A_107 = tpu.memref_slice %arg11[%dma_wait3A_101, %dma_wait3A_106] : memref<3x2048xi32, #tpu.memory_space<vmem>> -> memref<1x256xi32, #tpu.memory_space<vmem>>
        %dma_wait3A_108 = tpu.memref_squeeze %dma_wait3A_107 : memref<1x256xi32, #tpu.memory_space<vmem>> -> memref<256xi32, #tpu.memory_space<vmem>>
        %dma_wait3A_109 = arith.constant 0 : i32
        %dma_wait3A_110 = arith.constant 0 : i32
        %dma_wait3A_111 = tpu.memref_slice %arg9[%dma_wait3A_109, %dma_wait3A_110] : memref<100352x16xf32, #tpu.memory_space<vmem_shared>> -> memref<100352x16xf32, #tpu.memory_space<vmem_shared>>
        %dma_wait3A_112 = tpu.memref_slice %arg14[%add3A_100] : memref<4x!tpu.dma_semaphore, #tpu.memory_space<semaphore_mem>> -> memref<1x!tpu.dma_semaphore, #tpu.memory_space<semaphore_mem>>
        %dma_wait3A_113 = tpu.memref_squeeze %dma_wait3A_112 : memref<1x!tpu.dma_semaphore, #tpu.memory_space<semaphore_mem>> -> memref<!tpu.dma_semaphore, #tpu.memory_space<semaphore_mem>>
        tpu.wait_indirect_dma semaphore(%dma_wait3A_113 : memref<!tpu.dma_semaphore, #tpu.memory_space<semaphore_mem>>) src(%dma_wait3A_105 : memref<256x16xf32, #tpu.memory_space<vmem>>) dst(%dma_wait3A_111 : memref<100352x16xf32, #tpu.memory_space<vmem_shared>>)
      }
      %scan3A_94 = arith.constant 4 : i32
      %barrier3A_95 = arith.constant 0 : index
      tpu.barrier barrier_id(%barrier3A_95)
      "tpu.region"() ({
        %run_scoped3A = tpu.sem_alloc : memref<!tpu.dma_semaphore, #tpu.memory_space<semaphore_mem>>
        %dma_start3A_96 = arith.constant 0 : i32
        %dma_start3A_97 = tpu.memref_slice %arg7[%mul3A_0, %dma_start3A_96] : memref<100352x16xf32, #tpu.memory_space<hbm>> -> memref<6272x16xf32, #tpu.memory_space<hbm>>
        %dma_start3A_98 = arith.constant 0 : i32
        %dma_start3A_99 = tpu.memref_slice %arg9[%mul3A_0, %dma_start3A_98] : memref<100352x16xf32, #tpu.memory_space<vmem_shared>> -> memref<6272x16xf32, #tpu.memory_space<vmem_shared>>
        tpu.enqueue_dma source(%dma_start3A_99 : memref<6272x16xf32, #tpu.memory_space<vmem_shared>>) target(%dma_start3A_97 : memref<6272x16xf32, #tpu.memory_space<hbm>>) target_semaphore(%run_scoped3A : memref<!tpu.dma_semaphore, #tpu.memory_space<semaphore_mem>>)
        %dma_wait3A_100 = arith.constant 0 : i32
        %dma_wait3A_101 = tpu.memref_slice %arg7[%mul3A_0, %dma_wait3A_100] : memref<100352x16xf32, #tpu.memory_space<hbm>> -> memref<6272x16xf32, #tpu.memory_space<hbm>>
        %dma_wait3A_102 = arith.constant 0 : i32
        %dma_wait3A_103 = tpu.memref_slice %arg9[%mul3A_0, %dma_wait3A_102] : memref<100352x16xf32, #tpu.memory_space<vmem_shared>> -> memref<6272x16xf32, #tpu.memory_space<vmem_shared>>
        tpu.wait_dma2 semaphore(%run_scoped3A : memref<!tpu.dma_semaphore, #tpu.memory_space<semaphore_mem>>) src(%dma_wait3A_103 : memref<6272x16xf32, #tpu.memory_space<vmem_shared>>) dst(%dma_wait3A_101 : memref<6272x16xf32, #tpu.memory_space<hbm>>)
        tpu.yield
      }) : () -> ()
    } else {
    }
    %eq3A_3 = arith.constant 1 : i32
    %eq3A_4 = arith.cmpi eq, %arg0, %eq3A_3 : i32
    %convert_element_type3A_5 = arith.extui %eq3A_4 : i1 to i32
    %cond3A_6 = arith.constant 0 : i32
    %cond3A_7 = arith.cmpi ne, %convert_element_type3A_5, %cond3A_6 : i32
    scf.if %cond3A_7 {
      "tpu.region"() ({
        %run_scoped3A = tpu.sem_alloc : memref<!tpu.dma_semaphore, #tpu.memory_space<semaphore_mem>>
        %dma_start3A_96 = arith.constant 0 : i32
        %dma_start3A_97 = tpu.memref_slice %arg9[%mul3A_0, %dma_start3A_96] : memref<100352x16xf32, #tpu.memory_space<vmem_shared>> -> memref<6272x16xf32, #tpu.memory_space<vmem_shared>>
        %dma_start3A_98 = arith.constant 0 : i32
        %dma_start3A_99 = tpu.memref_slice %arg6[%mul3A_0, %dma_start3A_98] : memref<100352x16xf32, #tpu.memory_space<hbm>> -> memref<6272x16xf32, #tpu.memory_space<hbm>>
        tpu.enqueue_dma source(%dma_start3A_99 : memref<6272x16xf32, #tpu.memory_space<hbm>>) target(%dma_start3A_97 : memref<6272x16xf32, #tpu.memory_space<vmem_shared>>) target_semaphore(%run_scoped3A : memref<!tpu.dma_semaphore, #tpu.memory_space<semaphore_mem>>)
        %dma_wait3A_100 = arith.constant 0 : i32
        %dma_wait3A_101 = tpu.memref_slice %arg9[%mul3A_0, %dma_wait3A_100] : memref<100352x16xf32, #tpu.memory_space<vmem_shared>> -> memref<6272x16xf32, #tpu.memory_space<vmem_shared>>
        %dma_wait3A_102 = arith.constant 0 : i32
        %dma_wait3A_103 = tpu.memref_slice %arg6[%mul3A_0, %dma_wait3A_102] : memref<100352x16xf32, #tpu.memory_space<hbm>> -> memref<6272x16xf32, #tpu.memory_space<hbm>>
        tpu.wait_dma2 semaphore(%run_scoped3A : memref<!tpu.dma_semaphore, #tpu.memory_space<semaphore_mem>>) src(%dma_wait3A_103 : memref<6272x16xf32, #tpu.memory_space<hbm>>) dst(%dma_wait3A_101 : memref<6272x16xf32, #tpu.memory_space<vmem_shared>>)
        tpu.yield
      }) : () -> ()
      %barrier3A = arith.constant 0 : index
      tpu.barrier barrier_id(%barrier3A)
      %mul3A_8 = arith.constant 800 : i32
      %mul3A_9 = arith.muli %arg1, %mul3A_8 : i32
      %add3A = arith.constant 0 : i32
      %add3A_10 = arith.addi %mul3A_9, %add3A : i32
      %mul3A_11 = arith.constant 256 : i32
      %mul3A_12 = arith.muli %add3A_10, %mul3A_11 : i32
      %rem3A = arith.constant 0 : i32
      %rem3A_13 = arith.constant 3 : i32
      %rem3A_14 = arith.remsi %rem3A, %rem3A_13 : i32
      %dma_start3A = arith.constant 0 : i32
      %dma_start3A_15 = tpu.memref_slice %arg10[%rem3A_14, %dma_start3A] : memref<3x2048xi32, #tpu.memory_space<vmem>> -> memref<1x2048xi32, #tpu.memory_space<vmem>>
      %dma_start3A_16 = tpu.memref_squeeze %dma_start3A_15 : memref<1x2048xi32, #tpu.memory_space<vmem>> -> memref<2048xi32, #tpu.memory_space<vmem>>
      %dma_start3A_17 = tpu.memref_slice %arg5[%mul3A_12] : memref<6553600xi32, #tpu.memory_space<hbm>> -> memref<2048xi32, #tpu.memory_space<hbm>>
      %dma_start3A_18 = arith.constant 0 : i32
      %dma_start3A_19 = tpu.memref_slice %arg10[%rem3A_14, %dma_start3A_18] : memref<3x2048xi32, #tpu.memory_space<vmem>> -> memref<1x2048xi32, #tpu.memory_space<vmem>>
      %dma_start3A_20 = tpu.memref_squeeze %dma_start3A_19 : memref<1x2048xi32, #tpu.memory_space<vmem>> -> memref<2048xi32, #tpu.memory_space<vmem>>
      %dma_start3A_21 = tpu.memref_slice %arg5[%mul3A_12] : memref<6553600xi32, #tpu.memory_space<hbm>> -> memref<2048xi32, #tpu.memory_space<hbm>>
      tpu.enqueue_dma source(%dma_start3A_21 : memref<2048xi32, #tpu.memory_space<hbm>>) target(%dma_start3A_20 : memref<2048xi32, #tpu.memory_space<vmem>>) target_semaphore(%arg15 : memref<!tpu.dma_semaphore, #tpu.memory_space<semaphore_mem>>)
      %add3A_22 = arith.constant 3276800 : i32
      %add3A_23 = arith.addi %add3A_22, %mul3A_12 : i32
      %dma_start3A_24 = arith.constant 0 : i32
      %dma_start3A_25 = tpu.memref_slice %arg11[%rem3A_14, %dma_start3A_24] : memref<3x2048xi32, #tpu.memory_space<vmem>> -> memref<1x2048xi32, #tpu.memory_space<vmem>>
      %dma_start3A_26 = tpu.memref_squeeze %dma_start3A_25 : memref<1x2048xi32, #tpu.memory_space<vmem>> -> memref<2048xi32, #tpu.memory_space<vmem>>
      %dma_start3A_27 = tpu.memref_slice %arg5[%add3A_23] : memref<6553600xi32, #tpu.memory_space<hbm>> -> memref<2048xi32, #tpu.memory_space<hbm>>
      %dma_start3A_28 = arith.constant 0 : i32
      %dma_start3A_29 = tpu.memref_slice %arg11[%rem3A_14, %dma_start3A_28] : memref<3x2048xi32, #tpu.memory_space<vmem>> -> memref<1x2048xi32, #tpu.memory_space<vmem>>
      %dma_start3A_30 = tpu.memref_squeeze %dma_start3A_29 : memref<1x2048xi32, #tpu.memory_space<vmem>> -> memref<2048xi32, #tpu.memory_space<vmem>>
      %dma_start3A_31 = tpu.memref_slice %arg5[%add3A_23] : memref<6553600xi32, #tpu.memory_space<hbm>> -> memref<2048xi32, #tpu.memory_space<hbm>>
      tpu.enqueue_dma source(%dma_start3A_31 : memref<2048xi32, #tpu.memory_space<hbm>>) target(%dma_start3A_30 : memref<2048xi32, #tpu.memory_space<vmem>>) target_semaphore(%arg15 : memref<!tpu.dma_semaphore, #tpu.memory_space<semaphore_mem>>)
      %rem3A_32 = arith.constant 0 : i32
      %rem3A_33 = arith.constant 3 : i32
      %rem3A_34 = arith.remsi %rem3A_32, %rem3A_33 : i32
      %dma_wait3A = arith.constant 0 : i32
      %dma_wait3A_35 = tpu.memref_slice %arg10[%rem3A_34, %dma_wait3A] : memref<3x2048xi32, #tpu.memory_space<vmem>> -> memref<1x2048xi32, #tpu.memory_space<vmem>>
      %dma_wait3A_36 = tpu.memref_squeeze %dma_wait3A_35 : memref<1x2048xi32, #tpu.memory_space<vmem>> -> memref<2048xi32, #tpu.memory_space<vmem>>
      %dma_wait3A_37 = arith.constant 0 : i32
      %dma_wait3A_38 = tpu.memref_slice %arg5[%dma_wait3A_37] : memref<6553600xi32, #tpu.memory_space<hbm>> -> memref<2048xi32, #tpu.memory_space<hbm>>
      %dma_wait3A_39 = arith.constant 0 : i32
      %dma_wait3A_40 = tpu.memref_slice %arg10[%rem3A_34, %dma_wait3A_39] : memref<3x2048xi32, #tpu.memory_space<vmem>> -> memref<1x2048xi32, #tpu.memory_space<vmem>>
      %dma_wait3A_41 = tpu.memref_squeeze %dma_wait3A_40 : memref<1x2048xi32, #tpu.memory_space<vmem>> -> memref<2048xi32, #tpu.memory_space<vmem>>
      %dma_wait3A_42 = arith.constant 0 : i32
      %dma_wait3A_43 = tpu.memref_slice %arg5[%dma_wait3A_42] : memref<6553600xi32, #tpu.memory_space<hbm>> -> memref<2048xi32, #tpu.memory_space<hbm>>
      tpu.wait_dma2 semaphore(%arg15 : memref<!tpu.dma_semaphore, #tpu.memory_space<semaphore_mem>>) src(%dma_wait3A_43 : memref<2048xi32, #tpu.memory_space<hbm>>) dst(%dma_wait3A_41 : memref<2048xi32, #tpu.memory_space<vmem>>)
      %dma_wait3A_44 = arith.constant 0 : i32
      %dma_wait3A_45 = tpu.memref_slice %arg11[%rem3A_34, %dma_wait3A_44] : memref<3x2048xi32, #tpu.memory_space<vmem>> -> memref<1x2048xi32, #tpu.memory_space<vmem>>
      %dma_wait3A_46 = tpu.memref_squeeze %dma_wait3A_45 : memref<1x2048xi32, #tpu.memory_space<vmem>> -> memref<2048xi32, #tpu.memory_space<vmem>>
      %dma_wait3A_47 = arith.constant 3276800 : i32
      %dma_wait3A_48 = tpu.memref_slice %arg5[%dma_wait3A_47] : memref<6553600xi32, #tpu.memory_space<hbm>> -> memref<2048xi32, #tpu.memory_space<hbm>>
      %dma_wait3A_49 = arith.constant 0 : i32
      %dma_wait3A_50 = tpu.memref_slice %arg11[%rem3A_34, %dma_wait3A_49] : memref<3x2048xi32, #tpu.memory_space<vmem>> -> memref<1x2048xi32, #tpu.memory_space<vmem>>
      %dma_wait3A_51 = tpu.memref_squeeze %dma_wait3A_50 : memref<1x2048xi32, #tpu.memory_space<vmem>> -> memref<2048xi32, #tpu.memory_space<vmem>>
      %dma_wait3A_52 = arith.constant 3276800 : i32
      %dma_wait3A_53 = tpu.memref_slice %arg5[%dma_wait3A_52] : memref<6553600xi32, #tpu.memory_space<hbm>> -> memref<2048xi32, #tpu.memory_space<hbm>>
      tpu.wait_dma2 semaphore(%arg15 : memref<!tpu.dma_semaphore, #tpu.memory_space<semaphore_mem>>) src(%dma_wait3A_53 : memref<2048xi32, #tpu.memory_space<hbm>>) dst(%dma_wait3A_51 : memref<2048xi32, #tpu.memory_space<vmem>>)
      %mul3A_54 = arith.constant 800 : i32
      %mul3A_55 = arith.muli %arg1, %mul3A_54 : i32
      %add3A_56 = arith.constant 8 : i32
      %add3A_57 = arith.addi %mul3A_55, %add3A_56 : i32
      %mul3A_58 = arith.constant 256 : i32
      %mul3A_59 = arith.muli %add3A_57, %mul3A_58 : i32
      %rem3A_60 = arith.constant 1 : i32
      %rem3A_61 = arith.constant 3 : i32
      %rem3A_62 = arith.remsi %rem3A_60, %rem3A_61 : i32
      %dma_start3A_63 = arith.constant 0 : i32
      %dma_start3A_64 = tpu.memref_slice %arg10[%rem3A_62, %dma_start3A_63] : memref<3x2048xi32, #tpu.memory_space<vmem>> -> memref<1x2048xi32, #tpu.memory_space<vmem>>
      %dma_start3A_65 = tpu.memref_squeeze %dma_start3A_64 : memref<1x2048xi32, #tpu.memory_space<vmem>> -> memref<2048xi32, #tpu.memory_space<vmem>>
      %dma_start3A_66 = tpu.memref_slice %arg5[%mul3A_59] : memref<6553600xi32, #tpu.memory_space<hbm>> -> memref<2048xi32, #tpu.memory_space<hbm>>
      %dma_start3A_67 = arith.constant 0 : i32
      %dma_start3A_68 = tpu.memref_slice %arg10[%rem3A_62, %dma_start3A_67] : memref<3x2048xi32, #tpu.memory_space<vmem>> -> memref<1x2048xi32, #tpu.memory_space<vmem>>
      %dma_start3A_69 = tpu.memref_squeeze %dma_start3A_68 : memref<1x2048xi32, #tpu.memory_space<vmem>> -> memref<2048xi32, #tpu.memory_space<vmem>>
      %dma_start3A_70 = tpu.memref_slice %arg5[%mul3A_59] : memref<6553600xi32, #tpu.memory_space<hbm>> -> memref<2048xi32, #tpu.memory_space<hbm>>
      tpu.enqueue_dma source(%dma_start3A_70 : memref<2048xi32, #tpu.memory_space<hbm>>) target(%dma_start3A_69 : memref<2048xi32, #tpu.memory_space<vmem>>) target_semaphore(%arg15 : memref<!tpu.dma_semaphore, #tpu.memory_space<semaphore_mem>>)
      %add3A_71 = arith.constant 3276800 : i32
      %add3A_72 = arith.addi %add3A_71, %mul3A_59 : i32
      %dma_start3A_73 = arith.constant 0 : i32
      %dma_start3A_74 = tpu.memref_slice %arg11[%rem3A_62, %dma_start3A_73] : memref<3x2048xi32, #tpu.memory_space<vmem>> -> memref<1x2048xi32, #tpu.memory_space<vmem>>
      %dma_start3A_75 = tpu.memref_squeeze %dma_start3A_74 : memref<1x2048xi32, #tpu.memory_space<vmem>> -> memref<2048xi32, #tpu.memory_space<vmem>>
      %dma_start3A_76 = tpu.memref_slice %arg5[%add3A_72] : memref<6553600xi32, #tpu.memory_space<hbm>> -> memref<2048xi32, #tpu.memory_space<hbm>>
      %dma_start3A_77 = arith.constant 0 : i32
      %dma_start3A_78 = tpu.memref_slice %arg11[%rem3A_62, %dma_start3A_77] : memref<3x2048xi32, #tpu.memory_space<vmem>> -> memref<1x2048xi32, #tpu.memory_space<vmem>>
      %dma_start3A_79 = tpu.memref_squeeze %dma_start3A_78 : memref<1x2048xi32, #tpu.memory_space<vmem>> -> memref<2048xi32, #tpu.memory_space<vmem>>
      %dma_start3A_80 = tpu.memref_slice %arg5[%add3A_72] : memref<6553600xi32, #tpu.memory_space<hbm>> -> memref<2048xi32, #tpu.memory_space<hbm>>
      tpu.enqueue_dma source(%dma_start3A_80 : memref<2048xi32, #tpu.memory_space<hbm>>) target(%dma_start3A_79 : memref<2048xi32, #tpu.memory_space<vmem>>) target_semaphore(%arg15 : memref<!tpu.dma_semaphore, #tpu.memory_space<semaphore_mem>>)
      %scan3A = arith.constant 0 : i32
      %scan3A_81 = arith.constant 800 : i32
      %scan3A_82 = arith.addi %scan3A, %scan3A_81 : i32
      %scan3A_83 = arith.constant 1 : i32
      scf.for %scan3A_96 = %scan3A to %scan3A_82 step %scan3A_83  : i32 {
        %mul3A_97 = arith.constant 1 : i32
        %mul3A_98 = arith.muli %scan3A_96, %mul3A_97 : i32
        %add3A_99 = arith.constant 0 : i32
        %add3A_100 = arith.addi %add3A_99, %mul3A_98 : i32
        %div3A = arith.constant 8 : i32
        %div3A_101 = arith.divsi %add3A_100, %div3A : i32
        %rem3A_102 = arith.constant 8 : i32
        %rem3A_103 = arith.remsi %add3A_100, %rem3A_102 : i32
        %eq3A_104 = arith.constant 0 : i32
        %eq3A_105 = arith.cmpi eq, %rem3A_103, %eq3A_104 : i32
        %gt3A = arith.constant 0 : i32
        %gt3A_106 = arith.cmpi sgt, %div3A_101, %gt3A : i32
        %and3A = arith.andi %eq3A_105, %gt3A_106 : i1
        %convert_element_type3A_107 = arith.extui %and3A : i1 to i32
        %cond3A_108 = arith.constant 0 : i32
        %cond3A_109 = arith.cmpi ne, %convert_element_type3A_107, %cond3A_108 : i32
        scf.if %cond3A_109 {
          %rem3A_140 = arith.constant 3 : i32
          %rem3A_141 = arith.remsi %div3A_101, %rem3A_140 : i32
          %dma_wait3A_142 = arith.constant 0 : i32
          %dma_wait3A_143 = tpu.memref_slice %arg10[%rem3A_141, %dma_wait3A_142] : memref<3x2048xi32, #tpu.memory_space<vmem>> -> memref<1x2048xi32, #tpu.memory_space<vmem>>
          %dma_wait3A_144 = tpu.memref_squeeze %dma_wait3A_143 : memref<1x2048xi32, #tpu.memory_space<vmem>> -> memref<2048xi32, #tpu.memory_space<vmem>>
          %dma_wait3A_145 = arith.constant 0 : i32
          %dma_wait3A_146 = tpu.memref_slice %arg5[%dma_wait3A_145] : memref<6553600xi32, #tpu.memory_space<hbm>> -> memref<2048xi32, #tpu.memory_space<hbm>>
          %dma_wait3A_147 = arith.constant 0 : i32
          %dma_wait3A_148 = tpu.memref_slice %arg10[%rem3A_141, %dma_wait3A_147] : memref<3x2048xi32, #tpu.memory_space<vmem>> -> memref<1x2048xi32, #tpu.memory_space<vmem>>
          %dma_wait3A_149 = tpu.memref_squeeze %dma_wait3A_148 : memref<1x2048xi32, #tpu.memory_space<vmem>> -> memref<2048xi32, #tpu.memory_space<vmem>>
          %dma_wait3A_150 = arith.constant 0 : i32
          %dma_wait3A_151 = tpu.memref_slice %arg5[%dma_wait3A_150] : memref<6553600xi32, #tpu.memory_space<hbm>> -> memref<2048xi32, #tpu.memory_space<hbm>>
          tpu.wait_dma2 semaphore(%arg15 : memref<!tpu.dma_semaphore, #tpu.memory_space<semaphore_mem>>) src(%dma_wait3A_151 : memref<2048xi32, #tpu.memory_space<hbm>>) dst(%dma_wait3A_149 : memref<2048xi32, #tpu.memory_space<vmem>>)
          %dma_wait3A_152 = arith.constant 0 : i32
          %dma_wait3A_153 = tpu.memref_slice %arg11[%rem3A_141, %dma_wait3A_152] : memref<3x2048xi32, #tpu.memory_space<vmem>> -> memref<1x2048xi32, #tpu.memory_space<vmem>>
          %dma_wait3A_154 = tpu.memref_squeeze %dma_wait3A_153 : memref<1x2048xi32, #tpu.memory_space<vmem>> -> memref<2048xi32, #tpu.memory_space<vmem>>
          %dma_wait3A_155 = arith.constant 3276800 : i32
          %dma_wait3A_156 = tpu.memref_slice %arg5[%dma_wait3A_155] : memref<6553600xi32, #tpu.memory_space<hbm>> -> memref<2048xi32, #tpu.memory_space<hbm>>
          %dma_wait3A_157 = arith.constant 0 : i32
          %dma_wait3A_158 = tpu.memref_slice %arg11[%rem3A_141, %dma_wait3A_157] : memref<3x2048xi32, #tpu.memory_space<vmem>> -> memref<1x2048xi32, #tpu.memory_space<vmem>>
          %dma_wait3A_159 = tpu.memref_squeeze %dma_wait3A_158 : memref<1x2048xi32, #tpu.memory_space<vmem>> -> memref<2048xi32, #tpu.memory_space<vmem>>
          %dma_wait3A_160 = arith.constant 3276800 : i32
          %dma_wait3A_161 = tpu.memref_slice %arg5[%dma_wait3A_160] : memref<6553600xi32, #tpu.memory_space<hbm>> -> memref<2048xi32, #tpu.memory_space<hbm>>
          tpu.wait_dma2 semaphore(%arg15 : memref<!tpu.dma_semaphore, #tpu.memory_space<semaphore_mem>>) src(%dma_wait3A_161 : memref<2048xi32, #tpu.memory_space<hbm>>) dst(%dma_wait3A_159 : memref<2048xi32, #tpu.memory_space<vmem>>)
          %add3A_162 = arith.constant 1 : i32
          %add3A_163 = arith.addi %div3A_101, %add3A_162 : i32
          %lt3A = arith.constant 100 : i32
          %lt3A_164 = arith.cmpi slt, %add3A_163, %lt3A : i32
          %convert_element_type3A_165 = arith.extui %lt3A_164 : i1 to i32
          %cond3A_166 = arith.constant 0 : i32
          %cond3A_167 = arith.cmpi ne, %convert_element_type3A_165, %cond3A_166 : i32
          scf.if %cond3A_167 {
            %add3A_168 = arith.constant 1 : i32
            %add3A_169 = arith.addi %div3A_101, %add3A_168 : i32
            %mul3A_170 = arith.constant 800 : i32
            %mul3A_171 = arith.muli %arg1, %mul3A_170 : i32
            %mul3A_172 = arith.constant 8 : i32
            %mul3A_173 = arith.muli %add3A_169, %mul3A_172 : i32
            %add3A_174 = arith.addi %mul3A_171, %mul3A_173 : i32
            %mul3A_175 = arith.constant 256 : i32
            %mul3A_176 = arith.muli %add3A_174, %mul3A_175 : i32
            %rem3A_177 = arith.constant 3 : i32
            %rem3A_178 = arith.remsi %add3A_169, %rem3A_177 : i32
            %dma_start3A_179 = arith.constant 0 : i32
            %dma_start3A_180 = tpu.memref_slice %arg10[%rem3A_178, %dma_start3A_179] : memref<3x2048xi32, #tpu.memory_space<vmem>> -> memref<1x2048xi32, #tpu.memory_space<vmem>>
            %dma_start3A_181 = tpu.memref_squeeze %dma_start3A_180 : memref<1x2048xi32, #tpu.memory_space<vmem>> -> memref<2048xi32, #tpu.memory_space<vmem>>
            %dma_start3A_182 = tpu.memref_slice %arg5[%mul3A_176] : memref<6553600xi32, #tpu.memory_space<hbm>> -> memref<2048xi32, #tpu.memory_space<hbm>>
            %dma_start3A_183 = arith.constant 0 : i32
            %dma_start3A_184 = tpu.memref_slice %arg10[%rem3A_178, %dma_start3A_183] : memref<3x2048xi32, #tpu.memory_space<vmem>> -> memref<1x2048xi32, #tpu.memory_space<vmem>>
            %dma_start3A_185 = tpu.memref_squeeze %dma_start3A_184 : memref<1x2048xi32, #tpu.memory_space<vmem>> -> memref<2048xi32, #tpu.memory_space<vmem>>
            %dma_start3A_186 = tpu.memref_slice %arg5[%mul3A_176] : memref<6553600xi32, #tpu.memory_space<hbm>> -> memref<2048xi32, #tpu.memory_space<hbm>>
            tpu.enqueue_dma source(%dma_start3A_186 : memref<2048xi32, #tpu.memory_space<hbm>>) target(%dma_start3A_185 : memref<2048xi32, #tpu.memory_space<vmem>>) target_semaphore(%arg15 : memref<!tpu.dma_semaphore, #tpu.memory_space<semaphore_mem>>)
            %add3A_187 = arith.constant 3276800 : i32
            %add3A_188 = arith.addi %add3A_187, %mul3A_176 : i32
            %dma_start3A_189 = arith.constant 0 : i32
            %dma_start3A_190 = tpu.memref_slice %arg11[%rem3A_178, %dma_start3A_189] : memref<3x2048xi32, #tpu.memory_space<vmem>> -> memref<1x2048xi32, #tpu.memory_space<vmem>>
            %dma_start3A_191 = tpu.memref_squeeze %dma_start3A_190 : memref<1x2048xi32, #tpu.memory_space<vmem>> -> memref<2048xi32, #tpu.memory_space<vmem>>
            %dma_start3A_192 = tpu.memref_slice %arg5[%add3A_188] : memref<6553600xi32, #tpu.memory_space<hbm>> -> memref<2048xi32, #tpu.memory_space<hbm>>
            %dma_start3A_193 = arith.constant 0 : i32
            %dma_start3A_194 = tpu.memref_slice %arg11[%rem3A_178, %dma_start3A_193] : memref<3x2048xi32, #tpu.memory_space<vmem>> -> memref<1x2048xi32, #tpu.memory_space<vmem>>
            %dma_start3A_195 = tpu.memref_squeeze %dma_start3A_194 : memref<1x2048xi32, #tpu.memory_space<vmem>> -> memref<2048xi32, #tpu.memory_space<vmem>>
            %dma_start3A_196 = tpu.memref_slice %arg5[%add3A_188] : memref<6553600xi32, #tpu.memory_space<hbm>> -> memref<2048xi32, #tpu.memory_space<hbm>>
            tpu.enqueue_dma source(%dma_start3A_196 : memref<2048xi32, #tpu.memory_space<hbm>>) target(%dma_start3A_195 : memref<2048xi32, #tpu.memory_space<vmem>>) target_semaphore(%arg15 : memref<!tpu.dma_semaphore, #tpu.memory_space<semaphore_mem>>)
          } else {
          }
        } else {
        }
        %rem3A_110 = arith.constant 4 : i32
        %rem3A_111 = arith.remsi %add3A_100, %rem3A_110 : i32
        %ge3A = arith.constant 4 : i32
        %ge3A_112 = arith.cmpi sge, %add3A_100, %ge3A : i32
        %convert_element_type3A_113 = arith.extui %ge3A_112 : i1 to i32
        %cond3A_114 = arith.constant 0 : i32
        %cond3A_115 = arith.cmpi ne, %convert_element_type3A_113, %cond3A_114 : i32
        scf.if %cond3A_115 {
          %dma_wait3A_140 = arith.constant 0 : i32
          %dma_wait3A_141 = arith.constant 0 : i32
          %dma_wait3A_142 = arith.constant 0 : i32
          %dma_wait3A_143 = tpu.memref_slice %arg12[%rem3A_111, %dma_wait3A_141, %dma_wait3A_142] : memref<4x256x16xf32, #tpu.memory_space<vmem>> -> memref<1x256x16xf32, #tpu.memory_space<vmem>>
          %dma_wait3A_144 = tpu.memref_squeeze %dma_wait3A_143 : memref<1x256x16xf32, #tpu.memory_space<vmem>> -> memref<256x16xf32, #tpu.memory_space<vmem>>
          %dma_wait3A_145 = arith.constant 0 : i32
          %dma_wait3A_146 = tpu.memref_slice %arg11[%dma_wait3A_140, %dma_wait3A_145] : memref<3x2048xi32, #tpu.memory_space<vmem>> -> memref<1x256xi32, #tpu.memory_space<vmem>>
          %dma_wait3A_147 = tpu.memref_squeeze %dma_wait3A_146 : memref<1x256xi32, #tpu.memory_space<vmem>> -> memref<256xi32, #tpu.memory_space<vmem>>
          %dma_wait3A_148 = arith.constant 0 : i32
          %dma_wait3A_149 = arith.constant 0 : i32
          %dma_wait3A_150 = tpu.memref_slice %arg9[%dma_wait3A_148, %dma_wait3A_149] : memref<100352x16xf32, #tpu.memory_space<vmem_shared>> -> memref<100352x16xf32, #tpu.memory_space<vmem_shared>>
          %dma_wait3A_151 = tpu.memref_slice %arg14[%rem3A_111] : memref<4x!tpu.dma_semaphore, #tpu.memory_space<semaphore_mem>> -> memref<1x!tpu.dma_semaphore, #tpu.memory_space<semaphore_mem>>
          %dma_wait3A_152 = tpu.memref_squeeze %dma_wait3A_151 : memref<1x!tpu.dma_semaphore, #tpu.memory_space<semaphore_mem>> -> memref<!tpu.dma_semaphore, #tpu.memory_space<semaphore_mem>>
          tpu.wait_indirect_dma semaphore(%dma_wait3A_152 : memref<!tpu.dma_semaphore, #tpu.memory_space<semaphore_mem>>) src(%dma_wait3A_144 : memref<256x16xf32, #tpu.memory_space<vmem>>) dst(%dma_wait3A_150 : memref<100352x16xf32, #tpu.memory_space<vmem_shared>>)
        } else {
        }
        %div3A_116 = arith.constant 8 : i32
        %div3A_117 = arith.divsi %add3A_100, %div3A_116 : i32
        %rem3A_118 = arith.constant 3 : i32
        %rem3A_119 = arith.remsi %div3A_117, %rem3A_118 : i32
        %rem3A_120 = arith.constant 8 : i32
        %rem3A_121 = arith.remsi %add3A_100, %rem3A_120 : i32
        %mul3A_122 = arith.constant 256 : i32
        %mul3A_123 = arith.muli %rem3A_121, %mul3A_122 : i32
        %dma_start3A_124 = arith.constant 0 : i32
        %dma_start3A_125 = arith.constant 0 : i32
        %dma_start3A_126 = tpu.memref_slice %arg12[%rem3A_111, %dma_start3A_124, %dma_start3A_125] : memref<4x256x16xf32, #tpu.memory_space<vmem>> -> memref<1x256x16xf32, #tpu.memory_space<vmem>>
        %dma_start3A_127 = tpu.memref_squeeze %dma_start3A_126 : memref<1x256x16xf32, #tpu.memory_space<vmem>> -> memref<256x16xf32, #tpu.memory_space<vmem>>
        %dma_start3A_128 = tpu.memref_slice %arg10[%rem3A_119, %mul3A_123] : memref<3x2048xi32, #tpu.memory_space<vmem>> -> memref<1x256xi32, #tpu.memory_space<vmem>>
        %dma_start3A_129 = tpu.memref_squeeze %dma_start3A_128 : memref<1x256xi32, #tpu.memory_space<vmem>> -> memref<256xi32, #tpu.memory_space<vmem>>
        %dma_start3A_130 = arith.constant 0 : i32
        %dma_start3A_131 = arith.constant 0 : i32
        %dma_start3A_132 = tpu.memref_slice %arg3[%dma_start3A_130, %dma_start3A_131] : memref<100352x16xf32, #tpu.memory_space<hbm>> -> memref<100352x16xf32, #tpu.memory_space<hbm>>
        %dma_start3A_133 = tpu.memref_slice %arg13[%rem3A_111] : memref<4x!tpu.dma_semaphore, #tpu.memory_space<semaphore_mem>> -> memref<1x!tpu.dma_semaphore, #tpu.memory_space<semaphore_mem>>
        %dma_start3A_134 = tpu.memref_squeeze %dma_start3A_133 : memref<1x!tpu.dma_semaphore, #tpu.memory_space<semaphore_mem>> -> memref<!tpu.dma_semaphore, #tpu.memory_space<semaphore_mem>>
        tpu.enqueue_indirect_dma source(%dma_start3A_132 : memref<100352x16xf32, #tpu.memory_space<hbm>>) target(%dma_start3A_127 : memref<256x16xf32, #tpu.memory_space<vmem>>) offsets(%dma_start3A_129 : memref<256xi32, #tpu.memory_space<vmem>>) semaphore(%dma_start3A_134 : memref<!tpu.dma_semaphore, #tpu.memory_space<semaphore_mem>>)
        %ge3A_135 = arith.constant 2 : i32
        %ge3A_136 = arith.cmpi sge, %add3A_100, %ge3A_135 : i32
        %convert_element_type3A_137 = arith.extui %ge3A_136 : i1 to i32
        %cond3A_138 = arith.constant 0 : i32
        %cond3A_139 = arith.cmpi ne, %convert_element_type3A_137, %cond3A_138 : i32
        scf.if %cond3A_139 {
          %sub3A = arith.constant 2 : i32
          %sub3A_140 = arith.subi %add3A_100, %sub3A : i32
          %rem3A_141 = arith.constant 4 : i32
          %rem3A_142 = arith.remsi %sub3A_140, %rem3A_141 : i32
          %dma_wait3A_143 = arith.constant 0 : i32
          %dma_wait3A_144 = arith.constant 0 : i32
          %dma_wait3A_145 = arith.constant 0 : i32
          %dma_wait3A_146 = tpu.memref_slice %arg12[%rem3A_142, %dma_wait3A_144, %dma_wait3A_145] : memref<4x256x16xf32, #tpu.memory_space<vmem>> -> memref<1x256x16xf32, #tpu.memory_space<vmem>>
          %dma_wait3A_147 = tpu.memref_squeeze %dma_wait3A_146 : memref<1x256x16xf32, #tpu.memory_space<vmem>> -> memref<256x16xf32, #tpu.memory_space<vmem>>
          %dma_wait3A_148 = arith.constant 0 : i32
          %dma_wait3A_149 = tpu.memref_slice %arg10[%dma_wait3A_143, %dma_wait3A_148] : memref<3x2048xi32, #tpu.memory_space<vmem>> -> memref<1x256xi32, #tpu.memory_space<vmem>>
          %dma_wait3A_150 = tpu.memref_squeeze %dma_wait3A_149 : memref<1x256xi32, #tpu.memory_space<vmem>> -> memref<256xi32, #tpu.memory_space<vmem>>
          %dma_wait3A_151 = arith.constant 0 : i32
          %dma_wait3A_152 = arith.constant 0 : i32
          %dma_wait3A_153 = tpu.memref_slice %arg3[%dma_wait3A_151, %dma_wait3A_152] : memref<100352x16xf32, #tpu.memory_space<hbm>> -> memref<100352x16xf32, #tpu.memory_space<hbm>>
          %dma_wait3A_154 = tpu.memref_slice %arg13[%rem3A_142] : memref<4x!tpu.dma_semaphore, #tpu.memory_space<semaphore_mem>> -> memref<1x!tpu.dma_semaphore, #tpu.memory_space<semaphore_mem>>
          %dma_wait3A_155 = tpu.memref_squeeze %dma_wait3A_154 : memref<1x!tpu.dma_semaphore, #tpu.memory_space<semaphore_mem>> -> memref<!tpu.dma_semaphore, #tpu.memory_space<semaphore_mem>>
          tpu.wait_indirect_dma semaphore(%dma_wait3A_155 : memref<!tpu.dma_semaphore, #tpu.memory_space<semaphore_mem>>) src(%dma_wait3A_153 : memref<100352x16xf32, #tpu.memory_space<hbm>>) dst(%dma_wait3A_147 : memref<256x16xf32, #tpu.memory_space<vmem>>)
          %sub3A_156 = arith.constant 2 : i32
          %sub3A_157 = arith.subi %add3A_100, %sub3A_156 : i32
          %div3A_158 = arith.constant 8 : i32
          %div3A_159 = arith.divsi %sub3A_157, %div3A_158 : i32
          %rem3A_160 = arith.constant 3 : i32
          %rem3A_161 = arith.remsi %div3A_159, %rem3A_160 : i32
          %rem3A_162 = arith.constant 8 : i32
          %rem3A_163 = arith.remsi %sub3A_157, %rem3A_162 : i32
          %mul3A_164 = arith.constant 256 : i32
          %mul3A_165 = arith.muli %rem3A_163, %mul3A_164 : i32
          %dma_start3A_166 = arith.constant 0 : i32
          %dma_start3A_167 = arith.constant 0 : i32
          %dma_start3A_168 = tpu.memref_slice %arg12[%rem3A_142, %dma_start3A_166, %dma_start3A_167] : memref<4x256x16xf32, #tpu.memory_space<vmem>> -> memref<1x256x16xf32, #tpu.memory_space<vmem>>
          %dma_start3A_169 = tpu.memref_squeeze %dma_start3A_168 : memref<1x256x16xf32, #tpu.memory_space<vmem>> -> memref<256x16xf32, #tpu.memory_space<vmem>>
          %dma_start3A_170 = tpu.memref_slice %arg11[%rem3A_161, %mul3A_165] : memref<3x2048xi32, #tpu.memory_space<vmem>> -> memref<1x256xi32, #tpu.memory_space<vmem>>
          %dma_start3A_171 = tpu.memref_squeeze %dma_start3A_170 : memref<1x256xi32, #tpu.memory_space<vmem>> -> memref<256xi32, #tpu.memory_space<vmem>>
          %dma_start3A_172 = arith.constant 0 : i32
          %dma_start3A_173 = arith.constant 0 : i32
          %dma_start3A_174 = tpu.memref_slice %arg9[%dma_start3A_172, %dma_start3A_173] : memref<100352x16xf32, #tpu.memory_space<vmem_shared>> -> memref<100352x16xf32, #tpu.memory_space<vmem_shared>>
          %dma_start3A_175 = tpu.memref_slice %arg14[%rem3A_142] : memref<4x!tpu.dma_semaphore, #tpu.memory_space<semaphore_mem>> -> memref<1x!tpu.dma_semaphore, #tpu.memory_space<semaphore_mem>>
          %dma_start3A_176 = tpu.memref_squeeze %dma_start3A_175 : memref<1x!tpu.dma_semaphore, #tpu.memory_space<semaphore_mem>> -> memref<!tpu.dma_semaphore, #tpu.memory_space<semaphore_mem>>
          tpu.enqueue_indirect_dma source(%dma_start3A_169 : memref<256x16xf32, #tpu.memory_space<vmem>>) target(%dma_start3A_174 : memref<100352x16xf32, #tpu.memory_space<vmem_shared>>) offsets(%dma_start3A_171 : memref<256xi32, #tpu.memory_space<vmem>>) semaphore(%dma_start3A_176 : memref<!tpu.dma_semaphore, #tpu.memory_space<semaphore_mem>>) {add = true}
        } else {
        }
      }
      %scan3A_84 = arith.constant 800 : i32
      %scan3A_85 = arith.constant 0 : i32
      %scan3A_86 = arith.constant 2 : i32
      %scan3A_87 = arith.addi %scan3A_85, %scan3A_86 : i32
      %scan3A_88 = arith.constant 1 : i32
      scf.for %scan3A_96 = %scan3A_85 to %scan3A_87 step %scan3A_88  : i32 {
        %mul3A_97 = arith.constant 1 : i32
        %mul3A_98 = arith.muli %scan3A_96, %mul3A_97 : i32
        %add3A_99 = arith.constant 800 : i32
        %add3A_100 = arith.addi %add3A_99, %mul3A_98 : i32
        %sub3A = arith.constant 2 : i32
        %sub3A_101 = arith.subi %add3A_100, %sub3A : i32
        %rem3A_102 = arith.constant 4 : i32
        %rem3A_103 = arith.remsi %sub3A_101, %rem3A_102 : i32
        %dma_wait3A_104 = arith.constant 0 : i32
        %dma_wait3A_105 = arith.constant 0 : i32
        %dma_wait3A_106 = arith.constant 0 : i32
        %dma_wait3A_107 = tpu.memref_slice %arg12[%rem3A_103, %dma_wait3A_105, %dma_wait3A_106] : memref<4x256x16xf32, #tpu.memory_space<vmem>> -> memref<1x256x16xf32, #tpu.memory_space<vmem>>
        %dma_wait3A_108 = tpu.memref_squeeze %dma_wait3A_107 : memref<1x256x16xf32, #tpu.memory_space<vmem>> -> memref<256x16xf32, #tpu.memory_space<vmem>>
        %dma_wait3A_109 = arith.constant 0 : i32
        %dma_wait3A_110 = tpu.memref_slice %arg10[%dma_wait3A_104, %dma_wait3A_109] : memref<3x2048xi32, #tpu.memory_space<vmem>> -> memref<1x256xi32, #tpu.memory_space<vmem>>
        %dma_wait3A_111 = tpu.memref_squeeze %dma_wait3A_110 : memref<1x256xi32, #tpu.memory_space<vmem>> -> memref<256xi32, #tpu.memory_space<vmem>>
        %dma_wait3A_112 = arith.constant 0 : i32
        %dma_wait3A_113 = arith.constant 0 : i32
        %dma_wait3A_114 = tpu.memref_slice %arg3[%dma_wait3A_112, %dma_wait3A_113] : memref<100352x16xf32, #tpu.memory_space<hbm>> -> memref<100352x16xf32, #tpu.memory_space<hbm>>
        %dma_wait3A_115 = tpu.memref_slice %arg13[%rem3A_103] : memref<4x!tpu.dma_semaphore, #tpu.memory_space<semaphore_mem>> -> memref<1x!tpu.dma_semaphore, #tpu.memory_space<semaphore_mem>>
        %dma_wait3A_116 = tpu.memref_squeeze %dma_wait3A_115 : memref<1x!tpu.dma_semaphore, #tpu.memory_space<semaphore_mem>> -> memref<!tpu.dma_semaphore, #tpu.memory_space<semaphore_mem>>
        tpu.wait_indirect_dma semaphore(%dma_wait3A_116 : memref<!tpu.dma_semaphore, #tpu.memory_space<semaphore_mem>>) src(%dma_wait3A_114 : memref<100352x16xf32, #tpu.memory_space<hbm>>) dst(%dma_wait3A_108 : memref<256x16xf32, #tpu.memory_space<vmem>>)
        %sub3A_117 = arith.constant 2 : i32
        %sub3A_118 = arith.subi %add3A_100, %sub3A_117 : i32
        %div3A = arith.constant 8 : i32
        %div3A_119 = arith.divsi %sub3A_118, %div3A : i32
        %rem3A_120 = arith.constant 3 : i32
        %rem3A_121 = arith.remsi %div3A_119, %rem3A_120 : i32
        %rem3A_122 = arith.constant 8 : i32
        %rem3A_123 = arith.remsi %sub3A_118, %rem3A_122 : i32
        %mul3A_124 = arith.constant 256 : i32
        %mul3A_125 = arith.muli %rem3A_123, %mul3A_124 : i32
        %dma_start3A_126 = arith.constant 0 : i32
        %dma_start3A_127 = arith.constant 0 : i32
        %dma_start3A_128 = tpu.memref_slice %arg12[%rem3A_103, %dma_start3A_126, %dma_start3A_127] : memref<4x256x16xf32, #tpu.memory_space<vmem>> -> memref<1x256x16xf32, #tpu.memory_space<vmem>>
        %dma_start3A_129 = tpu.memref_squeeze %dma_start3A_128 : memref<1x256x16xf32, #tpu.memory_space<vmem>> -> memref<256x16xf32, #tpu.memory_space<vmem>>
        %dma_start3A_130 = tpu.memref_slice %arg11[%rem3A_121, %mul3A_125] : memref<3x2048xi32, #tpu.memory_space<vmem>> -> memref<1x256xi32, #tpu.memory_space<vmem>>
        %dma_start3A_131 = tpu.memref_squeeze %dma_start3A_130 : memref<1x256xi32, #tpu.memory_space<vmem>> -> memref<256xi32, #tpu.memory_space<vmem>>
        %dma_start3A_132 = arith.constant 0 : i32
        %dma_start3A_133 = arith.constant 0 : i32
        %dma_start3A_134 = tpu.memref_slice %arg9[%dma_start3A_132, %dma_start3A_133] : memref<100352x16xf32, #tpu.memory_space<vmem_shared>> -> memref<100352x16xf32, #tpu.memory_space<vmem_shared>>
        %dma_start3A_135 = tpu.memref_slice %arg14[%rem3A_103] : memref<4x!tpu.dma_semaphore, #tpu.memory_space<semaphore_mem>> -> memref<1x!tpu.dma_semaphore, #tpu.memory_space<semaphore_mem>>
        %dma_start3A_136 = tpu.memref_squeeze %dma_start3A_135 : memref<1x!tpu.dma_semaphore, #tpu.memory_space<semaphore_mem>> -> memref<!tpu.dma_semaphore, #tpu.memory_space<semaphore_mem>>
        tpu.enqueue_indirect_dma source(%dma_start3A_129 : memref<256x16xf32, #tpu.memory_space<vmem>>) target(%dma_start3A_134 : memref<100352x16xf32, #tpu.memory_space<vmem_shared>>) offsets(%dma_start3A_131 : memref<256xi32, #tpu.memory_space<vmem>>) semaphore(%dma_start3A_136 : memref<!tpu.dma_semaphore, #tpu.memory_space<semaphore_mem>>) {add = true}
      }
      %scan3A_89 = arith.constant 2 : i32
      %scan3A_90 = arith.constant 0 : i32
      %scan3A_91 = arith.constant 4 : i32
      %scan3A_92 = arith.addi %scan3A_90, %scan3A_91 : i32
      %scan3A_93 = arith.constant 1 : i32
      scf.for %scan3A_96 = %scan3A_90 to %scan3A_92 step %scan3A_93  : i32 {
        %mul3A_97 = arith.constant 1 : i32
        %mul3A_98 = arith.muli %scan3A_96, %mul3A_97 : i32
        %add3A_99 = arith.constant 0 : i32
        %add3A_100 = arith.addi %add3A_99, %mul3A_98 : i32
        %dma_wait3A_101 = arith.constant 0 : i32
        %dma_wait3A_102 = arith.constant 0 : i32
        %dma_wait3A_103 = arith.constant 0 : i32
        %dma_wait3A_104 = tpu.memref_slice %arg12[%add3A_100, %dma_wait3A_102, %dma_wait3A_103] : memref<4x256x16xf32, #tpu.memory_space<vmem>> -> memref<1x256x16xf32, #tpu.memory_space<vmem>>
        %dma_wait3A_105 = tpu.memref_squeeze %dma_wait3A_104 : memref<1x256x16xf32, #tpu.memory_space<vmem>> -> memref<256x16xf32, #tpu.memory_space<vmem>>
        %dma_wait3A_106 = arith.constant 0 : i32
        %dma_wait3A_107 = tpu.memref_slice %arg11[%dma_wait3A_101, %dma_wait3A_106] : memref<3x2048xi32, #tpu.memory_space<vmem>> -> memref<1x256xi32, #tpu.memory_space<vmem>>
        %dma_wait3A_108 = tpu.memref_squeeze %dma_wait3A_107 : memref<1x256xi32, #tpu.memory_space<vmem>> -> memref<256xi32, #tpu.memory_space<vmem>>
        %dma_wait3A_109 = arith.constant 0 : i32
        %dma_wait3A_110 = arith.constant 0 : i32
        %dma_wait3A_111 = tpu.memref_slice %arg9[%dma_wait3A_109, %dma_wait3A_110] : memref<100352x16xf32, #tpu.memory_space<vmem_shared>> -> memref<100352x16xf32, #tpu.memory_space<vmem_shared>>
        %dma_wait3A_112 = tpu.memref_slice %arg14[%add3A_100] : memref<4x!tpu.dma_semaphore, #tpu.memory_space<semaphore_mem>> -> memref<1x!tpu.dma_semaphore, #tpu.memory_space<semaphore_mem>>
        %dma_wait3A_113 = tpu.memref_squeeze %dma_wait3A_112 : memref<1x!tpu.dma_semaphore, #tpu.memory_space<semaphore_mem>> -> memref<!tpu.dma_semaphore, #tpu.memory_space<semaphore_mem>>
        tpu.wait_indirect_dma semaphore(%dma_wait3A_113 : memref<!tpu.dma_semaphore, #tpu.memory_space<semaphore_mem>>) src(%dma_wait3A_105 : memref<256x16xf32, #tpu.memory_space<vmem>>) dst(%dma_wait3A_111 : memref<100352x16xf32, #tpu.memory_space<vmem_shared>>)
      }
      %scan3A_94 = arith.constant 4 : i32
      %barrier3A_95 = arith.constant 0 : index
      tpu.barrier barrier_id(%barrier3A_95)
      "tpu.region"() ({
        %run_scoped3A = tpu.sem_alloc : memref<!tpu.dma_semaphore, #tpu.memory_space<semaphore_mem>>
        %dma_start3A_96 = arith.constant 0 : i32
        %dma_start3A_97 = tpu.memref_slice %arg8[%mul3A_0, %dma_start3A_96] : memref<100352x16xf32, #tpu.memory_space<hbm>> -> memref<6272x16xf32, #tpu.memory_space<hbm>>
        %dma_start3A_98 = arith.constant 0 : i32
        %dma_start3A_99 = tpu.memref_slice %arg9[%mul3A_0, %dma_start3A_98] : memref<100352x16xf32, #tpu.memory_space<vmem_shared>> -> memref<6272x16xf32, #tpu.memory_space<vmem_shared>>
        tpu.enqueue_dma source(%dma_start3A_99 : memref<6272x16xf32, #tpu.memory_space<vmem_shared>>) target(%dma_start3A_97 : memref<6272x16xf32, #tpu.memory_space<hbm>>) target_semaphore(%run_scoped3A : memref<!tpu.dma_semaphore, #tpu.memory_space<semaphore_mem>>)
        %dma_wait3A_100 = arith.constant 0 : i32
        %dma_wait3A_101 = tpu.memref_slice %arg8[%mul3A_0, %dma_wait3A_100] : memref<100352x16xf32, #tpu.memory_space<hbm>> -> memref<6272x16xf32, #tpu.memory_space<hbm>>
        %dma_wait3A_102 = arith.constant 0 : i32
        %dma_wait3A_103 = tpu.memref_slice %arg9[%mul3A_0, %dma_wait3A_102] : memref<100352x16xf32, #tpu.memory_space<vmem_shared>> -> memref<6272x16xf32, #tpu.memory_space<vmem_shared>>
        tpu.wait_dma2 semaphore(%run_scoped3A : memref<!tpu.dma_semaphore, #tpu.memory_space<semaphore_mem>>) src(%dma_wait3A_103 : memref<6272x16xf32, #tpu.memory_space<vmem_shared>>) dst(%dma_wait3A_101 : memref<6272x16xf32, #tpu.memory_space<hbm>>)
        tpu.yield
      }) : () -> ()
    } else {
    }
    return
  }
}

#map = affine_map<(d0, d1) -> (0, 0)>
#map1 = affine_map<(d0, d1) -> (0)>
module attributes {stable_mosaic.version = 14 : i64} {
  func.func @sc_aggregate(%arg0: i32, %arg1: i32, %arg2: memref<100352x16xf32, #tpu.memory_space<hbm>>, %arg3: memref<100352x16xf32, #tpu.memory_space<hbm>>, %arg4: memref<6553600xi32, #tpu.memory_space<hbm>>, %arg5: memref<6553600xi32, #tpu.memory_space<hbm>>, %arg6: memref<100352x16xf32, #tpu.memory_space<hbm>>, %arg7: memref<100352x16xf32, #tpu.memory_space<hbm>>, %arg8: memref<100352x16xf32, #tpu.memory_space<hbm>>, %arg9: memref<100352x16xf32, #tpu.memory_space<vmem_shared>>, %arg10: memref<3x2048xi32, #tpu.memory_space<vmem>>, %arg11: memref<3x2048xi32, #tpu.memory_space<vmem>>, %arg12: memref<4x256x16xf32, #tpu.memory_space<vmem>>, %arg13: memref<4x!tpu.dma_semaphore, #tpu.memory_space<semaphore_mem>>, %arg14: memref<4x!tpu.dma_semaphore, #tpu.memory_space<semaphore_mem>>, %arg15: memref<!tpu.dma_semaphore, #tpu.memory_space<semaphore_mem>>) attributes {dimension_semantics = [#tpu.dimension_semantics<core_parallel>, #tpu.dimension_semantics<subcore_parallel>], iteration_bounds = array<i64: 2, 16>, scalar_prefetch = 0 : i64, scratch_operands = 7 : i64, tpu.core_type = #tpu.core_type<sc_vector_subcore>, window_params = [{transform_indices = #map}, {transform_indices = #map}, {transform_indices = #map1}, {transform_indices = #map1}, {transform_indices = #map}, {transform_indices = #map}, {transform_indices = #map}]} {
    %mul3A = arith.constant 6272 : i32
    %mul3A_0 = arith.muli %arg1, %mul3A : i32
    %eq3A = arith.constant 0 : i32
    %eq3A_1 = arith.cmpi eq, %arg0, %eq3A : i32
    %convert_element_type3A = arith.extui %eq3A_1 : i1 to i32
    %cond3A = arith.constant 0 : i32
    %cond3A_2 = arith.cmpi ne, %convert_element_type3A, %cond3A : i32
    scf.if %cond3A_2 {
      "tpu.region"() ({
        %run_scoped3A = tpu.sem_alloc : memref<!tpu.dma_semaphore, #tpu.memory_space<semaphore_mem>>
        %dma_start3A_96 = arith.constant 0 : i32
        %dma_start3A_97 = tpu.memref_slice %arg9[%mul3A_0, %dma_start3A_96] : memref<100352x16xf32, #tpu.memory_space<vmem_shared>> -> memref<6272x16xf32, #tpu.memory_space<vmem_shared>>
        %dma_start3A_98 = arith.constant 0 : i32
        %dma_start3A_99 = tpu.memref_slice %arg6[%mul3A_0, %dma_start3A_98] : memref<100352x16xf32, #tpu.memory_space<hbm>> -> memref<6272x16xf32, #tpu.memory_space<hbm>>
        tpu.enqueue_dma source(%dma_start3A_99 : memref<6272x16xf32, #tpu.memory_space<hbm>>) target(%dma_start3A_97 : memref<6272x16xf32, #tpu.memory_space<vmem_shared>>) target_semaphore(%run_scoped3A : memref<!tpu.dma_semaphore, #tpu.memory_space<semaphore_mem>>)
        %dma_wait3A_100 = arith.constant 0 : i32
        %dma_wait3A_101 = tpu.memref_slice %arg9[%mul3A_0, %dma_wait3A_100] : memref<100352x16xf32, #tpu.memory_space<vmem_shared>> -> memref<6272x16xf32, #tpu.memory_space<vmem_shared>>
        %dma_wait3A_102 = arith.constant 0 : i32
        %dma_wait3A_103 = tpu.memref_slice %arg6[%mul3A_0, %dma_wait3A_102] : memref<100352x16xf32, #tpu.memory_space<hbm>> -> memref<6272x16xf32, #tpu.memory_space<hbm>>
        tpu.wait_dma2 semaphore(%run_scoped3A : memref<!tpu.dma_semaphore, #tpu.memory_space<semaphore_mem>>) src(%dma_wait3A_103 : memref<6272x16xf32, #tpu.memory_space<hbm>>) dst(%dma_wait3A_101 : memref<6272x16xf32, #tpu.memory_space<vmem_shared>>)
        tpu.yield
      }) : () -> ()
      %barrier3A = arith.constant 0 : index
      tpu.barrier barrier_id(%barrier3A)
      %mul3A_8 = arith.constant 800 : i32
      %mul3A_9 = arith.muli %arg1, %mul3A_8 : i32
      %add3A = arith.constant 0 : i32
      %add3A_10 = arith.addi %mul3A_9, %add3A : i32
      %mul3A_11 = arith.constant 256 : i32
      %mul3A_12 = arith.muli %add3A_10, %mul3A_11 : i32
      %rem3A = arith.constant 0 : i32
      %rem3A_13 = arith.constant 3 : i32
      %rem3A_14 = arith.remsi %rem3A, %rem3A_13 : i32
      %dma_start3A = arith.constant 0 : i32
      %dma_start3A_15 = tpu.memref_slice %arg10[%rem3A_14, %dma_start3A] : memref<3x2048xi32, #tpu.memory_space<vmem>> -> memref<1x2048xi32, #tpu.memory_space<vmem>>
      %dma_start3A_16 = tpu.memref_squeeze %dma_start3A_15 : memref<1x2048xi32, #tpu.memory_space<vmem>> -> memref<2048xi32, #tpu.memory_space<vmem>>
      %dma_start3A_17 = tpu.memref_slice %arg4[%mul3A_12] : memref<6553600xi32, #tpu.memory_space<hbm>> -> memref<2048xi32, #tpu.memory_space<hbm>>
      %dma_start3A_18 = arith.constant 0 : i32
      %dma_start3A_19 = tpu.memref_slice %arg10[%rem3A_14, %dma_start3A_18] : memref<3x2048xi32, #tpu.memory_space<vmem>> -> memref<1x2048xi32, #tpu.memory_space<vmem>>
      %dma_start3A_20 = tpu.memref_squeeze %dma_start3A_19 : memref<1x2048xi32, #tpu.memory_space<vmem>> -> memref<2048xi32, #tpu.memory_space<vmem>>
      %dma_start3A_21 = tpu.memref_slice %arg4[%mul3A_12] : memref<6553600xi32, #tpu.memory_space<hbm>> -> memref<2048xi32, #tpu.memory_space<hbm>>
      tpu.enqueue_dma source(%dma_start3A_21 : memref<2048xi32, #tpu.memory_space<hbm>>) target(%dma_start3A_20 : memref<2048xi32, #tpu.memory_space<vmem>>) target_semaphore(%arg15 : memref<!tpu.dma_semaphore, #tpu.memory_space<semaphore_mem>>)
      %add3A_22 = arith.constant 3276800 : i32
      %add3A_23 = arith.addi %add3A_22, %mul3A_12 : i32
      %dma_start3A_24 = arith.constant 0 : i32
      %dma_start3A_25 = tpu.memref_slice %arg11[%rem3A_14, %dma_start3A_24] : memref<3x2048xi32, #tpu.memory_space<vmem>> -> memref<1x2048xi32, #tpu.memory_space<vmem>>
      %dma_start3A_26 = tpu.memref_squeeze %dma_start3A_25 : memref<1x2048xi32, #tpu.memory_space<vmem>> -> memref<2048xi32, #tpu.memory_space<vmem>>
      %dma_start3A_27 = tpu.memref_slice %arg4[%add3A_23] : memref<6553600xi32, #tpu.memory_space<hbm>> -> memref<2048xi32, #tpu.memory_space<hbm>>
      %dma_start3A_28 = arith.constant 0 : i32
      %dma_start3A_29 = tpu.memref_slice %arg11[%rem3A_14, %dma_start3A_28] : memref<3x2048xi32, #tpu.memory_space<vmem>> -> memref<1x2048xi32, #tpu.memory_space<vmem>>
      %dma_start3A_30 = tpu.memref_squeeze %dma_start3A_29 : memref<1x2048xi32, #tpu.memory_space<vmem>> -> memref<2048xi32, #tpu.memory_space<vmem>>
      %dma_start3A_31 = tpu.memref_slice %arg4[%add3A_23] : memref<6553600xi32, #tpu.memory_space<hbm>> -> memref<2048xi32, #tpu.memory_space<hbm>>
      tpu.enqueue_dma source(%dma_start3A_31 : memref<2048xi32, #tpu.memory_space<hbm>>) target(%dma_start3A_30 : memref<2048xi32, #tpu.memory_space<vmem>>) target_semaphore(%arg15 : memref<!tpu.dma_semaphore, #tpu.memory_space<semaphore_mem>>)
      %rem3A_32 = arith.constant 0 : i32
      %rem3A_33 = arith.constant 3 : i32
      %rem3A_34 = arith.remsi %rem3A_32, %rem3A_33 : i32
      %dma_wait3A = arith.constant 0 : i32
      %dma_wait3A_35 = tpu.memref_slice %arg10[%rem3A_34, %dma_wait3A] : memref<3x2048xi32, #tpu.memory_space<vmem>> -> memref<1x2048xi32, #tpu.memory_space<vmem>>
      %dma_wait3A_36 = tpu.memref_squeeze %dma_wait3A_35 : memref<1x2048xi32, #tpu.memory_space<vmem>> -> memref<2048xi32, #tpu.memory_space<vmem>>
      %dma_wait3A_37 = arith.constant 0 : i32
      %dma_wait3A_38 = tpu.memref_slice %arg4[%dma_wait3A_37] : memref<6553600xi32, #tpu.memory_space<hbm>> -> memref<2048xi32, #tpu.memory_space<hbm>>
      %dma_wait3A_39 = arith.constant 0 : i32
      %dma_wait3A_40 = tpu.memref_slice %arg10[%rem3A_34, %dma_wait3A_39] : memref<3x2048xi32, #tpu.memory_space<vmem>> -> memref<1x2048xi32, #tpu.memory_space<vmem>>
      %dma_wait3A_41 = tpu.memref_squeeze %dma_wait3A_40 : memref<1x2048xi32, #tpu.memory_space<vmem>> -> memref<2048xi32, #tpu.memory_space<vmem>>
      %dma_wait3A_42 = arith.constant 0 : i32
      %dma_wait3A_43 = tpu.memref_slice %arg4[%dma_wait3A_42] : memref<6553600xi32, #tpu.memory_space<hbm>> -> memref<2048xi32, #tpu.memory_space<hbm>>
      tpu.wait_dma2 semaphore(%arg15 : memref<!tpu.dma_semaphore, #tpu.memory_space<semaphore_mem>>) src(%dma_wait3A_43 : memref<2048xi32, #tpu.memory_space<hbm>>) dst(%dma_wait3A_41 : memref<2048xi32, #tpu.memory_space<vmem>>)
      %dma_wait3A_44 = arith.constant 0 : i32
      %dma_wait3A_45 = tpu.memref_slice %arg11[%rem3A_34, %dma_wait3A_44] : memref<3x2048xi32, #tpu.memory_space<vmem>> -> memref<1x2048xi32, #tpu.memory_space<vmem>>
      %dma_wait3A_46 = tpu.memref_squeeze %dma_wait3A_45 : memref<1x2048xi32, #tpu.memory_space<vmem>> -> memref<2048xi32, #tpu.memory_space<vmem>>
      %dma_wait3A_47 = arith.constant 3276800 : i32
      %dma_wait3A_48 = tpu.memref_slice %arg4[%dma_wait3A_47] : memref<6553600xi32, #tpu.memory_space<hbm>> -> memref<2048xi32, #tpu.memory_space<hbm>>
      %dma_wait3A_49 = arith.constant 0 : i32
      %dma_wait3A_50 = tpu.memref_slice %arg11[%rem3A_34, %dma_wait3A_49] : memref<3x2048xi32, #tpu.memory_space<vmem>> -> memref<1x2048xi32, #tpu.memory_space<vmem>>
      %dma_wait3A_51 = tpu.memref_squeeze %dma_wait3A_50 : memref<1x2048xi32, #tpu.memory_space<vmem>> -> memref<2048xi32, #tpu.memory_space<vmem>>
      %dma_wait3A_52 = arith.constant 3276800 : i32
      %dma_wait3A_53 = tpu.memref_slice %arg4[%dma_wait3A_52] : memref<6553600xi32, #tpu.memory_space<hbm>> -> memref<2048xi32, #tpu.memory_space<hbm>>
      tpu.wait_dma2 semaphore(%arg15 : memref<!tpu.dma_semaphore, #tpu.memory_space<semaphore_mem>>) src(%dma_wait3A_53 : memref<2048xi32, #tpu.memory_space<hbm>>) dst(%dma_wait3A_51 : memref<2048xi32, #tpu.memory_space<vmem>>)
      %mul3A_54 = arith.constant 800 : i32
      %mul3A_55 = arith.muli %arg1, %mul3A_54 : i32
      %add3A_56 = arith.constant 8 : i32
      %add3A_57 = arith.addi %mul3A_55, %add3A_56 : i32
      %mul3A_58 = arith.constant 256 : i32
      %mul3A_59 = arith.muli %add3A_57, %mul3A_58 : i32
      %rem3A_60 = arith.constant 1 : i32
      %rem3A_61 = arith.constant 3 : i32
      %rem3A_62 = arith.remsi %rem3A_60, %rem3A_61 : i32
      %dma_start3A_63 = arith.constant 0 : i32
      %dma_start3A_64 = tpu.memref_slice %arg10[%rem3A_62, %dma_start3A_63] : memref<3x2048xi32, #tpu.memory_space<vmem>> -> memref<1x2048xi32, #tpu.memory_space<vmem>>
      %dma_start3A_65 = tpu.memref_squeeze %dma_start3A_64 : memref<1x2048xi32, #tpu.memory_space<vmem>> -> memref<2048xi32, #tpu.memory_space<vmem>>
      %dma_start3A_66 = tpu.memref_slice %arg4[%mul3A_59] : memref<6553600xi32, #tpu.memory_space<hbm>> -> memref<2048xi32, #tpu.memory_space<hbm>>
      %dma_start3A_67 = arith.constant 0 : i32
      %dma_start3A_68 = tpu.memref_slice %arg10[%rem3A_62, %dma_start3A_67] : memref<3x2048xi32, #tpu.memory_space<vmem>> -> memref<1x2048xi32, #tpu.memory_space<vmem>>
      %dma_start3A_69 = tpu.memref_squeeze %dma_start3A_68 : memref<1x2048xi32, #tpu.memory_space<vmem>> -> memref<2048xi32, #tpu.memory_space<vmem>>
      %dma_start3A_70 = tpu.memref_slice %arg4[%mul3A_59] : memref<6553600xi32, #tpu.memory_space<hbm>> -> memref<2048xi32, #tpu.memory_space<hbm>>
      tpu.enqueue_dma source(%dma_start3A_70 : memref<2048xi32, #tpu.memory_space<hbm>>) target(%dma_start3A_69 : memref<2048xi32, #tpu.memory_space<vmem>>) target_semaphore(%arg15 : memref<!tpu.dma_semaphore, #tpu.memory_space<semaphore_mem>>)
      %add3A_71 = arith.constant 3276800 : i32
      %add3A_72 = arith.addi %add3A_71, %mul3A_59 : i32
      %dma_start3A_73 = arith.constant 0 : i32
      %dma_start3A_74 = tpu.memref_slice %arg11[%rem3A_62, %dma_start3A_73] : memref<3x2048xi32, #tpu.memory_space<vmem>> -> memref<1x2048xi32, #tpu.memory_space<vmem>>
      %dma_start3A_75 = tpu.memref_squeeze %dma_start3A_74 : memref<1x2048xi32, #tpu.memory_space<vmem>> -> memref<2048xi32, #tpu.memory_space<vmem>>
      %dma_start3A_76 = tpu.memref_slice %arg4[%add3A_72] : memref<6553600xi32, #tpu.memory_space<hbm>> -> memref<2048xi32, #tpu.memory_space<hbm>>
      %dma_start3A_77 = arith.constant 0 : i32
      %dma_start3A_78 = tpu.memref_slice %arg11[%rem3A_62, %dma_start3A_77] : memref<3x2048xi32, #tpu.memory_space<vmem>> -> memref<1x2048xi32, #tpu.memory_space<vmem>>
      %dma_start3A_79 = tpu.memref_squeeze %dma_start3A_78 : memref<1x2048xi32, #tpu.memory_space<vmem>> -> memref<2048xi32, #tpu.memory_space<vmem>>
      %dma_start3A_80 = tpu.memref_slice %arg4[%add3A_72] : memref<6553600xi32, #tpu.memory_space<hbm>> -> memref<2048xi32, #tpu.memory_space<hbm>>
      tpu.enqueue_dma source(%dma_start3A_80 : memref<2048xi32, #tpu.memory_space<hbm>>) target(%dma_start3A_79 : memref<2048xi32, #tpu.memory_space<vmem>>) target_semaphore(%arg15 : memref<!tpu.dma_semaphore, #tpu.memory_space<semaphore_mem>>)
      %scan3A = arith.constant 0 : i32
      %scan3A_81 = arith.constant 800 : i32
      %scan3A_82 = arith.addi %scan3A, %scan3A_81 : i32
      %scan3A_83 = arith.constant 1 : i32
      scf.for %scan3A_96 = %scan3A to %scan3A_82 step %scan3A_83  : i32 {
        %mul3A_97 = arith.constant 1 : i32
        %mul3A_98 = arith.muli %scan3A_96, %mul3A_97 : i32
        %add3A_99 = arith.constant 0 : i32
        %add3A_100 = arith.addi %add3A_99, %mul3A_98 : i32
        %div3A = arith.constant 8 : i32
        %div3A_101 = arith.divsi %add3A_100, %div3A : i32
        %rem3A_102 = arith.constant 8 : i32
        %rem3A_103 = arith.remsi %add3A_100, %rem3A_102 : i32
        %eq3A_104 = arith.constant 0 : i32
        %eq3A_105 = arith.cmpi eq, %rem3A_103, %eq3A_104 : i32
        %gt3A = arith.constant 0 : i32
        %gt3A_106 = arith.cmpi sgt, %div3A_101, %gt3A : i32
        %and3A = arith.andi %eq3A_105, %gt3A_106 : i1
        %convert_element_type3A_107 = arith.extui %and3A : i1 to i32
        %cond3A_108 = arith.constant 0 : i32
        %cond3A_109 = arith.cmpi ne, %convert_element_type3A_107, %cond3A_108 : i32
        scf.if %cond3A_109 {
          %rem3A_140 = arith.constant 3 : i32
          %rem3A_141 = arith.remsi %div3A_101, %rem3A_140 : i32
          %dma_wait3A_142 = arith.constant 0 : i32
          %dma_wait3A_143 = tpu.memref_slice %arg10[%rem3A_141, %dma_wait3A_142] : memref<3x2048xi32, #tpu.memory_space<vmem>> -> memref<1x2048xi32, #tpu.memory_space<vmem>>
          %dma_wait3A_144 = tpu.memref_squeeze %dma_wait3A_143 : memref<1x2048xi32, #tpu.memory_space<vmem>> -> memref<2048xi32, #tpu.memory_space<vmem>>
          %dma_wait3A_145 = arith.constant 0 : i32
          %dma_wait3A_146 = tpu.memref_slice %arg4[%dma_wait3A_145] : memref<6553600xi32, #tpu.memory_space<hbm>> -> memref<2048xi32, #tpu.memory_space<hbm>>
          %dma_wait3A_147 = arith.constant 0 : i32
          %dma_wait3A_148 = tpu.memref_slice %arg10[%rem3A_141, %dma_wait3A_147] : memref<3x2048xi32, #tpu.memory_space<vmem>> -> memref<1x2048xi32, #tpu.memory_space<vmem>>
          %dma_wait3A_149 = tpu.memref_squeeze %dma_wait3A_148 : memref<1x2048xi32, #tpu.memory_space<vmem>> -> memref<2048xi32, #tpu.memory_space<vmem>>
          %dma_wait3A_150 = arith.constant 0 : i32
          %dma_wait3A_151 = tpu.memref_slice %arg4[%dma_wait3A_150] : memref<6553600xi32, #tpu.memory_space<hbm>> -> memref<2048xi32, #tpu.memory_space<hbm>>
          tpu.wait_dma2 semaphore(%arg15 : memref<!tpu.dma_semaphore, #tpu.memory_space<semaphore_mem>>) src(%dma_wait3A_151 : memref<2048xi32, #tpu.memory_space<hbm>>) dst(%dma_wait3A_149 : memref<2048xi32, #tpu.memory_space<vmem>>)
          %dma_wait3A_152 = arith.constant 0 : i32
          %dma_wait3A_153 = tpu.memref_slice %arg11[%rem3A_141, %dma_wait3A_152] : memref<3x2048xi32, #tpu.memory_space<vmem>> -> memref<1x2048xi32, #tpu.memory_space<vmem>>
          %dma_wait3A_154 = tpu.memref_squeeze %dma_wait3A_153 : memref<1x2048xi32, #tpu.memory_space<vmem>> -> memref<2048xi32, #tpu.memory_space<vmem>>
          %dma_wait3A_155 = arith.constant 3276800 : i32
          %dma_wait3A_156 = tpu.memref_slice %arg4[%dma_wait3A_155] : memref<6553600xi32, #tpu.memory_space<hbm>> -> memref<2048xi32, #tpu.memory_space<hbm>>
          %dma_wait3A_157 = arith.constant 0 : i32
          %dma_wait3A_158 = tpu.memref_slice %arg11[%rem3A_141, %dma_wait3A_157] : memref<3x2048xi32, #tpu.memory_space<vmem>> -> memref<1x2048xi32, #tpu.memory_space<vmem>>
          %dma_wait3A_159 = tpu.memref_squeeze %dma_wait3A_158 : memref<1x2048xi32, #tpu.memory_space<vmem>> -> memref<2048xi32, #tpu.memory_space<vmem>>
          %dma_wait3A_160 = arith.constant 3276800 : i32
          %dma_wait3A_161 = tpu.memref_slice %arg4[%dma_wait3A_160] : memref<6553600xi32, #tpu.memory_space<hbm>> -> memref<2048xi32, #tpu.memory_space<hbm>>
          tpu.wait_dma2 semaphore(%arg15 : memref<!tpu.dma_semaphore, #tpu.memory_space<semaphore_mem>>) src(%dma_wait3A_161 : memref<2048xi32, #tpu.memory_space<hbm>>) dst(%dma_wait3A_159 : memref<2048xi32, #tpu.memory_space<vmem>>)
          %add3A_162 = arith.constant 1 : i32
          %add3A_163 = arith.addi %div3A_101, %add3A_162 : i32
          %lt3A = arith.constant 100 : i32
          %lt3A_164 = arith.cmpi slt, %add3A_163, %lt3A : i32
          %convert_element_type3A_165 = arith.extui %lt3A_164 : i1 to i32
          %cond3A_166 = arith.constant 0 : i32
          %cond3A_167 = arith.cmpi ne, %convert_element_type3A_165, %cond3A_166 : i32
          scf.if %cond3A_167 {
            %add3A_168 = arith.constant 1 : i32
            %add3A_169 = arith.addi %div3A_101, %add3A_168 : i32
            %mul3A_170 = arith.constant 800 : i32
            %mul3A_171 = arith.muli %arg1, %mul3A_170 : i32
            %mul3A_172 = arith.constant 8 : i32
            %mul3A_173 = arith.muli %add3A_169, %mul3A_172 : i32
            %add3A_174 = arith.addi %mul3A_171, %mul3A_173 : i32
            %mul3A_175 = arith.constant 256 : i32
            %mul3A_176 = arith.muli %add3A_174, %mul3A_175 : i32
            %rem3A_177 = arith.constant 3 : i32
            %rem3A_178 = arith.remsi %add3A_169, %rem3A_177 : i32
            %dma_start3A_179 = arith.constant 0 : i32
            %dma_start3A_180 = tpu.memref_slice %arg10[%rem3A_178, %dma_start3A_179] : memref<3x2048xi32, #tpu.memory_space<vmem>> -> memref<1x2048xi32, #tpu.memory_space<vmem>>
            %dma_start3A_181 = tpu.memref_squeeze %dma_start3A_180 : memref<1x2048xi32, #tpu.memory_space<vmem>> -> memref<2048xi32, #tpu.memory_space<vmem>>
            %dma_start3A_182 = tpu.memref_slice %arg4[%mul3A_176] : memref<6553600xi32, #tpu.memory_space<hbm>> -> memref<2048xi32, #tpu.memory_space<hbm>>
            %dma_start3A_183 = arith.constant 0 : i32
            %dma_start3A_184 = tpu.memref_slice %arg10[%rem3A_178, %dma_start3A_183] : memref<3x2048xi32, #tpu.memory_space<vmem>> -> memref<1x2048xi32, #tpu.memory_space<vmem>>
            %dma_start3A_185 = tpu.memref_squeeze %dma_start3A_184 : memref<1x2048xi32, #tpu.memory_space<vmem>> -> memref<2048xi32, #tpu.memory_space<vmem>>
            %dma_start3A_186 = tpu.memref_slice %arg4[%mul3A_176] : memref<6553600xi32, #tpu.memory_space<hbm>> -> memref<2048xi32, #tpu.memory_space<hbm>>
            tpu.enqueue_dma source(%dma_start3A_186 : memref<2048xi32, #tpu.memory_space<hbm>>) target(%dma_start3A_185 : memref<2048xi32, #tpu.memory_space<vmem>>) target_semaphore(%arg15 : memref<!tpu.dma_semaphore, #tpu.memory_space<semaphore_mem>>)
            %add3A_187 = arith.constant 3276800 : i32
            %add3A_188 = arith.addi %add3A_187, %mul3A_176 : i32
            %dma_start3A_189 = arith.constant 0 : i32
            %dma_start3A_190 = tpu.memref_slice %arg11[%rem3A_178, %dma_start3A_189] : memref<3x2048xi32, #tpu.memory_space<vmem>> -> memref<1x2048xi32, #tpu.memory_space<vmem>>
            %dma_start3A_191 = tpu.memref_squeeze %dma_start3A_190 : memref<1x2048xi32, #tpu.memory_space<vmem>> -> memref<2048xi32, #tpu.memory_space<vmem>>
            %dma_start3A_192 = tpu.memref_slice %arg4[%add3A_188] : memref<6553600xi32, #tpu.memory_space<hbm>> -> memref<2048xi32, #tpu.memory_space<hbm>>
            %dma_start3A_193 = arith.constant 0 : i32
            %dma_start3A_194 = tpu.memref_slice %arg11[%rem3A_178, %dma_start3A_193] : memref<3x2048xi32, #tpu.memory_space<vmem>> -> memref<1x2048xi32, #tpu.memory_space<vmem>>
            %dma_start3A_195 = tpu.memref_squeeze %dma_start3A_194 : memref<1x2048xi32, #tpu.memory_space<vmem>> -> memref<2048xi32, #tpu.memory_space<vmem>>
            %dma_start3A_196 = tpu.memref_slice %arg4[%add3A_188] : memref<6553600xi32, #tpu.memory_space<hbm>> -> memref<2048xi32, #tpu.memory_space<hbm>>
            tpu.enqueue_dma source(%dma_start3A_196 : memref<2048xi32, #tpu.memory_space<hbm>>) target(%dma_start3A_195 : memref<2048xi32, #tpu.memory_space<vmem>>) target_semaphore(%arg15 : memref<!tpu.dma_semaphore, #tpu.memory_space<semaphore_mem>>)
          } else {
          }
        } else {
        }
        %rem3A_110 = arith.constant 4 : i32
        %rem3A_111 = arith.remsi %add3A_100, %rem3A_110 : i32
        %ge3A = arith.constant 4 : i32
        %ge3A_112 = arith.cmpi sge, %add3A_100, %ge3A : i32
        %convert_element_type3A_113 = arith.extui %ge3A_112 : i1 to i32
        %cond3A_114 = arith.constant 0 : i32
        %cond3A_115 = arith.cmpi ne, %convert_element_type3A_113, %cond3A_114 : i32
        scf.if %cond3A_115 {
          %dma_wait3A_140 = arith.constant 0 : i32
          %dma_wait3A_141 = arith.constant 0 : i32
          %dma_wait3A_142 = arith.constant 0 : i32
          %dma_wait3A_143 = tpu.memref_slice %arg12[%rem3A_111, %dma_wait3A_141, %dma_wait3A_142] : memref<4x256x16xf32, #tpu.memory_space<vmem>> -> memref<1x256x16xf32, #tpu.memory_space<vmem>>
          %dma_wait3A_144 = tpu.memref_squeeze %dma_wait3A_143 : memref<1x256x16xf32, #tpu.memory_space<vmem>> -> memref<256x16xf32, #tpu.memory_space<vmem>>
          %dma_wait3A_145 = arith.constant 0 : i32
          %dma_wait3A_146 = tpu.memref_slice %arg11[%dma_wait3A_140, %dma_wait3A_145] : memref<3x2048xi32, #tpu.memory_space<vmem>> -> memref<1x256xi32, #tpu.memory_space<vmem>>
          %dma_wait3A_147 = tpu.memref_squeeze %dma_wait3A_146 : memref<1x256xi32, #tpu.memory_space<vmem>> -> memref<256xi32, #tpu.memory_space<vmem>>
          %dma_wait3A_148 = arith.constant 0 : i32
          %dma_wait3A_149 = arith.constant 0 : i32
          %dma_wait3A_150 = tpu.memref_slice %arg9[%dma_wait3A_148, %dma_wait3A_149] : memref<100352x16xf32, #tpu.memory_space<vmem_shared>> -> memref<100352x16xf32, #tpu.memory_space<vmem_shared>>
          %dma_wait3A_151 = tpu.memref_slice %arg14[%rem3A_111] : memref<4x!tpu.dma_semaphore, #tpu.memory_space<semaphore_mem>> -> memref<1x!tpu.dma_semaphore, #tpu.memory_space<semaphore_mem>>
          %dma_wait3A_152 = tpu.memref_squeeze %dma_wait3A_151 : memref<1x!tpu.dma_semaphore, #tpu.memory_space<semaphore_mem>> -> memref<!tpu.dma_semaphore, #tpu.memory_space<semaphore_mem>>
          tpu.wait_indirect_dma semaphore(%dma_wait3A_152 : memref<!tpu.dma_semaphore, #tpu.memory_space<semaphore_mem>>) src(%dma_wait3A_144 : memref<256x16xf32, #tpu.memory_space<vmem>>) dst(%dma_wait3A_150 : memref<100352x16xf32, #tpu.memory_space<vmem_shared>>)
        } else {
        }
        %div3A_116 = arith.constant 8 : i32
        %div3A_117 = arith.divsi %add3A_100, %div3A_116 : i32
        %rem3A_118 = arith.constant 3 : i32
        %rem3A_119 = arith.remsi %div3A_117, %rem3A_118 : i32
        %rem3A_120 = arith.constant 8 : i32
        %rem3A_121 = arith.remsi %add3A_100, %rem3A_120 : i32
        %mul3A_122 = arith.constant 256 : i32
        %mul3A_123 = arith.muli %rem3A_121, %mul3A_122 : i32
        %dma_start3A_124 = arith.constant 0 : i32
        %dma_start3A_125 = arith.constant 0 : i32
        %dma_start3A_126 = tpu.memref_slice %arg12[%rem3A_111, %dma_start3A_124, %dma_start3A_125] : memref<4x256x16xf32, #tpu.memory_space<vmem>> -> memref<1x256x16xf32, #tpu.memory_space<vmem>>
        %dma_start3A_127 = tpu.memref_squeeze %dma_start3A_126 : memref<1x256x16xf32, #tpu.memory_space<vmem>> -> memref<256x16xf32, #tpu.memory_space<vmem>>
        %dma_start3A_128 = tpu.memref_slice %arg10[%rem3A_119, %mul3A_123] : memref<3x2048xi32, #tpu.memory_space<vmem>> -> memref<1x256xi32, #tpu.memory_space<vmem>>
        %dma_start3A_129 = tpu.memref_squeeze %dma_start3A_128 : memref<1x256xi32, #tpu.memory_space<vmem>> -> memref<256xi32, #tpu.memory_space<vmem>>
        %dma_start3A_130 = arith.constant 0 : i32
        %dma_start3A_131 = arith.constant 0 : i32
        %dma_start3A_132 = tpu.memref_slice %arg2[%dma_start3A_130, %dma_start3A_131] : memref<100352x16xf32, #tpu.memory_space<hbm>> -> memref<100352x16xf32, #tpu.memory_space<hbm>>
        %dma_start3A_133 = tpu.memref_slice %arg13[%rem3A_111] : memref<4x!tpu.dma_semaphore, #tpu.memory_space<semaphore_mem>> -> memref<1x!tpu.dma_semaphore, #tpu.memory_space<semaphore_mem>>
        %dma_start3A_134 = tpu.memref_squeeze %dma_start3A_133 : memref<1x!tpu.dma_semaphore, #tpu.memory_space<semaphore_mem>> -> memref<!tpu.dma_semaphore, #tpu.memory_space<semaphore_mem>>
        tpu.enqueue_indirect_dma source(%dma_start3A_132 : memref<100352x16xf32, #tpu.memory_space<hbm>>) target(%dma_start3A_127 : memref<256x16xf32, #tpu.memory_space<vmem>>) offsets(%dma_start3A_129 : memref<256xi32, #tpu.memory_space<vmem>>) semaphore(%dma_start3A_134 : memref<!tpu.dma_semaphore, #tpu.memory_space<semaphore_mem>>)
        %ge3A_135 = arith.constant 2 : i32
        %ge3A_136 = arith.cmpi sge, %add3A_100, %ge3A_135 : i32
        %convert_element_type3A_137 = arith.extui %ge3A_136 : i1 to i32
        %cond3A_138 = arith.constant 0 : i32
        %cond3A_139 = arith.cmpi ne, %convert_element_type3A_137, %cond3A_138 : i32
        scf.if %cond3A_139 {
          %sub3A = arith.constant 2 : i32
          %sub3A_140 = arith.subi %add3A_100, %sub3A : i32
          %rem3A_141 = arith.constant 4 : i32
          %rem3A_142 = arith.remsi %sub3A_140, %rem3A_141 : i32
          %dma_wait3A_143 = arith.constant 0 : i32
          %dma_wait3A_144 = arith.constant 0 : i32
          %dma_wait3A_145 = arith.constant 0 : i32
          %dma_wait3A_146 = tpu.memref_slice %arg12[%rem3A_142, %dma_wait3A_144, %dma_wait3A_145] : memref<4x256x16xf32, #tpu.memory_space<vmem>> -> memref<1x256x16xf32, #tpu.memory_space<vmem>>
          %dma_wait3A_147 = tpu.memref_squeeze %dma_wait3A_146 : memref<1x256x16xf32, #tpu.memory_space<vmem>> -> memref<256x16xf32, #tpu.memory_space<vmem>>
          %dma_wait3A_148 = arith.constant 0 : i32
          %dma_wait3A_149 = tpu.memref_slice %arg10[%dma_wait3A_143, %dma_wait3A_148] : memref<3x2048xi32, #tpu.memory_space<vmem>> -> memref<1x256xi32, #tpu.memory_space<vmem>>
          %dma_wait3A_150 = tpu.memref_squeeze %dma_wait3A_149 : memref<1x256xi32, #tpu.memory_space<vmem>> -> memref<256xi32, #tpu.memory_space<vmem>>
          %dma_wait3A_151 = arith.constant 0 : i32
          %dma_wait3A_152 = arith.constant 0 : i32
          %dma_wait3A_153 = tpu.memref_slice %arg2[%dma_wait3A_151, %dma_wait3A_152] : memref<100352x16xf32, #tpu.memory_space<hbm>> -> memref<100352x16xf32, #tpu.memory_space<hbm>>
          %dma_wait3A_154 = tpu.memref_slice %arg13[%rem3A_142] : memref<4x!tpu.dma_semaphore, #tpu.memory_space<semaphore_mem>> -> memref<1x!tpu.dma_semaphore, #tpu.memory_space<semaphore_mem>>
          %dma_wait3A_155 = tpu.memref_squeeze %dma_wait3A_154 : memref<1x!tpu.dma_semaphore, #tpu.memory_space<semaphore_mem>> -> memref<!tpu.dma_semaphore, #tpu.memory_space<semaphore_mem>>
          tpu.wait_indirect_dma semaphore(%dma_wait3A_155 : memref<!tpu.dma_semaphore, #tpu.memory_space<semaphore_mem>>) src(%dma_wait3A_153 : memref<100352x16xf32, #tpu.memory_space<hbm>>) dst(%dma_wait3A_147 : memref<256x16xf32, #tpu.memory_space<vmem>>)
          %sub3A_156 = arith.constant 2 : i32
          %sub3A_157 = arith.subi %add3A_100, %sub3A_156 : i32
          %div3A_158 = arith.constant 8 : i32
          %div3A_159 = arith.divsi %sub3A_157, %div3A_158 : i32
          %rem3A_160 = arith.constant 3 : i32
          %rem3A_161 = arith.remsi %div3A_159, %rem3A_160 : i32
          %rem3A_162 = arith.constant 8 : i32
          %rem3A_163 = arith.remsi %sub3A_157, %rem3A_162 : i32
          %mul3A_164 = arith.constant 256 : i32
          %mul3A_165 = arith.muli %rem3A_163, %mul3A_164 : i32
          %dma_start3A_166 = arith.constant 0 : i32
          %dma_start3A_167 = arith.constant 0 : i32
          %dma_start3A_168 = tpu.memref_slice %arg12[%rem3A_142, %dma_start3A_166, %dma_start3A_167] : memref<4x256x16xf32, #tpu.memory_space<vmem>> -> memref<1x256x16xf32, #tpu.memory_space<vmem>>
          %dma_start3A_169 = tpu.memref_squeeze %dma_start3A_168 : memref<1x256x16xf32, #tpu.memory_space<vmem>> -> memref<256x16xf32, #tpu.memory_space<vmem>>
          %dma_start3A_170 = tpu.memref_slice %arg11[%rem3A_161, %mul3A_165] : memref<3x2048xi32, #tpu.memory_space<vmem>> -> memref<1x256xi32, #tpu.memory_space<vmem>>
          %dma_start3A_171 = tpu.memref_squeeze %dma_start3A_170 : memref<1x256xi32, #tpu.memory_space<vmem>> -> memref<256xi32, #tpu.memory_space<vmem>>
          %dma_start3A_172 = arith.constant 0 : i32
          %dma_start3A_173 = arith.constant 0 : i32
          %dma_start3A_174 = tpu.memref_slice %arg9[%dma_start3A_172, %dma_start3A_173] : memref<100352x16xf32, #tpu.memory_space<vmem_shared>> -> memref<100352x16xf32, #tpu.memory_space<vmem_shared>>
          %dma_start3A_175 = tpu.memref_slice %arg14[%rem3A_142] : memref<4x!tpu.dma_semaphore, #tpu.memory_space<semaphore_mem>> -> memref<1x!tpu.dma_semaphore, #tpu.memory_space<semaphore_mem>>
          %dma_start3A_176 = tpu.memref_squeeze %dma_start3A_175 : memref<1x!tpu.dma_semaphore, #tpu.memory_space<semaphore_mem>> -> memref<!tpu.dma_semaphore, #tpu.memory_space<semaphore_mem>>
          tpu.enqueue_indirect_dma source(%dma_start3A_169 : memref<256x16xf32, #tpu.memory_space<vmem>>) target(%dma_start3A_174 : memref<100352x16xf32, #tpu.memory_space<vmem_shared>>) offsets(%dma_start3A_171 : memref<256xi32, #tpu.memory_space<vmem>>) semaphore(%dma_start3A_176 : memref<!tpu.dma_semaphore, #tpu.memory_space<semaphore_mem>>) {add = true}
        } else {
        }
      }
      %scan3A_84 = arith.constant 800 : i32
      %scan3A_85 = arith.constant 0 : i32
      %scan3A_86 = arith.constant 2 : i32
      %scan3A_87 = arith.addi %scan3A_85, %scan3A_86 : i32
      %scan3A_88 = arith.constant 1 : i32
      scf.for %scan3A_96 = %scan3A_85 to %scan3A_87 step %scan3A_88  : i32 {
        %mul3A_97 = arith.constant 1 : i32
        %mul3A_98 = arith.muli %scan3A_96, %mul3A_97 : i32
        %add3A_99 = arith.constant 800 : i32
        %add3A_100 = arith.addi %add3A_99, %mul3A_98 : i32
        %sub3A = arith.constant 2 : i32
        %sub3A_101 = arith.subi %add3A_100, %sub3A : i32
        %rem3A_102 = arith.constant 4 : i32
        %rem3A_103 = arith.remsi %sub3A_101, %rem3A_102 : i32
        %dma_wait3A_104 = arith.constant 0 : i32
        %dma_wait3A_105 = arith.constant 0 : i32
        %dma_wait3A_106 = arith.constant 0 : i32
        %dma_wait3A_107 = tpu.memref_slice %arg12[%rem3A_103, %dma_wait3A_105, %dma_wait3A_106] : memref<4x256x16xf32, #tpu.memory_space<vmem>> -> memref<1x256x16xf32, #tpu.memory_space<vmem>>
        %dma_wait3A_108 = tpu.memref_squeeze %dma_wait3A_107 : memref<1x256x16xf32, #tpu.memory_space<vmem>> -> memref<256x16xf32, #tpu.memory_space<vmem>>
        %dma_wait3A_109 = arith.constant 0 : i32
        %dma_wait3A_110 = tpu.memref_slice %arg10[%dma_wait3A_104, %dma_wait3A_109] : memref<3x2048xi32, #tpu.memory_space<vmem>> -> memref<1x256xi32, #tpu.memory_space<vmem>>
        %dma_wait3A_111 = tpu.memref_squeeze %dma_wait3A_110 : memref<1x256xi32, #tpu.memory_space<vmem>> -> memref<256xi32, #tpu.memory_space<vmem>>
        %dma_wait3A_112 = arith.constant 0 : i32
        %dma_wait3A_113 = arith.constant 0 : i32
        %dma_wait3A_114 = tpu.memref_slice %arg2[%dma_wait3A_112, %dma_wait3A_113] : memref<100352x16xf32, #tpu.memory_space<hbm>> -> memref<100352x16xf32, #tpu.memory_space<hbm>>
        %dma_wait3A_115 = tpu.memref_slice %arg13[%rem3A_103] : memref<4x!tpu.dma_semaphore, #tpu.memory_space<semaphore_mem>> -> memref<1x!tpu.dma_semaphore, #tpu.memory_space<semaphore_mem>>
        %dma_wait3A_116 = tpu.memref_squeeze %dma_wait3A_115 : memref<1x!tpu.dma_semaphore, #tpu.memory_space<semaphore_mem>> -> memref<!tpu.dma_semaphore, #tpu.memory_space<semaphore_mem>>
        tpu.wait_indirect_dma semaphore(%dma_wait3A_116 : memref<!tpu.dma_semaphore, #tpu.memory_space<semaphore_mem>>) src(%dma_wait3A_114 : memref<100352x16xf32, #tpu.memory_space<hbm>>) dst(%dma_wait3A_108 : memref<256x16xf32, #tpu.memory_space<vmem>>)
        %sub3A_117 = arith.constant 2 : i32
        %sub3A_118 = arith.subi %add3A_100, %sub3A_117 : i32
        %div3A = arith.constant 8 : i32
        %div3A_119 = arith.divsi %sub3A_118, %div3A : i32
        %rem3A_120 = arith.constant 3 : i32
        %rem3A_121 = arith.remsi %div3A_119, %rem3A_120 : i32
        %rem3A_122 = arith.constant 8 : i32
        %rem3A_123 = arith.remsi %sub3A_118, %rem3A_122 : i32
        %mul3A_124 = arith.constant 256 : i32
        %mul3A_125 = arith.muli %rem3A_123, %mul3A_124 : i32
        %dma_start3A_126 = arith.constant 0 : i32
        %dma_start3A_127 = arith.constant 0 : i32
        %dma_start3A_128 = tpu.memref_slice %arg12[%rem3A_103, %dma_start3A_126, %dma_start3A_127] : memref<4x256x16xf32, #tpu.memory_space<vmem>> -> memref<1x256x16xf32, #tpu.memory_space<vmem>>
        %dma_start3A_129 = tpu.memref_squeeze %dma_start3A_128 : memref<1x256x16xf32, #tpu.memory_space<vmem>> -> memref<256x16xf32, #tpu.memory_space<vmem>>
        %dma_start3A_130 = tpu.memref_slice %arg11[%rem3A_121, %mul3A_125] : memref<3x2048xi32, #tpu.memory_space<vmem>> -> memref<1x256xi32, #tpu.memory_space<vmem>>
        %dma_start3A_131 = tpu.memref_squeeze %dma_start3A_130 : memref<1x256xi32, #tpu.memory_space<vmem>> -> memref<256xi32, #tpu.memory_space<vmem>>
        %dma_start3A_132 = arith.constant 0 : i32
        %dma_start3A_133 = arith.constant 0 : i32
        %dma_start3A_134 = tpu.memref_slice %arg9[%dma_start3A_132, %dma_start3A_133] : memref<100352x16xf32, #tpu.memory_space<vmem_shared>> -> memref<100352x16xf32, #tpu.memory_space<vmem_shared>>
        %dma_start3A_135 = tpu.memref_slice %arg14[%rem3A_103] : memref<4x!tpu.dma_semaphore, #tpu.memory_space<semaphore_mem>> -> memref<1x!tpu.dma_semaphore, #tpu.memory_space<semaphore_mem>>
        %dma_start3A_136 = tpu.memref_squeeze %dma_start3A_135 : memref<1x!tpu.dma_semaphore, #tpu.memory_space<semaphore_mem>> -> memref<!tpu.dma_semaphore, #tpu.memory_space<semaphore_mem>>
        tpu.enqueue_indirect_dma source(%dma_start3A_129 : memref<256x16xf32, #tpu.memory_space<vmem>>) target(%dma_start3A_134 : memref<100352x16xf32, #tpu.memory_space<vmem_shared>>) offsets(%dma_start3A_131 : memref<256xi32, #tpu.memory_space<vmem>>) semaphore(%dma_start3A_136 : memref<!tpu.dma_semaphore, #tpu.memory_space<semaphore_mem>>) {add = true}
      }
      %scan3A_89 = arith.constant 2 : i32
      %scan3A_90 = arith.constant 0 : i32
      %scan3A_91 = arith.constant 4 : i32
      %scan3A_92 = arith.addi %scan3A_90, %scan3A_91 : i32
      %scan3A_93 = arith.constant 1 : i32
      scf.for %scan3A_96 = %scan3A_90 to %scan3A_92 step %scan3A_93  : i32 {
        %mul3A_97 = arith.constant 1 : i32
        %mul3A_98 = arith.muli %scan3A_96, %mul3A_97 : i32
        %add3A_99 = arith.constant 0 : i32
        %add3A_100 = arith.addi %add3A_99, %mul3A_98 : i32
        %dma_wait3A_101 = arith.constant 0 : i32
        %dma_wait3A_102 = arith.constant 0 : i32
        %dma_wait3A_103 = arith.constant 0 : i32
        %dma_wait3A_104 = tpu.memref_slice %arg12[%add3A_100, %dma_wait3A_102, %dma_wait3A_103] : memref<4x256x16xf32, #tpu.memory_space<vmem>> -> memref<1x256x16xf32, #tpu.memory_space<vmem>>
        %dma_wait3A_105 = tpu.memref_squeeze %dma_wait3A_104 : memref<1x256x16xf32, #tpu.memory_space<vmem>> -> memref<256x16xf32, #tpu.memory_space<vmem>>
        %dma_wait3A_106 = arith.constant 0 : i32
        %dma_wait3A_107 = tpu.memref_slice %arg11[%dma_wait3A_101, %dma_wait3A_106] : memref<3x2048xi32, #tpu.memory_space<vmem>> -> memref<1x256xi32, #tpu.memory_space<vmem>>
        %dma_wait3A_108 = tpu.memref_squeeze %dma_wait3A_107 : memref<1x256xi32, #tpu.memory_space<vmem>> -> memref<256xi32, #tpu.memory_space<vmem>>
        %dma_wait3A_109 = arith.constant 0 : i32
        %dma_wait3A_110 = arith.constant 0 : i32
        %dma_wait3A_111 = tpu.memref_slice %arg9[%dma_wait3A_109, %dma_wait3A_110] : memref<100352x16xf32, #tpu.memory_space<vmem_shared>> -> memref<100352x16xf32, #tpu.memory_space<vmem_shared>>
        %dma_wait3A_112 = tpu.memref_slice %arg14[%add3A_100] : memref<4x!tpu.dma_semaphore, #tpu.memory_space<semaphore_mem>> -> memref<1x!tpu.dma_semaphore, #tpu.memory_space<semaphore_mem>>
        %dma_wait3A_113 = tpu.memref_squeeze %dma_wait3A_112 : memref<1x!tpu.dma_semaphore, #tpu.memory_space<semaphore_mem>> -> memref<!tpu.dma_semaphore, #tpu.memory_space<semaphore_mem>>
        tpu.wait_indirect_dma semaphore(%dma_wait3A_113 : memref<!tpu.dma_semaphore, #tpu.memory_space<semaphore_mem>>) src(%dma_wait3A_105 : memref<256x16xf32, #tpu.memory_space<vmem>>) dst(%dma_wait3A_111 : memref<100352x16xf32, #tpu.memory_space<vmem_shared>>)
      }
      %scan3A_94 = arith.constant 4 : i32
      %barrier3A_95 = arith.constant 0 : index
      tpu.barrier barrier_id(%barrier3A_95)
      "tpu.region"() ({
        %run_scoped3A = tpu.sem_alloc : memref<!tpu.dma_semaphore, #tpu.memory_space<semaphore_mem>>
        %dma_start3A_96 = arith.constant 0 : i32
        %dma_start3A_97 = tpu.memref_slice %arg7[%mul3A_0, %dma_start3A_96] : memref<100352x16xf32, #tpu.memory_space<hbm>> -> memref<6272x16xf32, #tpu.memory_space<hbm>>
        %dma_start3A_98 = arith.constant 0 : i32
        %dma_start3A_99 = tpu.memref_slice %arg9[%mul3A_0, %dma_start3A_98] : memref<100352x16xf32, #tpu.memory_space<vmem_shared>> -> memref<6272x16xf32, #tpu.memory_space<vmem_shared>>
        tpu.enqueue_dma source(%dma_start3A_99 : memref<6272x16xf32, #tpu.memory_space<vmem_shared>>) target(%dma_start3A_97 : memref<6272x16xf32, #tpu.memory_space<hbm>>) target_semaphore(%run_scoped3A : memref<!tpu.dma_semaphore, #tpu.memory_space<semaphore_mem>>)
        %dma_wait3A_100 = arith.constant 0 : i32
        %dma_wait3A_101 = tpu.memref_slice %arg7[%mul3A_0, %dma_wait3A_100] : memref<100352x16xf32, #tpu.memory_space<hbm>> -> memref<6272x16xf32, #tpu.memory_space<hbm>>
        %dma_wait3A_102 = arith.constant 0 : i32
        %dma_wait3A_103 = tpu.memref_slice %arg9[%mul3A_0, %dma_wait3A_102] : memref<100352x16xf32, #tpu.memory_space<vmem_shared>> -> memref<6272x16xf32, #tpu.memory_space<vmem_shared>>
        tpu.wait_dma2 semaphore(%run_scoped3A : memref<!tpu.dma_semaphore, #tpu.memory_space<semaphore_mem>>) src(%dma_wait3A_103 : memref<6272x16xf32, #tpu.memory_space<vmem_shared>>) dst(%dma_wait3A_101 : memref<6272x16xf32, #tpu.memory_space<hbm>>)
        tpu.yield
      }) : () -> ()
    } else {
    }
    %eq3A_3 = arith.constant 1 : i32
    %eq3A_4 = arith.cmpi eq, %arg0, %eq3A_3 : i32
    %convert_element_type3A_5 = arith.extui %eq3A_4 : i1 to i32
    %cond3A_6 = arith.constant 0 : i32
    %cond3A_7 = arith.cmpi ne, %convert_element_type3A_5, %cond3A_6 : i32
    scf.if %cond3A_7 {
      "tpu.region"() ({
        %run_scoped3A = tpu.sem_alloc : memref<!tpu.dma_semaphore, #tpu.memory_space<semaphore_mem>>
        %dma_start3A_96 = arith.constant 0 : i32
        %dma_start3A_97 = tpu.memref_slice %arg9[%mul3A_0, %dma_start3A_96] : memref<100352x16xf32, #tpu.memory_space<vmem_shared>> -> memref<6272x16xf32, #tpu.memory_space<vmem_shared>>
        %dma_start3A_98 = arith.constant 0 : i32
        %dma_start3A_99 = tpu.memref_slice %arg6[%mul3A_0, %dma_start3A_98] : memref<100352x16xf32, #tpu.memory_space<hbm>> -> memref<6272x16xf32, #tpu.memory_space<hbm>>
        tpu.enqueue_dma source(%dma_start3A_99 : memref<6272x16xf32, #tpu.memory_space<hbm>>) target(%dma_start3A_97 : memref<6272x16xf32, #tpu.memory_space<vmem_shared>>) target_semaphore(%run_scoped3A : memref<!tpu.dma_semaphore, #tpu.memory_space<semaphore_mem>>)
        %dma_wait3A_100 = arith.constant 0 : i32
        %dma_wait3A_101 = tpu.memref_slice %arg9[%mul3A_0, %dma_wait3A_100] : memref<100352x16xf32, #tpu.memory_space<vmem_shared>> -> memref<6272x16xf32, #tpu.memory_space<vmem_shared>>
        %dma_wait3A_102 = arith.constant 0 : i32
        %dma_wait3A_103 = tpu.memref_slice %arg6[%mul3A_0, %dma_wait3A_102] : memref<100352x16xf32, #tpu.memory_space<hbm>> -> memref<6272x16xf32, #tpu.memory_space<hbm>>
        tpu.wait_dma2 semaphore(%run_scoped3A : memref<!tpu.dma_semaphore, #tpu.memory_space<semaphore_mem>>) src(%dma_wait3A_103 : memref<6272x16xf32, #tpu.memory_space<hbm>>) dst(%dma_wait3A_101 : memref<6272x16xf32, #tpu.memory_space<vmem_shared>>)
        tpu.yield
      }) : () -> ()
      %barrier3A = arith.constant 0 : index
      tpu.barrier barrier_id(%barrier3A)
      %mul3A_8 = arith.constant 800 : i32
      %mul3A_9 = arith.muli %arg1, %mul3A_8 : i32
      %add3A = arith.constant 0 : i32
      %add3A_10 = arith.addi %mul3A_9, %add3A : i32
      %mul3A_11 = arith.constant 256 : i32
      %mul3A_12 = arith.muli %add3A_10, %mul3A_11 : i32
      %rem3A = arith.constant 0 : i32
      %rem3A_13 = arith.constant 3 : i32
      %rem3A_14 = arith.remsi %rem3A, %rem3A_13 : i32
      %dma_start3A = arith.constant 0 : i32
      %dma_start3A_15 = tpu.memref_slice %arg10[%rem3A_14, %dma_start3A] : memref<3x2048xi32, #tpu.memory_space<vmem>> -> memref<1x2048xi32, #tpu.memory_space<vmem>>
      %dma_start3A_16 = tpu.memref_squeeze %dma_start3A_15 : memref<1x2048xi32, #tpu.memory_space<vmem>> -> memref<2048xi32, #tpu.memory_space<vmem>>
      %dma_start3A_17 = tpu.memref_slice %arg5[%mul3A_12] : memref<6553600xi32, #tpu.memory_space<hbm>> -> memref<2048xi32, #tpu.memory_space<hbm>>
      %dma_start3A_18 = arith.constant 0 : i32
      %dma_start3A_19 = tpu.memref_slice %arg10[%rem3A_14, %dma_start3A_18] : memref<3x2048xi32, #tpu.memory_space<vmem>> -> memref<1x2048xi32, #tpu.memory_space<vmem>>
      %dma_start3A_20 = tpu.memref_squeeze %dma_start3A_19 : memref<1x2048xi32, #tpu.memory_space<vmem>> -> memref<2048xi32, #tpu.memory_space<vmem>>
      %dma_start3A_21 = tpu.memref_slice %arg5[%mul3A_12] : memref<6553600xi32, #tpu.memory_space<hbm>> -> memref<2048xi32, #tpu.memory_space<hbm>>
      tpu.enqueue_dma source(%dma_start3A_21 : memref<2048xi32, #tpu.memory_space<hbm>>) target(%dma_start3A_20 : memref<2048xi32, #tpu.memory_space<vmem>>) target_semaphore(%arg15 : memref<!tpu.dma_semaphore, #tpu.memory_space<semaphore_mem>>)
      %add3A_22 = arith.constant 3276800 : i32
      %add3A_23 = arith.addi %add3A_22, %mul3A_12 : i32
      %dma_start3A_24 = arith.constant 0 : i32
      %dma_start3A_25 = tpu.memref_slice %arg11[%rem3A_14, %dma_start3A_24] : memref<3x2048xi32, #tpu.memory_space<vmem>> -> memref<1x2048xi32, #tpu.memory_space<vmem>>
      %dma_start3A_26 = tpu.memref_squeeze %dma_start3A_25 : memref<1x2048xi32, #tpu.memory_space<vmem>> -> memref<2048xi32, #tpu.memory_space<vmem>>
      %dma_start3A_27 = tpu.memref_slice %arg5[%add3A_23] : memref<6553600xi32, #tpu.memory_space<hbm>> -> memref<2048xi32, #tpu.memory_space<hbm>>
      %dma_start3A_28 = arith.constant 0 : i32
      %dma_start3A_29 = tpu.memref_slice %arg11[%rem3A_14, %dma_start3A_28] : memref<3x2048xi32, #tpu.memory_space<vmem>> -> memref<1x2048xi32, #tpu.memory_space<vmem>>
      %dma_start3A_30 = tpu.memref_squeeze %dma_start3A_29 : memref<1x2048xi32, #tpu.memory_space<vmem>> -> memref<2048xi32, #tpu.memory_space<vmem>>
      %dma_start3A_31 = tpu.memref_slice %arg5[%add3A_23] : memref<6553600xi32, #tpu.memory_space<hbm>> -> memref<2048xi32, #tpu.memory_space<hbm>>
      tpu.enqueue_dma source(%dma_start3A_31 : memref<2048xi32, #tpu.memory_space<hbm>>) target(%dma_start3A_30 : memref<2048xi32, #tpu.memory_space<vmem>>) target_semaphore(%arg15 : memref<!tpu.dma_semaphore, #tpu.memory_space<semaphore_mem>>)
      %rem3A_32 = arith.constant 0 : i32
      %rem3A_33 = arith.constant 3 : i32
      %rem3A_34 = arith.remsi %rem3A_32, %rem3A_33 : i32
      %dma_wait3A = arith.constant 0 : i32
      %dma_wait3A_35 = tpu.memref_slice %arg10[%rem3A_34, %dma_wait3A] : memref<3x2048xi32, #tpu.memory_space<vmem>> -> memref<1x2048xi32, #tpu.memory_space<vmem>>
      %dma_wait3A_36 = tpu.memref_squeeze %dma_wait3A_35 : memref<1x2048xi32, #tpu.memory_space<vmem>> -> memref<2048xi32, #tpu.memory_space<vmem>>
      %dma_wait3A_37 = arith.constant 0 : i32
      %dma_wait3A_38 = tpu.memref_slice %arg5[%dma_wait3A_37] : memref<6553600xi32, #tpu.memory_space<hbm>> -> memref<2048xi32, #tpu.memory_space<hbm>>
      %dma_wait3A_39 = arith.constant 0 : i32
      %dma_wait3A_40 = tpu.memref_slice %arg10[%rem3A_34, %dma_wait3A_39] : memref<3x2048xi32, #tpu.memory_space<vmem>> -> memref<1x2048xi32, #tpu.memory_space<vmem>>
      %dma_wait3A_41 = tpu.memref_squeeze %dma_wait3A_40 : memref<1x2048xi32, #tpu.memory_space<vmem>> -> memref<2048xi32, #tpu.memory_space<vmem>>
      %dma_wait3A_42 = arith.constant 0 : i32
      %dma_wait3A_43 = tpu.memref_slice %arg5[%dma_wait3A_42] : memref<6553600xi32, #tpu.memory_space<hbm>> -> memref<2048xi32, #tpu.memory_space<hbm>>
      tpu.wait_dma2 semaphore(%arg15 : memref<!tpu.dma_semaphore, #tpu.memory_space<semaphore_mem>>) src(%dma_wait3A_43 : memref<2048xi32, #tpu.memory_space<hbm>>) dst(%dma_wait3A_41 : memref<2048xi32, #tpu.memory_space<vmem>>)
      %dma_wait3A_44 = arith.constant 0 : i32
      %dma_wait3A_45 = tpu.memref_slice %arg11[%rem3A_34, %dma_wait3A_44] : memref<3x2048xi32, #tpu.memory_space<vmem>> -> memref<1x2048xi32, #tpu.memory_space<vmem>>
      %dma_wait3A_46 = tpu.memref_squeeze %dma_wait3A_45 : memref<1x2048xi32, #tpu.memory_space<vmem>> -> memref<2048xi32, #tpu.memory_space<vmem>>
      %dma_wait3A_47 = arith.constant 3276800 : i32
      %dma_wait3A_48 = tpu.memref_slice %arg5[%dma_wait3A_47] : memref<6553600xi32, #tpu.memory_space<hbm>> -> memref<2048xi32, #tpu.memory_space<hbm>>
      %dma_wait3A_49 = arith.constant 0 : i32
      %dma_wait3A_50 = tpu.memref_slice %arg11[%rem3A_34, %dma_wait3A_49] : memref<3x2048xi32, #tpu.memory_space<vmem>> -> memref<1x2048xi32, #tpu.memory_space<vmem>>
      %dma_wait3A_51 = tpu.memref_squeeze %dma_wait3A_50 : memref<1x2048xi32, #tpu.memory_space<vmem>> -> memref<2048xi32, #tpu.memory_space<vmem>>
      %dma_wait3A_52 = arith.constant 3276800 : i32
      %dma_wait3A_53 = tpu.memref_slice %arg5[%dma_wait3A_52] : memref<6553600xi32, #tpu.memory_space<hbm>> -> memref<2048xi32, #tpu.memory_space<hbm>>
      tpu.wait_dma2 semaphore(%arg15 : memref<!tpu.dma_semaphore, #tpu.memory_space<semaphore_mem>>) src(%dma_wait3A_53 : memref<2048xi32, #tpu.memory_space<hbm>>) dst(%dma_wait3A_51 : memref<2048xi32, #tpu.memory_space<vmem>>)
      %mul3A_54 = arith.constant 800 : i32
      %mul3A_55 = arith.muli %arg1, %mul3A_54 : i32
      %add3A_56 = arith.constant 8 : i32
      %add3A_57 = arith.addi %mul3A_55, %add3A_56 : i32
      %mul3A_58 = arith.constant 256 : i32
      %mul3A_59 = arith.muli %add3A_57, %mul3A_58 : i32
      %rem3A_60 = arith.constant 1 : i32
      %rem3A_61 = arith.constant 3 : i32
      %rem3A_62 = arith.remsi %rem3A_60, %rem3A_61 : i32
      %dma_start3A_63 = arith.constant 0 : i32
      %dma_start3A_64 = tpu.memref_slice %arg10[%rem3A_62, %dma_start3A_63] : memref<3x2048xi32, #tpu.memory_space<vmem>> -> memref<1x2048xi32, #tpu.memory_space<vmem>>
      %dma_start3A_65 = tpu.memref_squeeze %dma_start3A_64 : memref<1x2048xi32, #tpu.memory_space<vmem>> -> memref<2048xi32, #tpu.memory_space<vmem>>
      %dma_start3A_66 = tpu.memref_slice %arg5[%mul3A_59] : memref<6553600xi32, #tpu.memory_space<hbm>> -> memref<2048xi32, #tpu.memory_space<hbm>>
      %dma_start3A_67 = arith.constant 0 : i32
      %dma_start3A_68 = tpu.memref_slice %arg10[%rem3A_62, %dma_start3A_67] : memref<3x2048xi32, #tpu.memory_space<vmem>> -> memref<1x2048xi32, #tpu.memory_space<vmem>>
      %dma_start3A_69 = tpu.memref_squeeze %dma_start3A_68 : memref<1x2048xi32, #tpu.memory_space<vmem>> -> memref<2048xi32, #tpu.memory_space<vmem>>
      %dma_start3A_70 = tpu.memref_slice %arg5[%mul3A_59] : memref<6553600xi32, #tpu.memory_space<hbm>> -> memref<2048xi32, #tpu.memory_space<hbm>>
      tpu.enqueue_dma source(%dma_start3A_70 : memref<2048xi32, #tpu.memory_space<hbm>>) target(%dma_start3A_69 : memref<2048xi32, #tpu.memory_space<vmem>>) target_semaphore(%arg15 : memref<!tpu.dma_semaphore, #tpu.memory_space<semaphore_mem>>)
      %add3A_71 = arith.constant 3276800 : i32
      %add3A_72 = arith.addi %add3A_71, %mul3A_59 : i32
      %dma_start3A_73 = arith.constant 0 : i32
      %dma_start3A_74 = tpu.memref_slice %arg11[%rem3A_62, %dma_start3A_73] : memref<3x2048xi32, #tpu.memory_space<vmem>> -> memref<1x2048xi32, #tpu.memory_space<vmem>>
      %dma_start3A_75 = tpu.memref_squeeze %dma_start3A_74 : memref<1x2048xi32, #tpu.memory_space<vmem>> -> memref<2048xi32, #tpu.memory_space<vmem>>
      %dma_start3A_76 = tpu.memref_slice %arg5[%add3A_72] : memref<6553600xi32, #tpu.memory_space<hbm>> -> memref<2048xi32, #tpu.memory_space<hbm>>
      %dma_start3A_77 = arith.constant 0 : i32
      %dma_start3A_78 = tpu.memref_slice %arg11[%rem3A_62, %dma_start3A_77] : memref<3x2048xi32, #tpu.memory_space<vmem>> -> memref<1x2048xi32, #tpu.memory_space<vmem>>
      %dma_start3A_79 = tpu.memref_squeeze %dma_start3A_78 : memref<1x2048xi32, #tpu.memory_space<vmem>> -> memref<2048xi32, #tpu.memory_space<vmem>>
      %dma_start3A_80 = tpu.memref_slice %arg5[%add3A_72] : memref<6553600xi32, #tpu.memory_space<hbm>> -> memref<2048xi32, #tpu.memory_space<hbm>>
      tpu.enqueue_dma source(%dma_start3A_80 : memref<2048xi32, #tpu.memory_space<hbm>>) target(%dma_start3A_79 : memref<2048xi32, #tpu.memory_space<vmem>>) target_semaphore(%arg15 : memref<!tpu.dma_semaphore, #tpu.memory_space<semaphore_mem>>)
      %scan3A = arith.constant 0 : i32
      %scan3A_81 = arith.constant 800 : i32
      %scan3A_82 = arith.addi %scan3A, %scan3A_81 : i32
      %scan3A_83 = arith.constant 1 : i32
      scf.for %scan3A_96 = %scan3A to %scan3A_82 step %scan3A_83  : i32 {
        %mul3A_97 = arith.constant 1 : i32
        %mul3A_98 = arith.muli %scan3A_96, %mul3A_97 : i32
        %add3A_99 = arith.constant 0 : i32
        %add3A_100 = arith.addi %add3A_99, %mul3A_98 : i32
        %div3A = arith.constant 8 : i32
        %div3A_101 = arith.divsi %add3A_100, %div3A : i32
        %rem3A_102 = arith.constant 8 : i32
        %rem3A_103 = arith.remsi %add3A_100, %rem3A_102 : i32
        %eq3A_104 = arith.constant 0 : i32
        %eq3A_105 = arith.cmpi eq, %rem3A_103, %eq3A_104 : i32
        %gt3A = arith.constant 0 : i32
        %gt3A_106 = arith.cmpi sgt, %div3A_101, %gt3A : i32
        %and3A = arith.andi %eq3A_105, %gt3A_106 : i1
        %convert_element_type3A_107 = arith.extui %and3A : i1 to i32
        %cond3A_108 = arith.constant 0 : i32
        %cond3A_109 = arith.cmpi ne, %convert_element_type3A_107, %cond3A_108 : i32
        scf.if %cond3A_109 {
          %rem3A_140 = arith.constant 3 : i32
          %rem3A_141 = arith.remsi %div3A_101, %rem3A_140 : i32
          %dma_wait3A_142 = arith.constant 0 : i32
          %dma_wait3A_143 = tpu.memref_slice %arg10[%rem3A_141, %dma_wait3A_142] : memref<3x2048xi32, #tpu.memory_space<vmem>> -> memref<1x2048xi32, #tpu.memory_space<vmem>>
          %dma_wait3A_144 = tpu.memref_squeeze %dma_wait3A_143 : memref<1x2048xi32, #tpu.memory_space<vmem>> -> memref<2048xi32, #tpu.memory_space<vmem>>
          %dma_wait3A_145 = arith.constant 0 : i32
          %dma_wait3A_146 = tpu.memref_slice %arg5[%dma_wait3A_145] : memref<6553600xi32, #tpu.memory_space<hbm>> -> memref<2048xi32, #tpu.memory_space<hbm>>
          %dma_wait3A_147 = arith.constant 0 : i32
          %dma_wait3A_148 = tpu.memref_slice %arg10[%rem3A_141, %dma_wait3A_147] : memref<3x2048xi32, #tpu.memory_space<vmem>> -> memref<1x2048xi32, #tpu.memory_space<vmem>>
          %dma_wait3A_149 = tpu.memref_squeeze %dma_wait3A_148 : memref<1x2048xi32, #tpu.memory_space<vmem>> -> memref<2048xi32, #tpu.memory_space<vmem>>
          %dma_wait3A_150 = arith.constant 0 : i32
          %dma_wait3A_151 = tpu.memref_slice %arg5[%dma_wait3A_150] : memref<6553600xi32, #tpu.memory_space<hbm>> -> memref<2048xi32, #tpu.memory_space<hbm>>
          tpu.wait_dma2 semaphore(%arg15 : memref<!tpu.dma_semaphore, #tpu.memory_space<semaphore_mem>>) src(%dma_wait3A_151 : memref<2048xi32, #tpu.memory_space<hbm>>) dst(%dma_wait3A_149 : memref<2048xi32, #tpu.memory_space<vmem>>)
          %dma_wait3A_152 = arith.constant 0 : i32
          %dma_wait3A_153 = tpu.memref_slice %arg11[%rem3A_141, %dma_wait3A_152] : memref<3x2048xi32, #tpu.memory_space<vmem>> -> memref<1x2048xi32, #tpu.memory_space<vmem>>
          %dma_wait3A_154 = tpu.memref_squeeze %dma_wait3A_153 : memref<1x2048xi32, #tpu.memory_space<vmem>> -> memref<2048xi32, #tpu.memory_space<vmem>>
          %dma_wait3A_155 = arith.constant 3276800 : i32
          %dma_wait3A_156 = tpu.memref_slice %arg5[%dma_wait3A_155] : memref<6553600xi32, #tpu.memory_space<hbm>> -> memref<2048xi32, #tpu.memory_space<hbm>>
          %dma_wait3A_157 = arith.constant 0 : i32
          %dma_wait3A_158 = tpu.memref_slice %arg11[%rem3A_141, %dma_wait3A_157] : memref<3x2048xi32, #tpu.memory_space<vmem>> -> memref<1x2048xi32, #tpu.memory_space<vmem>>
          %dma_wait3A_159 = tpu.memref_squeeze %dma_wait3A_158 : memref<1x2048xi32, #tpu.memory_space<vmem>> -> memref<2048xi32, #tpu.memory_space<vmem>>
          %dma_wait3A_160 = arith.constant 3276800 : i32
          %dma_wait3A_161 = tpu.memref_slice %arg5[%dma_wait3A_160] : memref<6553600xi32, #tpu.memory_space<hbm>> -> memref<2048xi32, #tpu.memory_space<hbm>>
          tpu.wait_dma2 semaphore(%arg15 : memref<!tpu.dma_semaphore, #tpu.memory_space<semaphore_mem>>) src(%dma_wait3A_161 : memref<2048xi32, #tpu.memory_space<hbm>>) dst(%dma_wait3A_159 : memref<2048xi32, #tpu.memory_space<vmem>>)
          %add3A_162 = arith.constant 1 : i32
          %add3A_163 = arith.addi %div3A_101, %add3A_162 : i32
          %lt3A = arith.constant 100 : i32
          %lt3A_164 = arith.cmpi slt, %add3A_163, %lt3A : i32
          %convert_element_type3A_165 = arith.extui %lt3A_164 : i1 to i32
          %cond3A_166 = arith.constant 0 : i32
          %cond3A_167 = arith.cmpi ne, %convert_element_type3A_165, %cond3A_166 : i32
          scf.if %cond3A_167 {
            %add3A_168 = arith.constant 1 : i32
            %add3A_169 = arith.addi %div3A_101, %add3A_168 : i32
            %mul3A_170 = arith.constant 800 : i32
            %mul3A_171 = arith.muli %arg1, %mul3A_170 : i32
            %mul3A_172 = arith.constant 8 : i32
            %mul3A_173 = arith.muli %add3A_169, %mul3A_172 : i32
            %add3A_174 = arith.addi %mul3A_171, %mul3A_173 : i32
            %mul3A_175 = arith.constant 256 : i32
            %mul3A_176 = arith.muli %add3A_174, %mul3A_175 : i32
            %rem3A_177 = arith.constant 3 : i32
            %rem3A_178 = arith.remsi %add3A_169, %rem3A_177 : i32
            %dma_start3A_179 = arith.constant 0 : i32
            %dma_start3A_180 = tpu.memref_slice %arg10[%rem3A_178, %dma_start3A_179] : memref<3x2048xi32, #tpu.memory_space<vmem>> -> memref<1x2048xi32, #tpu.memory_space<vmem>>
            %dma_start3A_181 = tpu.memref_squeeze %dma_start3A_180 : memref<1x2048xi32, #tpu.memory_space<vmem>> -> memref<2048xi32, #tpu.memory_space<vmem>>
            %dma_start3A_182 = tpu.memref_slice %arg5[%mul3A_176] : memref<6553600xi32, #tpu.memory_space<hbm>> -> memref<2048xi32, #tpu.memory_space<hbm>>
            %dma_start3A_183 = arith.constant 0 : i32
            %dma_start3A_184 = tpu.memref_slice %arg10[%rem3A_178, %dma_start3A_183] : memref<3x2048xi32, #tpu.memory_space<vmem>> -> memref<1x2048xi32, #tpu.memory_space<vmem>>
            %dma_start3A_185 = tpu.memref_squeeze %dma_start3A_184 : memref<1x2048xi32, #tpu.memory_space<vmem>> -> memref<2048xi32, #tpu.memory_space<vmem>>
            %dma_start3A_186 = tpu.memref_slice %arg5[%mul3A_176] : memref<6553600xi32, #tpu.memory_space<hbm>> -> memref<2048xi32, #tpu.memory_space<hbm>>
            tpu.enqueue_dma source(%dma_start3A_186 : memref<2048xi32, #tpu.memory_space<hbm>>) target(%dma_start3A_185 : memref<2048xi32, #tpu.memory_space<vmem>>) target_semaphore(%arg15 : memref<!tpu.dma_semaphore, #tpu.memory_space<semaphore_mem>>)
            %add3A_187 = arith.constant 3276800 : i32
            %add3A_188 = arith.addi %add3A_187, %mul3A_176 : i32
            %dma_start3A_189 = arith.constant 0 : i32
            %dma_start3A_190 = tpu.memref_slice %arg11[%rem3A_178, %dma_start3A_189] : memref<3x2048xi32, #tpu.memory_space<vmem>> -> memref<1x2048xi32, #tpu.memory_space<vmem>>
            %dma_start3A_191 = tpu.memref_squeeze %dma_start3A_190 : memref<1x2048xi32, #tpu.memory_space<vmem>> -> memref<2048xi32, #tpu.memory_space<vmem>>
            %dma_start3A_192 = tpu.memref_slice %arg5[%add3A_188] : memref<6553600xi32, #tpu.memory_space<hbm>> -> memref<2048xi32, #tpu.memory_space<hbm>>
            %dma_start3A_193 = arith.constant 0 : i32
            %dma_start3A_194 = tpu.memref_slice %arg11[%rem3A_178, %dma_start3A_193] : memref<3x2048xi32, #tpu.memory_space<vmem>> -> memref<1x2048xi32, #tpu.memory_space<vmem>>
            %dma_start3A_195 = tpu.memref_squeeze %dma_start3A_194 : memref<1x2048xi32, #tpu.memory_space<vmem>> -> memref<2048xi32, #tpu.memory_space<vmem>>
            %dma_start3A_196 = tpu.memref_slice %arg5[%add3A_188] : memref<6553600xi32, #tpu.memory_space<hbm>> -> memref<2048xi32, #tpu.memory_space<hbm>>
            tpu.enqueue_dma source(%dma_start3A_196 : memref<2048xi32, #tpu.memory_space<hbm>>) target(%dma_start3A_195 : memref<2048xi32, #tpu.memory_space<vmem>>) target_semaphore(%arg15 : memref<!tpu.dma_semaphore, #tpu.memory_space<semaphore_mem>>)
          } else {
          }
        } else {
        }
        %rem3A_110 = arith.constant 4 : i32
        %rem3A_111 = arith.remsi %add3A_100, %rem3A_110 : i32
        %ge3A = arith.constant 4 : i32
        %ge3A_112 = arith.cmpi sge, %add3A_100, %ge3A : i32
        %convert_element_type3A_113 = arith.extui %ge3A_112 : i1 to i32
        %cond3A_114 = arith.constant 0 : i32
        %cond3A_115 = arith.cmpi ne, %convert_element_type3A_113, %cond3A_114 : i32
        scf.if %cond3A_115 {
          %dma_wait3A_140 = arith.constant 0 : i32
          %dma_wait3A_141 = arith.constant 0 : i32
          %dma_wait3A_142 = arith.constant 0 : i32
          %dma_wait3A_143 = tpu.memref_slice %arg12[%rem3A_111, %dma_wait3A_141, %dma_wait3A_142] : memref<4x256x16xf32, #tpu.memory_space<vmem>> -> memref<1x256x16xf32, #tpu.memory_space<vmem>>
          %dma_wait3A_144 = tpu.memref_squeeze %dma_wait3A_143 : memref<1x256x16xf32, #tpu.memory_space<vmem>> -> memref<256x16xf32, #tpu.memory_space<vmem>>
          %dma_wait3A_145 = arith.constant 0 : i32
          %dma_wait3A_146 = tpu.memref_slice %arg11[%dma_wait3A_140, %dma_wait3A_145] : memref<3x2048xi32, #tpu.memory_space<vmem>> -> memref<1x256xi32, #tpu.memory_space<vmem>>
          %dma_wait3A_147 = tpu.memref_squeeze %dma_wait3A_146 : memref<1x256xi32, #tpu.memory_space<vmem>> -> memref<256xi32, #tpu.memory_space<vmem>>
          %dma_wait3A_148 = arith.constant 0 : i32
          %dma_wait3A_149 = arith.constant 0 : i32
          %dma_wait3A_150 = tpu.memref_slice %arg9[%dma_wait3A_148, %dma_wait3A_149] : memref<100352x16xf32, #tpu.memory_space<vmem_shared>> -> memref<100352x16xf32, #tpu.memory_space<vmem_shared>>
          %dma_wait3A_151 = tpu.memref_slice %arg14[%rem3A_111] : memref<4x!tpu.dma_semaphore, #tpu.memory_space<semaphore_mem>> -> memref<1x!tpu.dma_semaphore, #tpu.memory_space<semaphore_mem>>
          %dma_wait3A_152 = tpu.memref_squeeze %dma_wait3A_151 : memref<1x!tpu.dma_semaphore, #tpu.memory_space<semaphore_mem>> -> memref<!tpu.dma_semaphore, #tpu.memory_space<semaphore_mem>>
          tpu.wait_indirect_dma semaphore(%dma_wait3A_152 : memref<!tpu.dma_semaphore, #tpu.memory_space<semaphore_mem>>) src(%dma_wait3A_144 : memref<256x16xf32, #tpu.memory_space<vmem>>) dst(%dma_wait3A_150 : memref<100352x16xf32, #tpu.memory_space<vmem_shared>>)
        } else {
        }
        %div3A_116 = arith.constant 8 : i32
        %div3A_117 = arith.divsi %add3A_100, %div3A_116 : i32
        %rem3A_118 = arith.constant 3 : i32
        %rem3A_119 = arith.remsi %div3A_117, %rem3A_118 : i32
        %rem3A_120 = arith.constant 8 : i32
        %rem3A_121 = arith.remsi %add3A_100, %rem3A_120 : i32
        %mul3A_122 = arith.constant 256 : i32
        %mul3A_123 = arith.muli %rem3A_121, %mul3A_122 : i32
        %dma_start3A_124 = arith.constant 0 : i32
        %dma_start3A_125 = arith.constant 0 : i32
        %dma_start3A_126 = tpu.memref_slice %arg12[%rem3A_111, %dma_start3A_124, %dma_start3A_125] : memref<4x256x16xf32, #tpu.memory_space<vmem>> -> memref<1x256x16xf32, #tpu.memory_space<vmem>>
        %dma_start3A_127 = tpu.memref_squeeze %dma_start3A_126 : memref<1x256x16xf32, #tpu.memory_space<vmem>> -> memref<256x16xf32, #tpu.memory_space<vmem>>
        %dma_start3A_128 = tpu.memref_slice %arg10[%rem3A_119, %mul3A_123] : memref<3x2048xi32, #tpu.memory_space<vmem>> -> memref<1x256xi32, #tpu.memory_space<vmem>>
        %dma_start3A_129 = tpu.memref_squeeze %dma_start3A_128 : memref<1x256xi32, #tpu.memory_space<vmem>> -> memref<256xi32, #tpu.memory_space<vmem>>
        %dma_start3A_130 = arith.constant 0 : i32
        %dma_start3A_131 = arith.constant 0 : i32
        %dma_start3A_132 = tpu.memref_slice %arg3[%dma_start3A_130, %dma_start3A_131] : memref<100352x16xf32, #tpu.memory_space<hbm>> -> memref<100352x16xf32, #tpu.memory_space<hbm>>
        %dma_start3A_133 = tpu.memref_slice %arg13[%rem3A_111] : memref<4x!tpu.dma_semaphore, #tpu.memory_space<semaphore_mem>> -> memref<1x!tpu.dma_semaphore, #tpu.memory_space<semaphore_mem>>
        %dma_start3A_134 = tpu.memref_squeeze %dma_start3A_133 : memref<1x!tpu.dma_semaphore, #tpu.memory_space<semaphore_mem>> -> memref<!tpu.dma_semaphore, #tpu.memory_space<semaphore_mem>>
        tpu.enqueue_indirect_dma source(%dma_start3A_132 : memref<100352x16xf32, #tpu.memory_space<hbm>>) target(%dma_start3A_127 : memref<256x16xf32, #tpu.memory_space<vmem>>) offsets(%dma_start3A_129 : memref<256xi32, #tpu.memory_space<vmem>>) semaphore(%dma_start3A_134 : memref<!tpu.dma_semaphore, #tpu.memory_space<semaphore_mem>>)
        %ge3A_135 = arith.constant 2 : i32
        %ge3A_136 = arith.cmpi sge, %add3A_100, %ge3A_135 : i32
        %convert_element_type3A_137 = arith.extui %ge3A_136 : i1 to i32
        %cond3A_138 = arith.constant 0 : i32
        %cond3A_139 = arith.cmpi ne, %convert_element_type3A_137, %cond3A_138 : i32
        scf.if %cond3A_139 {
          %sub3A = arith.constant 2 : i32
          %sub3A_140 = arith.subi %add3A_100, %sub3A : i32
          %rem3A_141 = arith.constant 4 : i32
          %rem3A_142 = arith.remsi %sub3A_140, %rem3A_141 : i32
          %dma_wait3A_143 = arith.constant 0 : i32
          %dma_wait3A_144 = arith.constant 0 : i32
          %dma_wait3A_145 = arith.constant 0 : i32
          %dma_wait3A_146 = tpu.memref_slice %arg12[%rem3A_142, %dma_wait3A_144, %dma_wait3A_145] : memref<4x256x16xf32, #tpu.memory_space<vmem>> -> memref<1x256x16xf32, #tpu.memory_space<vmem>>
          %dma_wait3A_147 = tpu.memref_squeeze %dma_wait3A_146 : memref<1x256x16xf32, #tpu.memory_space<vmem>> -> memref<256x16xf32, #tpu.memory_space<vmem>>
          %dma_wait3A_148 = arith.constant 0 : i32
          %dma_wait3A_149 = tpu.memref_slice %arg10[%dma_wait3A_143, %dma_wait3A_148] : memref<3x2048xi32, #tpu.memory_space<vmem>> -> memref<1x256xi32, #tpu.memory_space<vmem>>
          %dma_wait3A_150 = tpu.memref_squeeze %dma_wait3A_149 : memref<1x256xi32, #tpu.memory_space<vmem>> -> memref<256xi32, #tpu.memory_space<vmem>>
          %dma_wait3A_151 = arith.constant 0 : i32
          %dma_wait3A_152 = arith.constant 0 : i32
          %dma_wait3A_153 = tpu.memref_slice %arg3[%dma_wait3A_151, %dma_wait3A_152] : memref<100352x16xf32, #tpu.memory_space<hbm>> -> memref<100352x16xf32, #tpu.memory_space<hbm>>
          %dma_wait3A_154 = tpu.memref_slice %arg13[%rem3A_142] : memref<4x!tpu.dma_semaphore, #tpu.memory_space<semaphore_mem>> -> memref<1x!tpu.dma_semaphore, #tpu.memory_space<semaphore_mem>>
          %dma_wait3A_155 = tpu.memref_squeeze %dma_wait3A_154 : memref<1x!tpu.dma_semaphore, #tpu.memory_space<semaphore_mem>> -> memref<!tpu.dma_semaphore, #tpu.memory_space<semaphore_mem>>
          tpu.wait_indirect_dma semaphore(%dma_wait3A_155 : memref<!tpu.dma_semaphore, #tpu.memory_space<semaphore_mem>>) src(%dma_wait3A_153 : memref<100352x16xf32, #tpu.memory_space<hbm>>) dst(%dma_wait3A_147 : memref<256x16xf32, #tpu.memory_space<vmem>>)
          %sub3A_156 = arith.constant 2 : i32
          %sub3A_157 = arith.subi %add3A_100, %sub3A_156 : i32
          %div3A_158 = arith.constant 8 : i32
          %div3A_159 = arith.divsi %sub3A_157, %div3A_158 : i32
          %rem3A_160 = arith.constant 3 : i32
          %rem3A_161 = arith.remsi %div3A_159, %rem3A_160 : i32
          %rem3A_162 = arith.constant 8 : i32
          %rem3A_163 = arith.remsi %sub3A_157, %rem3A_162 : i32
          %mul3A_164 = arith.constant 256 : i32
          %mul3A_165 = arith.muli %rem3A_163, %mul3A_164 : i32
          %dma_start3A_166 = arith.constant 0 : i32
          %dma_start3A_167 = arith.constant 0 : i32
          %dma_start3A_168 = tpu.memref_slice %arg12[%rem3A_142, %dma_start3A_166, %dma_start3A_167] : memref<4x256x16xf32, #tpu.memory_space<vmem>> -> memref<1x256x16xf32, #tpu.memory_space<vmem>>
          %dma_start3A_169 = tpu.memref_squeeze %dma_start3A_168 : memref<1x256x16xf32, #tpu.memory_space<vmem>> -> memref<256x16xf32, #tpu.memory_space<vmem>>
          %dma_start3A_170 = tpu.memref_slice %arg11[%rem3A_161, %mul3A_165] : memref<3x2048xi32, #tpu.memory_space<vmem>> -> memref<1x256xi32, #tpu.memory_space<vmem>>
          %dma_start3A_171 = tpu.memref_squeeze %dma_start3A_170 : memref<1x256xi32, #tpu.memory_space<vmem>> -> memref<256xi32, #tpu.memory_space<vmem>>
          %dma_start3A_172 = arith.constant 0 : i32
          %dma_start3A_173 = arith.constant 0 : i32
          %dma_start3A_174 = tpu.memref_slice %arg9[%dma_start3A_172, %dma_start3A_173] : memref<100352x16xf32, #tpu.memory_space<vmem_shared>> -> memref<100352x16xf32, #tpu.memory_space<vmem_shared>>
          %dma_start3A_175 = tpu.memref_slice %arg14[%rem3A_142] : memref<4x!tpu.dma_semaphore, #tpu.memory_space<semaphore_mem>> -> memref<1x!tpu.dma_semaphore, #tpu.memory_space<semaphore_mem>>
          %dma_start3A_176 = tpu.memref_squeeze %dma_start3A_175 : memref<1x!tpu.dma_semaphore, #tpu.memory_space<semaphore_mem>> -> memref<!tpu.dma_semaphore, #tpu.memory_space<semaphore_mem>>
          tpu.enqueue_indirect_dma source(%dma_start3A_169 : memref<256x16xf32, #tpu.memory_space<vmem>>) target(%dma_start3A_174 : memref<100352x16xf32, #tpu.memory_space<vmem_shared>>) offsets(%dma_start3A_171 : memref<256xi32, #tpu.memory_space<vmem>>) semaphore(%dma_start3A_176 : memref<!tpu.dma_semaphore, #tpu.memory_space<semaphore_mem>>) {add = true}
        } else {
        }
      }
      %scan3A_84 = arith.constant 800 : i32
      %scan3A_85 = arith.constant 0 : i32
      %scan3A_86 = arith.constant 2 : i32
      %scan3A_87 = arith.addi %scan3A_85, %scan3A_86 : i32
      %scan3A_88 = arith.constant 1 : i32
      scf.for %scan3A_96 = %scan3A_85 to %scan3A_87 step %scan3A_88  : i32 {
        %mul3A_97 = arith.constant 1 : i32
        %mul3A_98 = arith.muli %scan3A_96, %mul3A_97 : i32
        %add3A_99 = arith.constant 800 : i32
        %add3A_100 = arith.addi %add3A_99, %mul3A_98 : i32
        %sub3A = arith.constant 2 : i32
        %sub3A_101 = arith.subi %add3A_100, %sub3A : i32
        %rem3A_102 = arith.constant 4 : i32
        %rem3A_103 = arith.remsi %sub3A_101, %rem3A_102 : i32
        %dma_wait3A_104 = arith.constant 0 : i32
        %dma_wait3A_105 = arith.constant 0 : i32
        %dma_wait3A_106 = arith.constant 0 : i32
        %dma_wait3A_107 = tpu.memref_slice %arg12[%rem3A_103, %dma_wait3A_105, %dma_wait3A_106] : memref<4x256x16xf32, #tpu.memory_space<vmem>> -> memref<1x256x16xf32, #tpu.memory_space<vmem>>
        %dma_wait3A_108 = tpu.memref_squeeze %dma_wait3A_107 : memref<1x256x16xf32, #tpu.memory_space<vmem>> -> memref<256x16xf32, #tpu.memory_space<vmem>>
        %dma_wait3A_109 = arith.constant 0 : i32
        %dma_wait3A_110 = tpu.memref_slice %arg10[%dma_wait3A_104, %dma_wait3A_109] : memref<3x2048xi32, #tpu.memory_space<vmem>> -> memref<1x256xi32, #tpu.memory_space<vmem>>
        %dma_wait3A_111 = tpu.memref_squeeze %dma_wait3A_110 : memref<1x256xi32, #tpu.memory_space<vmem>> -> memref<256xi32, #tpu.memory_space<vmem>>
        %dma_wait3A_112 = arith.constant 0 : i32
        %dma_wait3A_113 = arith.constant 0 : i32
        %dma_wait3A_114 = tpu.memref_slice %arg3[%dma_wait3A_112, %dma_wait3A_113] : memref<100352x16xf32, #tpu.memory_space<hbm>> -> memref<100352x16xf32, #tpu.memory_space<hbm>>
        %dma_wait3A_115 = tpu.memref_slice %arg13[%rem3A_103] : memref<4x!tpu.dma_semaphore, #tpu.memory_space<semaphore_mem>> -> memref<1x!tpu.dma_semaphore, #tpu.memory_space<semaphore_mem>>
        %dma_wait3A_116 = tpu.memref_squeeze %dma_wait3A_115 : memref<1x!tpu.dma_semaphore, #tpu.memory_space<semaphore_mem>> -> memref<!tpu.dma_semaphore, #tpu.memory_space<semaphore_mem>>
        tpu.wait_indirect_dma semaphore(%dma_wait3A_116 : memref<!tpu.dma_semaphore, #tpu.memory_space<semaphore_mem>>) src(%dma_wait3A_114 : memref<100352x16xf32, #tpu.memory_space<hbm>>) dst(%dma_wait3A_108 : memref<256x16xf32, #tpu.memory_space<vmem>>)
        %sub3A_117 = arith.constant 2 : i32
        %sub3A_118 = arith.subi %add3A_100, %sub3A_117 : i32
        %div3A = arith.constant 8 : i32
        %div3A_119 = arith.divsi %sub3A_118, %div3A : i32
        %rem3A_120 = arith.constant 3 : i32
        %rem3A_121 = arith.remsi %div3A_119, %rem3A_120 : i32
        %rem3A_122 = arith.constant 8 : i32
        %rem3A_123 = arith.remsi %sub3A_118, %rem3A_122 : i32
        %mul3A_124 = arith.constant 256 : i32
        %mul3A_125 = arith.muli %rem3A_123, %mul3A_124 : i32
        %dma_start3A_126 = arith.constant 0 : i32
        %dma_start3A_127 = arith.constant 0 : i32
        %dma_start3A_128 = tpu.memref_slice %arg12[%rem3A_103, %dma_start3A_126, %dma_start3A_127] : memref<4x256x16xf32, #tpu.memory_space<vmem>> -> memref<1x256x16xf32, #tpu.memory_space<vmem>>
        %dma_start3A_129 = tpu.memref_squeeze %dma_start3A_128 : memref<1x256x16xf32, #tpu.memory_space<vmem>> -> memref<256x16xf32, #tpu.memory_space<vmem>>
        %dma_start3A_130 = tpu.memref_slice %arg11[%rem3A_121, %mul3A_125] : memref<3x2048xi32, #tpu.memory_space<vmem>> -> memref<1x256xi32, #tpu.memory_space<vmem>>
        %dma_start3A_131 = tpu.memref_squeeze %dma_start3A_130 : memref<1x256xi32, #tpu.memory_space<vmem>> -> memref<256xi32, #tpu.memory_space<vmem>>
        %dma_start3A_132 = arith.constant 0 : i32
        %dma_start3A_133 = arith.constant 0 : i32
        %dma_start3A_134 = tpu.memref_slice %arg9[%dma_start3A_132, %dma_start3A_133] : memref<100352x16xf32, #tpu.memory_space<vmem_shared>> -> memref<100352x16xf32, #tpu.memory_space<vmem_shared>>
        %dma_start3A_135 = tpu.memref_slice %arg14[%rem3A_103] : memref<4x!tpu.dma_semaphore, #tpu.memory_space<semaphore_mem>> -> memref<1x!tpu.dma_semaphore, #tpu.memory_space<semaphore_mem>>
        %dma_start3A_136 = tpu.memref_squeeze %dma_start3A_135 : memref<1x!tpu.dma_semaphore, #tpu.memory_space<semaphore_mem>> -> memref<!tpu.dma_semaphore, #tpu.memory_space<semaphore_mem>>
        tpu.enqueue_indirect_dma source(%dma_start3A_129 : memref<256x16xf32, #tpu.memory_space<vmem>>) target(%dma_start3A_134 : memref<100352x16xf32, #tpu.memory_space<vmem_shared>>) offsets(%dma_start3A_131 : memref<256xi32, #tpu.memory_space<vmem>>) semaphore(%dma_start3A_136 : memref<!tpu.dma_semaphore, #tpu.memory_space<semaphore_mem>>) {add = true}
      }
      %scan3A_89 = arith.constant 2 : i32
      %scan3A_90 = arith.constant 0 : i32
      %scan3A_91 = arith.constant 4 : i32
      %scan3A_92 = arith.addi %scan3A_90, %scan3A_91 : i32
      %scan3A_93 = arith.constant 1 : i32
      scf.for %scan3A_96 = %scan3A_90 to %scan3A_92 step %scan3A_93  : i32 {
        %mul3A_97 = arith.constant 1 : i32
        %mul3A_98 = arith.muli %scan3A_96, %mul3A_97 : i32
        %add3A_99 = arith.constant 0 : i32
        %add3A_100 = arith.addi %add3A_99, %mul3A_98 : i32
        %dma_wait3A_101 = arith.constant 0 : i32
        %dma_wait3A_102 = arith.constant 0 : i32
        %dma_wait3A_103 = arith.constant 0 : i32
        %dma_wait3A_104 = tpu.memref_slice %arg12[%add3A_100, %dma_wait3A_102, %dma_wait3A_103] : memref<4x256x16xf32, #tpu.memory_space<vmem>> -> memref<1x256x16xf32, #tpu.memory_space<vmem>>
        %dma_wait3A_105 = tpu.memref_squeeze %dma_wait3A_104 : memref<1x256x16xf32, #tpu.memory_space<vmem>> -> memref<256x16xf32, #tpu.memory_space<vmem>>
        %dma_wait3A_106 = arith.constant 0 : i32
        %dma_wait3A_107 = tpu.memref_slice %arg11[%dma_wait3A_101, %dma_wait3A_106] : memref<3x2048xi32, #tpu.memory_space<vmem>> -> memref<1x256xi32, #tpu.memory_space<vmem>>
        %dma_wait3A_108 = tpu.memref_squeeze %dma_wait3A_107 : memref<1x256xi32, #tpu.memory_space<vmem>> -> memref<256xi32, #tpu.memory_space<vmem>>
        %dma_wait3A_109 = arith.constant 0 : i32
        %dma_wait3A_110 = arith.constant 0 : i32
        %dma_wait3A_111 = tpu.memref_slice %arg9[%dma_wait3A_109, %dma_wait3A_110] : memref<100352x16xf32, #tpu.memory_space<vmem_shared>> -> memref<100352x16xf32, #tpu.memory_space<vmem_shared>>
        %dma_wait3A_112 = tpu.memref_slice %arg14[%add3A_100] : memref<4x!tpu.dma_semaphore, #tpu.memory_space<semaphore_mem>> -> memref<1x!tpu.dma_semaphore, #tpu.memory_space<semaphore_mem>>
        %dma_wait3A_113 = tpu.memref_squeeze %dma_wait3A_112 : memref<1x!tpu.dma_semaphore, #tpu.memory_space<semaphore_mem>> -> memref<!tpu.dma_semaphore, #tpu.memory_space<semaphore_mem>>
        tpu.wait_indirect_dma semaphore(%dma_wait3A_113 : memref<!tpu.dma_semaphore, #tpu.memory_space<semaphore_mem>>) src(%dma_wait3A_105 : memref<256x16xf32, #tpu.memory_space<vmem>>) dst(%dma_wait3A_111 : memref<100352x16xf32, #tpu.memory_space<vmem_shared>>)
      }
      %scan3A_94 = arith.constant 4 : i32
      %barrier3A_95 = arith.constant 0 : index
      tpu.barrier barrier_id(%barrier3A_95)
      "tpu.region"() ({
        %run_scoped3A = tpu.sem_alloc : memref<!tpu.dma_semaphore, #tpu.memory_space<semaphore_mem>>
        %dma_start3A_96 = arith.constant 0 : i32
        %dma_start3A_97 = tpu.memref_slice %arg8[%mul3A_0, %dma_start3A_96] : memref<100352x16xf32, #tpu.memory_space<hbm>> -> memref<6272x16xf32, #tpu.memory_space<hbm>>
        %dma_start3A_98 = arith.constant 0 : i32
        %dma_start3A_99 = tpu.memref_slice %arg9[%mul3A_0, %dma_start3A_98] : memref<100352x16xf32, #tpu.memory_space<vmem_shared>> -> memref<6272x16xf32, #tpu.memory_space<vmem_shared>>
        tpu.enqueue_dma source(%dma_start3A_99 : memref<6272x16xf32, #tpu.memory_space<vmem_shared>>) target(%dma_start3A_97 : memref<6272x16xf32, #tpu.memory_space<hbm>>) target_semaphore(%run_scoped3A : memref<!tpu.dma_semaphore, #tpu.memory_space<semaphore_mem>>)
        %dma_wait3A_100 = arith.constant 0 : i32
        %dma_wait3A_101 = tpu.memref_slice %arg8[%mul3A_0, %dma_wait3A_100] : memref<100352x16xf32, #tpu.memory_space<hbm>> -> memref<6272x16xf32, #tpu.memory_space<hbm>>
        %dma_wait3A_102 = arith.constant 0 : i32
        %dma_wait3A_103 = tpu.memref_slice %arg9[%mul3A_0, %dma_wait3A_102] : memref<100352x16xf32, #tpu.memory_space<vmem_shared>> -> memref<6272x16xf32, #tpu.memory_space<vmem_shared>>
        tpu.wait_dma2 semaphore(%run_scoped3A : memref<!tpu.dma_semaphore, #tpu.memory_space<semaphore_mem>>) src(%dma_wait3A_103 : memref<6272x16xf32, #tpu.memory_space<vmem_shared>>) dst(%dma_wait3A_101 : memref<6272x16xf32, #tpu.memory_space<hbm>>)
        tpu.yield
      }) : () -> ()
    } else {
    }
    return
  }
}

#map = affine_map<(d0, d1) -> (0, 0, 0)>
#map1 = affine_map<(d0, d1) -> (0)>
#map2 = affine_map<(d0, d1) -> (0, 0)>
module attributes {stable_mosaic.version = 14 : i64} {
  func.func @sc_emb_deg(%arg0: i32, %arg1: i32, %arg2: memref<16x49x128xi32, #tpu.memory_space<hbm>>, %arg3: memref<16x49x128xi32, #tpu.memory_space<hbm>>, %arg4: memref<6553600xi32, #tpu.memory_space<hbm>>, %arg5: memref<6553600xi32, #tpu.memory_space<hbm>>, %arg6: memref<1032x16xf32, #tpu.memory_space<hbm>>, %arg7: memref<100352x16xbf16, #tpu.memory_space<hbm>>, %arg8: memref<256x16xbf16, #tpu.memory_space<hbm>>, %arg9: memref<100352x16xf32, #tpu.memory_space<hbm>>, %arg10: memref<100352x16xf32, #tpu.memory_space<hbm>>, %arg11: memref<100352x16xbf16, #tpu.memory_space<hbm>>, %arg12: memref<100352x16xbf16, #tpu.memory_space<hbm>>, %arg13: memref<100352x16xbf16, #tpu.memory_space<vmem_shared>>, %arg14: memref<49x128xi32, #tpu.memory_space<vmem>>, %arg15: memref<3x2048xi32, #tpu.memory_space<vmem>>, %arg16: memref<2x128x16xf32, #tpu.memory_space<vmem>>, %arg17: memref<256x16xbf16, #tpu.memory_space<vmem>>, %arg18: memref<2x!tpu.dma_semaphore, #tpu.memory_space<semaphore_mem>>, %arg19: memref<!tpu.dma_semaphore, #tpu.memory_space<semaphore_mem>>, %arg20: memref<!tpu.dma_semaphore, #tpu.memory_space<semaphore_mem>>) attributes {dimension_semantics = [#tpu.dimension_semantics<core_parallel>, #tpu.dimension_semantics<subcore_parallel>], iteration_bounds = array<i64: 2, 16>, scalar_prefetch = 0 : i64, scratch_operands = 8 : i64, tpu.core_type = #tpu.core_type<sc_vector_subcore>, window_params = [{transform_indices = #map}, {transform_indices = #map}, {transform_indices = #map1}, {transform_indices = #map1}, {transform_indices = #map2}, {transform_indices = #map2}, {transform_indices = #map2}, {transform_indices = #map2}, {transform_indices = #map2}, {transform_indices = #map2}, {transform_indices = #map2}]} {
    %mul3A = arith.constant 6272 : i32
    %mul3A_0 = arith.muli %arg1, %mul3A : i32
    %eq3A = arith.constant 0 : i32
    %eq3A_1 = arith.cmpi eq, %arg0, %eq3A : i32
    %convert_element_type3A = arith.extui %eq3A_1 : i1 to i32
    %cond3A = arith.constant 0 : i32
    %cond3A_2 = arith.cmpi ne, %convert_element_type3A, %cond3A : i32
    scf.if %cond3A_2 {
      "tpu.region"() ({
        %run_scoped3A = tpu.sem_alloc : memref<!tpu.dma_semaphore, #tpu.memory_space<semaphore_mem>>
        %dma_start3A_85 = arith.constant 0 : i32
        %dma_start3A_86 = tpu.memref_slice %arg13[%mul3A_0, %dma_start3A_85] : memref<100352x16xbf16, #tpu.memory_space<vmem_shared>> -> memref<6272x16xbf16, #tpu.memory_space<vmem_shared>>
        %dma_start3A_87 = arith.constant 0 : i32
        %dma_start3A_88 = tpu.memref_slice %arg7[%mul3A_0, %dma_start3A_87] : memref<100352x16xbf16, #tpu.memory_space<hbm>> -> memref<6272x16xbf16, #tpu.memory_space<hbm>>
        tpu.enqueue_dma source(%dma_start3A_88 : memref<6272x16xbf16, #tpu.memory_space<hbm>>) target(%dma_start3A_86 : memref<6272x16xbf16, #tpu.memory_space<vmem_shared>>) target_semaphore(%run_scoped3A : memref<!tpu.dma_semaphore, #tpu.memory_space<semaphore_mem>>)
        %dma_wait3A_89 = arith.constant 0 : i32
        %dma_wait3A_90 = tpu.memref_slice %arg13[%mul3A_0, %dma_wait3A_89] : memref<100352x16xbf16, #tpu.memory_space<vmem_shared>> -> memref<6272x16xbf16, #tpu.memory_space<vmem_shared>>
        %dma_wait3A_91 = arith.constant 0 : i32
        %dma_wait3A_92 = tpu.memref_slice %arg7[%mul3A_0, %dma_wait3A_91] : memref<100352x16xbf16, #tpu.memory_space<hbm>> -> memref<6272x16xbf16, #tpu.memory_space<hbm>>
        tpu.wait_dma2 semaphore(%run_scoped3A : memref<!tpu.dma_semaphore, #tpu.memory_space<semaphore_mem>>) src(%dma_wait3A_92 : memref<6272x16xbf16, #tpu.memory_space<hbm>>) dst(%dma_wait3A_90 : memref<6272x16xbf16, #tpu.memory_space<vmem_shared>>)
        tpu.yield
      }) : () -> ()
      "tpu.region"() ({
        %run_scoped3A = tpu.sem_alloc : memref<!tpu.dma_semaphore, #tpu.memory_space<semaphore_mem>>
        tpu.enqueue_dma source(%arg8 : memref<256x16xbf16, #tpu.memory_space<hbm>>) target(%arg17 : memref<256x16xbf16, #tpu.memory_space<vmem>>) target_semaphore(%run_scoped3A : memref<!tpu.dma_semaphore, #tpu.memory_space<semaphore_mem>>)
        tpu.wait_dma2 semaphore(%run_scoped3A : memref<!tpu.dma_semaphore, #tpu.memory_space<semaphore_mem>>) src(%arg8 : memref<256x16xbf16, #tpu.memory_space<hbm>>) dst(%arg17 : memref<256x16xbf16, #tpu.memory_space<vmem>>)
        tpu.yield
      }) : () -> ()
      "tpu.region"() ({
        %run_scoped3A = tpu.sem_alloc : memref<!tpu.dma_semaphore, #tpu.memory_space<semaphore_mem>>
        %dma_start3A_85 = arith.constant 0 : i32
        %dma_start3A_86 = arith.constant 0 : i32
        %dma_start3A_87 = tpu.memref_slice %arg2[%arg1, %dma_start3A_85, %dma_start3A_86] : memref<16x49x128xi32, #tpu.memory_space<hbm>> -> memref<1x49x128xi32, #tpu.memory_space<hbm>>
        %dma_start3A_88 = tpu.memref_squeeze %dma_start3A_87 : memref<1x49x128xi32, #tpu.memory_space<hbm>> -> memref<49x128xi32, #tpu.memory_space<hbm>>
        %dma_start3A_89 = arith.constant 0 : i32
        %dma_start3A_90 = arith.constant 0 : i32
        %dma_start3A_91 = tpu.memref_slice %arg2[%arg1, %dma_start3A_89, %dma_start3A_90] : memref<16x49x128xi32, #tpu.memory_space<hbm>> -> memref<1x49x128xi32, #tpu.memory_space<hbm>>
        %dma_start3A_92 = tpu.memref_squeeze %dma_start3A_91 : memref<1x49x128xi32, #tpu.memory_space<hbm>> -> memref<49x128xi32, #tpu.memory_space<hbm>>
        tpu.enqueue_dma source(%dma_start3A_92 : memref<49x128xi32, #tpu.memory_space<hbm>>) target(%arg14 : memref<49x128xi32, #tpu.memory_space<vmem>>) target_semaphore(%run_scoped3A : memref<!tpu.dma_semaphore, #tpu.memory_space<semaphore_mem>>)
        %dma_wait3A_93 = arith.constant 0 : i32
        %dma_wait3A_94 = arith.constant 0 : i32
        %dma_wait3A_95 = tpu.memref_slice %arg2[%arg1, %dma_wait3A_93, %dma_wait3A_94] : memref<16x49x128xi32, #tpu.memory_space<hbm>> -> memref<1x49x128xi32, #tpu.memory_space<hbm>>
        %dma_wait3A_96 = tpu.memref_squeeze %dma_wait3A_95 : memref<1x49x128xi32, #tpu.memory_space<hbm>> -> memref<49x128xi32, #tpu.memory_space<hbm>>
        %dma_wait3A_97 = arith.constant 0 : i32
        %dma_wait3A_98 = arith.constant 0 : i32
        %dma_wait3A_99 = tpu.memref_slice %arg2[%arg1, %dma_wait3A_97, %dma_wait3A_98] : memref<16x49x128xi32, #tpu.memory_space<hbm>> -> memref<1x49x128xi32, #tpu.memory_space<hbm>>
        %dma_wait3A_100 = tpu.memref_squeeze %dma_wait3A_99 : memref<1x49x128xi32, #tpu.memory_space<hbm>> -> memref<49x128xi32, #tpu.memory_space<hbm>>
        tpu.wait_dma2 semaphore(%run_scoped3A : memref<!tpu.dma_semaphore, #tpu.memory_space<semaphore_mem>>) src(%dma_wait3A_100 : memref<49x128xi32, #tpu.memory_space<hbm>>) dst(%arg14 : memref<49x128xi32, #tpu.memory_space<vmem>>)
        tpu.yield
      }) : () -> ()
      %dma_start3A = arith.constant 0 : i32
      %dma_start3A_8 = arith.constant 0 : i32
      %dma_start3A_9 = arith.constant 0 : i32
      %dma_start3A_10 = arith.constant 0 : i32
      %dma_start3A_11 = arith.constant 0 : i32
      %dma_start3A_12 = tpu.memref_slice %arg16[%dma_start3A_8, %dma_start3A_10, %dma_start3A_11] : memref<2x128x16xf32, #tpu.memory_space<vmem>> -> memref<1x128x16xf32, #tpu.memory_space<vmem>>
      %dma_start3A_13 = tpu.memref_squeeze %dma_start3A_12 : memref<1x128x16xf32, #tpu.memory_space<vmem>> -> memref<128x16xf32, #tpu.memory_space<vmem>>
      %dma_start3A_14 = arith.constant 0 : i32
      %dma_start3A_15 = tpu.memref_slice %arg14[%dma_start3A, %dma_start3A_14] : memref<49x128xi32, #tpu.memory_space<vmem>> -> memref<1x128xi32, #tpu.memory_space<vmem>>
      %dma_start3A_16 = tpu.memref_squeeze %dma_start3A_15 : memref<1x128xi32, #tpu.memory_space<vmem>> -> memref<128xi32, #tpu.memory_space<vmem>>
      %dma_start3A_17 = arith.constant 0 : i32
      %dma_start3A_18 = arith.constant 0 : i32
      %dma_start3A_19 = tpu.memref_slice %arg6[%dma_start3A_17, %dma_start3A_18] : memref<1032x16xf32, #tpu.memory_space<hbm>> -> memref<1032x16xf32, #tpu.memory_space<hbm>>
      %dma_start3A_20 = tpu.memref_slice %arg18[%dma_start3A_9] : memref<2x!tpu.dma_semaphore, #tpu.memory_space<semaphore_mem>> -> memref<1x!tpu.dma_semaphore, #tpu.memory_space<semaphore_mem>>
      %dma_start3A_21 = tpu.memref_squeeze %dma_start3A_20 : memref<1x!tpu.dma_semaphore, #tpu.memory_space<semaphore_mem>> -> memref<!tpu.dma_semaphore, #tpu.memory_space<semaphore_mem>>
      tpu.enqueue_indirect_dma source(%dma_start3A_19 : memref<1032x16xf32, #tpu.memory_space<hbm>>) target(%dma_start3A_13 : memref<128x16xf32, #tpu.memory_space<vmem>>) offsets(%dma_start3A_16 : memref<128xi32, #tpu.memory_space<vmem>>) semaphore(%dma_start3A_21 : memref<!tpu.dma_semaphore, #tpu.memory_space<semaphore_mem>>)
      %scan3A = arith.constant 0 : i32
      %scan3A_22 = arith.constant 49 : i32
      %scan3A_23 = arith.addi %scan3A, %scan3A_22 : i32
      %scan3A_24 = arith.constant 1 : i32
      scf.for %scan3A_85 = %scan3A to %scan3A_23 step %scan3A_24  : i32 {
        %mul3A_86 = arith.constant 1 : i32
        %mul3A_87 = arith.muli %scan3A_85, %mul3A_86 : i32
        %add3A_88 = arith.constant 0 : i32
        %add3A_89 = arith.addi %add3A_88, %mul3A_87 : i32
        %rem3A_90 = arith.constant 2 : i32
        %rem3A_91 = arith.remsi %add3A_89, %rem3A_90 : i32
        %add3A_92 = arith.constant 1 : i32
        %add3A_93 = arith.addi %add3A_89, %add3A_92 : i32
        %lt3A = arith.constant 49 : i32
        %lt3A_94 = arith.cmpi slt, %add3A_93, %lt3A : i32
        %convert_element_type3A_95 = arith.extui %lt3A_94 : i1 to i32
        %cond3A_96 = arith.constant 0 : i32
        %cond3A_97 = arith.cmpi ne, %convert_element_type3A_95, %cond3A_96 : i32
        scf.if %cond3A_97 {
          %add3A_116 = arith.constant 1 : i32
          %add3A_117 = arith.addi %add3A_89, %add3A_116 : i32
          %sub3A = arith.constant 1 : i32
          %sub3A_118 = arith.subi %sub3A, %rem3A_91 : i32
          %dma_start3A_119 = arith.constant 0 : i32
          %dma_start3A_120 = arith.constant 0 : i32
          %dma_start3A_121 = tpu.memref_slice %arg16[%sub3A_118, %dma_start3A_119, %dma_start3A_120] : memref<2x128x16xf32, #tpu.memory_space<vmem>> -> memref<1x128x16xf32, #tpu.memory_space<vmem>>
          %dma_start3A_122 = tpu.memref_squeeze %dma_start3A_121 : memref<1x128x16xf32, #tpu.memory_space<vmem>> -> memref<128x16xf32, #tpu.memory_space<vmem>>
          %dma_start3A_123 = arith.constant 0 : i32
          %dma_start3A_124 = tpu.memref_slice %arg14[%add3A_117, %dma_start3A_123] : memref<49x128xi32, #tpu.memory_space<vmem>> -> memref<1x128xi32, #tpu.memory_space<vmem>>
          %dma_start3A_125 = tpu.memref_squeeze %dma_start3A_124 : memref<1x128xi32, #tpu.memory_space<vmem>> -> memref<128xi32, #tpu.memory_space<vmem>>
          %dma_start3A_126 = arith.constant 0 : i32
          %dma_start3A_127 = arith.constant 0 : i32
          %dma_start3A_128 = tpu.memref_slice %arg6[%dma_start3A_126, %dma_start3A_127] : memref<1032x16xf32, #tpu.memory_space<hbm>> -> memref<1032x16xf32, #tpu.memory_space<hbm>>
          %dma_start3A_129 = tpu.memref_slice %arg18[%sub3A_118] : memref<2x!tpu.dma_semaphore, #tpu.memory_space<semaphore_mem>> -> memref<1x!tpu.dma_semaphore, #tpu.memory_space<semaphore_mem>>
          %dma_start3A_130 = tpu.memref_squeeze %dma_start3A_129 : memref<1x!tpu.dma_semaphore, #tpu.memory_space<semaphore_mem>> -> memref<!tpu.dma_semaphore, #tpu.memory_space<semaphore_mem>>
          tpu.enqueue_indirect_dma source(%dma_start3A_128 : memref<1032x16xf32, #tpu.memory_space<hbm>>) target(%dma_start3A_122 : memref<128x16xf32, #tpu.memory_space<vmem>>) offsets(%dma_start3A_125 : memref<128xi32, #tpu.memory_space<vmem>>) semaphore(%dma_start3A_130 : memref<!tpu.dma_semaphore, #tpu.memory_space<semaphore_mem>>)
        } else {
        }
        %dma_wait3A_98 = arith.constant 0 : i32
        %dma_wait3A_99 = arith.constant 0 : i32
        %dma_wait3A_100 = arith.constant 0 : i32
        %dma_wait3A_101 = tpu.memref_slice %arg16[%rem3A_91, %dma_wait3A_99, %dma_wait3A_100] : memref<2x128x16xf32, #tpu.memory_space<vmem>> -> memref<1x128x16xf32, #tpu.memory_space<vmem>>
        %dma_wait3A_102 = tpu.memref_squeeze %dma_wait3A_101 : memref<1x128x16xf32, #tpu.memory_space<vmem>> -> memref<128x16xf32, #tpu.memory_space<vmem>>
        %dma_wait3A_103 = arith.constant 0 : i32
        %dma_wait3A_104 = tpu.memref_slice %arg14[%dma_wait3A_98, %dma_wait3A_103] : memref<49x128xi32, #tpu.memory_space<vmem>> -> memref<1x128xi32, #tpu.memory_space<vmem>>
        %dma_wait3A_105 = tpu.memref_squeeze %dma_wait3A_104 : memref<1x128xi32, #tpu.memory_space<vmem>> -> memref<128xi32, #tpu.memory_space<vmem>>
        %dma_wait3A_106 = arith.constant 0 : i32
        %dma_wait3A_107 = arith.constant 0 : i32
        %dma_wait3A_108 = tpu.memref_slice %arg6[%dma_wait3A_106, %dma_wait3A_107] : memref<1032x16xf32, #tpu.memory_space<hbm>> -> memref<1032x16xf32, #tpu.memory_space<hbm>>
        %dma_wait3A_109 = tpu.memref_slice %arg18[%rem3A_91] : memref<2x!tpu.dma_semaphore, #tpu.memory_space<semaphore_mem>> -> memref<1x!tpu.dma_semaphore, #tpu.memory_space<semaphore_mem>>
        %dma_wait3A_110 = tpu.memref_squeeze %dma_wait3A_109 : memref<1x!tpu.dma_semaphore, #tpu.memory_space<semaphore_mem>> -> memref<!tpu.dma_semaphore, #tpu.memory_space<semaphore_mem>>
        tpu.wait_indirect_dma semaphore(%dma_wait3A_110 : memref<!tpu.dma_semaphore, #tpu.memory_space<semaphore_mem>>) src(%dma_wait3A_108 : memref<1032x16xf32, #tpu.memory_space<hbm>>) dst(%dma_wait3A_102 : memref<128x16xf32, #tpu.memory_space<vmem>>)
        %mul3A_111 = arith.constant 49 : i32
        %mul3A_112 = arith.muli %arg1, %mul3A_111 : i32
        %add3A_113 = arith.addi %mul3A_112, %add3A_89 : i32
        %mul3A_114 = arith.constant 128 : i32
        %mul3A_115 = arith.muli %add3A_113, %mul3A_114 : i32
        "tpu.region"() ({
          %run_scoped3A = tpu.sem_alloc : memref<!tpu.dma_semaphore, #tpu.memory_space<semaphore_mem>>
          %dma_start3A_116 = arith.constant 0 : i32
          %dma_start3A_117 = arith.constant 0 : i32
          %dma_start3A_118 = tpu.memref_slice %arg16[%rem3A_91, %dma_start3A_116, %dma_start3A_117] : memref<2x128x16xf32, #tpu.memory_space<vmem>> -> memref<1x128x16xf32, #tpu.memory_space<vmem>>
          %dma_start3A_119 = tpu.memref_squeeze %dma_start3A_118 : memref<1x128x16xf32, #tpu.memory_space<vmem>> -> memref<128x16xf32, #tpu.memory_space<vmem>>
          %dma_start3A_120 = arith.constant 0 : i32
          %dma_start3A_121 = tpu.memref_slice %arg9[%mul3A_115, %dma_start3A_120] : memref<100352x16xf32, #tpu.memory_space<hbm>> -> memref<128x16xf32, #tpu.memory_space<hbm>>
          %dma_start3A_122 = arith.constant 0 : i32
          %dma_start3A_123 = tpu.memref_slice %arg9[%mul3A_115, %dma_start3A_122] : memref<100352x16xf32, #tpu.memory_space<hbm>> -> memref<128x16xf32, #tpu.memory_space<hbm>>
          %dma_start3A_124 = arith.constant 0 : i32
          %dma_start3A_125 = arith.constant 0 : i32
          %dma_start3A_126 = tpu.memref_slice %arg16[%rem3A_91, %dma_start3A_124, %dma_start3A_125] : memref<2x128x16xf32, #tpu.memory_space<vmem>> -> memref<1x128x16xf32, #tpu.memory_space<vmem>>
          %dma_start3A_127 = tpu.memref_squeeze %dma_start3A_126 : memref<1x128x16xf32, #tpu.memory_space<vmem>> -> memref<128x16xf32, #tpu.memory_space<vmem>>
          tpu.enqueue_dma source(%dma_start3A_127 : memref<128x16xf32, #tpu.memory_space<vmem>>) target(%dma_start3A_123 : memref<128x16xf32, #tpu.memory_space<hbm>>) target_semaphore(%run_scoped3A : memref<!tpu.dma_semaphore, #tpu.memory_space<semaphore_mem>>)
          %dma_wait3A_128 = arith.constant 0 : i32
          %dma_wait3A_129 = arith.constant 0 : i32
          %dma_wait3A_130 = tpu.memref_slice %arg16[%rem3A_91, %dma_wait3A_128, %dma_wait3A_129] : memref<2x128x16xf32, #tpu.memory_space<vmem>> -> memref<1x128x16xf32, #tpu.memory_space<vmem>>
          %dma_wait3A_131 = tpu.memref_squeeze %dma_wait3A_130 : memref<1x128x16xf32, #tpu.memory_space<vmem>> -> memref<128x16xf32, #tpu.memory_space<vmem>>
          %dma_wait3A_132 = arith.constant 0 : i32
          %dma_wait3A_133 = tpu.memref_slice %arg9[%mul3A_115, %dma_wait3A_132] : memref<100352x16xf32, #tpu.memory_space<hbm>> -> memref<128x16xf32, #tpu.memory_space<hbm>>
          %dma_wait3A_134 = arith.constant 0 : i32
          %dma_wait3A_135 = tpu.memref_slice %arg9[%mul3A_115, %dma_wait3A_134] : memref<100352x16xf32, #tpu.memory_space<hbm>> -> memref<128x16xf32, #tpu.memory_space<hbm>>
          %dma_wait3A_136 = arith.constant 0 : i32
          %dma_wait3A_137 = arith.constant 0 : i32
          %dma_wait3A_138 = tpu.memref_slice %arg16[%rem3A_91, %dma_wait3A_136, %dma_wait3A_137] : memref<2x128x16xf32, #tpu.memory_space<vmem>> -> memref<1x128x16xf32, #tpu.memory_space<vmem>>
          %dma_wait3A_139 = tpu.memref_squeeze %dma_wait3A_138 : memref<1x128x16xf32, #tpu.memory_space<vmem>> -> memref<128x16xf32, #tpu.memory_space<vmem>>
          tpu.wait_dma2 semaphore(%run_scoped3A : memref<!tpu.dma_semaphore, #tpu.memory_space<semaphore_mem>>) src(%dma_wait3A_139 : memref<128x16xf32, #tpu.memory_space<vmem>>) dst(%dma_wait3A_135 : memref<128x16xf32, #tpu.memory_space<hbm>>)
          tpu.yield
        }) : () -> ()
      }
      %scan3A_25 = arith.constant 49 : i32
      %barrier3A = arith.constant 0 : index
      tpu.barrier barrier_id(%barrier3A)
      %mul3A_26 = arith.constant 800 : i32
      %mul3A_27 = arith.muli %arg1, %mul3A_26 : i32
      %add3A = arith.constant 0 : i32
      %add3A_28 = arith.addi %mul3A_27, %add3A : i32
      %mul3A_29 = arith.constant 256 : i32
      %mul3A_30 = arith.muli %add3A_28, %mul3A_29 : i32
      %add3A_31 = arith.constant 3276800 : i32
      %add3A_32 = arith.addi %add3A_31, %mul3A_30 : i32
      %rem3A = arith.constant 0 : i32
      %rem3A_33 = arith.constant 3 : i32
      %rem3A_34 = arith.remsi %rem3A, %rem3A_33 : i32
      %dma_start3A_35 = arith.constant 0 : i32
      %dma_start3A_36 = tpu.memref_slice %arg15[%rem3A_34, %dma_start3A_35] : memref<3x2048xi32, #tpu.memory_space<vmem>> -> memref<1x2048xi32, #tpu.memory_space<vmem>>
      %dma_start3A_37 = tpu.memref_squeeze %dma_start3A_36 : memref<1x2048xi32, #tpu.memory_space<vmem>> -> memref<2048xi32, #tpu.memory_space<vmem>>
      %dma_start3A_38 = tpu.memref_slice %arg4[%add3A_32] : memref<6553600xi32, #tpu.memory_space<hbm>> -> memref<2048xi32, #tpu.memory_space<hbm>>
      %dma_start3A_39 = arith.constant 0 : i32
      %dma_start3A_40 = tpu.memref_slice %arg15[%rem3A_34, %dma_start3A_39] : memref<3x2048xi32, #tpu.memory_space<vmem>> -> memref<1x2048xi32, #tpu.memory_space<vmem>>
      %dma_start3A_41 = tpu.memref_squeeze %dma_start3A_40 : memref<1x2048xi32, #tpu.memory_space<vmem>> -> memref<2048xi32, #tpu.memory_space<vmem>>
      %dma_start3A_42 = tpu.memref_slice %arg4[%add3A_32] : memref<6553600xi32, #tpu.memory_space<hbm>> -> memref<2048xi32, #tpu.memory_space<hbm>>
      tpu.enqueue_dma source(%dma_start3A_42 : memref<2048xi32, #tpu.memory_space<hbm>>) target(%dma_start3A_41 : memref<2048xi32, #tpu.memory_space<vmem>>) target_semaphore(%arg19 : memref<!tpu.dma_semaphore, #tpu.memory_space<semaphore_mem>>)
      %rem3A_43 = arith.constant 0 : i32
      %rem3A_44 = arith.constant 3 : i32
      %rem3A_45 = arith.remsi %rem3A_43, %rem3A_44 : i32
      %dma_wait3A = arith.constant 0 : i32
      %dma_wait3A_46 = tpu.memref_slice %arg15[%rem3A_45, %dma_wait3A] : memref<3x2048xi32, #tpu.memory_space<vmem>> -> memref<1x2048xi32, #tpu.memory_space<vmem>>
      %dma_wait3A_47 = tpu.memref_squeeze %dma_wait3A_46 : memref<1x2048xi32, #tpu.memory_space<vmem>> -> memref<2048xi32, #tpu.memory_space<vmem>>
      %dma_wait3A_48 = arith.constant 3276800 : i32
      %dma_wait3A_49 = tpu.memref_slice %arg4[%dma_wait3A_48] : memref<6553600xi32, #tpu.memory_space<hbm>> -> memref<2048xi32, #tpu.memory_space<hbm>>
      %dma_wait3A_50 = arith.constant 0 : i32
      %dma_wait3A_51 = tpu.memref_slice %arg15[%rem3A_45, %dma_wait3A_50] : memref<3x2048xi32, #tpu.memory_space<vmem>> -> memref<1x2048xi32, #tpu.memory_space<vmem>>
      %dma_wait3A_52 = tpu.memref_squeeze %dma_wait3A_51 : memref<1x2048xi32, #tpu.memory_space<vmem>> -> memref<2048xi32, #tpu.memory_space<vmem>>
      %dma_wait3A_53 = arith.constant 3276800 : i32
      %dma_wait3A_54 = tpu.memref_slice %arg4[%dma_wait3A_53] : memref<6553600xi32, #tpu.memory_space<hbm>> -> memref<2048xi32, #tpu.memory_space<hbm>>
      tpu.wait_dma2 semaphore(%arg19 : memref<!tpu.dma_semaphore, #tpu.memory_space<semaphore_mem>>) src(%dma_wait3A_54 : memref<2048xi32, #tpu.memory_space<hbm>>) dst(%dma_wait3A_52 : memref<2048xi32, #tpu.memory_space<vmem>>)
      %mul3A_55 = arith.constant 800 : i32
      %mul3A_56 = arith.muli %arg1, %mul3A_55 : i32
      %add3A_57 = arith.constant 8 : i32
      %add3A_58 = arith.addi %mul3A_56, %add3A_57 : i32
      %mul3A_59 = arith.constant 256 : i32
      %mul3A_60 = arith.muli %add3A_58, %mul3A_59 : i32
      %add3A_61 = arith.constant 3276800 : i32
      %add3A_62 = arith.addi %add3A_61, %mul3A_60 : i32
      %rem3A_63 = arith.constant 1 : i32
      %rem3A_64 = arith.constant 3 : i32
      %rem3A_65 = arith.remsi %rem3A_63, %rem3A_64 : i32
      %dma_start3A_66 = arith.constant 0 : i32
      %dma_start3A_67 = tpu.memref_slice %arg15[%rem3A_65, %dma_start3A_66] : memref<3x2048xi32, #tpu.memory_space<vmem>> -> memref<1x2048xi32, #tpu.memory_space<vmem>>
      %dma_start3A_68 = tpu.memref_squeeze %dma_start3A_67 : memref<1x2048xi32, #tpu.memory_space<vmem>> -> memref<2048xi32, #tpu.memory_space<vmem>>
      %dma_start3A_69 = tpu.memref_slice %arg4[%add3A_62] : memref<6553600xi32, #tpu.memory_space<hbm>> -> memref<2048xi32, #tpu.memory_space<hbm>>
      %dma_start3A_70 = arith.constant 0 : i32
      %dma_start3A_71 = tpu.memref_slice %arg15[%rem3A_65, %dma_start3A_70] : memref<3x2048xi32, #tpu.memory_space<vmem>> -> memref<1x2048xi32, #tpu.memory_space<vmem>>
      %dma_start3A_72 = tpu.memref_squeeze %dma_start3A_71 : memref<1x2048xi32, #tpu.memory_space<vmem>> -> memref<2048xi32, #tpu.memory_space<vmem>>
      %dma_start3A_73 = tpu.memref_slice %arg4[%add3A_62] : memref<6553600xi32, #tpu.memory_space<hbm>> -> memref<2048xi32, #tpu.memory_space<hbm>>
      tpu.enqueue_dma source(%dma_start3A_73 : memref<2048xi32, #tpu.memory_space<hbm>>) target(%dma_start3A_72 : memref<2048xi32, #tpu.memory_space<vmem>>) target_semaphore(%arg19 : memref<!tpu.dma_semaphore, #tpu.memory_space<semaphore_mem>>)
      %scan3A_74 = arith.constant 0 : i32
      %scan3A_75 = arith.constant 800 : i32
      %scan3A_76 = arith.addi %scan3A_74, %scan3A_75 : i32
      %scan3A_77 = arith.constant 1 : i32
      scf.for %scan3A_85 = %scan3A_74 to %scan3A_76 step %scan3A_77  : i32 {
        %mul3A_86 = arith.constant 1 : i32
        %mul3A_87 = arith.muli %scan3A_85, %mul3A_86 : i32
        %add3A_88 = arith.constant 0 : i32
        %add3A_89 = arith.addi %add3A_88, %mul3A_87 : i32
        %div3A = arith.constant 8 : i32
        %div3A_90 = arith.divsi %add3A_89, %div3A : i32
        %rem3A_91 = arith.constant 8 : i32
        %rem3A_92 = arith.remsi %add3A_89, %rem3A_91 : i32
        %eq3A_93 = arith.constant 0 : i32
        %eq3A_94 = arith.cmpi eq, %rem3A_92, %eq3A_93 : i32
        %gt3A = arith.constant 0 : i32
        %gt3A_95 = arith.cmpi sgt, %div3A_90, %gt3A : i32
        %and3A = arith.andi %eq3A_94, %gt3A_95 : i1
        %convert_element_type3A_96 = arith.extui %and3A : i1 to i32
        %cond3A_97 = arith.constant 0 : i32
        %cond3A_98 = arith.cmpi ne, %convert_element_type3A_96, %cond3A_97 : i32
        scf.if %cond3A_98 {
          %rem3A_112 = arith.constant 3 : i32
          %rem3A_113 = arith.remsi %div3A_90, %rem3A_112 : i32
          %dma_wait3A_114 = arith.constant 0 : i32
          %dma_wait3A_115 = tpu.memref_slice %arg15[%rem3A_113, %dma_wait3A_114] : memref<3x2048xi32, #tpu.memory_space<vmem>> -> memref<1x2048xi32, #tpu.memory_space<vmem>>
          %dma_wait3A_116 = tpu.memref_squeeze %dma_wait3A_115 : memref<1x2048xi32, #tpu.memory_space<vmem>> -> memref<2048xi32, #tpu.memory_space<vmem>>
          %dma_wait3A_117 = arith.constant 3276800 : i32
          %dma_wait3A_118 = tpu.memref_slice %arg4[%dma_wait3A_117] : memref<6553600xi32, #tpu.memory_space<hbm>> -> memref<2048xi32, #tpu.memory_space<hbm>>
          %dma_wait3A_119 = arith.constant 0 : i32
          %dma_wait3A_120 = tpu.memref_slice %arg15[%rem3A_113, %dma_wait3A_119] : memref<3x2048xi32, #tpu.memory_space<vmem>> -> memref<1x2048xi32, #tpu.memory_space<vmem>>
          %dma_wait3A_121 = tpu.memref_squeeze %dma_wait3A_120 : memref<1x2048xi32, #tpu.memory_space<vmem>> -> memref<2048xi32, #tpu.memory_space<vmem>>
          %dma_wait3A_122 = arith.constant 3276800 : i32
          %dma_wait3A_123 = tpu.memref_slice %arg4[%dma_wait3A_122] : memref<6553600xi32, #tpu.memory_space<hbm>> -> memref<2048xi32, #tpu.memory_space<hbm>>
          tpu.wait_dma2 semaphore(%arg19 : memref<!tpu.dma_semaphore, #tpu.memory_space<semaphore_mem>>) src(%dma_wait3A_123 : memref<2048xi32, #tpu.memory_space<hbm>>) dst(%dma_wait3A_121 : memref<2048xi32, #tpu.memory_space<vmem>>)
          %add3A_124 = arith.constant 1 : i32
          %add3A_125 = arith.addi %div3A_90, %add3A_124 : i32
          %lt3A = arith.constant 100 : i32
          %lt3A_126 = arith.cmpi slt, %add3A_125, %lt3A : i32
          %convert_element_type3A_127 = arith.extui %lt3A_126 : i1 to i32
          %cond3A_128 = arith.constant 0 : i32
          %cond3A_129 = arith.cmpi ne, %convert_element_type3A_127, %cond3A_128 : i32
          scf.if %cond3A_129 {
            %add3A_130 = arith.constant 1 : i32
            %add3A_131 = arith.addi %div3A_90, %add3A_130 : i32
            %mul3A_132 = arith.constant 800 : i32
            %mul3A_133 = arith.muli %arg1, %mul3A_132 : i32
            %mul3A_134 = arith.constant 8 : i32
            %mul3A_135 = arith.muli %add3A_131, %mul3A_134 : i32
            %add3A_136 = arith.addi %mul3A_133, %mul3A_135 : i32
            %mul3A_137 = arith.constant 256 : i32
            %mul3A_138 = arith.muli %add3A_136, %mul3A_137 : i32
            %add3A_139 = arith.constant 3276800 : i32
            %add3A_140 = arith.addi %add3A_139, %mul3A_138 : i32
            %rem3A_141 = arith.constant 3 : i32
            %rem3A_142 = arith.remsi %add3A_131, %rem3A_141 : i32
            %dma_start3A_143 = arith.constant 0 : i32
            %dma_start3A_144 = tpu.memref_slice %arg15[%rem3A_142, %dma_start3A_143] : memref<3x2048xi32, #tpu.memory_space<vmem>> -> memref<1x2048xi32, #tpu.memory_space<vmem>>
            %dma_start3A_145 = tpu.memref_squeeze %dma_start3A_144 : memref<1x2048xi32, #tpu.memory_space<vmem>> -> memref<2048xi32, #tpu.memory_space<vmem>>
            %dma_start3A_146 = tpu.memref_slice %arg4[%add3A_140] : memref<6553600xi32, #tpu.memory_space<hbm>> -> memref<2048xi32, #tpu.memory_space<hbm>>
            %dma_start3A_147 = arith.constant 0 : i32
            %dma_start3A_148 = tpu.memref_slice %arg15[%rem3A_142, %dma_start3A_147] : memref<3x2048xi32, #tpu.memory_space<vmem>> -> memref<1x2048xi32, #tpu.memory_space<vmem>>
            %dma_start3A_149 = tpu.memref_squeeze %dma_start3A_148 : memref<1x2048xi32, #tpu.memory_space<vmem>> -> memref<2048xi32, #tpu.memory_space<vmem>>
            %dma_start3A_150 = tpu.memref_slice %arg4[%add3A_140] : memref<6553600xi32, #tpu.memory_space<hbm>> -> memref<2048xi32, #tpu.memory_space<hbm>>
            tpu.enqueue_dma source(%dma_start3A_150 : memref<2048xi32, #tpu.memory_space<hbm>>) target(%dma_start3A_149 : memref<2048xi32, #tpu.memory_space<vmem>>) target_semaphore(%arg19 : memref<!tpu.dma_semaphore, #tpu.memory_space<semaphore_mem>>)
          } else {
          }
        } else {
        }
        %rem3A_99 = arith.constant 3 : i32
        %rem3A_100 = arith.remsi %div3A_90, %rem3A_99 : i32
        %mul3A_101 = arith.constant 256 : i32
        %mul3A_102 = arith.muli %rem3A_92, %mul3A_101 : i32
        %dma_start3A_103 = tpu.memref_slice %arg15[%rem3A_100, %mul3A_102] : memref<3x2048xi32, #tpu.memory_space<vmem>> -> memref<1x256xi32, #tpu.memory_space<vmem>>
        %dma_start3A_104 = tpu.memref_squeeze %dma_start3A_103 : memref<1x256xi32, #tpu.memory_space<vmem>> -> memref<256xi32, #tpu.memory_space<vmem>>
        %dma_start3A_105 = arith.constant 0 : i32
        %dma_start3A_106 = arith.constant 0 : i32
        %dma_start3A_107 = tpu.memref_slice %arg13[%dma_start3A_105, %dma_start3A_106] : memref<100352x16xbf16, #tpu.memory_space<vmem_shared>> -> memref<100352x16xbf16, #tpu.memory_space<vmem_shared>>
        tpu.enqueue_indirect_dma source(%arg17 : memref<256x16xbf16, #tpu.memory_space<vmem>>) target(%dma_start3A_107 : memref<100352x16xbf16, #tpu.memory_space<vmem_shared>>) offsets(%dma_start3A_104 : memref<256xi32, #tpu.memory_space<vmem>>) semaphore(%arg20 : memref<!tpu.dma_semaphore, #tpu.memory_space<semaphore_mem>>) {add = true}
        %ge3A = arith.constant 8 : i32
        %ge3A_108 = arith.cmpi sge, %add3A_89, %ge3A : i32
        %convert_element_type3A_109 = arith.extui %ge3A_108 : i1 to i32
        %cond3A_110 = arith.constant 0 : i32
        %cond3A_111 = arith.cmpi ne, %convert_element_type3A_109, %cond3A_110 : i32
        scf.if %cond3A_111 {
          %dma_wait3A_112 = arith.constant 0 : i32
          %dma_wait3A_113 = arith.constant 0 : i32
          %dma_wait3A_114 = tpu.memref_slice %arg15[%dma_wait3A_112, %dma_wait3A_113] : memref<3x2048xi32, #tpu.memory_space<vmem>> -> memref<1x256xi32, #tpu.memory_space<vmem>>
          %dma_wait3A_115 = tpu.memref_squeeze %dma_wait3A_114 : memref<1x256xi32, #tpu.memory_space<vmem>> -> memref<256xi32, #tpu.memory_space<vmem>>
          %dma_wait3A_116 = arith.constant 0 : i32
          %dma_wait3A_117 = arith.constant 0 : i32
          %dma_wait3A_118 = tpu.memref_slice %arg13[%dma_wait3A_116, %dma_wait3A_117] : memref<100352x16xbf16, #tpu.memory_space<vmem_shared>> -> memref<100352x16xbf16, #tpu.memory_space<vmem_shared>>
          tpu.wait_indirect_dma semaphore(%arg20 : memref<!tpu.dma_semaphore, #tpu.memory_space<semaphore_mem>>) src(%arg17 : memref<256x16xbf16, #tpu.memory_space<vmem>>) dst(%dma_wait3A_118 : memref<100352x16xbf16, #tpu.memory_space<vmem_shared>>)
        } else {
        }
      }
      %scan3A_78 = arith.constant 800 : i32
      %scan3A_79 = arith.constant 0 : i32
      %scan3A_80 = arith.constant 8 : i32
      %scan3A_81 = arith.addi %scan3A_79, %scan3A_80 : i32
      %scan3A_82 = arith.constant 1 : i32
      scf.for %scan3A_85 = %scan3A_79 to %scan3A_81 step %scan3A_82  : i32 {
        %mul3A_86 = arith.constant 1 : i32
        %mul3A_87 = arith.muli %scan3A_85, %mul3A_86 : i32
        %add3A_88 = arith.constant 0 : i32
        %add3A_89 = arith.addi %add3A_88, %mul3A_87 : i32
        %dma_wait3A_90 = arith.constant 0 : i32
        %dma_wait3A_91 = arith.constant 0 : i32
        %dma_wait3A_92 = tpu.memref_slice %arg15[%dma_wait3A_90, %dma_wait3A_91] : memref<3x2048xi32, #tpu.memory_space<vmem>> -> memref<1x256xi32, #tpu.memory_space<vmem>>
        %dma_wait3A_93 = tpu.memref_squeeze %dma_wait3A_92 : memref<1x256xi32, #tpu.memory_space<vmem>> -> memref<256xi32, #tpu.memory_space<vmem>>
        %dma_wait3A_94 = arith.constant 0 : i32
        %dma_wait3A_95 = arith.constant 0 : i32
        %dma_wait3A_96 = tpu.memref_slice %arg13[%dma_wait3A_94, %dma_wait3A_95] : memref<100352x16xbf16, #tpu.memory_space<vmem_shared>> -> memref<100352x16xbf16, #tpu.memory_space<vmem_shared>>
        tpu.wait_indirect_dma semaphore(%arg20 : memref<!tpu.dma_semaphore, #tpu.memory_space<semaphore_mem>>) src(%arg17 : memref<256x16xbf16, #tpu.memory_space<vmem>>) dst(%dma_wait3A_96 : memref<100352x16xbf16, #tpu.memory_space<vmem_shared>>)
      }
      %scan3A_83 = arith.constant 8 : i32
      %barrier3A_84 = arith.constant 0 : index
      tpu.barrier barrier_id(%barrier3A_84)
      "tpu.region"() ({
        %run_scoped3A = tpu.sem_alloc : memref<!tpu.dma_semaphore, #tpu.memory_space<semaphore_mem>>
        %dma_start3A_85 = arith.constant 0 : i32
        %dma_start3A_86 = tpu.memref_slice %arg11[%mul3A_0, %dma_start3A_85] : memref<100352x16xbf16, #tpu.memory_space<hbm>> -> memref<6272x16xbf16, #tpu.memory_space<hbm>>
        %dma_start3A_87 = arith.constant 0 : i32
        %dma_start3A_88 = tpu.memref_slice %arg13[%mul3A_0, %dma_start3A_87] : memref<100352x16xbf16, #tpu.memory_space<vmem_shared>> -> memref<6272x16xbf16, #tpu.memory_space<vmem_shared>>
        tpu.enqueue_dma source(%dma_start3A_88 : memref<6272x16xbf16, #tpu.memory_space<vmem_shared>>) target(%dma_start3A_86 : memref<6272x16xbf16, #tpu.memory_space<hbm>>) target_semaphore(%run_scoped3A : memref<!tpu.dma_semaphore, #tpu.memory_space<semaphore_mem>>)
        %dma_wait3A_89 = arith.constant 0 : i32
        %dma_wait3A_90 = tpu.memref_slice %arg11[%mul3A_0, %dma_wait3A_89] : memref<100352x16xbf16, #tpu.memory_space<hbm>> -> memref<6272x16xbf16, #tpu.memory_space<hbm>>
        %dma_wait3A_91 = arith.constant 0 : i32
        %dma_wait3A_92 = tpu.memref_slice %arg13[%mul3A_0, %dma_wait3A_91] : memref<100352x16xbf16, #tpu.memory_space<vmem_shared>> -> memref<6272x16xbf16, #tpu.memory_space<vmem_shared>>
        tpu.wait_dma2 semaphore(%run_scoped3A : memref<!tpu.dma_semaphore, #tpu.memory_space<semaphore_mem>>) src(%dma_wait3A_92 : memref<6272x16xbf16, #tpu.memory_space<vmem_shared>>) dst(%dma_wait3A_90 : memref<6272x16xbf16, #tpu.memory_space<hbm>>)
        tpu.yield
      }) : () -> ()
    } else {
    }
    %eq3A_3 = arith.constant 1 : i32
    %eq3A_4 = arith.cmpi eq, %arg0, %eq3A_3 : i32
    %convert_element_type3A_5 = arith.extui %eq3A_4 : i1 to i32
    %cond3A_6 = arith.constant 0 : i32
    %cond3A_7 = arith.cmpi ne, %convert_element_type3A_5, %cond3A_6 : i32
    scf.if %cond3A_7 {
      "tpu.region"() ({
        %run_scoped3A = tpu.sem_alloc : memref<!tpu.dma_semaphore, #tpu.memory_space<semaphore_mem>>
        %dma_start3A_85 = arith.constant 0 : i32
        %dma_start3A_86 = tpu.memref_slice %arg13[%mul3A_0, %dma_start3A_85] : memref<100352x16xbf16, #tpu.memory_space<vmem_shared>> -> memref<6272x16xbf16, #tpu.memory_space<vmem_shared>>
        %dma_start3A_87 = arith.constant 0 : i32
        %dma_start3A_88 = tpu.memref_slice %arg7[%mul3A_0, %dma_start3A_87] : memref<100352x16xbf16, #tpu.memory_space<hbm>> -> memref<6272x16xbf16, #tpu.memory_space<hbm>>
        tpu.enqueue_dma source(%dma_start3A_88 : memref<6272x16xbf16, #tpu.memory_space<hbm>>) target(%dma_start3A_86 : memref<6272x16xbf16, #tpu.memory_space<vmem_shared>>) target_semaphore(%run_scoped3A : memref<!tpu.dma_semaphore, #tpu.memory_space<semaphore_mem>>)
        %dma_wait3A_89 = arith.constant 0 : i32
        %dma_wait3A_90 = tpu.memref_slice %arg13[%mul3A_0, %dma_wait3A_89] : memref<100352x16xbf16, #tpu.memory_space<vmem_shared>> -> memref<6272x16xbf16, #tpu.memory_space<vmem_shared>>
        %dma_wait3A_91 = arith.constant 0 : i32
        %dma_wait3A_92 = tpu.memref_slice %arg7[%mul3A_0, %dma_wait3A_91] : memref<100352x16xbf16, #tpu.memory_space<hbm>> -> memref<6272x16xbf16, #tpu.memory_space<hbm>>
        tpu.wait_dma2 semaphore(%run_scoped3A : memref<!tpu.dma_semaphore, #tpu.memory_space<semaphore_mem>>) src(%dma_wait3A_92 : memref<6272x16xbf16, #tpu.memory_space<hbm>>) dst(%dma_wait3A_90 : memref<6272x16xbf16, #tpu.memory_space<vmem_shared>>)
        tpu.yield
      }) : () -> ()
      "tpu.region"() ({
        %run_scoped3A = tpu.sem_alloc : memref<!tpu.dma_semaphore, #tpu.memory_space<semaphore_mem>>
        tpu.enqueue_dma source(%arg8 : memref<256x16xbf16, #tpu.memory_space<hbm>>) target(%arg17 : memref<256x16xbf16, #tpu.memory_space<vmem>>) target_semaphore(%run_scoped3A : memref<!tpu.dma_semaphore, #tpu.memory_space<semaphore_mem>>)
        tpu.wait_dma2 semaphore(%run_scoped3A : memref<!tpu.dma_semaphore, #tpu.memory_space<semaphore_mem>>) src(%arg8 : memref<256x16xbf16, #tpu.memory_space<hbm>>) dst(%arg17 : memref<256x16xbf16, #tpu.memory_space<vmem>>)
        tpu.yield
      }) : () -> ()
      "tpu.region"() ({
        %run_scoped3A = tpu.sem_alloc : memref<!tpu.dma_semaphore, #tpu.memory_space<semaphore_mem>>
        %dma_start3A_85 = arith.constant 0 : i32
        %dma_start3A_86 = arith.constant 0 : i32
        %dma_start3A_87 = tpu.memref_slice %arg3[%arg1, %dma_start3A_85, %dma_start3A_86] : memref<16x49x128xi32, #tpu.memory_space<hbm>> -> memref<1x49x128xi32, #tpu.memory_space<hbm>>
        %dma_start3A_88 = tpu.memref_squeeze %dma_start3A_87 : memref<1x49x128xi32, #tpu.memory_space<hbm>> -> memref<49x128xi32, #tpu.memory_space<hbm>>
        %dma_start3A_89 = arith.constant 0 : i32
        %dma_start3A_90 = arith.constant 0 : i32
        %dma_start3A_91 = tpu.memref_slice %arg3[%arg1, %dma_start3A_89, %dma_start3A_90] : memref<16x49x128xi32, #tpu.memory_space<hbm>> -> memref<1x49x128xi32, #tpu.memory_space<hbm>>
        %dma_start3A_92 = tpu.memref_squeeze %dma_start3A_91 : memref<1x49x128xi32, #tpu.memory_space<hbm>> -> memref<49x128xi32, #tpu.memory_space<hbm>>
        tpu.enqueue_dma source(%dma_start3A_92 : memref<49x128xi32, #tpu.memory_space<hbm>>) target(%arg14 : memref<49x128xi32, #tpu.memory_space<vmem>>) target_semaphore(%run_scoped3A : memref<!tpu.dma_semaphore, #tpu.memory_space<semaphore_mem>>)
        %dma_wait3A_93 = arith.constant 0 : i32
        %dma_wait3A_94 = arith.constant 0 : i32
        %dma_wait3A_95 = tpu.memref_slice %arg3[%arg1, %dma_wait3A_93, %dma_wait3A_94] : memref<16x49x128xi32, #tpu.memory_space<hbm>> -> memref<1x49x128xi32, #tpu.memory_space<hbm>>
        %dma_wait3A_96 = tpu.memref_squeeze %dma_wait3A_95 : memref<1x49x128xi32, #tpu.memory_space<hbm>> -> memref<49x128xi32, #tpu.memory_space<hbm>>
        %dma_wait3A_97 = arith.constant 0 : i32
        %dma_wait3A_98 = arith.constant 0 : i32
        %dma_wait3A_99 = tpu.memref_slice %arg3[%arg1, %dma_wait3A_97, %dma_wait3A_98] : memref<16x49x128xi32, #tpu.memory_space<hbm>> -> memref<1x49x128xi32, #tpu.memory_space<hbm>>
        %dma_wait3A_100 = tpu.memref_squeeze %dma_wait3A_99 : memref<1x49x128xi32, #tpu.memory_space<hbm>> -> memref<49x128xi32, #tpu.memory_space<hbm>>
        tpu.wait_dma2 semaphore(%run_scoped3A : memref<!tpu.dma_semaphore, #tpu.memory_space<semaphore_mem>>) src(%dma_wait3A_100 : memref<49x128xi32, #tpu.memory_space<hbm>>) dst(%arg14 : memref<49x128xi32, #tpu.memory_space<vmem>>)
        tpu.yield
      }) : () -> ()
      %dma_start3A = arith.constant 0 : i32
      %dma_start3A_8 = arith.constant 0 : i32
      %dma_start3A_9 = arith.constant 0 : i32
      %dma_start3A_10 = arith.constant 0 : i32
      %dma_start3A_11 = arith.constant 0 : i32
      %dma_start3A_12 = tpu.memref_slice %arg16[%dma_start3A_8, %dma_start3A_10, %dma_start3A_11] : memref<2x128x16xf32, #tpu.memory_space<vmem>> -> memref<1x128x16xf32, #tpu.memory_space<vmem>>
      %dma_start3A_13 = tpu.memref_squeeze %dma_start3A_12 : memref<1x128x16xf32, #tpu.memory_space<vmem>> -> memref<128x16xf32, #tpu.memory_space<vmem>>
      %dma_start3A_14 = arith.constant 0 : i32
      %dma_start3A_15 = tpu.memref_slice %arg14[%dma_start3A, %dma_start3A_14] : memref<49x128xi32, #tpu.memory_space<vmem>> -> memref<1x128xi32, #tpu.memory_space<vmem>>
      %dma_start3A_16 = tpu.memref_squeeze %dma_start3A_15 : memref<1x128xi32, #tpu.memory_space<vmem>> -> memref<128xi32, #tpu.memory_space<vmem>>
      %dma_start3A_17 = arith.constant 0 : i32
      %dma_start3A_18 = arith.constant 0 : i32
      %dma_start3A_19 = tpu.memref_slice %arg6[%dma_start3A_17, %dma_start3A_18] : memref<1032x16xf32, #tpu.memory_space<hbm>> -> memref<1032x16xf32, #tpu.memory_space<hbm>>
      %dma_start3A_20 = tpu.memref_slice %arg18[%dma_start3A_9] : memref<2x!tpu.dma_semaphore, #tpu.memory_space<semaphore_mem>> -> memref<1x!tpu.dma_semaphore, #tpu.memory_space<semaphore_mem>>
      %dma_start3A_21 = tpu.memref_squeeze %dma_start3A_20 : memref<1x!tpu.dma_semaphore, #tpu.memory_space<semaphore_mem>> -> memref<!tpu.dma_semaphore, #tpu.memory_space<semaphore_mem>>
      tpu.enqueue_indirect_dma source(%dma_start3A_19 : memref<1032x16xf32, #tpu.memory_space<hbm>>) target(%dma_start3A_13 : memref<128x16xf32, #tpu.memory_space<vmem>>) offsets(%dma_start3A_16 : memref<128xi32, #tpu.memory_space<vmem>>) semaphore(%dma_start3A_21 : memref<!tpu.dma_semaphore, #tpu.memory_space<semaphore_mem>>)
      %scan3A = arith.constant 0 : i32
      %scan3A_22 = arith.constant 49 : i32
      %scan3A_23 = arith.addi %scan3A, %scan3A_22 : i32
      %scan3A_24 = arith.constant 1 : i32
      scf.for %scan3A_85 = %scan3A to %scan3A_23 step %scan3A_24  : i32 {
        %mul3A_86 = arith.constant 1 : i32
        %mul3A_87 = arith.muli %scan3A_85, %mul3A_86 : i32
        %add3A_88 = arith.constant 0 : i32
        %add3A_89 = arith.addi %add3A_88, %mul3A_87 : i32
        %rem3A_90 = arith.constant 2 : i32
        %rem3A_91 = arith.remsi %add3A_89, %rem3A_90 : i32
        %add3A_92 = arith.constant 1 : i32
        %add3A_93 = arith.addi %add3A_89, %add3A_92 : i32
        %lt3A = arith.constant 49 : i32
        %lt3A_94 = arith.cmpi slt, %add3A_93, %lt3A : i32
        %convert_element_type3A_95 = arith.extui %lt3A_94 : i1 to i32
        %cond3A_96 = arith.constant 0 : i32
        %cond3A_97 = arith.cmpi ne, %convert_element_type3A_95, %cond3A_96 : i32
        scf.if %cond3A_97 {
          %add3A_116 = arith.constant 1 : i32
          %add3A_117 = arith.addi %add3A_89, %add3A_116 : i32
          %sub3A = arith.constant 1 : i32
          %sub3A_118 = arith.subi %sub3A, %rem3A_91 : i32
          %dma_start3A_119 = arith.constant 0 : i32
          %dma_start3A_120 = arith.constant 0 : i32
          %dma_start3A_121 = tpu.memref_slice %arg16[%sub3A_118, %dma_start3A_119, %dma_start3A_120] : memref<2x128x16xf32, #tpu.memory_space<vmem>> -> memref<1x128x16xf32, #tpu.memory_space<vmem>>
          %dma_start3A_122 = tpu.memref_squeeze %dma_start3A_121 : memref<1x128x16xf32, #tpu.memory_space<vmem>> -> memref<128x16xf32, #tpu.memory_space<vmem>>
          %dma_start3A_123 = arith.constant 0 : i32
          %dma_start3A_124 = tpu.memref_slice %arg14[%add3A_117, %dma_start3A_123] : memref<49x128xi32, #tpu.memory_space<vmem>> -> memref<1x128xi32, #tpu.memory_space<vmem>>
          %dma_start3A_125 = tpu.memref_squeeze %dma_start3A_124 : memref<1x128xi32, #tpu.memory_space<vmem>> -> memref<128xi32, #tpu.memory_space<vmem>>
          %dma_start3A_126 = arith.constant 0 : i32
          %dma_start3A_127 = arith.constant 0 : i32
          %dma_start3A_128 = tpu.memref_slice %arg6[%dma_start3A_126, %dma_start3A_127] : memref<1032x16xf32, #tpu.memory_space<hbm>> -> memref<1032x16xf32, #tpu.memory_space<hbm>>
          %dma_start3A_129 = tpu.memref_slice %arg18[%sub3A_118] : memref<2x!tpu.dma_semaphore, #tpu.memory_space<semaphore_mem>> -> memref<1x!tpu.dma_semaphore, #tpu.memory_space<semaphore_mem>>
          %dma_start3A_130 = tpu.memref_squeeze %dma_start3A_129 : memref<1x!tpu.dma_semaphore, #tpu.memory_space<semaphore_mem>> -> memref<!tpu.dma_semaphore, #tpu.memory_space<semaphore_mem>>
          tpu.enqueue_indirect_dma source(%dma_start3A_128 : memref<1032x16xf32, #tpu.memory_space<hbm>>) target(%dma_start3A_122 : memref<128x16xf32, #tpu.memory_space<vmem>>) offsets(%dma_start3A_125 : memref<128xi32, #tpu.memory_space<vmem>>) semaphore(%dma_start3A_130 : memref<!tpu.dma_semaphore, #tpu.memory_space<semaphore_mem>>)
        } else {
        }
        %dma_wait3A_98 = arith.constant 0 : i32
        %dma_wait3A_99 = arith.constant 0 : i32
        %dma_wait3A_100 = arith.constant 0 : i32
        %dma_wait3A_101 = tpu.memref_slice %arg16[%rem3A_91, %dma_wait3A_99, %dma_wait3A_100] : memref<2x128x16xf32, #tpu.memory_space<vmem>> -> memref<1x128x16xf32, #tpu.memory_space<vmem>>
        %dma_wait3A_102 = tpu.memref_squeeze %dma_wait3A_101 : memref<1x128x16xf32, #tpu.memory_space<vmem>> -> memref<128x16xf32, #tpu.memory_space<vmem>>
        %dma_wait3A_103 = arith.constant 0 : i32
        %dma_wait3A_104 = tpu.memref_slice %arg14[%dma_wait3A_98, %dma_wait3A_103] : memref<49x128xi32, #tpu.memory_space<vmem>> -> memref<1x128xi32, #tpu.memory_space<vmem>>
        %dma_wait3A_105 = tpu.memref_squeeze %dma_wait3A_104 : memref<1x128xi32, #tpu.memory_space<vmem>> -> memref<128xi32, #tpu.memory_space<vmem>>
        %dma_wait3A_106 = arith.constant 0 : i32
        %dma_wait3A_107 = arith.constant 0 : i32
        %dma_wait3A_108 = tpu.memref_slice %arg6[%dma_wait3A_106, %dma_wait3A_107] : memref<1032x16xf32, #tpu.memory_space<hbm>> -> memref<1032x16xf32, #tpu.memory_space<hbm>>
        %dma_wait3A_109 = tpu.memref_slice %arg18[%rem3A_91] : memref<2x!tpu.dma_semaphore, #tpu.memory_space<semaphore_mem>> -> memref<1x!tpu.dma_semaphore, #tpu.memory_space<semaphore_mem>>
        %dma_wait3A_110 = tpu.memref_squeeze %dma_wait3A_109 : memref<1x!tpu.dma_semaphore, #tpu.memory_space<semaphore_mem>> -> memref<!tpu.dma_semaphore, #tpu.memory_space<semaphore_mem>>
        tpu.wait_indirect_dma semaphore(%dma_wait3A_110 : memref<!tpu.dma_semaphore, #tpu.memory_space<semaphore_mem>>) src(%dma_wait3A_108 : memref<1032x16xf32, #tpu.memory_space<hbm>>) dst(%dma_wait3A_102 : memref<128x16xf32, #tpu.memory_space<vmem>>)
        %mul3A_111 = arith.constant 49 : i32
        %mul3A_112 = arith.muli %arg1, %mul3A_111 : i32
        %add3A_113 = arith.addi %mul3A_112, %add3A_89 : i32
        %mul3A_114 = arith.constant 128 : i32
        %mul3A_115 = arith.muli %add3A_113, %mul3A_114 : i32
        "tpu.region"() ({
          %run_scoped3A = tpu.sem_alloc : memref<!tpu.dma_semaphore, #tpu.memory_space<semaphore_mem>>
          %dma_start3A_116 = arith.constant 0 : i32
          %dma_start3A_117 = arith.constant 0 : i32
          %dma_start3A_118 = tpu.memref_slice %arg16[%rem3A_91, %dma_start3A_116, %dma_start3A_117] : memref<2x128x16xf32, #tpu.memory_space<vmem>> -> memref<1x128x16xf32, #tpu.memory_space<vmem>>
          %dma_start3A_119 = tpu.memref_squeeze %dma_start3A_118 : memref<1x128x16xf32, #tpu.memory_space<vmem>> -> memref<128x16xf32, #tpu.memory_space<vmem>>
          %dma_start3A_120 = arith.constant 0 : i32
          %dma_start3A_121 = tpu.memref_slice %arg10[%mul3A_115, %dma_start3A_120] : memref<100352x16xf32, #tpu.memory_space<hbm>> -> memref<128x16xf32, #tpu.memory_space<hbm>>
          %dma_start3A_122 = arith.constant 0 : i32
          %dma_start3A_123 = tpu.memref_slice %arg10[%mul3A_115, %dma_start3A_122] : memref<100352x16xf32, #tpu.memory_space<hbm>> -> memref<128x16xf32, #tpu.memory_space<hbm>>
          %dma_start3A_124 = arith.constant 0 : i32
          %dma_start3A_125 = arith.constant 0 : i32
          %dma_start3A_126 = tpu.memref_slice %arg16[%rem3A_91, %dma_start3A_124, %dma_start3A_125] : memref<2x128x16xf32, #tpu.memory_space<vmem>> -> memref<1x128x16xf32, #tpu.memory_space<vmem>>
          %dma_start3A_127 = tpu.memref_squeeze %dma_start3A_126 : memref<1x128x16xf32, #tpu.memory_space<vmem>> -> memref<128x16xf32, #tpu.memory_space<vmem>>
          tpu.enqueue_dma source(%dma_start3A_127 : memref<128x16xf32, #tpu.memory_space<vmem>>) target(%dma_start3A_123 : memref<128x16xf32, #tpu.memory_space<hbm>>) target_semaphore(%run_scoped3A : memref<!tpu.dma_semaphore, #tpu.memory_space<semaphore_mem>>)
          %dma_wait3A_128 = arith.constant 0 : i32
          %dma_wait3A_129 = arith.constant 0 : i32
          %dma_wait3A_130 = tpu.memref_slice %arg16[%rem3A_91, %dma_wait3A_128, %dma_wait3A_129] : memref<2x128x16xf32, #tpu.memory_space<vmem>> -> memref<1x128x16xf32, #tpu.memory_space<vmem>>
          %dma_wait3A_131 = tpu.memref_squeeze %dma_wait3A_130 : memref<1x128x16xf32, #tpu.memory_space<vmem>> -> memref<128x16xf32, #tpu.memory_space<vmem>>
          %dma_wait3A_132 = arith.constant 0 : i32
          %dma_wait3A_133 = tpu.memref_slice %arg10[%mul3A_115, %dma_wait3A_132] : memref<100352x16xf32, #tpu.memory_space<hbm>> -> memref<128x16xf32, #tpu.memory_space<hbm>>
          %dma_wait3A_134 = arith.constant 0 : i32
          %dma_wait3A_135 = tpu.memref_slice %arg10[%mul3A_115, %dma_wait3A_134] : memref<100352x16xf32, #tpu.memory_space<hbm>> -> memref<128x16xf32, #tpu.memory_space<hbm>>
          %dma_wait3A_136 = arith.constant 0 : i32
          %dma_wait3A_137 = arith.constant 0 : i32
          %dma_wait3A_138 = tpu.memref_slice %arg16[%rem3A_91, %dma_wait3A_136, %dma_wait3A_137] : memref<2x128x16xf32, #tpu.memory_space<vmem>> -> memref<1x128x16xf32, #tpu.memory_space<vmem>>
          %dma_wait3A_139 = tpu.memref_squeeze %dma_wait3A_138 : memref<1x128x16xf32, #tpu.memory_space<vmem>> -> memref<128x16xf32, #tpu.memory_space<vmem>>
          tpu.wait_dma2 semaphore(%run_scoped3A : memref<!tpu.dma_semaphore, #tpu.memory_space<semaphore_mem>>) src(%dma_wait3A_139 : memref<128x16xf32, #tpu.memory_space<vmem>>) dst(%dma_wait3A_135 : memref<128x16xf32, #tpu.memory_space<hbm>>)
          tpu.yield
        }) : () -> ()
      }
      %scan3A_25 = arith.constant 49 : i32
      %barrier3A = arith.constant 0 : index
      tpu.barrier barrier_id(%barrier3A)
      %mul3A_26 = arith.constant 800 : i32
      %mul3A_27 = arith.muli %arg1, %mul3A_26 : i32
      %add3A = arith.constant 0 : i32
      %add3A_28 = arith.addi %mul3A_27, %add3A : i32
      %mul3A_29 = arith.constant 256 : i32
      %mul3A_30 = arith.muli %add3A_28, %mul3A_29 : i32
      %add3A_31 = arith.constant 3276800 : i32
      %add3A_32 = arith.addi %add3A_31, %mul3A_30 : i32
      %rem3A = arith.constant 0 : i32
      %rem3A_33 = arith.constant 3 : i32
      %rem3A_34 = arith.remsi %rem3A, %rem3A_33 : i32
      %dma_start3A_35 = arith.constant 0 : i32
      %dma_start3A_36 = tpu.memref_slice %arg15[%rem3A_34, %dma_start3A_35] : memref<3x2048xi32, #tpu.memory_space<vmem>> -> memref<1x2048xi32, #tpu.memory_space<vmem>>
      %dma_start3A_37 = tpu.memref_squeeze %dma_start3A_36 : memref<1x2048xi32, #tpu.memory_space<vmem>> -> memref<2048xi32, #tpu.memory_space<vmem>>
      %dma_start3A_38 = tpu.memref_slice %arg5[%add3A_32] : memref<6553600xi32, #tpu.memory_space<hbm>> -> memref<2048xi32, #tpu.memory_space<hbm>>
      %dma_start3A_39 = arith.constant 0 : i32
      %dma_start3A_40 = tpu.memref_slice %arg15[%rem3A_34, %dma_start3A_39] : memref<3x2048xi32, #tpu.memory_space<vmem>> -> memref<1x2048xi32, #tpu.memory_space<vmem>>
      %dma_start3A_41 = tpu.memref_squeeze %dma_start3A_40 : memref<1x2048xi32, #tpu.memory_space<vmem>> -> memref<2048xi32, #tpu.memory_space<vmem>>
      %dma_start3A_42 = tpu.memref_slice %arg5[%add3A_32] : memref<6553600xi32, #tpu.memory_space<hbm>> -> memref<2048xi32, #tpu.memory_space<hbm>>
      tpu.enqueue_dma source(%dma_start3A_42 : memref<2048xi32, #tpu.memory_space<hbm>>) target(%dma_start3A_41 : memref<2048xi32, #tpu.memory_space<vmem>>) target_semaphore(%arg19 : memref<!tpu.dma_semaphore, #tpu.memory_space<semaphore_mem>>)
      %rem3A_43 = arith.constant 0 : i32
      %rem3A_44 = arith.constant 3 : i32
      %rem3A_45 = arith.remsi %rem3A_43, %rem3A_44 : i32
      %dma_wait3A = arith.constant 0 : i32
      %dma_wait3A_46 = tpu.memref_slice %arg15[%rem3A_45, %dma_wait3A] : memref<3x2048xi32, #tpu.memory_space<vmem>> -> memref<1x2048xi32, #tpu.memory_space<vmem>>
      %dma_wait3A_47 = tpu.memref_squeeze %dma_wait3A_46 : memref<1x2048xi32, #tpu.memory_space<vmem>> -> memref<2048xi32, #tpu.memory_space<vmem>>
      %dma_wait3A_48 = arith.constant 3276800 : i32
      %dma_wait3A_49 = tpu.memref_slice %arg5[%dma_wait3A_48] : memref<6553600xi32, #tpu.memory_space<hbm>> -> memref<2048xi32, #tpu.memory_space<hbm>>
      %dma_wait3A_50 = arith.constant 0 : i32
      %dma_wait3A_51 = tpu.memref_slice %arg15[%rem3A_45, %dma_wait3A_50] : memref<3x2048xi32, #tpu.memory_space<vmem>> -> memref<1x2048xi32, #tpu.memory_space<vmem>>
      %dma_wait3A_52 = tpu.memref_squeeze %dma_wait3A_51 : memref<1x2048xi32, #tpu.memory_space<vmem>> -> memref<2048xi32, #tpu.memory_space<vmem>>
      %dma_wait3A_53 = arith.constant 3276800 : i32
      %dma_wait3A_54 = tpu.memref_slice %arg5[%dma_wait3A_53] : memref<6553600xi32, #tpu.memory_space<hbm>> -> memref<2048xi32, #tpu.memory_space<hbm>>
      tpu.wait_dma2 semaphore(%arg19 : memref<!tpu.dma_semaphore, #tpu.memory_space<semaphore_mem>>) src(%dma_wait3A_54 : memref<2048xi32, #tpu.memory_space<hbm>>) dst(%dma_wait3A_52 : memref<2048xi32, #tpu.memory_space<vmem>>)
      %mul3A_55 = arith.constant 800 : i32
      %mul3A_56 = arith.muli %arg1, %mul3A_55 : i32
      %add3A_57 = arith.constant 8 : i32
      %add3A_58 = arith.addi %mul3A_56, %add3A_57 : i32
      %mul3A_59 = arith.constant 256 : i32
      %mul3A_60 = arith.muli %add3A_58, %mul3A_59 : i32
      %add3A_61 = arith.constant 3276800 : i32
      %add3A_62 = arith.addi %add3A_61, %mul3A_60 : i32
      %rem3A_63 = arith.constant 1 : i32
      %rem3A_64 = arith.constant 3 : i32
      %rem3A_65 = arith.remsi %rem3A_63, %rem3A_64 : i32
      %dma_start3A_66 = arith.constant 0 : i32
      %dma_start3A_67 = tpu.memref_slice %arg15[%rem3A_65, %dma_start3A_66] : memref<3x2048xi32, #tpu.memory_space<vmem>> -> memref<1x2048xi32, #tpu.memory_space<vmem>>
      %dma_start3A_68 = tpu.memref_squeeze %dma_start3A_67 : memref<1x2048xi32, #tpu.memory_space<vmem>> -> memref<2048xi32, #tpu.memory_space<vmem>>
      %dma_start3A_69 = tpu.memref_slice %arg5[%add3A_62] : memref<6553600xi32, #tpu.memory_space<hbm>> -> memref<2048xi32, #tpu.memory_space<hbm>>
      %dma_start3A_70 = arith.constant 0 : i32
      %dma_start3A_71 = tpu.memref_slice %arg15[%rem3A_65, %dma_start3A_70] : memref<3x2048xi32, #tpu.memory_space<vmem>> -> memref<1x2048xi32, #tpu.memory_space<vmem>>
      %dma_start3A_72 = tpu.memref_squeeze %dma_start3A_71 : memref<1x2048xi32, #tpu.memory_space<vmem>> -> memref<2048xi32, #tpu.memory_space<vmem>>
      %dma_start3A_73 = tpu.memref_slice %arg5[%add3A_62] : memref<6553600xi32, #tpu.memory_space<hbm>> -> memref<2048xi32, #tpu.memory_space<hbm>>
      tpu.enqueue_dma source(%dma_start3A_73 : memref<2048xi32, #tpu.memory_space<hbm>>) target(%dma_start3A_72 : memref<2048xi32, #tpu.memory_space<vmem>>) target_semaphore(%arg19 : memref<!tpu.dma_semaphore, #tpu.memory_space<semaphore_mem>>)
      %scan3A_74 = arith.constant 0 : i32
      %scan3A_75 = arith.constant 800 : i32
      %scan3A_76 = arith.addi %scan3A_74, %scan3A_75 : i32
      %scan3A_77 = arith.constant 1 : i32
      scf.for %scan3A_85 = %scan3A_74 to %scan3A_76 step %scan3A_77  : i32 {
        %mul3A_86 = arith.constant 1 : i32
        %mul3A_87 = arith.muli %scan3A_85, %mul3A_86 : i32
        %add3A_88 = arith.constant 0 : i32
        %add3A_89 = arith.addi %add3A_88, %mul3A_87 : i32
        %div3A = arith.constant 8 : i32
        %div3A_90 = arith.divsi %add3A_89, %div3A : i32
        %rem3A_91 = arith.constant 8 : i32
        %rem3A_92 = arith.remsi %add3A_89, %rem3A_91 : i32
        %eq3A_93 = arith.constant 0 : i32
        %eq3A_94 = arith.cmpi eq, %rem3A_92, %eq3A_93 : i32
        %gt3A = arith.constant 0 : i32
        %gt3A_95 = arith.cmpi sgt, %div3A_90, %gt3A : i32
        %and3A = arith.andi %eq3A_94, %gt3A_95 : i1
        %convert_element_type3A_96 = arith.extui %and3A : i1 to i32
        %cond3A_97 = arith.constant 0 : i32
        %cond3A_98 = arith.cmpi ne, %convert_element_type3A_96, %cond3A_97 : i32
        scf.if %cond3A_98 {
          %rem3A_112 = arith.constant 3 : i32
          %rem3A_113 = arith.remsi %div3A_90, %rem3A_112 : i32
          %dma_wait3A_114 = arith.constant 0 : i32
          %dma_wait3A_115 = tpu.memref_slice %arg15[%rem3A_113, %dma_wait3A_114] : memref<3x2048xi32, #tpu.memory_space<vmem>> -> memref<1x2048xi32, #tpu.memory_space<vmem>>
          %dma_wait3A_116 = tpu.memref_squeeze %dma_wait3A_115 : memref<1x2048xi32, #tpu.memory_space<vmem>> -> memref<2048xi32, #tpu.memory_space<vmem>>
          %dma_wait3A_117 = arith.constant 3276800 : i32
          %dma_wait3A_118 = tpu.memref_slice %arg5[%dma_wait3A_117] : memref<6553600xi32, #tpu.memory_space<hbm>> -> memref<2048xi32, #tpu.memory_space<hbm>>
          %dma_wait3A_119 = arith.constant 0 : i32
          %dma_wait3A_120 = tpu.memref_slice %arg15[%rem3A_113, %dma_wait3A_119] : memref<3x2048xi32, #tpu.memory_space<vmem>> -> memref<1x2048xi32, #tpu.memory_space<vmem>>
          %dma_wait3A_121 = tpu.memref_squeeze %dma_wait3A_120 : memref<1x2048xi32, #tpu.memory_space<vmem>> -> memref<2048xi32, #tpu.memory_space<vmem>>
          %dma_wait3A_122 = arith.constant 3276800 : i32
          %dma_wait3A_123 = tpu.memref_slice %arg5[%dma_wait3A_122] : memref<6553600xi32, #tpu.memory_space<hbm>> -> memref<2048xi32, #tpu.memory_space<hbm>>
          tpu.wait_dma2 semaphore(%arg19 : memref<!tpu.dma_semaphore, #tpu.memory_space<semaphore_mem>>) src(%dma_wait3A_123 : memref<2048xi32, #tpu.memory_space<hbm>>) dst(%dma_wait3A_121 : memref<2048xi32, #tpu.memory_space<vmem>>)
          %add3A_124 = arith.constant 1 : i32
          %add3A_125 = arith.addi %div3A_90, %add3A_124 : i32
          %lt3A = arith.constant 100 : i32
          %lt3A_126 = arith.cmpi slt, %add3A_125, %lt3A : i32
          %convert_element_type3A_127 = arith.extui %lt3A_126 : i1 to i32
          %cond3A_128 = arith.constant 0 : i32
          %cond3A_129 = arith.cmpi ne, %convert_element_type3A_127, %cond3A_128 : i32
          scf.if %cond3A_129 {
            %add3A_130 = arith.constant 1 : i32
            %add3A_131 = arith.addi %div3A_90, %add3A_130 : i32
            %mul3A_132 = arith.constant 800 : i32
            %mul3A_133 = arith.muli %arg1, %mul3A_132 : i32
            %mul3A_134 = arith.constant 8 : i32
            %mul3A_135 = arith.muli %add3A_131, %mul3A_134 : i32
            %add3A_136 = arith.addi %mul3A_133, %mul3A_135 : i32
            %mul3A_137 = arith.constant 256 : i32
            %mul3A_138 = arith.muli %add3A_136, %mul3A_137 : i32
            %add3A_139 = arith.constant 3276800 : i32
            %add3A_140 = arith.addi %add3A_139, %mul3A_138 : i32
            %rem3A_141 = arith.constant 3 : i32
            %rem3A_142 = arith.remsi %add3A_131, %rem3A_141 : i32
            %dma_start3A_143 = arith.constant 0 : i32
            %dma_start3A_144 = tpu.memref_slice %arg15[%rem3A_142, %dma_start3A_143] : memref<3x2048xi32, #tpu.memory_space<vmem>> -> memref<1x2048xi32, #tpu.memory_space<vmem>>
            %dma_start3A_145 = tpu.memref_squeeze %dma_start3A_144 : memref<1x2048xi32, #tpu.memory_space<vmem>> -> memref<2048xi32, #tpu.memory_space<vmem>>
            %dma_start3A_146 = tpu.memref_slice %arg5[%add3A_140] : memref<6553600xi32, #tpu.memory_space<hbm>> -> memref<2048xi32, #tpu.memory_space<hbm>>
            %dma_start3A_147 = arith.constant 0 : i32
            %dma_start3A_148 = tpu.memref_slice %arg15[%rem3A_142, %dma_start3A_147] : memref<3x2048xi32, #tpu.memory_space<vmem>> -> memref<1x2048xi32, #tpu.memory_space<vmem>>
            %dma_start3A_149 = tpu.memref_squeeze %dma_start3A_148 : memref<1x2048xi32, #tpu.memory_space<vmem>> -> memref<2048xi32, #tpu.memory_space<vmem>>
            %dma_start3A_150 = tpu.memref_slice %arg5[%add3A_140] : memref<6553600xi32, #tpu.memory_space<hbm>> -> memref<2048xi32, #tpu.memory_space<hbm>>
            tpu.enqueue_dma source(%dma_start3A_150 : memref<2048xi32, #tpu.memory_space<hbm>>) target(%dma_start3A_149 : memref<2048xi32, #tpu.memory_space<vmem>>) target_semaphore(%arg19 : memref<!tpu.dma_semaphore, #tpu.memory_space<semaphore_mem>>)
          } else {
          }
        } else {
        }
        %rem3A_99 = arith.constant 3 : i32
        %rem3A_100 = arith.remsi %div3A_90, %rem3A_99 : i32
        %mul3A_101 = arith.constant 256 : i32
        %mul3A_102 = arith.muli %rem3A_92, %mul3A_101 : i32
        %dma_start3A_103 = tpu.memref_slice %arg15[%rem3A_100, %mul3A_102] : memref<3x2048xi32, #tpu.memory_space<vmem>> -> memref<1x256xi32, #tpu.memory_space<vmem>>
        %dma_start3A_104 = tpu.memref_squeeze %dma_start3A_103 : memref<1x256xi32, #tpu.memory_space<vmem>> -> memref<256xi32, #tpu.memory_space<vmem>>
        %dma_start3A_105 = arith.constant 0 : i32
        %dma_start3A_106 = arith.constant 0 : i32
        %dma_start3A_107 = tpu.memref_slice %arg13[%dma_start3A_105, %dma_start3A_106] : memref<100352x16xbf16, #tpu.memory_space<vmem_shared>> -> memref<100352x16xbf16, #tpu.memory_space<vmem_shared>>
        tpu.enqueue_indirect_dma source(%arg17 : memref<256x16xbf16, #tpu.memory_space<vmem>>) target(%dma_start3A_107 : memref<100352x16xbf16, #tpu.memory_space<vmem_shared>>) offsets(%dma_start3A_104 : memref<256xi32, #tpu.memory_space<vmem>>) semaphore(%arg20 : memref<!tpu.dma_semaphore, #tpu.memory_space<semaphore_mem>>) {add = true}
        %ge3A = arith.constant 8 : i32
        %ge3A_108 = arith.cmpi sge, %add3A_89, %ge3A : i32
        %convert_element_type3A_109 = arith.extui %ge3A_108 : i1 to i32
        %cond3A_110 = arith.constant 0 : i32
        %cond3A_111 = arith.cmpi ne, %convert_element_type3A_109, %cond3A_110 : i32
        scf.if %cond3A_111 {
          %dma_wait3A_112 = arith.constant 0 : i32
          %dma_wait3A_113 = arith.constant 0 : i32
          %dma_wait3A_114 = tpu.memref_slice %arg15[%dma_wait3A_112, %dma_wait3A_113] : memref<3x2048xi32, #tpu.memory_space<vmem>> -> memref<1x256xi32, #tpu.memory_space<vmem>>
          %dma_wait3A_115 = tpu.memref_squeeze %dma_wait3A_114 : memref<1x256xi32, #tpu.memory_space<vmem>> -> memref<256xi32, #tpu.memory_space<vmem>>
          %dma_wait3A_116 = arith.constant 0 : i32
          %dma_wait3A_117 = arith.constant 0 : i32
          %dma_wait3A_118 = tpu.memref_slice %arg13[%dma_wait3A_116, %dma_wait3A_117] : memref<100352x16xbf16, #tpu.memory_space<vmem_shared>> -> memref<100352x16xbf16, #tpu.memory_space<vmem_shared>>
          tpu.wait_indirect_dma semaphore(%arg20 : memref<!tpu.dma_semaphore, #tpu.memory_space<semaphore_mem>>) src(%arg17 : memref<256x16xbf16, #tpu.memory_space<vmem>>) dst(%dma_wait3A_118 : memref<100352x16xbf16, #tpu.memory_space<vmem_shared>>)
        } else {
        }
      }
      %scan3A_78 = arith.constant 800 : i32
      %scan3A_79 = arith.constant 0 : i32
      %scan3A_80 = arith.constant 8 : i32
      %scan3A_81 = arith.addi %scan3A_79, %scan3A_80 : i32
      %scan3A_82 = arith.constant 1 : i32
      scf.for %scan3A_85 = %scan3A_79 to %scan3A_81 step %scan3A_82  : i32 {
        %mul3A_86 = arith.constant 1 : i32
        %mul3A_87 = arith.muli %scan3A_85, %mul3A_86 : i32
        %add3A_88 = arith.constant 0 : i32
        %add3A_89 = arith.addi %add3A_88, %mul3A_87 : i32
        %dma_wait3A_90 = arith.constant 0 : i32
        %dma_wait3A_91 = arith.constant 0 : i32
        %dma_wait3A_92 = tpu.memref_slice %arg15[%dma_wait3A_90, %dma_wait3A_91] : memref<3x2048xi32, #tpu.memory_space<vmem>> -> memref<1x256xi32, #tpu.memory_space<vmem>>
        %dma_wait3A_93 = tpu.memref_squeeze %dma_wait3A_92 : memref<1x256xi32, #tpu.memory_space<vmem>> -> memref<256xi32, #tpu.memory_space<vmem>>
        %dma_wait3A_94 = arith.constant 0 : i32
        %dma_wait3A_95 = arith.constant 0 : i32
        %dma_wait3A_96 = tpu.memref_slice %arg13[%dma_wait3A_94, %dma_wait3A_95] : memref<100352x16xbf16, #tpu.memory_space<vmem_shared>> -> memref<100352x16xbf16, #tpu.memory_space<vmem_shared>>
        tpu.wait_indirect_dma semaphore(%arg20 : memref<!tpu.dma_semaphore, #tpu.memory_space<semaphore_mem>>) src(%arg17 : memref<256x16xbf16, #tpu.memory_space<vmem>>) dst(%dma_wait3A_96 : memref<100352x16xbf16, #tpu.memory_space<vmem_shared>>)
      }
      %scan3A_83 = arith.constant 8 : i32
      %barrier3A_84 = arith.constant 0 : index
      tpu.barrier barrier_id(%barrier3A_84)
      "tpu.region"() ({
        %run_scoped3A = tpu.sem_alloc : memref<!tpu.dma_semaphore, #tpu.memory_space<semaphore_mem>>
        %dma_start3A_85 = arith.constant 0 : i32
        %dma_start3A_86 = tpu.memref_slice %arg12[%mul3A_0, %dma_start3A_85] : memref<100352x16xbf16, #tpu.memory_space<hbm>> -> memref<6272x16xbf16, #tpu.memory_space<hbm>>
        %dma_start3A_87 = arith.constant 0 : i32
        %dma_start3A_88 = tpu.memref_slice %arg13[%mul3A_0, %dma_start3A_87] : memref<100352x16xbf16, #tpu.memory_space<vmem_shared>> -> memref<6272x16xbf16, #tpu.memory_space<vmem_shared>>
        tpu.enqueue_dma source(%dma_start3A_88 : memref<6272x16xbf16, #tpu.memory_space<vmem_shared>>) target(%dma_start3A_86 : memref<6272x16xbf16, #tpu.memory_space<hbm>>) target_semaphore(%run_scoped3A : memref<!tpu.dma_semaphore, #tpu.memory_space<semaphore_mem>>)
        %dma_wait3A_89 = arith.constant 0 : i32
        %dma_wait3A_90 = tpu.memref_slice %arg12[%mul3A_0, %dma_wait3A_89] : memref<100352x16xbf16, #tpu.memory_space<hbm>> -> memref<6272x16xbf16, #tpu.memory_space<hbm>>
        %dma_wait3A_91 = arith.constant 0 : i32
        %dma_wait3A_92 = tpu.memref_slice %arg13[%mul3A_0, %dma_wait3A_91] : memref<100352x16xbf16, #tpu.memory_space<vmem_shared>> -> memref<6272x16xbf16, #tpu.memory_space<vmem_shared>>
        tpu.wait_dma2 semaphore(%run_scoped3A : memref<!tpu.dma_semaphore, #tpu.memory_space<semaphore_mem>>) src(%dma_wait3A_92 : memref<6272x16xbf16, #tpu.memory_space<vmem_shared>>) dst(%dma_wait3A_90 : memref<6272x16xbf16, #tpu.memory_space<hbm>>)
        tpu.yield
      }) : () -> ()
    } else {
    }
    return
  }
}

module attributes {stable_mosaic.version = 14 : i64} {
  func.func @body(%arg0: i32, %arg1: memref<784x128xf32, #tpu.memory_space<vmem>>, %arg2: memref<784x128xf32, #tpu.memory_space<vmem>>, %arg3: memref<128x128xf32, #tpu.memory_space<vmem>>, %arg4: memref<784x128xf32, #tpu.memory_space<vmem>>) attributes {dimension_semantics = [#tpu.dimension_semantics<arbitrary>], iteration_bounds = array<i64: 16>, scalar_prefetch = 0 : i64, scratch_operands = 0 : i64, tpu.core_type = #tpu.core_type<tc>, window_params = [{transform_indices = @transform_0, window_bounds = array<i64: 784, 128>}, {transform_indices = @transform_1, window_bounds = array<i64: 784, 128>}, {pipeline_mode = #tpu.pipeline_mode<synchronous>, transform_indices = @transform_2, window_bounds = array<i64: 128, 128>}, {transform_indices = @transform_3, window_bounds = array<i64: 784, 128>}]} {
    %get3A = arith.constant 0 : index
    %get3A_0 = arith.constant 0 : index
    %get3A_1 = vector.load %arg2[%get3A, %get3A_0] : memref<784x128xf32, #tpu.memory_space<vmem>>, vector<784x128xf32>
    %add3A = arith.constant 1.000000e+00 : f32
    %add3A_2 = vector.broadcast %add3A : f32 to vector<784x128xf32>
    %add3A_3 = arith.addf %get3A_1, %add3A_2 : vector<784x128xf32>
    %rsqrt3A = math.rsqrt %add3A_3 : vector<784x128xf32>
    %get3A_4 = arith.constant 0 : index
    %get3A_5 = arith.constant 0 : index
    %get3A_6 = vector.load %arg1[%get3A_4, %get3A_5] : memref<784x128xf32, #tpu.memory_space<vmem>>, vector<784x128xf32>
    %get3A_7 = arith.constant 0 : index
    %get3A_8 = arith.constant 0 : index
    %get3A_9 = vector.load %arg3[%get3A_7, %get3A_8] : memref<128x128xf32, #tpu.memory_space<vmem>>, vector<128x128xf32>
    %dot_general3A = arith.constant dense<0.000000e+00> : vector<784x128xf32>
    %dot_general3A_10 = tpu.matmul %get3A_6, %get3A_9, %dot_general3A {dimension_numbers = #tpu.dot_dimension_numbers<[1], [0], [0], [1], [0, 0, 1, 1], [], []>, transpose_lhs_hint = false} : vector<784x128xf32>, vector<128x128xf32>, vector<784x128xf32> -> vector<784x128xf32>
    %mul3A = arith.mulf %dot_general3A_10, %rsqrt3A : vector<784x128xf32>
    %swap3A = arith.constant 0 : index
    %swap3A_11 = arith.constant 0 : index
    %swap3A_12 = vector.load %arg4[%swap3A, %swap3A_11] : memref<784x128xf32, #tpu.memory_space<vmem>>, vector<784x128xf32>
    tpu.vector_store %arg4[%swap3A, %swap3A_11], %mul3A {strides = array<i32>} : memref<784x128xf32, #tpu.memory_space<vmem>>, vector<784x128xf32>,
    return
  }
  func.func @transform_0(%arg0: i32) -> (i32, i32) {
    %c0_i32 = arith.constant 0 : i32
    %c0_i32_0 = arith.constant 0 : i32
    return %arg0, %c0_i32 : i32, i32
  }
  func.func @transform_1(%arg0: i32) -> (i32, i32) {
    %c0_i32 = arith.constant 0 : i32
    %c0_i32_0 = arith.constant 0 : i32
    return %arg0, %c0_i32 : i32, i32
  }
  func.func @transform_2(%arg0: i32) -> (i32, i32) {
    %c0_i32 = arith.constant 0 : i32
    %c0_i32_0 = arith.constant 0 : i32
    %c0_i32_1 = arith.constant 0 : i32
    return %c0_i32, %c0_i32_0 : i32, i32
  }
  func.func @transform_3(%arg0: i32) -> (i32, i32) {
    %c0_i32 = arith.constant 0 : i32
    %c0_i32_0 = arith.constant 0 : i32
    return %arg0, %c0_i32 : i32, i32
  }
}

module attributes {stable_mosaic.version = 14 : i64} {
  func.func @body(%arg0: i32, %arg1: memref<784x128xf32, #tpu.memory_space<vmem>>, %arg2: memref<784x128xf32, #tpu.memory_space<vmem>>, %arg3: memref<784x128xf32, #tpu.memory_space<vmem>>, %arg4: memref<128x128xf32, #tpu.memory_space<vmem>>, %arg5: memref<8x128xf32, #tpu.memory_space<vmem>>, %arg6: memref<784x128xf32, #tpu.memory_space<vmem>>) attributes {dimension_semantics = [#tpu.dimension_semantics<arbitrary>], iteration_bounds = array<i64: 16>, scalar_prefetch = 0 : i64, scratch_operands = 0 : i64, tpu.core_type = #tpu.core_type<tc>, window_params = [{transform_indices = @transform_0, window_bounds = array<i64: 784, 128>}, {transform_indices = @transform_1, window_bounds = array<i64: 784, 128>}, {transform_indices = @transform_2, window_bounds = array<i64: 784, 128>}, {pipeline_mode = #tpu.pipeline_mode<synchronous>, transform_indices = @transform_3, window_bounds = array<i64: 128, 128>}, {pipeline_mode = #tpu.pipeline_mode<synchronous>, transform_indices = @transform_4, window_bounds = array<i64: 8, 128>}, {transform_indices = @transform_5, window_bounds = array<i64: 784, 128>}]} {
    %get3A = arith.constant 0 : index
    %get3A_0 = arith.constant 0 : index
    %get3A_1 = vector.load %arg3[%get3A, %get3A_0] : memref<784x128xf32, #tpu.memory_space<vmem>>, vector<784x128xf32>
    %add3A = arith.constant 1.000000e+00 : f32
    %add3A_2 = vector.broadcast %add3A : f32 to vector<784x128xf32>
    %add3A_3 = arith.addf %get3A_1, %add3A_2 : vector<784x128xf32>
    %rsqrt3A = math.rsqrt %add3A_3 : vector<784x128xf32>
    %get3A_4 = arith.constant 0 : index
    %get3A_5 = arith.constant 0 : index
    %get3A_6 = vector.load %arg1[%get3A_4, %get3A_5] : memref<784x128xf32, #tpu.memory_space<vmem>>, vector<784x128xf32>
    %get3A_7 = arith.constant 0 : index
    %get3A_8 = arith.constant 0 : index
    %get3A_9 = vector.load %arg2[%get3A_7, %get3A_8] : memref<784x128xf32, #tpu.memory_space<vmem>>, vector<784x128xf32>
    %add3A_10 = arith.addf %get3A_6, %get3A_9 : vector<784x128xf32>
    %mul3A = arith.mulf %add3A_10, %rsqrt3A : vector<784x128xf32>
    %get3A_11 = arith.constant 0 : index
    %get3A_12 = arith.constant 0 : index
    %get3A_13 = vector.load %arg5[%get3A_11, %get3A_12] : memref<8x128xf32, #tpu.memory_space<vmem>>, vector<1x128xf32>
    %add3A_14 = vector.broadcast %get3A_13 : vector<1x128xf32> to vector<784x128xf32>
    %add3A_15 = arith.addf %mul3A, %add3A_14 : vector<784x128xf32>
    %max3A = arith.constant 0.000000e+00 : f32
    %max3A_16 = vector.broadcast %max3A : f32 to vector<784x128xf32>
    %max3A_17 = arith.maximumf %add3A_15, %max3A_16 : vector<784x128xf32>
    %get3A_18 = arith.constant 0 : index
    %get3A_19 = arith.constant 0 : index
    %get3A_20 = vector.load %arg4[%get3A_18, %get3A_19] : memref<128x128xf32, #tpu.memory_space<vmem>>, vector<128x128xf32>
    %dot_general3A = arith.constant dense<0.000000e+00> : vector<784x128xf32>
    %dot_general3A_21 = tpu.matmul %max3A_17, %get3A_20, %dot_general3A {dimension_numbers = #tpu.dot_dimension_numbers<[1], [0], [0], [1], [0, 0, 1, 1], [], []>, transpose_lhs_hint = false} : vector<784x128xf32>, vector<128x128xf32>, vector<784x128xf32> -> vector<784x128xf32>
    %mul3A_22 = arith.mulf %dot_general3A_21, %rsqrt3A : vector<784x128xf32>
    %swap3A = arith.constant 0 : index
    %swap3A_23 = arith.constant 0 : index
    %swap3A_24 = vector.load %arg6[%swap3A, %swap3A_23] : memref<784x128xf32, #tpu.memory_space<vmem>>, vector<784x128xf32>
    tpu.vector_store %arg6[%swap3A, %swap3A_23], %mul3A_22 {strides = array<i32>} : memref<784x128xf32, #tpu.memory_space<vmem>>, vector<784x128xf32>,
    return
  }
  func.func @transform_0(%arg0: i32) -> (i32, i32) {
    %c0_i32 = arith.constant 0 : i32
    %c0_i32_0 = arith.constant 0 : i32
    return %arg0, %c0_i32 : i32, i32
  }
  func.func @transform_1(%arg0: i32) -> (i32, i32) {
    %c0_i32 = arith.constant 0 : i32
    %c0_i32_0 = arith.constant 0 : i32
    return %arg0, %c0_i32 : i32, i32
  }
  func.func @transform_2(%arg0: i32) -> (i32, i32) {
    %c0_i32 = arith.constant 0 : i32
    %c0_i32_0 = arith.constant 0 : i32
    return %arg0, %c0_i32 : i32, i32
  }
  func.func @transform_3(%arg0: i32) -> (i32, i32) {
    %c0_i32 = arith.constant 0 : i32
    %c0_i32_0 = arith.constant 0 : i32
    %c0_i32_1 = arith.constant 0 : i32
    return %c0_i32, %c0_i32_0 : i32, i32
  }
  func.func @transform_4(%arg0: i32) -> (i32, i32) {
    %c0_i32 = arith.constant 0 : i32
    %c0_i32_0 = arith.constant 0 : i32
    %c0_i32_1 = arith.constant 0 : i32
    return %c0_i32, %c0_i32_0 : i32, i32
  }
  func.func @transform_5(%arg0: i32) -> (i32, i32) {
    %c0_i32 = arith.constant 0 : i32
    %c0_i32_0 = arith.constant 0 : i32
    return %arg0, %c0_i32 : i32, i32
  }
}

module attributes {stable_mosaic.version = 14 : i64} {
  func.func @body(%arg0: i32, %arg1: memref<784x128xf32, #tpu.memory_space<vmem>>, %arg2: memref<784x128xf32, #tpu.memory_space<vmem>>, %arg3: memref<784x128xf32, #tpu.memory_space<vmem>>, %arg4: memref<1x8x784xi32, #tpu.memory_space<vmem>>, %arg5: memref<784x128xf32, #tpu.memory_space<vmem>>, %arg6: memref<784x128xf32, #tpu.memory_space<vmem>>, %arg7: memref<784x128xf32, #tpu.memory_space<vmem>>, %arg8: memref<1x8x784xi32, #tpu.memory_space<vmem>>, %arg9: memref<8x128xf32, #tpu.memory_space<vmem>>, %arg10: memref<8x32xf32, #tpu.memory_space<vmem>>, %arg11: memref<8x8xf32, #tpu.memory_space<vmem>>, %arg12: memref<128x8xf32, #tpu.memory_space<vmem>>, %arg13: memref<128x16xf32, #tpu.memory_space<vmem>>, %arg14: memref<128x1xf32, #tpu.memory_space<vmem>>, %arg15: memref<128x16xf32, #tpu.memory_space<vmem>>, %arg16: memref<128x1xf32, #tpu.memory_space<vmem>>) attributes {dimension_semantics = [#tpu.dimension_semantics<arbitrary>], iteration_bounds = array<i64: 16>, scalar_prefetch = 0 : i64, scratch_operands = 4 : i64, tpu.core_type = #tpu.core_type<tc>, window_params = [{transform_indices = @transform_0, window_bounds = array<i64: 784, 128>}, {transform_indices = @transform_1, window_bounds = array<i64: 784, 128>}, {transform_indices = @transform_2, window_bounds = array<i64: 784, 128>}, {transform_indices = @transform_3, window_bounds = array<i64: 1, 8, 784>}, {transform_indices = @transform_4, window_bounds = array<i64: 784, 128>}, {transform_indices = @transform_5, window_bounds = array<i64: 784, 128>}, {transform_indices = @transform_6, window_bounds = array<i64: 784, 128>}, {transform_indices = @transform_7, window_bounds = array<i64: 1, 8, 784>}, {pipeline_mode = #tpu.pipeline_mode<synchronous>, transform_indices = @transform_8, window_bounds = array<i64: 8, 128>}, {pipeline_mode = #tpu.pipeline_mode<synchronous>, transform_indices = @transform_9, window_bounds = array<i64: 8, 32>}, {pipeline_mode = #tpu.pipeline_mode<synchronous>, transform_indices = @transform_10, window_bounds = array<i64: 8, 8>}, {pipeline_mode = #tpu.pipeline_mode<synchronous>, transform_indices = @transform_11, window_bounds = array<i64: 128, 8>}]} {
    %eq3A = arith.constant 0 : i32
    %eq3A_0 = arith.cmpi eq, %arg0, %eq3A : i32
    %convert_element_type3A = arith.extui %eq3A_0 : i1 to i32
    %cond3A = arith.constant 0 : i32
    %cond3A_1 = arith.cmpi ne, %convert_element_type3A, %cond3A : i32
    scf.if %cond3A_1 {
      %broadcast_in_dim3A_307 = arith.constant 0.000000e+00 : f32
      %broadcast_in_dim3A_308 = vector.broadcast %broadcast_in_dim3A_307 : f32 to vector<128x16xf32>
      %swap3A_309 = arith.constant 0 : index
      %swap3A_310 = arith.constant 0 : index
      %swap3A_311 = vector.load %arg13[%swap3A_309, %swap3A_310] : memref<128x16xf32, #tpu.memory_space<vmem>>, vector<128x16xf32>
      tpu.vector_store %arg13[%swap3A_309, %swap3A_310], %broadcast_in_dim3A_308 {strides = array<i32>} : memref<128x16xf32, #tpu.memory_space<vmem>>, vector<128x16xf32>,
      %broadcast_in_dim3A_312 = arith.constant 0.000000e+00 : f32
      %broadcast_in_dim3A_313 = vector.broadcast %broadcast_in_dim3A_312 : f32 to vector<128x1xf32>
      %swap3A_314 = arith.constant 0 : index
      %swap3A_315 = arith.constant 0 : index
      %swap3A_316 = vector.load %arg14[%swap3A_314, %swap3A_315] : memref<128x1xf32, #tpu.memory_space<vmem>>, vector<128x1xf32>
      tpu.vector_store %arg14[%swap3A_314, %swap3A_315], %broadcast_in_dim3A_313 {strides = array<i32>} : memref<128x1xf32, #tpu.memory_space<vmem>>, vector<128x1xf32>,
      %broadcast_in_dim3A_317 = arith.constant 0.000000e+00 : f32
      %broadcast_in_dim3A_318 = vector.broadcast %broadcast_in_dim3A_317 : f32 to vector<128x16xf32>
      %swap3A_319 = arith.constant 0 : index
      %swap3A_320 = arith.constant 0 : index
      %swap3A_321 = vector.load %arg15[%swap3A_319, %swap3A_320] : memref<128x16xf32, #tpu.memory_space<vmem>>, vector<128x16xf32>
      tpu.vector_store %arg15[%swap3A_319, %swap3A_320], %broadcast_in_dim3A_318 {strides = array<i32>} : memref<128x16xf32, #tpu.memory_space<vmem>>, vector<128x16xf32>,
      %broadcast_in_dim3A_322 = arith.constant 0.000000e+00 : f32
      %broadcast_in_dim3A_323 = vector.broadcast %broadcast_in_dim3A_322 : f32 to vector<128x1xf32>
      %swap3A_324 = arith.constant 0 : index
      %swap3A_325 = arith.constant 0 : index
      %swap3A_326 = vector.load %arg16[%swap3A_324, %swap3A_325] : memref<128x1xf32, #tpu.memory_space<vmem>>, vector<128x1xf32>
      tpu.vector_store %arg16[%swap3A_324, %swap3A_325], %broadcast_in_dim3A_323 {strides = array<i32>} : memref<128x1xf32, #tpu.memory_space<vmem>>, vector<128x1xf32>,
    } else {
    }
    %get3A = arith.constant 0 : index
    %get3A_2 = arith.constant 0 : index
    %get3A_3 = vector.load %arg3[%get3A, %get3A_2] : memref<784x128xf32, #tpu.memory_space<vmem>>, vector<784x128xf32>
    %add3A = arith.constant 1.000000e+00 : f32
    %add3A_4 = vector.broadcast %add3A : f32 to vector<784x128xf32>
    %add3A_5 = arith.addf %get3A_3, %add3A_4 : vector<784x128xf32>
    %rsqrt3A = math.rsqrt %add3A_5 : vector<784x128xf32>
    %get3A_6 = arith.constant 0 : index
    %get3A_7 = arith.constant 0 : index
    %get3A_8 = vector.load %arg1[%get3A_6, %get3A_7] : memref<784x128xf32, #tpu.memory_space<vmem>>, vector<784x128xf32>
    %get3A_9 = arith.constant 0 : index
    %get3A_10 = arith.constant 0 : index
    %get3A_11 = vector.load %arg2[%get3A_9, %get3A_10] : memref<784x128xf32, #tpu.memory_space<vmem>>, vector<784x128xf32>
    %add3A_12 = arith.addf %get3A_8, %get3A_11 : vector<784x128xf32>
    %mul3A = arith.mulf %add3A_12, %rsqrt3A : vector<784x128xf32>
    %get3A_13 = arith.constant 0 : index
    %get3A_14 = arith.constant 0 : index
    %get3A_15 = vector.load %arg9[%get3A_13, %get3A_14] : memref<8x128xf32, #tpu.memory_space<vmem>>, vector<1x128xf32>
    %add3A_16 = vector.broadcast %get3A_15 : vector<1x128xf32> to vector<784x128xf32>
    %add3A_17 = arith.addf %mul3A, %add3A_16 : vector<784x128xf32>
    %get3A_18 = arith.constant 0 : index
    %get3A_19 = arith.constant 0 : index
    %get3A_20 = arith.constant 0 : index
    %get3A_21 = vector.load %arg4[%get3A_18, %get3A_19, %get3A_20] : memref<1x8x784xi32, #tpu.memory_space<vmem>>, vector<1x8x784xi32>
    %get3A_22 = vector.shape_cast %get3A_21 : vector<1x8x784xi32> to vector<8x784xi32>
    %broadcast_in_dim3A = arith.constant 0.000000e+00 : f32
    %broadcast_in_dim3A_23 = vector.broadcast %broadcast_in_dim3A : f32 to vector<128x16xf32>
    %broadcast_in_dim3A_24 = arith.constant 0.000000e+00 : f32
    %broadcast_in_dim3A_25 = vector.broadcast %broadcast_in_dim3A_24 : f32 to vector<128x1xf32>
    %slice3A = vector.extract_strided_slice %get3A_22 {offsets = [0, 0], sizes = [1, 784], strides = [1, 1]} : vector<8x784xi32> to vector<1x784xi32>
    %iota3A = tpu.iota {dimensions = array<i32: 0>} : vector<128x784xi32>
    %eq3A_26 = vector.broadcast %slice3A : vector<1x784xi32> to vector<128x784xi32>
    %eq3A_27 = arith.cmpi eq, %iota3A, %eq3A_26 : vector<128x784xi32>
    %convert_element_type3A_28 = arith.extui %eq3A_27 : vector<128x784xi1> to vector<128x784xi32>
    %convert_element_type3A_29 = arith.sitofp %convert_element_type3A_28 : vector<128x784xi32> to vector<128x784xf32>
    %slice3A_30 = vector.extract_strided_slice %add3A_17 {offsets = [0, 0], sizes = [784, 16], strides = [1, 1]} : vector<784x128xf32> to vector<784x16xf32>
    %dot_general3A = arith.constant dense<0.000000e+00> : vector<128x16xf32>
    %dot_general3A_31 = tpu.matmul %convert_element_type3A_29, %slice3A_30, %dot_general3A {dimension_numbers = #tpu.dot_dimension_numbers<[1], [0], [0], [1], [0, 0, 1, 1], [], []>, transpose_lhs_hint = false} : vector<128x784xf32>, vector<784x16xf32>, vector<128x16xf32> -> vector<128x16xf32>
    %add3A_32 = arith.addf %broadcast_in_dim3A_23, %dot_general3A_31 : vector<128x16xf32>
    %reduce_sum3A = arith.constant dense<0.000000e+00> : vector<128xf32>
    %reduce_sum3A_33 = vector.multi_reduction <add>, %convert_element_type3A_29, %reduce_sum3A [1] : vector<128x784xf32> to vector<128xf32>
    %broadcast_in_dim3A_34 = vector.shape_cast %reduce_sum3A_33 : vector<128xf32> to vector<128x1xf32>
    %add3A_35 = arith.addf %broadcast_in_dim3A_25, %broadcast_in_dim3A_34 : vector<128x1xf32>
    %slice3A_36 = vector.extract_strided_slice %get3A_22 {offsets = [1, 0], sizes = [1, 784], strides = [1, 1]} : vector<8x784xi32> to vector<1x784xi32>
    %iota3A_37 = tpu.iota {dimensions = array<i32: 0>} : vector<128x784xi32>
    %eq3A_38 = vector.broadcast %slice3A_36 : vector<1x784xi32> to vector<128x784xi32>
    %eq3A_39 = arith.cmpi eq, %iota3A_37, %eq3A_38 : vector<128x784xi32>
    %convert_element_type3A_40 = arith.extui %eq3A_39 : vector<128x784xi1> to vector<128x784xi32>
    %convert_element_type3A_41 = arith.sitofp %convert_element_type3A_40 : vector<128x784xi32> to vector<128x784xf32>
    %slice3A_42 = vector.extract_strided_slice %add3A_17 {offsets = [0, 16], sizes = [784, 16], strides = [1, 1]} : vector<784x128xf32> to vector<784x16xf32>
    %dot_general3A_43 = arith.constant dense<0.000000e+00> : vector<128x16xf32>
    %dot_general3A_44 = tpu.matmul %convert_element_type3A_41, %slice3A_42, %dot_general3A_43 {dimension_numbers = #tpu.dot_dimension_numbers<[1], [0], [0], [1], [0, 0, 1, 1], [], []>, transpose_lhs_hint = false} : vector<128x784xf32>, vector<784x16xf32>, vector<128x16xf32> -> vector<128x16xf32>
    %add3A_45 = arith.addf %add3A_32, %dot_general3A_44 : vector<128x16xf32>
    %reduce_sum3A_46 = arith.constant dense<0.000000e+00> : vector<128xf32>
    %reduce_sum3A_47 = vector.multi_reduction <add>, %convert_element_type3A_41, %reduce_sum3A_46 [1] : vector<128x784xf32> to vector<128xf32>
    %broadcast_in_dim3A_48 = vector.shape_cast %reduce_sum3A_47 : vector<128xf32> to vector<128x1xf32>
    %add3A_49 = arith.addf %add3A_35, %broadcast_in_dim3A_48 : vector<128x1xf32>
    %slice3A_50 = vector.extract_strided_slice %get3A_22 {offsets = [2, 0], sizes = [1, 784], strides = [1, 1]} : vector<8x784xi32> to vector<1x784xi32>
    %iota3A_51 = tpu.iota {dimensions = array<i32: 0>} : vector<128x784xi32>
    %eq3A_52 = vector.broadcast %slice3A_50 : vector<1x784xi32> to vector<128x784xi32>
    %eq3A_53 = arith.cmpi eq, %iota3A_51, %eq3A_52 : vector<128x784xi32>
    %convert_element_type3A_54 = arith.extui %eq3A_53 : vector<128x784xi1> to vector<128x784xi32>
    %convert_element_type3A_55 = arith.sitofp %convert_element_type3A_54 : vector<128x784xi32> to vector<128x784xf32>
    %slice3A_56 = vector.extract_strided_slice %add3A_17 {offsets = [0, 32], sizes = [784, 16], strides = [1, 1]} : vector<784x128xf32> to vector<784x16xf32>
    %dot_general3A_57 = arith.constant dense<0.000000e+00> : vector<128x16xf32>
    %dot_general3A_58 = tpu.matmul %convert_element_type3A_55, %slice3A_56, %dot_general3A_57 {dimension_numbers = #tpu.dot_dimension_numbers<[1], [0], [0], [1], [0, 0, 1, 1], [], []>, transpose_lhs_hint = false} : vector<128x784xf32>, vector<784x16xf32>, vector<128x16xf32> -> vector<128x16xf32>
    %add3A_59 = arith.addf %add3A_45, %dot_general3A_58 : vector<128x16xf32>
    %reduce_sum3A_60 = arith.constant dense<0.000000e+00> : vector<128xf32>
    %reduce_sum3A_61 = vector.multi_reduction <add>, %convert_element_type3A_55, %reduce_sum3A_60 [1] : vector<128x784xf32> to vector<128xf32>
    %broadcast_in_dim3A_62 = vector.shape_cast %reduce_sum3A_61 : vector<128xf32> to vector<128x1xf32>
    %add3A_63 = arith.addf %add3A_49, %broadcast_in_dim3A_62 : vector<128x1xf32>
    %slice3A_64 = vector.extract_strided_slice %get3A_22 {offsets = [3, 0], sizes = [1, 784], strides = [1, 1]} : vector<8x784xi32> to vector<1x784xi32>
    %iota3A_65 = tpu.iota {dimensions = array<i32: 0>} : vector<128x784xi32>
    %eq3A_66 = vector.broadcast %slice3A_64 : vector<1x784xi32> to vector<128x784xi32>
    %eq3A_67 = arith.cmpi eq, %iota3A_65, %eq3A_66 : vector<128x784xi32>
    %convert_element_type3A_68 = arith.extui %eq3A_67 : vector<128x784xi1> to vector<128x784xi32>
    %convert_element_type3A_69 = arith.sitofp %convert_element_type3A_68 : vector<128x784xi32> to vector<128x784xf32>
    %slice3A_70 = vector.extract_strided_slice %add3A_17 {offsets = [0, 48], sizes = [784, 16], strides = [1, 1]} : vector<784x128xf32> to vector<784x16xf32>
    %dot_general3A_71 = arith.constant dense<0.000000e+00> : vector<128x16xf32>
    %dot_general3A_72 = tpu.matmul %convert_element_type3A_69, %slice3A_70, %dot_general3A_71 {dimension_numbers = #tpu.dot_dimension_numbers<[1], [0], [0], [1], [0, 0, 1, 1], [], []>, transpose_lhs_hint = false} : vector<128x784xf32>, vector<784x16xf32>, vector<128x16xf32> -> vector<128x16xf32>
    %add3A_73 = arith.addf %add3A_59, %dot_general3A_72 : vector<128x16xf32>
    %reduce_sum3A_74 = arith.constant dense<0.000000e+00> : vector<128xf32>
    %reduce_sum3A_75 = vector.multi_reduction <add>, %convert_element_type3A_69, %reduce_sum3A_74 [1] : vector<128x784xf32> to vector<128xf32>
    %broadcast_in_dim3A_76 = vector.shape_cast %reduce_sum3A_75 : vector<128xf32> to vector<128x1xf32>
    %add3A_77 = arith.addf %add3A_63, %broadcast_in_dim3A_76 : vector<128x1xf32>
    %slice3A_78 = vector.extract_strided_slice %get3A_22 {offsets = [4, 0], sizes = [1, 784], strides = [1, 1]} : vector<8x784xi32> to vector<1x784xi32>
    %iota3A_79 = tpu.iota {dimensions = array<i32: 0>} : vector<128x784xi32>
    %eq3A_80 = vector.broadcast %slice3A_78 : vector<1x784xi32> to vector<128x784xi32>
    %eq3A_81 = arith.cmpi eq, %iota3A_79, %eq3A_80 : vector<128x784xi32>
    %convert_element_type3A_82 = arith.extui %eq3A_81 : vector<128x784xi1> to vector<128x784xi32>
    %convert_element_type3A_83 = arith.sitofp %convert_element_type3A_82 : vector<128x784xi32> to vector<128x784xf32>
    %slice3A_84 = vector.extract_strided_slice %add3A_17 {offsets = [0, 64], sizes = [784, 16], strides = [1, 1]} : vector<784x128xf32> to vector<784x16xf32>
    %dot_general3A_85 = arith.constant dense<0.000000e+00> : vector<128x16xf32>
    %dot_general3A_86 = tpu.matmul %convert_element_type3A_83, %slice3A_84, %dot_general3A_85 {dimension_numbers = #tpu.dot_dimension_numbers<[1], [0], [0], [1], [0, 0, 1, 1], [], []>, transpose_lhs_hint = false} : vector<128x784xf32>, vector<784x16xf32>, vector<128x16xf32> -> vector<128x16xf32>
    %add3A_87 = arith.addf %add3A_73, %dot_general3A_86 : vector<128x16xf32>
    %reduce_sum3A_88 = arith.constant dense<0.000000e+00> : vector<128xf32>
    %reduce_sum3A_89 = vector.multi_reduction <add>, %convert_element_type3A_83, %reduce_sum3A_88 [1] : vector<128x784xf32> to vector<128xf32>
    %broadcast_in_dim3A_90 = vector.shape_cast %reduce_sum3A_89 : vector<128xf32> to vector<128x1xf32>
    %add3A_91 = arith.addf %add3A_77, %broadcast_in_dim3A_90 : vector<128x1xf32>
    %slice3A_92 = vector.extract_strided_slice %get3A_22 {offsets = [5, 0], sizes = [1, 784], strides = [1, 1]} : vector<8x784xi32> to vector<1x784xi32>
    %iota3A_93 = tpu.iota {dimensions = array<i32: 0>} : vector<128x784xi32>
    %eq3A_94 = vector.broadcast %slice3A_92 : vector<1x784xi32> to vector<128x784xi32>
    %eq3A_95 = arith.cmpi eq, %iota3A_93, %eq3A_94 : vector<128x784xi32>
    %convert_element_type3A_96 = arith.extui %eq3A_95 : vector<128x784xi1> to vector<128x784xi32>
    %convert_element_type3A_97 = arith.sitofp %convert_element_type3A_96 : vector<128x784xi32> to vector<128x784xf32>
    %slice3A_98 = vector.extract_strided_slice %add3A_17 {offsets = [0, 80], sizes = [784, 16], strides = [1, 1]} : vector<784x128xf32> to vector<784x16xf32>
    %dot_general3A_99 = arith.constant dense<0.000000e+00> : vector<128x16xf32>
    %dot_general3A_100 = tpu.matmul %convert_element_type3A_97, %slice3A_98, %dot_general3A_99 {dimension_numbers = #tpu.dot_dimension_numbers<[1], [0], [0], [1], [0, 0, 1, 1], [], []>, transpose_lhs_hint = false} : vector<128x784xf32>, vector<784x16xf32>, vector<128x16xf32> -> vector<128x16xf32>
    %add3A_101 = arith.addf %add3A_87, %dot_general3A_100 : vector<128x16xf32>
    %reduce_sum3A_102 = arith.constant dense<0.000000e+00> : vector<128xf32>
    %reduce_sum3A_103 = vector.multi_reduction <add>, %convert_element_type3A_97, %reduce_sum3A_102 [1] : vector<128x784xf32> to vector<128xf32>
    %broadcast_in_dim3A_104 = vector.shape_cast %reduce_sum3A_103 : vector<128xf32> to vector<128x1xf32>
    %add3A_105 = arith.addf %add3A_91, %broadcast_in_dim3A_104 : vector<128x1xf32>
    %slice3A_106 = vector.extract_strided_slice %get3A_22 {offsets = [6, 0], sizes = [1, 784], strides = [1, 1]} : vector<8x784xi32> to vector<1x784xi32>
    %iota3A_107 = tpu.iota {dimensions = array<i32: 0>} : vector<128x784xi32>
    %eq3A_108 = vector.broadcast %slice3A_106 : vector<1x784xi32> to vector<128x784xi32>
    %eq3A_109 = arith.cmpi eq, %iota3A_107, %eq3A_108 : vector<128x784xi32>
    %convert_element_type3A_110 = arith.extui %eq3A_109 : vector<128x784xi1> to vector<128x784xi32>
    %convert_element_type3A_111 = arith.sitofp %convert_element_type3A_110 : vector<128x784xi32> to vector<128x784xf32>
    %slice3A_112 = vector.extract_strided_slice %add3A_17 {offsets = [0, 96], sizes = [784, 16], strides = [1, 1]} : vector<784x128xf32> to vector<784x16xf32>
    %dot_general3A_113 = arith.constant dense<0.000000e+00> : vector<128x16xf32>
    %dot_general3A_114 = tpu.matmul %convert_element_type3A_111, %slice3A_112, %dot_general3A_113 {dimension_numbers = #tpu.dot_dimension_numbers<[1], [0], [0], [1], [0, 0, 1, 1], [], []>, transpose_lhs_hint = false} : vector<128x784xf32>, vector<784x16xf32>, vector<128x16xf32> -> vector<128x16xf32>
    %add3A_115 = arith.addf %add3A_101, %dot_general3A_114 : vector<128x16xf32>
    %reduce_sum3A_116 = arith.constant dense<0.000000e+00> : vector<128xf32>
    %reduce_sum3A_117 = vector.multi_reduction <add>, %convert_element_type3A_111, %reduce_sum3A_116 [1] : vector<128x784xf32> to vector<128xf32>
    %broadcast_in_dim3A_118 = vector.shape_cast %reduce_sum3A_117 : vector<128xf32> to vector<128x1xf32>
    %add3A_119 = arith.addf %add3A_105, %broadcast_in_dim3A_118 : vector<128x1xf32>
    %slice3A_120 = vector.extract_strided_slice %get3A_22 {offsets = [7, 0], sizes = [1, 784], strides = [1, 1]} : vector<8x784xi32> to vector<1x784xi32>
    %iota3A_121 = tpu.iota {dimensions = array<i32: 0>} : vector<128x784xi32>
    %eq3A_122 = vector.broadcast %slice3A_120 : vector<1x784xi32> to vector<128x784xi32>
    %eq3A_123 = arith.cmpi eq, %iota3A_121, %eq3A_122 : vector<128x784xi32>
    %convert_element_type3A_124 = arith.extui %eq3A_123 : vector<128x784xi1> to vector<128x784xi32>
    %convert_element_type3A_125 = arith.sitofp %convert_element_type3A_124 : vector<128x784xi32> to vector<128x784xf32>
    %slice3A_126 = vector.extract_strided_slice %add3A_17 {offsets = [0, 112], sizes = [784, 16], strides = [1, 1]} : vector<784x128xf32> to vector<784x16xf32>
    %dot_general3A_127 = arith.constant dense<0.000000e+00> : vector<128x16xf32>
    %dot_general3A_128 = tpu.matmul %convert_element_type3A_125, %slice3A_126, %dot_general3A_127 {dimension_numbers = #tpu.dot_dimension_numbers<[1], [0], [0], [1], [0, 0, 1, 1], [], []>, transpose_lhs_hint = false} : vector<128x784xf32>, vector<784x16xf32>, vector<128x16xf32> -> vector<128x16xf32>
    %add3A_129 = arith.addf %add3A_115, %dot_general3A_128 : vector<128x16xf32>
    %reduce_sum3A_130 = arith.constant dense<0.000000e+00> : vector<128xf32>
    %reduce_sum3A_131 = vector.multi_reduction <add>, %convert_element_type3A_125, %reduce_sum3A_130 [1] : vector<128x784xf32> to vector<128xf32>
    %broadcast_in_dim3A_132 = vector.shape_cast %reduce_sum3A_131 : vector<128xf32> to vector<128x1xf32>
    %add3A_133 = arith.addf %add3A_119, %broadcast_in_dim3A_132 : vector<128x1xf32>
    %get3A_134 = arith.constant 0 : index
    %get3A_135 = arith.constant 0 : index
    %get3A_136 = vector.load %arg13[%get3A_134, %get3A_135] : memref<128x16xf32, #tpu.memory_space<vmem>>, vector<128x16xf32>
    %add3A_137 = arith.addf %get3A_136, %add3A_129 : vector<128x16xf32>
    %swap3A = arith.constant 0 : index
    %swap3A_138 = arith.constant 0 : index
    %swap3A_139 = vector.load %arg13[%swap3A, %swap3A_138] : memref<128x16xf32, #tpu.memory_space<vmem>>, vector<128x16xf32>
    tpu.vector_store %arg13[%swap3A, %swap3A_138], %add3A_137 {strides = array<i32>} : memref<128x16xf32, #tpu.memory_space<vmem>>, vector<128x16xf32>,
    %get3A_140 = arith.constant 0 : index
    %get3A_141 = arith.constant 0 : index
    %get3A_142 = vector.load %arg14[%get3A_140, %get3A_141] : memref<128x1xf32, #tpu.memory_space<vmem>>, vector<128x1xf32>
    %add3A_143 = arith.addf %get3A_142, %add3A_133 : vector<128x1xf32>
    %swap3A_144 = arith.constant 0 : index
    %swap3A_145 = arith.constant 0 : index
    %swap3A_146 = vector.load %arg14[%swap3A_144, %swap3A_145] : memref<128x1xf32, #tpu.memory_space<vmem>>, vector<128x1xf32>
    tpu.vector_store %arg14[%swap3A_144, %swap3A_145], %add3A_143 {strides = array<i32>} : memref<128x1xf32, #tpu.memory_space<vmem>>, vector<128x1xf32>,
    %get3A_147 = arith.constant 0 : index
    %get3A_148 = arith.constant 0 : index
    %get3A_149 = vector.load %arg7[%get3A_147, %get3A_148] : memref<784x128xf32, #tpu.memory_space<vmem>>, vector<784x128xf32>
    %add3A_150 = arith.constant 1.000000e+00 : f32
    %add3A_151 = vector.broadcast %add3A_150 : f32 to vector<784x128xf32>
    %add3A_152 = arith.addf %get3A_149, %add3A_151 : vector<784x128xf32>
    %rsqrt3A_153 = math.rsqrt %add3A_152 : vector<784x128xf32>
    %get3A_154 = arith.constant 0 : index
    %get3A_155 = arith.constant 0 : index
    %get3A_156 = vector.load %arg5[%get3A_154, %get3A_155] : memref<784x128xf32, #tpu.memory_space<vmem>>, vector<784x128xf32>
    %get3A_157 = arith.constant 0 : index
    %get3A_158 = arith.constant 0 : index
    %get3A_159 = vector.load %arg6[%get3A_157, %get3A_158] : memref<784x128xf32, #tpu.memory_space<vmem>>, vector<784x128xf32>
    %add3A_160 = arith.addf %get3A_156, %get3A_159 : vector<784x128xf32>
    %mul3A_161 = arith.mulf %add3A_160, %rsqrt3A_153 : vector<784x128xf32>
    %get3A_162 = arith.constant 0 : index
    %get3A_163 = arith.constant 0 : index
    %get3A_164 = vector.load %arg9[%get3A_162, %get3A_163] : memref<8x128xf32, #tpu.memory_space<vmem>>, vector<1x128xf32>
    %add3A_165 = vector.broadcast %get3A_164 : vector<1x128xf32> to vector<784x128xf32>
    %add3A_166 = arith.addf %mul3A_161, %add3A_165 : vector<784x128xf32>
    %get3A_167 = arith.constant 0 : index
    %get3A_168 = arith.constant 0 : index
    %get3A_169 = arith.constant 0 : index
    %get3A_170 = vector.load %arg8[%get3A_167, %get3A_168, %get3A_169] : memref<1x8x784xi32, #tpu.memory_space<vmem>>, vector<1x8x784xi32>
    %get3A_171 = vector.shape_cast %get3A_170 : vector<1x8x784xi32> to vector<8x784xi32>
    %broadcast_in_dim3A_172 = arith.constant 0.000000e+00 : f32
    %broadcast_in_dim3A_173 = vector.broadcast %broadcast_in_dim3A_172 : f32 to vector<128x16xf32>
    %broadcast_in_dim3A_174 = arith.constant 0.000000e+00 : f32
    %broadcast_in_dim3A_175 = vector.broadcast %broadcast_in_dim3A_174 : f32 to vector<128x1xf32>
    %slice3A_176 = vector.extract_strided_slice %get3A_171 {offsets = [0, 0], sizes = [1, 784], strides = [1, 1]} : vector<8x784xi32> to vector<1x784xi32>
    %iota3A_177 = tpu.iota {dimensions = array<i32: 0>} : vector<128x784xi32>
    %eq3A_178 = vector.broadcast %slice3A_176 : vector<1x784xi32> to vector<128x784xi32>
    %eq3A_179 = arith.cmpi eq, %iota3A_177, %eq3A_178 : vector<128x784xi32>
    %convert_element_type3A_180 = arith.extui %eq3A_179 : vector<128x784xi1> to vector<128x784xi32>
    %convert_element_type3A_181 = arith.sitofp %convert_element_type3A_180 : vector<128x784xi32> to vector<128x784xf32>
    %slice3A_182 = vector.extract_strided_slice %add3A_166 {offsets = [0, 0], sizes = [784, 16], strides = [1, 1]} : vector<784x128xf32> to vector<784x16xf32>
    %dot_general3A_183 = arith.constant dense<0.000000e+00> : vector<128x16xf32>
    %dot_general3A_184 = tpu.matmul %convert_element_type3A_181, %slice3A_182, %dot_general3A_183 {dimension_numbers = #tpu.dot_dimension_numbers<[1], [0], [0], [1], [0, 0, 1, 1], [], []>, transpose_lhs_hint = false} : vector<128x784xf32>, vector<784x16xf32>, vector<128x16xf32> -> vector<128x16xf32>
    %add3A_185 = arith.addf %broadcast_in_dim3A_173, %dot_general3A_184 : vector<128x16xf32>
    %reduce_sum3A_186 = arith.constant dense<0.000000e+00> : vector<128xf32>
    %reduce_sum3A_187 = vector.multi_reduction <add>, %convert_element_type3A_181, %reduce_sum3A_186 [1] : vector<128x784xf32> to vector<128xf32>
    %broadcast_in_dim3A_188 = vector.shape_cast %reduce_sum3A_187 : vector<128xf32> to vector<128x1xf32>
    %add3A_189 = arith.addf %broadcast_in_dim3A_175, %broadcast_in_dim3A_188 : vector<128x1xf32>
    %slice3A_190 = vector.extract_strided_slice %get3A_171 {offsets = [1, 0], sizes = [1, 784], strides = [1, 1]} : vector<8x784xi32> to vector<1x784xi32>
    %iota3A_191 = tpu.iota {dimensions = array<i32: 0>} : vector<128x784xi32>
    %eq3A_192 = vector.broadcast %slice3A_190 : vector<1x784xi32> to vector<128x784xi32>
    %eq3A_193 = arith.cmpi eq, %iota3A_191, %eq3A_192 : vector<128x784xi32>
    %convert_element_type3A_194 = arith.extui %eq3A_193 : vector<128x784xi1> to vector<128x784xi32>
    %convert_element_type3A_195 = arith.sitofp %convert_element_type3A_194 : vector<128x784xi32> to vector<128x784xf32>
    %slice3A_196 = vector.extract_strided_slice %add3A_166 {offsets = [0, 16], sizes = [784, 16], strides = [1, 1]} : vector<784x128xf32> to vector<784x16xf32>
    %dot_general3A_197 = arith.constant dense<0.000000e+00> : vector<128x16xf32>
    %dot_general3A_198 = tpu.matmul %convert_element_type3A_195, %slice3A_196, %dot_general3A_197 {dimension_numbers = #tpu.dot_dimension_numbers<[1], [0], [0], [1], [0, 0, 1, 1], [], []>, transpose_lhs_hint = false} : vector<128x784xf32>, vector<784x16xf32>, vector<128x16xf32> -> vector<128x16xf32>
    %add3A_199 = arith.addf %add3A_185, %dot_general3A_198 : vector<128x16xf32>
    %reduce_sum3A_200 = arith.constant dense<0.000000e+00> : vector<128xf32>
    %reduce_sum3A_201 = vector.multi_reduction <add>, %convert_element_type3A_195, %reduce_sum3A_200 [1] : vector<128x784xf32> to vector<128xf32>
    %broadcast_in_dim3A_202 = vector.shape_cast %reduce_sum3A_201 : vector<128xf32> to vector<128x1xf32>
    %add3A_203 = arith.addf %add3A_189, %broadcast_in_dim3A_202 : vector<128x1xf32>
    %slice3A_204 = vector.extract_strided_slice %get3A_171 {offsets = [2, 0], sizes = [1, 784], strides = [1, 1]} : vector<8x784xi32> to vector<1x784xi32>
    %iota3A_205 = tpu.iota {dimensions = array<i32: 0>} : vector<128x784xi32>
    %eq3A_206 = vector.broadcast %slice3A_204 : vector<1x784xi32> to vector<128x784xi32>
    %eq3A_207 = arith.cmpi eq, %iota3A_205, %eq3A_206 : vector<128x784xi32>
    %convert_element_type3A_208 = arith.extui %eq3A_207 : vector<128x784xi1> to vector<128x784xi32>
    %convert_element_type3A_209 = arith.sitofp %convert_element_type3A_208 : vector<128x784xi32> to vector<128x784xf32>
    %slice3A_210 = vector.extract_strided_slice %add3A_166 {offsets = [0, 32], sizes = [784, 16], strides = [1, 1]} : vector<784x128xf32> to vector<784x16xf32>
    %dot_general3A_211 = arith.constant dense<0.000000e+00> : vector<128x16xf32>
    %dot_general3A_212 = tpu.matmul %convert_element_type3A_209, %slice3A_210, %dot_general3A_211 {dimension_numbers = #tpu.dot_dimension_numbers<[1], [0], [0], [1], [0, 0, 1, 1], [], []>, transpose_lhs_hint = false} : vector<128x784xf32>, vector<784x16xf32>, vector<128x16xf32> -> vector<128x16xf32>
    %add3A_213 = arith.addf %add3A_199, %dot_general3A_212 : vector<128x16xf32>
    %reduce_sum3A_214 = arith.constant dense<0.000000e+00> : vector<128xf32>
    %reduce_sum3A_215 = vector.multi_reduction <add>, %convert_element_type3A_209, %reduce_sum3A_214 [1] : vector<128x784xf32> to vector<128xf32>
    %broadcast_in_dim3A_216 = vector.shape_cast %reduce_sum3A_215 : vector<128xf32> to vector<128x1xf32>
    %add3A_217 = arith.addf %add3A_203, %broadcast_in_dim3A_216 : vector<128x1xf32>
    %slice3A_218 = vector.extract_strided_slice %get3A_171 {offsets = [3, 0], sizes = [1, 784], strides = [1, 1]} : vector<8x784xi32> to vector<1x784xi32>
    %iota3A_219 = tpu.iota {dimensions = array<i32: 0>} : vector<128x784xi32>
    %eq3A_220 = vector.broadcast %slice3A_218 : vector<1x784xi32> to vector<128x784xi32>
    %eq3A_221 = arith.cmpi eq, %iota3A_219, %eq3A_220 : vector<128x784xi32>
    %convert_element_type3A_222 = arith.extui %eq3A_221 : vector<128x784xi1> to vector<128x784xi32>
    %convert_element_type3A_223 = arith.sitofp %convert_element_type3A_222 : vector<128x784xi32> to vector<128x784xf32>
    %slice3A_224 = vector.extract_strided_slice %add3A_166 {offsets = [0, 48], sizes = [784, 16], strides = [1, 1]} : vector<784x128xf32> to vector<784x16xf32>
    %dot_general3A_225 = arith.constant dense<0.000000e+00> : vector<128x16xf32>
    %dot_general3A_226 = tpu.matmul %convert_element_type3A_223, %slice3A_224, %dot_general3A_225 {dimension_numbers = #tpu.dot_dimension_numbers<[1], [0], [0], [1], [0, 0, 1, 1], [], []>, transpose_lhs_hint = false} : vector<128x784xf32>, vector<784x16xf32>, vector<128x16xf32> -> vector<128x16xf32>
    %add3A_227 = arith.addf %add3A_213, %dot_general3A_226 : vector<128x16xf32>
    %reduce_sum3A_228 = arith.constant dense<0.000000e+00> : vector<128xf32>
    %reduce_sum3A_229 = vector.multi_reduction <add>, %convert_element_type3A_223, %reduce_sum3A_228 [1] : vector<128x784xf32> to vector<128xf32>
    %broadcast_in_dim3A_230 = vector.shape_cast %reduce_sum3A_229 : vector<128xf32> to vector<128x1xf32>
    %add3A_231 = arith.addf %add3A_217, %broadcast_in_dim3A_230 : vector<128x1xf32>
    %slice3A_232 = vector.extract_strided_slice %get3A_171 {offsets = [4, 0], sizes = [1, 784], strides = [1, 1]} : vector<8x784xi32> to vector<1x784xi32>
    %iota3A_233 = tpu.iota {dimensions = array<i32: 0>} : vector<128x784xi32>
    %eq3A_234 = vector.broadcast %slice3A_232 : vector<1x784xi32> to vector<128x784xi32>
    %eq3A_235 = arith.cmpi eq, %iota3A_233, %eq3A_234 : vector<128x784xi32>
    %convert_element_type3A_236 = arith.extui %eq3A_235 : vector<128x784xi1> to vector<128x784xi32>
    %convert_element_type3A_237 = arith.sitofp %convert_element_type3A_236 : vector<128x784xi32> to vector<128x784xf32>
    %slice3A_238 = vector.extract_strided_slice %add3A_166 {offsets = [0, 64], sizes = [784, 16], strides = [1, 1]} : vector<784x128xf32> to vector<784x16xf32>
    %dot_general3A_239 = arith.constant dense<0.000000e+00> : vector<128x16xf32>
    %dot_general3A_240 = tpu.matmul %convert_element_type3A_237, %slice3A_238, %dot_general3A_239 {dimension_numbers = #tpu.dot_dimension_numbers<[1], [0], [0], [1], [0, 0, 1, 1], [], []>, transpose_lhs_hint = false} : vector<128x784xf32>, vector<784x16xf32>, vector<128x16xf32> -> vector<128x16xf32>
    %add3A_241 = arith.addf %add3A_227, %dot_general3A_240 : vector<128x16xf32>
    %reduce_sum3A_242 = arith.constant dense<0.000000e+00> : vector<128xf32>
    %reduce_sum3A_243 = vector.multi_reduction <add>, %convert_element_type3A_237, %reduce_sum3A_242 [1] : vector<128x784xf32> to vector<128xf32>
    %broadcast_in_dim3A_244 = vector.shape_cast %reduce_sum3A_243 : vector<128xf32> to vector<128x1xf32>
    %add3A_245 = arith.addf %add3A_231, %broadcast_in_dim3A_244 : vector<128x1xf32>
    %slice3A_246 = vector.extract_strided_slice %get3A_171 {offsets = [5, 0], sizes = [1, 784], strides = [1, 1]} : vector<8x784xi32> to vector<1x784xi32>
    %iota3A_247 = tpu.iota {dimensions = array<i32: 0>} : vector<128x784xi32>
    %eq3A_248 = vector.broadcast %slice3A_246 : vector<1x784xi32> to vector<128x784xi32>
    %eq3A_249 = arith.cmpi eq, %iota3A_247, %eq3A_248 : vector<128x784xi32>
    %convert_element_type3A_250 = arith.extui %eq3A_249 : vector<128x784xi1> to vector<128x784xi32>
    %convert_element_type3A_251 = arith.sitofp %convert_element_type3A_250 : vector<128x784xi32> to vector<128x784xf32>
    %slice3A_252 = vector.extract_strided_slice %add3A_166 {offsets = [0, 80], sizes = [784, 16], strides = [1, 1]} : vector<784x128xf32> to vector<784x16xf32>
    %dot_general3A_253 = arith.constant dense<0.000000e+00> : vector<128x16xf32>
    %dot_general3A_254 = tpu.matmul %convert_element_type3A_251, %slice3A_252, %dot_general3A_253 {dimension_numbers = #tpu.dot_dimension_numbers<[1], [0], [0], [1], [0, 0, 1, 1], [], []>, transpose_lhs_hint = false} : vector<128x784xf32>, vector<784x16xf32>, vector<128x16xf32> -> vector<128x16xf32>
    %add3A_255 = arith.addf %add3A_241, %dot_general3A_254 : vector<128x16xf32>
    %reduce_sum3A_256 = arith.constant dense<0.000000e+00> : vector<128xf32>
    %reduce_sum3A_257 = vector.multi_reduction <add>, %convert_element_type3A_251, %reduce_sum3A_256 [1] : vector<128x784xf32> to vector<128xf32>
    %broadcast_in_dim3A_258 = vector.shape_cast %reduce_sum3A_257 : vector<128xf32> to vector<128x1xf32>
    %add3A_259 = arith.addf %add3A_245, %broadcast_in_dim3A_258 : vector<128x1xf32>
    %slice3A_260 = vector.extract_strided_slice %get3A_171 {offsets = [6, 0], sizes = [1, 784], strides = [1, 1]} : vector<8x784xi32> to vector<1x784xi32>
    %iota3A_261 = tpu.iota {dimensions = array<i32: 0>} : vector<128x784xi32>
    %eq3A_262 = vector.broadcast %slice3A_260 : vector<1x784xi32> to vector<128x784xi32>
    %eq3A_263 = arith.cmpi eq, %iota3A_261, %eq3A_262 : vector<128x784xi32>
    %convert_element_type3A_264 = arith.extui %eq3A_263 : vector<128x784xi1> to vector<128x784xi32>
    %convert_element_type3A_265 = arith.sitofp %convert_element_type3A_264 : vector<128x784xi32> to vector<128x784xf32>
    %slice3A_266 = vector.extract_strided_slice %add3A_166 {offsets = [0, 96], sizes = [784, 16], strides = [1, 1]} : vector<784x128xf32> to vector<784x16xf32>
    %dot_general3A_267 = arith.constant dense<0.000000e+00> : vector<128x16xf32>
    %dot_general3A_268 = tpu.matmul %convert_element_type3A_265, %slice3A_266, %dot_general3A_267 {dimension_numbers = #tpu.dot_dimension_numbers<[1], [0], [0], [1], [0, 0, 1, 1], [], []>, transpose_lhs_hint = false} : vector<128x784xf32>, vector<784x16xf32>, vector<128x16xf32> -> vector<128x16xf32>
    %add3A_269 = arith.addf %add3A_255, %dot_general3A_268 : vector<128x16xf32>
    %reduce_sum3A_270 = arith.constant dense<0.000000e+00> : vector<128xf32>
    %reduce_sum3A_271 = vector.multi_reduction <add>, %convert_element_type3A_265, %reduce_sum3A_270 [1] : vector<128x784xf32> to vector<128xf32>
    %broadcast_in_dim3A_272 = vector.shape_cast %reduce_sum3A_271 : vector<128xf32> to vector<128x1xf32>
    %add3A_273 = arith.addf %add3A_259, %broadcast_in_dim3A_272 : vector<128x1xf32>
    %slice3A_274 = vector.extract_strided_slice %get3A_171 {offsets = [7, 0], sizes = [1, 784], strides = [1, 1]} : vector<8x784xi32> to vector<1x784xi32>
    %iota3A_275 = tpu.iota {dimensions = array<i32: 0>} : vector<128x784xi32>
    %eq3A_276 = vector.broadcast %slice3A_274 : vector<1x784xi32> to vector<128x784xi32>
    %eq3A_277 = arith.cmpi eq, %iota3A_275, %eq3A_276 : vector<128x784xi32>
    %convert_element_type3A_278 = arith.extui %eq3A_277 : vector<128x784xi1> to vector<128x784xi32>
    %convert_element_type3A_279 = arith.sitofp %convert_element_type3A_278 : vector<128x784xi32> to vector<128x784xf32>
    %slice3A_280 = vector.extract_strided_slice %add3A_166 {offsets = [0, 112], sizes = [784, 16], strides = [1, 1]} : vector<784x128xf32> to vector<784x16xf32>
    %dot_general3A_281 = arith.constant dense<0.000000e+00> : vector<128x16xf32>
    %dot_general3A_282 = tpu.matmul %convert_element_type3A_279, %slice3A_280, %dot_general3A_281 {dimension_numbers = #tpu.dot_dimension_numbers<[1], [0], [0], [1], [0, 0, 1, 1], [], []>, transpose_lhs_hint = false} : vector<128x784xf32>, vector<784x16xf32>, vector<128x16xf32> -> vector<128x16xf32>
    %add3A_283 = arith.addf %add3A_269, %dot_general3A_282 : vector<128x16xf32>
    %reduce_sum3A_284 = arith.constant dense<0.000000e+00> : vector<128xf32>
    %reduce_sum3A_285 = vector.multi_reduction <add>, %convert_element_type3A_279, %reduce_sum3A_284 [1] : vector<128x784xf32> to vector<128xf32>
    %broadcast_in_dim3A_286 = vector.shape_cast %reduce_sum3A_285 : vector<128xf32> to vector<128x1xf32>
    %add3A_287 = arith.addf %add3A_273, %broadcast_in_dim3A_286 : vector<128x1xf32>
    %get3A_288 = arith.constant 0 : index
    %get3A_289 = arith.constant 0 : index
    %get3A_290 = vector.load %arg15[%get3A_288, %get3A_289] : memref<128x16xf32, #tpu.memory_space<vmem>>, vector<128x16xf32>
    %add3A_291 = arith.addf %get3A_290, %add3A_283 : vector<128x16xf32>
    %swap3A_292 = arith.constant 0 : index
    %swap3A_293 = arith.constant 0 : index
    %swap3A_294 = vector.load %arg15[%swap3A_292, %swap3A_293] : memref<128x16xf32, #tpu.memory_space<vmem>>, vector<128x16xf32>
    tpu.vector_store %arg15[%swap3A_292, %swap3A_293], %add3A_291 {strides = array<i32>} : memref<128x16xf32, #tpu.memory_space<vmem>>, vector<128x16xf32>,
    %get3A_295 = arith.constant 0 : index
    %get3A_296 = arith.constant 0 : index
    %get3A_297 = vector.load %arg16[%get3A_295, %get3A_296] : memref<128x1xf32, #tpu.memory_space<vmem>>, vector<128x1xf32>
    %add3A_298 = arith.addf %get3A_297, %add3A_287 : vector<128x1xf32>
    %swap3A_299 = arith.constant 0 : index
    %swap3A_300 = arith.constant 0 : index
    %swap3A_301 = vector.load %arg16[%swap3A_299, %swap3A_300] : memref<128x1xf32, #tpu.memory_space<vmem>>, vector<128x1xf32>
    tpu.vector_store %arg16[%swap3A_299, %swap3A_300], %add3A_298 {strides = array<i32>} : memref<128x1xf32, #tpu.memory_space<vmem>>, vector<128x1xf32>,
    %eq3A_302 = arith.constant 15 : i32
    %eq3A_303 = arith.cmpi eq, %arg0, %eq3A_302 : i32
    %convert_element_type3A_304 = arith.extui %eq3A_303 : i1 to i32
    %cond3A_305 = arith.constant 0 : i32
    %cond3A_306 = arith.cmpi ne, %convert_element_type3A_304, %cond3A_305 : i32
    scf.if %cond3A_306 {
      %get3A_307 = arith.constant 0 : index
      %get3A_308 = arith.constant 0 : index
      %get3A_309 = vector.load %arg13[%get3A_307, %get3A_308] : memref<128x16xf32, #tpu.memory_space<vmem>>, vector<128x16xf32>
      %get3A_310 = arith.constant 0 : index
      %get3A_311 = arith.constant 0 : index
      %get3A_312 = vector.load %arg14[%get3A_310, %get3A_311] : memref<128x1xf32, #tpu.memory_space<vmem>>, vector<128x1xf32>
      %max3A = arith.constant 1.000000e+00 : f32
      %max3A_313 = vector.broadcast %max3A : f32 to vector<128x1xf32>
      %max3A_314 = arith.maximumf %get3A_312, %max3A_313 : vector<128x1xf32>
      %div3A = vector.broadcast %max3A_314 : vector<128x1xf32> to vector<128x16xf32>
      %div3A_315 = arith.divf %get3A_309, %div3A : vector<128x16xf32>
      %get3A_316 = arith.constant 0 : index
      %get3A_317 = arith.constant 0 : index
      %get3A_318 = vector.load %arg15[%get3A_316, %get3A_317] : memref<128x16xf32, #tpu.memory_space<vmem>>, vector<128x16xf32>
      %get3A_319 = arith.constant 0 : index
      %get3A_320 = arith.constant 0 : index
      %get3A_321 = vector.load %arg16[%get3A_319, %get3A_320] : memref<128x1xf32, #tpu.memory_space<vmem>>, vector<128x1xf32>
      %max3A_322 = arith.constant 1.000000e+00 : f32
      %max3A_323 = vector.broadcast %max3A_322 : f32 to vector<128x1xf32>
      %max3A_324 = arith.maximumf %get3A_321, %max3A_323 : vector<128x1xf32>
      %div3A_325 = vector.broadcast %max3A_324 : vector<128x1xf32> to vector<128x16xf32>
      %div3A_326 = arith.divf %get3A_318, %div3A_325 : vector<128x16xf32>
      %concatenate3A = tpu.concatenate %div3A_315, %div3A_326 in 1 : vector<128x16xf32>, vector<128x16xf32> -> vector<128x32xf32>
      %get3A_327 = arith.constant 0 : index
      %get3A_328 = arith.constant 0 : index
      %get3A_329 = vector.load %arg10[%get3A_327, %get3A_328] : memref<8x32xf32, #tpu.memory_space<vmem>>, vector<8x32xf32>
      %dot_general3A_330 = arith.constant dense<0.000000e+00> : vector<128x8xf32>
      %dot_general3A_331 = tpu.matmul %concatenate3A, %get3A_329, %dot_general3A_330 {dimension_numbers = #tpu.dot_dimension_numbers<[1], [1], [0], [0], [0, 0, 1, 0], [], []>, transpose_lhs_hint = false} : vector<128x32xf32>, vector<8x32xf32>, vector<128x8xf32> -> vector<128x8xf32>
      %get3A_332 = arith.constant 0 : index
      %get3A_333 = arith.constant 0 : index
      %get3A_334 = vector.load %arg11[%get3A_332, %get3A_333] : memref<8x8xf32, #tpu.memory_space<vmem>>, vector<1x8xf32>
      %add3A_335 = vector.broadcast %get3A_334 : vector<1x8xf32> to vector<128x8xf32>
      %add3A_336 = arith.addf %dot_general3A_331, %add3A_335 : vector<128x8xf32>
      %swap3A_337 = arith.constant 0 : index
      %swap3A_338 = arith.constant 0 : index
      %swap3A_339 = vector.load %arg12[%swap3A_337, %swap3A_338] : memref<128x8xf32, #tpu.memory_space<vmem>>, vector<128x8xf32>
      tpu.vector_store %arg12[%swap3A_337, %swap3A_338], %add3A_336 {strides = array<i32>} : memref<128x8xf32, #tpu.memory_space<vmem>>, vector<128x8xf32>,
    } else {
    }
    return
  }
  func.func @transform_0(%arg0: i32) -> (i32, i32) {
    %c0_i32 = arith.constant 0 : i32
    %c0_i32_0 = arith.constant 0 : i32
    return %arg0, %c0_i32 : i32, i32
  }
  func.func @transform_1(%arg0: i32) -> (i32, i32) {
    %c0_i32 = arith.constant 0 : i32
    %c0_i32_0 = arith.constant 0 : i32
    return %arg0, %c0_i32 : i32, i32
  }
  func.func @transform_2(%arg0: i32) -> (i32, i32) {
    %c0_i32 = arith.constant 0 : i32
    %c0_i32_0 = arith.constant 0 : i32
    return %arg0, %c0_i32 : i32, i32
  }
  func.func @transform_3(%arg0: i32) -> (i32, i32, i32) {
    %c0_i32 = arith.constant 0 : i32
    %c0_i32_0 = arith.constant 0 : i32
    %c0_i32_1 = arith.constant 0 : i32
    return %arg0, %c0_i32, %c0_i32_0 : i32, i32, i32
  }
  func.func @transform_4(%arg0: i32) -> (i32, i32) {
    %c0_i32 = arith.constant 0 : i32
    %c0_i32_0 = arith.constant 0 : i32
    return %arg0, %c0_i32 : i32, i32
  }
  func.func @transform_5(%arg0: i32) -> (i32, i32) {
    %c0_i32 = arith.constant 0 : i32
    %c0_i32_0 = arith.constant 0 : i32
    return %arg0, %c0_i32 : i32, i32
  }
  func.func @transform_6(%arg0: i32) -> (i32, i32) {
    %c0_i32 = arith.constant 0 : i32
    %c0_i32_0 = arith.constant 0 : i32
    return %arg0, %c0_i32 : i32, i32
  }
  func.func @transform_7(%arg0: i32) -> (i32, i32, i32) {
    %c0_i32 = arith.constant 0 : i32
    %c0_i32_0 = arith.constant 0 : i32
    %c0_i32_1 = arith.constant 0 : i32
    return %arg0, %c0_i32, %c0_i32_0 : i32, i32, i32
  }
  func.func @transform_8(%arg0: i32) -> (i32, i32) {
    %c0_i32 = arith.constant 0 : i32
    %c0_i32_0 = arith.constant 0 : i32
    %c0_i32_1 = arith.constant 0 : i32
    return %c0_i32, %c0_i32_0 : i32, i32
  }
  func.func @transform_9(%arg0: i32) -> (i32, i32) {
    %c0_i32 = arith.constant 0 : i32
    %c0_i32_0 = arith.constant 0 : i32
    %c0_i32_1 = arith.constant 0 : i32
    return %c0_i32, %c0_i32_0 : i32, i32
  }
  func.func @transform_10(%arg0: i32) -> (i32, i32) {
    %c0_i32 = arith.constant 0 : i32
    %c0_i32_0 = arith.constant 0 : i32
    %c0_i32_1 = arith.constant 0 : i32
    return %c0_i32, %c0_i32_0 : i32, i32
  }
  func.func @transform_11(%arg0: i32) -> (i32, i32) {
    %c0_i32 = arith.constant 0 : i32
    %c0_i32_0 = arith.constant 0 : i32
    %c0_i32_1 = arith.constant 0 : i32
    return %c0_i32, %c0_i32_0 : i32, i32
  }
}

</mosaic_0001>

<sc_bundles>
// kernel: kernel.10.cloned.1.call-start
scs
__scs_entry_jumppad:
0x0: {  	(pc) =	sbr.rel $0x88, $3  }
0x1: {  	(tag) =	ssettag $0x0;
	lr =	simm.s32 $0x1  }
0x2: {  	[smem:$0x3F94] =	sst lr;
	_ =	strace $0xD0000000  }
0x3: {  	_ = 	snop  }
0x4: {  	_ = 	snop  }
0x5: {  	_ = 	snop  }
0x6: {  	_ = 	snop  }
0x7: {  	_ = 	snop  }
__scs_overlays_trampoline_lowered:
0x8: {  	[smem:$0x3FA3] =	sst s0  }
0x9: {  	[smem:$0x3FA4] =	sst s1  }
0xa: {  	[smem:$0x3FA5] =	sst s2  }
0xb: {  	[smem:$0x3FA6] =	sst s3  }
0xc: {  	[smem:$0x3FA7] =	sst s4  }
0xd: {  	[smem:$0x3FA8] =	sst s5  }
0xe: {  	[smem:$0x3FA9] =	sst s6  }
0xf: {  	[smem:$0x3FAA] =	sst s7  }
0x10: {  	[smem:$0x3FAB] =	sst s8  }
0x11: {  	[smem:$0x3FAC] =	sst s9;
	s0 =	simm.s32 @!p0 $0x0  }
0x12: {  	s1 =	sld [smem:$0x3F92];
	s0 =	simm.s32 @p0 $0x1  }
0x13: {  	[smem:$0x3FAD] =	sst s0;
	s0 =	simm.s32 @!p1 $0x0  }
0x14: {  	s2 =	sld [smem:$0x3F91];
	s0 =	simm.s32 @p1 $0x1  }
0x15: {  	[smem:$0x3FAE] =	sst s0;
	s0 =	simm.s32 @!p2 $0x0  }
0x16: {  	s3 =	sld [smem:$0x3FDB];
	s0 =	simm.s32 @p2 $0x1  }
0x17: {  	s4 =	simm.s32 $0x1BF5;
	[smem:$0x3FB0] =	sst s0  }
0x18: {  	s0 =	sld [smem:$0x3F93];
	_ =	swait.ge [sflag:s4], $0x0  }
0x19: {  	s7 =	sld [smem:$0x3F94]  }
0x1a: {  	s8 =	sadd.s32 $0xFFFFE003, lr  }
0x1b: {  	s9 =	sadd.s32 $0xFFFFFEF7, lr;
	s5 =	simm.s32 $0xFFFFFFFF;
	p2 =	slt.u32 s8, $0xFFFFF086  }
0x1c: {  	p1 =	slt.u32 s9, $0xF7A;
	s5 =	simm.s32 @!p2 $0x0  }
0x1d: {  	s5 =	simm.s32 @p1 $0x1;
	p0 =	seq.s32 s7, s2  }
0x1e: {  	s7 =	smul.u32 @!p0 $0xF7A, s2;
	p2 =	seq.s32 @!p0 s5, $0x0  }
0x1f: {  	s9 =	smul.u32 $0xF7A, s1;
	s8 =	simm.s32 @!p0 $0x1BF5;
	p2 =	por !p2, p0  }
0x20: {  	[sflag:s8] =	ssyncset.s32 @!p0 $0xFFFFF086;
	s6 =	sadd.s32 @!p0 s3, s7;
	s7 =	simm.s32 @!p0 $0x108  }
0x21: {  	s3 =	sadd.s32 s3, s9;
	s6 =	sadd.s32 @!p0 $0x88, s6;
	s7 =	simm.s32 @p2 $0x1082  }
0x22: {  	[simem:s7], [sflag:s8] =	dma.local @!p0 [hbm:s6], $0xF7A  }
0x23: {  	s9 =	sor.u32 $0xD0000000, s2;
	s6 =	simm.s32 $0x108;
	_ =	swait.ge @!p0 [sflag:s8], $0x0  }
0x24: {  	s3 =	sadd.s32 $0x88, s3;
	s6 =	simm.s32 @!p1 $0x1082;
	[sflag:s4] =	ssyncset.s32 $0xFFFFF086  }
0x25: {  	[simem:s6], [sflag:s4] =	dma.local [hbm:s3], $0xF7A  }
0x26: {  	[smem:$0x3F94] =	sst s1;
	(tag) =	ssettag s2;
	_ =	strace s9  }
0x27: {  	s1 =	sld [smem:$0x3FA4]  }
0x28: {  	s2 =	sld [smem:$0x3FA5]  }
0x29: {  	s4 =	sld [smem:$0x3FA7]  }
0x2a: {  	p0 =	seq.s32 s5, $0x0;
	s5 =	sld [smem:$0x3FA8]  }
0x2b: {  	s6 =	sld [smem:$0x3FA9]  }
0x2c: {  	s7 =	sld [smem:$0x3FAA]  }
0x2d: {  	s3 =	simm.s32 $0x108;
	s8 =	sld [smem:$0x3FAB]  }
0x2e: {  	s3 =	simm.s32 @!p0 $0x1082;
	s9 =	sld [smem:$0x3FAC]  }
0x2f: {  	lr =	sadd.s32 s0, s3;
	s0 =	sld [smem:$0x3FA3]  }
0x30: {  	s3 =	sld [smem:$0x3FA6]  }
0x31: {  	[smem:$0x3FAF] =	sst s10  }
0x32: {  	s10 =	sld [smem:$0x3FAD];
	_ =	sdelay $0x3  }
0x33: {  	p0 =	seq.s32 s10, $0x1;
	s10 =	sld [smem:$0x3FAF];
	_ =	sdelay $0x3  }
0x34: {  	[smem:$0x3FAF] =	sst s10  }
0x35: {  	s10 =	sld [smem:$0x3FAE];
	_ =	sdelay $0x3  }
0x36: {  	p1 =	seq.s32 s10, $0x1;
	s10 =	sld [smem:$0x3FAF];
	_ =	sdelay $0x3  }
0x37: {  	[smem:$0x3FAF] =	sst s10  }
0x38: {  	s10 =	sld [smem:$0x3FB0]  }
0x39: {  	_ = 	snop;
	(pc) =	sbr.ind lr, $3  }
0x3a: {  	_ = 	snop  }
0x3b: {  	_ = 	snop  }
0x3c: {  	p2 =	seq.s32 s10, $0x1;
	s10 =	sld [smem:$0x3FAF]  }
0x3d: {  	_ =	shalt  }
0x3e: {  	_ =	shalt  }
0x3f: {  	_ =	shalt  }
0x40: {  	_ =	shalt  }
0x41: {  	_ =	shalt  }
0x42: {  	_ =	shalt  }
0x43: {  	_ =	shalt  }
0x44: {  	_ =	shalt  }
0x45: {  	_ =	shalt  }
0x46: {  	_ =	shalt  }
0x47: {  	_ =	shalt  }
0x48: {  	_ =	shalt  }
0x49: {  	_ =	shalt  }
0x4a: {  	_ =	shalt  }
0x4b: {  	_ =	shalt  }
0x4c: {  	_ =	shalt  }
0x4d: {  	_ =	shalt  }
0x4e: {  	_ =	shalt  }
0x4f: {  	_ =	shalt  }
0x50: {  	_ =	shalt  }
0x51: {  	_ =	shalt  }
0x52: {  	_ =	shalt  }
0x53: {  	_ =	shalt  }
0x54: {  	_ =	shalt  }
0x55: {  	_ =	shalt  }
0x56: {  	_ =	shalt  }
0x57: {  	_ =	shalt  }
0x58: {  	_ =	shalt  }
0x59: {  	_ =	shalt  }
0x5a: {  	_ =	shalt  }
0x5b: {  	_ =	shalt  }
0x5c: {  	_ =	shalt  }
0x5d: {  	_ =	shalt  }
0x5e: {  	_ =	shalt  }
0x5f: {  	_ =	shalt  }
0x60: {  	_ =	shalt  }
0x61: {  	_ =	shalt  }
0x62: {  	_ =	shalt  }
0x63: {  	_ =	shalt  }
0x64: {  	_ =	shalt  }
0x65: {  	_ =	shalt  }
0x66: {  	_ =	shalt  }
0x67: {  	_ =	shalt  }
0x68: {  	_ =	shalt  }
0x69: {  	_ =	shalt  }
0x6a: {  	_ =	shalt  }
0x6b: {  	_ =	shalt  }
0x6c: {  	_ =	shalt  }
0x6d: {  	_ =	shalt  }
0x6e: {  	_ =	shalt  }
0x6f: {  	_ =	shalt  }
0x70: {  	_ =	shalt  }
0x71: {  	_ =	shalt  }
0x72: {  	_ =	shalt  }
0x73: {  	_ =	shalt  }
0x74: {  	_ =	shalt  }
0x75: {  	_ =	shalt  }
0x76: {  	_ =	shalt  }
0x77: {  	_ =	shalt  }
0x78: {  	_ =	shalt  }
0x79: {  	_ =	shalt  }
0x7a: {  	_ =	shalt  }
0x7b: {  	_ =	shalt  }
0x7c: {  	_ =	shalt  }
0x7d: {  	_ =	shalt  }
0x7e: {  	_ =	shalt  }
0x7f: {  	_ =	shalt  }
0x80: {  	_ =	shalt  }
0x81: {  	_ =	shalt  }
0x82: {  	_ =	shalt  }
0x83: {  	_ =	shalt  }
0x84: {  	_ =	shalt  }
0x85: {  	_ =	shalt  }
0x86: {  	_ =	shalt  }
0x87: {  	_ =	shalt  }
.Lfunc_end0:
.L_simem_size_0:
called_computation_lowered:
.L_overlay_start_0:
0x88: {  	s2 =	sld [smem:$0x3FD9]  }
0x89: {  	s3 =	sld [smem:$0x3FFE];
	_ =	sdelay $0x1  }
0x8a: {  	s1 =	srdreg.scid  }
0x8b: {  	s0 =	sand.u32 $0x1, s1  }
0x8c: {  	s16 =	sshll.u32 s0, $0xA;
	s2 =	sadd.s32 s3, s2  }
0x8d: {  	s2 =	sadd.s32 s2, s16  }
0x8e: {  	[smem:$0x3FBB] =	sst s2  }
0x8f: {  	_ = 	snop  }
0x90: {  	(tm) =	ssettm $0x1  }
0x91: {  	s17 =	sld [smem:$0x3FFB];
	_ =	sdelay $0x3  }
0x92: {  	_ =	strace s17  }
0x93: {  	s2 =	sld [smem:$0x3FFC];
	_ =	sdelay $0x3  }
0x94: {  	_ =	strace s2  }
0x95: {  	s2 =	sld [smem:$0x3FFD];
	_ =	sdelay $0x3  }
0x96: {  	_ =	strace s2  }
0x97: {  	_ =	strace $0x8FFFFFFF  }
0x98: {  	s18 =	sld [smem:$0x3FDB];
	_ =	sdelay $0x1  }
0x99: {  	s19 =	simm.s32 $_scs_section_size  }
0x9a: {  	s4 =	simm.s32 $_size__tile_overlayer_lowered;
	s5 =	simm.s32 $_tile_overlayer_lowered  }
0x9b: {  	s22 =	simm.s32 $0x1BFF;
	s21 =	sshll.u32 s5, $0x1;
	s2 =	sadd.s32 s19, s18  }
0x9c: {  	s6 =	simm.s32 $0x0;
	s20 =	sshll.u32 s4, $0x1;
	s4 =	sadd.s32 s21, s2  }
0x9d: {  	[timem:s6], [sflag:s22] =	dma.local [hbm:s4], s20  }
0x9e: {  	_ =	swait.ge [sflag:s22], s20  }
0x9f: {  	s3 =	ssub.s32 $0x0, s20;
	[sflag:s22] =	ssyncset.done $0x0  }
0xa0: {  	[sflag:s22] =	ssyncadd.s32 s3;
	_ =	sdelay $0x1  }
0xa1: {  	s23 =	simm.s32 $0x1B8B  }
0xa2: {  	_ =	swait.ge [sflag:s23], $0x1  }
0xa3: {  	[sflag:s23] =	ssyncset.done $0x0  }
0xa4: {  	s25 =	simm.s32 $0x1B8E;
	s24 =	sld [smem:$0x3FFE];
	[sflag:s23] =	ssyncadd.s32 $0xFFFFFFFF  }
0xa5: {  	s26 =	simm.s32 $execute0_lowered;
	[smem:$0x3FD2] =	sst s25  }
0xa6: {  	s4 =	sshll.u32 s26, $0x1;
	_ =	strace $0x80000046;
	[dreg:$0x1] =	wrdreg $0xFFFFFFFF  }
0xa7: {  	s28 =	simm.s32 $_size_execute0_lowered;
	s2 =	sadd.s32 s2, s4;
	[dreg:$0x0] =	wrdreg $0x0  }
0xa8: {  	s4 =	sshll.u32 s28, $0x1;
	[dreg:$0x2] =	wrdreg s2  }
0xa9: {  	[dreg:$0x3] =	wrdreg s4  }
0xaa: {  	[dreg:$0x4] =	wrdreg $0xC0  }
0xab: {  	_ =	task [dreg:s6], $0x5FFFF  }
0xac: {  	[dreg:$0x1] =	wrdreg $0xFFFFFFFF  }
0xad: {  	[dreg:$0x0] =	wrdreg $0x60  }
0xae: {  	[dreg:$0x2] =	wrdreg s24  }
0xaf: {  	[dreg:$0x3] =	wrdreg $0x0  }
0xb0: {  	[dreg:$0x4] =	wrdreg $0x9  }
0xb1: {  	_ =	task.clear_ibuf [dreg:s6], $0x5FFFF;
	_ =	strace $0x90000046  }
0xb2: {  	s29 =	simm.s32 $0x9;
	_ =	strace $0x80000048  }
0xb3: {  	_ =	swait.ge [sflag:s29], $0x1  }
0xb4: {  	[sflag:s29] =	ssyncadd.s32 $0xFFFFFFFF  }
0xb5: {  	_ =	strace $0x90000048  }
0xb6: {  	_ =	sfence  }
0xb7: {  	s30 =	sld [smem:$0x0];
	_ =	sdelay $0x2  }
0xb8: {  	s31 =	sshll.u32 s1, $0xD;
	s1 =	sshrl.u32 s1, $0x2  }
0xb9: {  	s3 =	sand.u32 $0x4000, s31;
	s1 =	sadd.s32 s1, s30  }
0xba: {  	s0 =	sor.u32 s3, s0;
	s1 =	sshll.u32 s1, $0x11  }
0xbb: {  	s0 =	sor.u32 s1, s0  }
0xbc: {  	s0 =	sadd.s32 $0x8F2B, s0  }
0xbd: {  	[sflag:s0] =	ssyncadd.remote.s32 $0x1  }
0xbe: {  	_ =	sfence.sel $0xFFFF  }
0xbf: {  	[dreg:$0x0] =	wrdreg $0xFFFFFFFF;
	(pc) =	sbr.abs _section_cstart, $3  }
0xc0: {  	[dreg:$0x1] =	wrdreg $0xFFFFFFFF  }
0xc1: {  	_ =	task.clear_ibuf [dreg:s6], $0x2FFFF;
	_ =	strace $0x9FFFFFFF  }
0xc2: {  	(tm) =	ssettm $0x7FFFFFFF  }
0xc3: {  	_ =	shalt  }
tec
execute0_lowered:
.L_overlay_start_1:
0x0: {  	(tag) =	ssettag $0x1  }
0x1: {  	s0 =	rddreg [dreg:$0x0]  }
0x2: {  	s2 =	rddreg [dreg:$0x1];
	s6 =	stileid.u32  }
0x3: {  	s3 =	simm.s32 $0x0;
	s11 =	srdreg.scid;
	s28 =	simm.s32 $0x10480  }
0x4: {  	s29 =	simm.s32 $0xC400;
	s30 =	simm.s32 $0x80;
	s1 =	smul.u32 $0x310, s6  }
0x5: {  	s31 =	simm.s32 $0xF480;
	[smem:$0x7FF] =	sst s3;
	s9 =	smul.u32 $0x18800, s6  }
0x6: {  	s4 =	sadd.s32 $0x1B1800, s0;
	s5 =	sadd.s32 $0xE9800, s0;
	s7 =	sadd.s32 $0xE2800, s0  }
0x7: {  	s25 =	sadd.s32 $0xE9600, s0;
	s14 =	sadd.s32 $0x68800, s0;
	s11 =	sand.u32 $0x1, s11  }
0x8: {  	s15 =	sadd.s32 $0x37800, s0;
	s26 =	sadd.s32 $0x1F000, s0;
	s16 =	smul.u32 $0x32000, s6  }
0x9: {  	s18 =	smul.u32 $0x3100, s6;
	_ =	strace $0x80000047;
	[dreg:$0x4] =	wrdreg s25  }
0xa: {  	[dreg:$0x5] =	wrdreg s26;
	s12 =	ssub.s32 $0x2, s11;
	p0 =	seq.s32 s11, $0x1  }
0xb: {  	s25 =	sshll.u32 s6, $0x6;
	s1 =	sadd.s32 s1, s0;
	s8 =	sshrl.u32 s9, $0x4  }
0xc: {  	s9 =	sshrl.u32 s9, $0x1;
	s13 =	sadd.s32 $0x320000, s16;
	s17 =	sshrl.u32 s16, $0x3  }
0xd: {  	s22 =	sadd.s32 $0x3000, s18;
	s25 =	sor.u32 $0x1C05, s25;
	s16 =	simm.s32 $0x0  }
0xe: {  	[dreg:$0x3] =	wrdreg s8;
	s10 =	sadd.s32 s8, s0;
	s0 =	sadd.s32 $0x6800, s0  }
0xf: {  	s8 =	sshrl.u32 s12, $0x1;
	s9 =	sadd.s32 s9, s2;
	s11 =	sshrl.u32 s13, $0x3  }
0x10: {  	s19 =	sadd.s32 $0xE6400, s1;
	s1 =	sadd.s32 $0xE3200, s1;
	[dreg:$0x6] =	wrdreg s0  }
0x11: {  	s24 =	sadd.s32 s14, s22;
	s0 =	ssub.s32 s12, s8;
	[dreg:$0x7] =	wrdreg s9  }
0x12: {  	s12 =	sadd.s32 $0xCA000, s10;
	[dreg:$0x8] =	wrdreg s19;
	s20 =	sadd.s32 s4, s11  }
0x13: {  	s10 =	sadd.s32 $0x64100, s17;
	[dreg:$0xb] =	wrdreg s1;
	s23 =	sadd.s32 s5, s11  }
0x14: {  	[dreg:$0xd] =	wrdreg s24;
	s1 =	sadd.s32 s15, s22;
	s22 =	sadd.s32 s18, s15  }
.Ltmp0:
0x15: {  	s9 =	simm.s32 $0x3;
	[dreg:$0x9] =	wrdreg s20;
	(pc) =	sbr.rel .LBB2_1-.Ltmp0, $4  }
0x16: {  	s15 =	simm.s32 $0x4;
	s21 =	sadd.s32 s4, s10;
	[dreg:$0xc] =	wrdreg s23  }
0x17: {  	[dreg:$0xe] =	wrdreg s1;
	s26 =	sadd.s32 s5, s10;
	s24 =	smax.u32 s0, $0x1  }
0x18: {  	s0 =	simm.s32 $0x1;
	[dreg:$0xa] =	wrdreg s21;
	s21 =	sadd.s32 s18, s14  }
0x19: {  	[dreg:$0xf] =	wrdreg s26;
	s26 =	simm.s32 $0x5;
	s14 =	simm.s32 $0x100  }
.LBB2_19:
0x1a: {  	s1 =	rddreg [dreg:$0x6]  }
.LBB2_20:
0x1b: {  	_ =	swait.ge [sflag:s15], $0x800  }
0x1c: {  	[sflag:s15] =	ssyncset.done $0x0  }
0x1d: {  	[sflag:s15] =	ssyncadd.s32 $0xFFFFF800  }
0x1e: {  	_ =	swait.ge [sflag:s15], $0x800  }
0x1f: {  	[sflag:s15] =	ssyncset.done $0x0  }
0x20: {  	[sflag:s15] =	ssyncadd.s32 $0xFFFFF800  }
0x21: {  	_ =	swait.ge [sflag:s15], $0x800  }
0x22: {  	[sflag:s15] =	ssyncset.done $0x0  }
0x23: {  	[sflag:s15] =	ssyncadd.s32 $0xFFFFF800  }
0x24: {  	_ =	swait.ge [sflag:s15], $0x800  }
0x25: {  	[sflag:s15] =	ssyncset.done $0x0  }
0x26: {  	[sflag:s15] =	ssyncadd.s32 $0xFFFFF800  }
0x27: {  	_ =	swait.ge [sflag:s15], $0x800  }
0x28: {  	[sflag:s15] =	ssyncset.done $0x0  }
0x29: {  	[sflag:s15] =	ssyncadd.s32 $0xFFFFF800  }
0x2a: {  	_ =	swait.ge [sflag:s15], $0x800  }
0x2b: {  	[sflag:s15] =	ssyncset.done $0x0  }
0x2c: {  	[sflag:s15] =	ssyncadd.s32 $0xFFFFF800  }
0x2d: {  	_ =	swait.ge [sflag:s15], $0x800  }
0x2e: {  	[sflag:s15] =	ssyncset.done $0x0  }
0x2f: {  	[sflag:s15] =	ssyncadd.s32 $0xFFFFF800  }
0x30: {  	_ =	swait.ge [sflag:s15], $0x800  }
0x31: {  	s16 =	sadd.s32 $0x1, s16;
	[sflag:s15] =	ssyncset.done $0x0  }
0x32: {  	p1 =	sne.s32 s16, s24;
	s6 =	rddreg [dreg:$0x3];
	[sflag:s15] =	ssyncadd.s32 $0xFFFFF800  }
.Ltmp1:
0x33: {  	s1 =	sadd.s32 s1, s6;
	[bflag:$0x0] =	sbarrier.arrive $0xFFFF;
	(pc) =	sbr.rel @!p1 .LBB2_21-.Ltmp1, $4  }
0x34: {  	[hbm:s1], [sflag:s25] =	dma.local [spmem:s17], $0x1880  }
0x35: {  	_ =	swait.ge [sflag:s26], $0x1880  }
0x36: {  	[sflag:s26] =	ssyncset.done $0x0  }
0x37: {  	[sflag:s26] =	ssyncadd.s32 $0xFFFFE780  }
.LBB2_1:
0x38: {  	s1 =	rddreg [dreg:$0x7]  }
0x39: {  	s17 =	sshrl.u32 s1, $0x3  }
0x3a: {  	[spmem:s17], [sflag:s25] =	dma.local [hbm:s12], $0x1880  }
0x3b: {  	_ =	swait.ge [sflag:s26], $0x1880  }
0x3c: {  	[sflag:s26] =	ssyncset.done $0x0  }
.Ltmp2:
0x3d: {  	s23 =	rddreg [dreg:$0x4];
	[sflag:s26] =	ssyncadd.s32 $0xFFFFE780;
	(pc) =	sbr.rel @!p0 .LBB2_2-.Ltmp2, $4  }
0x3e: {  	[tilespmem:s28], [sflag:$0x5] =	stream.linear.gather [hbm4b:s23+s3], $0x800, $0x38;
	[tilespmem:$0x10C80] =	vst v63  }
0x3f: {  	_ =	swait.ge [sflag:s26], $0x800  }
0x40: {  	[sflag:s26] =	ssyncset.done $0x0  }
0x41: {  	s1 =	simm.s32 $0x0;
	[sflag:s26] =	ssyncadd.s32 $0xFFFFF800  }
0x42: {  	s6 =	rddreg [dreg:$0xb]  }
0x43: {  	[tilespmem:s29], [sflag:$0x5] =	stream.linear.gather [hbm4b:s6+s1], $0x1880, $0x38;
	[tilespmem:$0x10C80] =	vst v63  }
0x44: {  	s19 =	sand.u32 $0x1, s1;
	_ =	swait.ge [sflag:s26], $0x1880  }
0x45: {  	s20 =	sxor.u32 $0x1, s19;
	[sflag:s26] =	ssyncset.done $0x0  }
0x46: {  	s8 =	simm.s32 $0xC480;
	s10 =	sshll.u32 s20, $0xB;
	[sflag:s26] =	ssyncadd.s32 $0xFFFFE780  }
0x47: {  	[tilespmem:s31], [sflag:$0x1] =	stream.indirect.gather [hbm4b:s7+s30], $0x10, s29, s30, $0xb8;
	[tilespmem:$0x10C80] =	vst v63  }
0x48: {  	s11 =	sadd.s32 $0x1, s19;
	s6 =	sadd.s32 $0x1, s20;
	s10 =	sor.u32 $0xF480, s10  }
0x49: {  	[tilespmem:s10], [sflag:s6] =	stream.indirect.gather [hbm4b:s7+s30], $0x10, s8, s30, $0xb8;
	[tilespmem:$0x10C80] =	vst v63  }
0x4a: {  	s23 =	simm.s32 $0x1;
	_ =	swait.ge [sflag:s11], $0x800  }
0x4b: {  	s18 =	sadd.s32 $0x100, s22;
	s1 =	sshll.u32 s19, $0xB;
	[sflag:s11] =	ssyncset.done $0x0  }
0x4c: {  	s19 =	simm.s32 $0xC500;
	s1 =	sor.u32 $0xF480, s1;
	[sflag:s11] =	ssyncadd.s32 $0xFFFFF800  }
0x4d: {  	[hbm4b:s22+s3] =	stream.linear.scatter [tilespmem:s1], [sflag:$0x5], $0x800, $0x38;
	[tilespmem:$0x10C80] =	vst v63  }
0x4e: {  	s10 =	simm.s32 $0x2;
	s1 =	sand.u32 $0x1, s23;
	_ =	swait.ge [sflag:s26], $0x800  }
0x4f: {  	s23 =	sxor.u32 $0x1, s1;
	s20 =	sshll.u32 s1, $0xB;
	[sflag:s26] =	ssyncset.done $0x0  }
.LBB2_12:
0x50: {  	s6 =	sshll.u32 s23, $0xB  }
0x51: {  	[sflag:s26] =	ssyncadd.s32 $0xFFFFF800;
	s8 =	smov.u32 s10;
	s11 =	sadd.s32 $0x1, s10  }
0x52: {  	s23 =	sadd.s32 $0x1, s23;
	s1 =	sadd.s32 $0x1, s1;
	s6 =	sor.u32 $0xF480, s6  }
0x53: {  	[tilespmem:s6], [sflag:s23] =	stream.indirect.gather [hbm4b:s7+s30], $0x10, s19, s30, $0xb8;
	[tilespmem:$0x10C80] =	vst v63  }
0x54: {  	p1 =	sne.s32 s10, $0x2F;
	_ =	swait.ge [sflag:s1], $0x800  }
.Ltmp3:
0x55: {  	s10 =	smov.u32 s11;
	[sflag:s1] =	ssyncset.done $0x0;
	(pc) =	sbr.rel @p1 .LBB2_12-.Ltmp3, $4  }
0x56: {  	s19 =	sadd.s32 $0x80, s19;
	[sflag:s1] =	ssyncadd.s32 $0xFFFFF800;
	s1 =	sor.u32 $0xF480, s20  }
0x57: {  	[hbm4b:s18+s3] =	stream.linear.scatter [tilespmem:s1], [sflag:$0x5], $0x800, $0x38;
	[tilespmem:$0x10C80] =	vst v63  }
0x58: {  	s1 =	sand.u32 $0x1, s8;
	s18 =	sadd.s32 $0x100, s18;
	_ =	swait.ge [sflag:s26], $0x800  }
0x59: {  	s23 =	sxor.u32 $0x1, s1;
	s20 =	sshll.u32 s1, $0xB;
	[sflag:s26] =	ssyncset.done $0x0  }
0x5a: {  	s6 =	sshll.u32 s23, $0xB;
	[sflag:s26] =	ssyncadd.s32 $0xFFFFF800  }
0x5b: {  	s8 =	sadd.s32 $0x1, s23;
	s1 =	sadd.s32 $0x1, s1;
	s6 =	sor.u32 $0xF480, s6  }
0x5c: {  	[tilespmem:s6], [sflag:s8] =	stream.indirect.gather [hbm4b:s7+s30], $0x10, s19, s30, $0xb8;
	[tilespmem:$0x10C80] =	vst v63  }
0x5d: {  	_ =	swait.ge [sflag:s1], $0x800  }
0x5e: {  	[sflag:s1] =	ssyncset.done $0x0  }
0x5f: {  	s8 =	sor.u32 $0xF480, s20;
	[sflag:s1] =	ssyncadd.s32 $0xFFFFF800  }
0x60: {  	[hbm4b:s18+s3] =	stream.linear.scatter [tilespmem:s8], [sflag:$0x5], $0x800, $0x38;
	[tilespmem:$0x10C80] =	vst v63  }
0x61: {  	_ =	swait.ge [sflag:s26], $0x800  }
0x62: {  	[sflag:s26] =	ssyncset.done $0x0  }
0x63: {  	[sflag:s26] =	ssyncadd.s32 $0xFFFFF800  }
0x64: {  	_ =	swait.ge [sflag:s0], $0x800  }
0x65: {  	[sflag:s0] =	ssyncset.done $0x0  }
0x66: {  	s18 =	simm.s32 $0x0;
	s10 =	rddreg [dreg:$0xe];
	[sflag:s0] =	ssyncadd.s32 $0xFFFFF800  }
0x67: {  	[hbm4b:s10+s18] =	stream.linear.scatter [tilespmem:s31], [sflag:$0x5], $0x800, $0x38;
	[tilespmem:$0x10C80] =	vst v63  }
0x68: {  	_ =	swait.ge [sflag:s26], $0x800  }
0x69: {  	[sflag:s26] =	ssyncset.done $0x0  }
0x6a: {  	[sflag:s26] =	ssyncadd.s32 $0xFFFFF800  }
0x6b: {  	[bflag:$0x0] =	sbarrier.arrive $0xFFFF  }
0x6c: {  	s19 =	simm.s32 $0xDC80;
	s11 =	rddreg [dreg:$0xc]  }
0x6d: {  	[tilespmem:s19], [sflag:$0x3] =	stream.linear.gather [hbm4b:s11+s18], $0x800, $0x38;
	[tilespmem:$0x10C80] =	vst v63  }
.Ltmp4:
0x6e: {  	_ = 	snop;
	(pc) =	sbr.rel .LBB2_14-.Ltmp4, $4  }
0x6f: {  	_ =	swait.ge [sflag:s9], $0x800  }
0x70: {  	[sflag:s9] =	ssyncset.done $0x0  }
0x71: {  	s23 =	simm.s32 $0xE480;
	s20 =	rddreg [dreg:$0xf];
	[sflag:s9] =	ssyncadd.s32 $0xFFFFF800  }
0x72: {  	[tilespmem:s23], [sflag:$0x3] =	stream.linear.gather [hbm4b:s20+s18], $0x800, $0x38;
	[tilespmem:$0x10C80] =	vst v63  }
.LBB2_15:
0x73: {  	p1 =	sgt.u32 s18, $0x317  }
0x74: {  	s1 =	sadd.s32 @!p1 $0x1, s19  }
0x75: {  	s6 =	smul.u32 @!p1 $0xAB, s1;
	_ =	sdelay $0x1  }
0x76: {  	s6 =	sshrl.u32 @!p1 s6, $0x9  }
0x77: {  	s8 =	smul.u32 $0xAB, s19;
	s6 =	sand.u32 @!p1 $0x7F, s6  }
0x78: {  	_ =	swait.ge [sflag:s9], $0x800;
	s6 =	smul.u32 @!p1 $0x3, s6  }
0x79: {  	[sflag:s9] =	ssyncset.done $0x0;
	s10 =	simm.s32 @!p1 $0x0;
	s8 =	sshrl.u32 s8, $0x9  }
0x7a: {  	s8 =	sand.u32 $0x7F, s8;
	s6 =	ssub.s32 @!p1 s1, s6;
	s1 =	sshll.u32 @!p1 s1, $0xB  }
0x7b: {  	s8 =	smul.u32 $0x3, s8;
	s6 =	sand.u32 @!p1 $0xFF, s6;
	s1 =	sadd.s32 @!p1 s1, s13  }
0x7c: {  	[sflag:s9] =	ssyncadd.s32 $0xFFFFF800;
	s6 =	sshll.u32 @!p1 s6, $0xB;
	s1 =	sshrl.u32 @!p1 s1, $0x3  }
0x7d: {  	s23 =	ssub.s32 s19, s8;
	s6 =	sadd.s32 @!p1 $0xDC80, s6;
	s1 =	sadd.s32 @!p1 s5, s1  }
0x7e: {  	[tilespmem:s6], [sflag:$0x3] =	stream.linear.gather @!p1 [hbm4b:s1+s10], $0x800, $0x38;
	[tilespmem:$0x10C80] =	vst v63  }
0x7f: {  	s1 =	sand.u32 $0xFF, s23  }
0x80: {  	s1 =	sshll.u32 s1, $0xB  }
0x81: {  	s1 =	sadd.s32 $0xDC80, s1  }
0x82: {  	[spmem:s2] =	stream.indirect.scatter.add.bf16 [tilespmem:s28], [sflag:$0x4], $0x8, s1, s14, $0xb8;
	[tilespmem:$0x10C80] =	vst v63  }
.LBB2_17:
0x83: {  	_ =	swait.ge [sflag:s15], $0x800  }
0x84: {  	[sflag:s15] =	ssyncset.done $0x0  }
0x85: {  	[sflag:s15] =	ssyncadd.s32 $0xFFFFF800  }
.LBB2_18:
0x86: {  	s18 =	sadd.s32 $0x1, s18  }
0x87: {  	p1 =	sne.s32 s18, $0x320  }
.Ltmp5:
0x88: {  	_ = 	snop;
	(pc) =	sbr.rel @!p1 .LBB2_19-.Ltmp5, $1  }
0x89: {  	_ =	sdelay $0x3  }
.LBB2_14:
0x8a: {  	s1 =	sand.u32 $0x7, s18;
	p1 =	slt.u32 s18, $0x8  }
0x8b: {  	p2 =	sne.s32 @!p1 s1, $0x0  }
0x8c: {  	p2 =	por p1, p2  }
.Ltmp6:
0x8d: {  	_ = 	snop;
	(pc) =	sbr.rel @!p2 .LBB2_15-.Ltmp6, $2  }
0x8e: {  	_ =	sdelay $0x2  }
0x8f: {  	s19 =	sshrl.u32 s18, $0x3  }
0x90: {  	s6 =	smul.u32 $0xAB, s19;
	_ =	sdelay $0x1  }
0x91: {  	s6 =	sshrl.u32 s6, $0x9  }
0x92: {  	s6 =	sand.u32 $0x7F, s6  }
0x93: {  	s6 =	smul.u32 $0x3, s6;
	_ =	sdelay $0x1  }
0x94: {  	s6 =	ssub.s32 s19, s6  }
.Ltmp7:
0x95: {  	s6 =	sand.u32 $0xFF, s6;
	(pc) =	sbr.rel @p1 .LBB2_18-.Ltmp7, $4  }
.Ltmp8:
0x96: {  	s1 =	sshll.u32 s1, $0x8;
	s6 =	sshll.u32 s6, $0xB;
	(pc) =	sbr.rel @!p1 .LBB2_17-.Ltmp8, $4  }
0x97: {  	s1 =	sor.u32 s1, s6  }
0x98: {  	s1 =	sadd.s32 $0xDC80, s1  }
0x99: {  	[spmem:s2] =	stream.indirect.scatter.add.bf16 [tilespmem:s28], [sflag:$0x4], $0x8, s1, s14, $0xb8;
	[tilespmem:$0x10C80] =	vst v63  }
0x9a: {  	_ = 	snop  }
.LBB2_2:
0x9b: {  	s6 =	rddreg [dreg:$0x8]  }
0x9c: {  	[tilespmem:s29], [sflag:$0x5] =	stream.linear.gather [hbm4b:s6+s1], $0x1880, $0x38;
	[tilespmem:$0x10C80] =	vst v63  }
0x9d: {  	s11 =	sand.u32 $0x1, s1;
	_ =	swait.ge [sflag:s26], $0x1880  }
0x9e: {  	s10 =	sxor.u32 $0x1, s11;
	[sflag:s26] =	ssyncset.done $0x0  }
0x9f: {  	s18 =	simm.s32 $0xC480;
	s19 =	sshll.u32 s10, $0xB;
	[sflag:s26] =	ssyncadd.s32 $0xFFFFE780  }
0xa0: {  	[tilespmem:s31], [sflag:$0x1] =	stream.indirect.gather [hbm4b:s7+s30], $0x10, s29, s30, $0xb8;
	[tilespmem:$0x10C80] =	vst v63  }
0xa1: {  	s20 =	sadd.s32 $0x1, s11;
	s10 =	sadd.s32 $0x1, s10;
	s19 =	sor.u32 $0xF480, s19  }
0xa2: {  	[tilespmem:s19], [sflag:s10] =	stream.indirect.gather [hbm4b:s7+s30], $0x10, s18, s30, $0xb8;
	[tilespmem:$0x10C80] =	vst v63  }
0xa3: {  	s1 =	sshll.u32 s11, $0xB;
	_ =	swait.ge [sflag:s20], $0x800  }
0xa4: {  	s23 =	simm.s32 $0x1;
	s1 =	sor.u32 $0xF480, s1;
	[sflag:s20] =	ssyncset.done $0x0  }
0xa5: {  	s10 =	simm.s32 $0x2;
	s19 =	simm.s32 $0xC500;
	[sflag:s20] =	ssyncadd.s32 $0xFFFFF800  }
0xa6: {  	[hbm4b:s21+s3] =	stream.linear.scatter [tilespmem:s1], [sflag:$0x5], $0x800, $0x38;
	[tilespmem:$0x10C80] =	vst v63  }
0xa7: {  	s18 =	sadd.s32 $0x100, s21;
	s1 =	sand.u32 $0x1, s23;
	_ =	swait.ge [sflag:s26], $0x800  }
0xa8: {  	s23 =	sxor.u32 $0x1, s1;
	s20 =	sshll.u32 s1, $0xB;
	[sflag:s26] =	ssyncset.done $0x0  }
.LBB2_3:
0xa9: {  	s8 =	sshll.u32 s23, $0xB  }
0xaa: {  	[sflag:s26] =	ssyncadd.s32 $0xFFFFF800;
	s6 =	smov.u32 s10;
	s11 =	sadd.s32 $0x1, s10  }
0xab: {  	s23 =	sadd.s32 $0x1, s23;
	s1 =	sadd.s32 $0x1, s1;
	s8 =	sor.u32 $0xF480, s8  }
0xac: {  	[tilespmem:s8], [sflag:s23] =	stream.indirect.gather [hbm4b:s7+s30], $0x10, s19, s30, $0xb8;
	[tilespmem:$0x10C80] =	vst v63  }
0xad: {  	p1 =	sne.s32 s10, $0x2F;
	_ =	swait.ge [sflag:s1], $0x800  }
.Ltmp9:
0xae: {  	s10 =	smov.u32 s11;
	[sflag:s1] =	ssyncset.done $0x0;
	(pc) =	sbr.rel @p1 .LBB2_3-.Ltmp9, $4  }
0xaf: {  	s19 =	sadd.s32 $0x80, s19;
	[sflag:s1] =	ssyncadd.s32 $0xFFFFF800;
	s1 =	sor.u32 $0xF480, s20  }
0xb0: {  	[hbm4b:s18+s3] =	stream.linear.scatter [tilespmem:s1], [sflag:$0x5], $0x800, $0x38;
	[tilespmem:$0x10C80] =	vst v63  }
0xb1: {  	s1 =	sand.u32 $0x1, s6;
	s18 =	sadd.s32 $0x100, s18;
	_ =	swait.ge [sflag:s26], $0x800  }
0xb2: {  	s23 =	sxor.u32 $0x1, s1;
	s20 =	sshll.u32 s1, $0xB;
	[sflag:s26] =	ssyncset.done $0x0  }
0xb3: {  	s6 =	sshll.u32 s23, $0xB;
	[sflag:s26] =	ssyncadd.s32 $0xFFFFF800  }
0xb4: {  	s8 =	sadd.s32 $0x1, s23;
	s1 =	sadd.s32 $0x1, s1;
	s6 =	sor.u32 $0xF480, s6  }
0xb5: {  	[tilespmem:s6], [sflag:s8] =	stream.indirect.gather [hbm4b:s7+s30], $0x10, s19, s30, $0xb8;
	[tilespmem:$0x10C80] =	vst v63  }
0xb6: {  	_ =	swait.ge [sflag:s1], $0x800  }
0xb7: {  	[sflag:s1] =	ssyncset.done $0x0  }
0xb8: {  	s8 =	sor.u32 $0xF480, s20;
	[sflag:s1] =	ssyncadd.s32 $0xFFFFF800  }
0xb9: {  	[hbm4b:s18+s3] =	stream.linear.scatter [tilespmem:s8], [sflag:$0x5], $0x800, $0x38;
	[tilespmem:$0x10C80] =	vst v63  }
0xba: {  	_ =	swait.ge [sflag:s26], $0x800  }
0xbb: {  	[sflag:s26] =	ssyncset.done $0x0  }
0xbc: {  	[sflag:s26] =	ssyncadd.s32 $0xFFFFF800  }
0xbd: {  	_ =	swait.ge [sflag:s0], $0x800  }
0xbe: {  	[sflag:s0] =	ssyncset.done $0x0  }
0xbf: {  	s18 =	simm.s32 $0x0;
	s10 =	rddreg [dreg:$0xd];
	[sflag:s0] =	ssyncadd.s32 $0xFFFFF800  }
0xc0: {  	[hbm4b:s10+s18] =	stream.linear.scatter [tilespmem:s31], [sflag:$0x5], $0x800, $0x38;
	[tilespmem:$0x10C80] =	vst v63  }
0xc1: {  	_ =	swait.ge [sflag:s26], $0x800  }
0xc2: {  	[sflag:s26] =	ssyncset.done $0x0  }
0xc3: {  	[sflag:s26] =	ssyncadd.s32 $0xFFFFF800  }
0xc4: {  	[bflag:$0x0] =	sbarrier.arrive $0xFFFF  }
0xc5: {  	s19 =	simm.s32 $0xDC80;
	s11 =	rddreg [dreg:$0x9]  }
0xc6: {  	[tilespmem:s19], [sflag:$0x3] =	stream.linear.gather [hbm4b:s11+s18], $0x800, $0x38;
	[tilespmem:$0x10C80] =	vst v63  }
.Ltmp10:
0xc7: {  	_ = 	snop;
	(pc) =	sbr.rel .LBB2_5-.Ltmp10, $4  }
0xc8: {  	_ =	swait.ge [sflag:s9], $0x800  }
0xc9: {  	[sflag:s9] =	ssyncset.done $0x0  }
0xca: {  	s23 =	simm.s32 $0xE480;
	s20 =	rddreg [dreg:$0xa];
	[sflag:s9] =	ssyncadd.s32 $0xFFFFF800  }
0xcb: {  	[tilespmem:s23], [sflag:$0x3] =	stream.linear.gather [hbm4b:s20+s18], $0x800, $0x38;
	[tilespmem:$0x10C80] =	vst v63  }
.LBB2_6:
0xcc: {  	p1 =	sgt.u32 s18, $0x317  }
0xcd: {  	s1 =	sadd.s32 @!p1 $0x1, s19  }
0xce: {  	s6 =	smul.u32 @!p1 $0xAB, s1;
	_ =	sdelay $0x1  }
0xcf: {  	s6 =	sshrl.u32 @!p1 s6, $0x9  }
0xd0: {  	s8 =	smul.u32 $0xAB, s19;
	s6 =	sand.u32 @!p1 $0x7F, s6  }
0xd1: {  	_ =	swait.ge [sflag:s9], $0x800;
	s6 =	smul.u32 @!p1 $0x3, s6  }
0xd2: {  	[sflag:s9] =	ssyncset.done $0x0;
	s10 =	simm.s32 @!p1 $0x0;
	s8 =	sshrl.u32 s8, $0x9  }
0xd3: {  	s8 =	sand.u32 $0x7F, s8;
	s6 =	ssub.s32 @!p1 s1, s6;
	s1 =	sshll.u32 @!p1 s1, $0xB  }
0xd4: {  	s8 =	smul.u32 $0x3, s8;
	s6 =	sand.u32 @!p1 $0xFF, s6;
	s1 =	sadd.s32 @!p1 s1, s13  }
0xd5: {  	[sflag:s9] =	ssyncadd.s32 $0xFFFFF800;
	s6 =	sshll.u32 @!p1 s6, $0xB;
	s1 =	sshrl.u32 @!p1 s1, $0x3  }
0xd6: {  	s23 =	ssub.s32 s19, s8;
	s6 =	sadd.s32 @!p1 $0xDC80, s6;
	s1 =	sadd.s32 @!p1 s4, s1  }
0xd7: {  	[tilespmem:s6], [sflag:$0x3] =	stream.linear.gather @!p1 [hbm4b:s1+s10], $0x800, $0x38;
	[tilespmem:$0x10C80] =	vst v63  }
0xd8: {  	s1 =	sand.u32 $0xFF, s23  }
0xd9: {  	s1 =	sshll.u32 s1, $0xB  }
0xda: {  	s1 =	sadd.s32 $0xDC80, s1  }
0xdb: {  	[spmem:s2] =	stream.indirect.scatter.add.bf16 [tilespmem:s28], [sflag:$0x4], $0x8, s1, s14, $0xb8;
	[tilespmem:$0x10C80] =	vst v63  }
.LBB2_8:
0xdc: {  	_ =	swait.ge [sflag:s15], $0x800  }
0xdd: {  	[sflag:s15] =	ssyncset.done $0x0  }
0xde: {  	[sflag:s15] =	ssyncadd.s32 $0xFFFFF800  }
.LBB2_9:
0xdf: {  	s18 =	sadd.s32 $0x1, s18  }
0xe0: {  	p1 =	seq.s32 s18, $0x320  }
.Ltmp11:
0xe1: {  	_ = 	snop;
	(pc) =	sbr.rel @p1 .LBB2_10-.Ltmp11, $1  }
0xe2: {  	_ =	sdelay $0x3  }
.LBB2_5:
0xe3: {  	s1 =	sand.u32 $0x7, s18;
	p1 =	slt.u32 s18, $0x8  }
0xe4: {  	p2 =	sne.s32 @!p1 s1, $0x0  }
0xe5: {  	p2 =	por p1, p2  }
.Ltmp12:
0xe6: {  	_ = 	snop;
	(pc) =	sbr.rel @!p2 .LBB2_6-.Ltmp12, $2  }
0xe7: {  	_ =	sdelay $0x2  }
0xe8: {  	s19 =	sshrl.u32 s18, $0x3  }
0xe9: {  	s6 =	smul.u32 $0xAB, s19;
	_ =	sdelay $0x1  }
0xea: {  	s6 =	sshrl.u32 s6, $0x9  }
0xeb: {  	s6 =	sand.u32 $0x7F, s6  }
0xec: {  	s6 =	smul.u32 $0x3, s6;
	_ =	sdelay $0x1  }
0xed: {  	s6 =	ssub.s32 s19, s6  }
.Ltmp13:
0xee: {  	s6 =	sand.u32 $0xFF, s6;
	(pc) =	sbr.rel @p1 .LBB2_9-.Ltmp13, $4  }
.Ltmp14:
0xef: {  	s1 =	sshll.u32 s1, $0x8;
	s6 =	sshll.u32 s6, $0xB;
	(pc) =	sbr.rel @!p1 .LBB2_8-.Ltmp14, $4  }
0xf0: {  	s1 =	sor.u32 s1, s6  }
0xf1: {  	s1 =	sadd.s32 $0xDC80, s1  }
0xf2: {  	[spmem:s2] =	stream.indirect.scatter.add.bf16 [tilespmem:s28], [sflag:$0x4], $0x8, s1, s14, $0xb8;
	[tilespmem:$0x10C80] =	vst v63  }
0xf3: {  	_ = 	snop  }
.LBB2_10:
.Ltmp15:
0xf4: {  	(pc) =	sbr.rel .LBB2_20-.Ltmp15, $2  }
0xf5: {  	_ =	sdelay $0x2  }
0xf6: {  	s1 =	rddreg [dreg:$0x5]  }
.LBB2_21:
0xf7: {  	_ =	sfence.sel $0x180000  }
0xf8: {  	[bflag:$0x0] =	sbarrier.arrive $0xFFFF  }
0xf9: {  	_ =	strace $0x90000047  }
0xfa: {  	s0 =	stileid.u32;
	[bflag:$0x2] =	sbarrier.arrive $0xFFFF  }
0xfb: {  	p0 =	sne.s32 s0, $0x0;
	s0 =	rddreg [dreg:$0x2]  }
0xfc: {  	s0 =	sadd.s32 @!p0 $0x100000, s0  }
0xfd: {  	[sflag:s0] =	ssyncadd.tile.s32 @!p0 $0x1;
	_ =	shalt  }
.Lfunc_end2:
_tile_overlayer_lowered:
.L_overlay_start_2:
0xfe: {  	(tag) =	ssettag $0x2  }
0xff: {  	s0 =	rddreg [dreg:$0x0];
	s2 =	stileid.u32  }
0x100: {  	s1 =	rddreg [dreg:$0x1];
	p0 =	sne.s32 s2, $0x0  }
0x101: {  	s3 =	rddreg [dreg:$0x2];
	[bflag:$0x3] =	sbarrier.arrive $0xFFFF;
	s2 =	simm.s32 @!p0 $0x1C05  }
0x102: {  	[timem:s3], [sflag:s2] =	dma.local @!p0 [hbm:s0], s1  }
0x103: {  	s0 =	simm.s32 @!p0 $0x5  }
0x104: {  	_ =	swait.ge @!p0 [sflag:s0], s1  }
0x105: {  	s1 =	ssub.s32 @!p0 $0x0, s1;
	[sflag:s0] =	ssyncset.done @!p0 $0x0  }
0x106: {  	[sflag:s0] =	ssyncadd.s32 @!p0 s1  }
0x107: {  	[bflag:$0x3] =	sbarrier.arrive $0xFFFF  }
0x108: {  	_ =	shalt  }

// kernel: kernel.13.cloned.1.call-start
scs
__scs_entry_jumppad:
0x0: {  	(pc) =	sbr.rel $0x88, $3  }
0x1: {  	(tag) =	ssettag $0x0;
	lr =	simm.s32 $0x1  }
0x2: {  	[smem:$0x3F94] =	sst lr;
	_ =	strace $0xD0000000  }
0x3: {  	_ = 	snop  }
0x4: {  	_ = 	snop  }
0x5: {  	_ = 	snop  }
0x6: {  	_ = 	snop  }
0x7: {  	_ = 	snop  }
__scs_overlays_trampoline_lowered:
0x8: {  	[smem:$0x3FA3] =	sst s0  }
0x9: {  	[smem:$0x3FA4] =	sst s1  }
0xa: {  	[smem:$0x3FA5] =	sst s2  }
0xb: {  	[smem:$0x3FA6] =	sst s3  }
0xc: {  	[smem:$0x3FA7] =	sst s4  }
0xd: {  	[smem:$0x3FA8] =	sst s5  }
0xe: {  	[smem:$0x3FA9] =	sst s6  }
0xf: {  	[smem:$0x3FAA] =	sst s7  }
0x10: {  	[smem:$0x3FAB] =	sst s8  }
0x11: {  	[smem:$0x3FAC] =	sst s9;
	s0 =	simm.s32 @!p0 $0x0  }
0x12: {  	s1 =	sld [smem:$0x3F92];
	s0 =	simm.s32 @p0 $0x1  }
0x13: {  	[smem:$0x3FAD] =	sst s0;
	s0 =	simm.s32 @!p1 $0x0  }
0x14: {  	s2 =	sld [smem:$0x3F91];
	s0 =	simm.s32 @p1 $0x1  }
0x15: {  	[smem:$0x3FAE] =	sst s0;
	s0 =	simm.s32 @!p2 $0x0  }
0x16: {  	s3 =	sld [smem:$0x3FDB];
	s0 =	simm.s32 @p2 $0x1  }
0x17: {  	s4 =	simm.s32 $0x1BF5;
	[smem:$0x3FB0] =	sst s0  }
0x18: {  	s0 =	sld [smem:$0x3F93];
	_ =	swait.ge [sflag:s4], $0x0  }
0x19: {  	s7 =	sld [smem:$0x3F94]  }
0x1a: {  	s8 =	sadd.s32 $0xFFFFE003, lr  }
0x1b: {  	s9 =	sadd.s32 $0xFFFFFEF7, lr;
	s5 =	simm.s32 $0xFFFFFFFF;
	p2 =	slt.u32 s8, $0xFFFFF086  }
0x1c: {  	p1 =	slt.u32 s9, $0xF7A;
	s5 =	simm.s32 @!p2 $0x0  }
0x1d: {  	s5 =	simm.s32 @p1 $0x1;
	p0 =	seq.s32 s7, s2  }
0x1e: {  	s7 =	smul.u32 @!p0 $0xF7A, s2;
	p2 =	seq.s32 @!p0 s5, $0x0  }
0x1f: {  	s9 =	smul.u32 $0xF7A, s1;
	s8 =	simm.s32 @!p0 $0x1BF5;
	p2 =	por !p2, p0  }
0x20: {  	[sflag:s8] =	ssyncset.s32 @!p0 $0xFFFFF086;
	s6 =	sadd.s32 @!p0 s3, s7;
	s7 =	simm.s32 @!p0 $0x108  }
0x21: {  	s3 =	sadd.s32 s3, s9;
	s6 =	sadd.s32 @!p0 $0x88, s6;
	s7 =	simm.s32 @p2 $0x1082  }
0x22: {  	[simem:s7], [sflag:s8] =	dma.local @!p0 [hbm:s6], $0xF7A  }
0x23: {  	s9 =	sor.u32 $0xD0000000, s2;
	s6 =	simm.s32 $0x108;
	_ =	swait.ge @!p0 [sflag:s8], $0x0  }
0x24: {  	s3 =	sadd.s32 $0x88, s3;
	s6 =	simm.s32 @!p1 $0x1082;
	[sflag:s4] =	ssyncset.s32 $0xFFFFF086  }
0x25: {  	[simem:s6], [sflag:s4] =	dma.local [hbm:s3], $0xF7A  }
0x26: {  	[smem:$0x3F94] =	sst s1;
	(tag) =	ssettag s2;
	_ =	strace s9  }
0x27: {  	s1 =	sld [smem:$0x3FA4]  }
0x28: {  	s2 =	sld [smem:$0x3FA5]  }
0x29: {  	s4 =	sld [smem:$0x3FA7]  }
0x2a: {  	p0 =	seq.s32 s5, $0x0;
	s5 =	sld [smem:$0x3FA8]  }
0x2b: {  	s6 =	sld [smem:$0x3FA9]  }
0x2c: {  	s7 =	sld [smem:$0x3FAA]  }
0x2d: {  	s3 =	simm.s32 $0x108;
	s8 =	sld [smem:$0x3FAB]  }
0x2e: {  	s3 =	simm.s32 @!p0 $0x1082;
	s9 =	sld [smem:$0x3FAC]  }
0x2f: {  	lr =	sadd.s32 s0, s3;
	s0 =	sld [smem:$0x3FA3]  }
0x30: {  	s3 =	sld [smem:$0x3FA6]  }
0x31: {  	[smem:$0x3FAF] =	sst s10  }
0x32: {  	s10 =	sld [smem:$0x3FAD];
	_ =	sdelay $0x3  }
0x33: {  	p0 =	seq.s32 s10, $0x1;
	s10 =	sld [smem:$0x3FAF];
	_ =	sdelay $0x3  }
0x34: {  	[smem:$0x3FAF] =	sst s10  }
0x35: {  	s10 =	sld [smem:$0x3FAE];
	_ =	sdelay $0x3  }
0x36: {  	p1 =	seq.s32 s10, $0x1;
	s10 =	sld [smem:$0x3FAF];
	_ =	sdelay $0x3  }
0x37: {  	[smem:$0x3FAF] =	sst s10  }
0x38: {  	s10 =	sld [smem:$0x3FB0]  }
0x39: {  	_ = 	snop;
	(pc) =	sbr.ind lr, $3  }
0x3a: {  	_ = 	snop  }
0x3b: {  	_ = 	snop  }
0x3c: {  	p2 =	seq.s32 s10, $0x1;
	s10 =	sld [smem:$0x3FAF]  }
0x3d: {  	_ =	shalt  }
0x3e: {  	_ =	shalt  }
0x3f: {  	_ =	shalt  }
0x40: {  	_ =	shalt  }
0x41: {  	_ =	shalt  }
0x42: {  	_ =	shalt  }
0x43: {  	_ =	shalt  }
0x44: {  	_ =	shalt  }
0x45: {  	_ =	shalt  }
0x46: {  	_ =	shalt  }
0x47: {  	_ =	shalt  }
0x48: {  	_ =	shalt  }
0x49: {  	_ =	shalt  }
0x4a: {  	_ =	shalt  }
0x4b: {  	_ =	shalt  }
0x4c: {  	_ =	shalt  }
0x4d: {  	_ =	shalt  }
0x4e: {  	_ =	shalt  }
0x4f: {  	_ =	shalt  }
0x50: {  	_ =	shalt  }
0x51: {  	_ =	shalt  }
0x52: {  	_ =	shalt  }
0x53: {  	_ =	shalt  }
0x54: {  	_ =	shalt  }
0x55: {  	_ =	shalt  }
0x56: {  	_ =	shalt  }
0x57: {  	_ =	shalt  }
0x58: {  	_ =	shalt  }
0x59: {  	_ =	shalt  }
0x5a: {  	_ =	shalt  }
0x5b: {  	_ =	shalt  }
0x5c: {  	_ =	shalt  }
0x5d: {  	_ =	shalt  }
0x5e: {  	_ =	shalt  }
0x5f: {  	_ =	shalt  }
0x60: {  	_ =	shalt  }
0x61: {  	_ =	shalt  }
0x62: {  	_ =	shalt  }
0x63: {  	_ =	shalt  }
0x64: {  	_ =	shalt  }
0x65: {  	_ =	shalt  }
0x66: {  	_ =	shalt  }
0x67: {  	_ =	shalt  }
0x68: {  	_ =	shalt  }
0x69: {  	_ =	shalt  }
0x6a: {  	_ =	shalt  }
0x6b: {  	_ =	shalt  }
0x6c: {  	_ =	shalt  }
0x6d: {  	_ =	shalt  }
0x6e: {  	_ =	shalt  }
0x6f: {  	_ =	shalt  }
0x70: {  	_ =	shalt  }
0x71: {  	_ =	shalt  }
0x72: {  	_ =	shalt  }
0x73: {  	_ =	shalt  }
0x74: {  	_ =	shalt  }
0x75: {  	_ =	shalt  }
0x76: {  	_ =	shalt  }
0x77: {  	_ =	shalt  }
0x78: {  	_ =	shalt  }
0x79: {  	_ =	shalt  }
0x7a: {  	_ =	shalt  }
0x7b: {  	_ =	shalt  }
0x7c: {  	_ =	shalt  }
0x7d: {  	_ =	shalt  }
0x7e: {  	_ =	shalt  }
0x7f: {  	_ =	shalt  }
0x80: {  	_ =	shalt  }
0x81: {  	_ =	shalt  }
0x82: {  	_ =	shalt  }
0x83: {  	_ =	shalt  }
0x84: {  	_ =	shalt  }
0x85: {  	_ =	shalt  }
0x86: {  	_ =	shalt  }
0x87: {  	_ =	shalt  }
.Lfunc_end0:
.L_simem_size_0:
called_computation.1_lowered:
.L_overlay_start_0:
0x88: {  	s2 =	sld [smem:$0x3FD9]  }
0x89: {  	s3 =	sld [smem:$0x3FFE];
	_ =	sdelay $0x1  }
0x8a: {  	s1 =	srdreg.scid  }
0x8b: {  	s0 =	sand.u32 $0x1, s1  }
0x8c: {  	s16 =	sshll.u32 s0, $0xA;
	s2 =	sadd.s32 s3, s2  }
0x8d: {  	s2 =	sadd.s32 s2, s16  }
0x8e: {  	[smem:$0x3FBB] =	sst s2  }
0x8f: {  	_ = 	snop  }
0x90: {  	(tm) =	ssettm $0x1  }
0x91: {  	s17 =	sld [smem:$0x3FFB];
	_ =	sdelay $0x3  }
0x92: {  	_ =	strace s17  }
0x93: {  	s2 =	sld [smem:$0x3FFC];
	_ =	sdelay $0x3  }
0x94: {  	_ =	strace s2  }
0x95: {  	s2 =	sld [smem:$0x3FFD];
	_ =	sdelay $0x3  }
0x96: {  	_ =	strace s2  }
0x97: {  	_ =	strace $0x8FFFFFFF  }
0x98: {  	s18 =	sld [smem:$0x3FDB];
	_ =	sdelay $0x1  }
0x99: {  	s19 =	simm.s32 $_scs_section_size  }
0x9a: {  	s4 =	simm.s32 $_size__tile_overlayer_lowered;
	s5 =	simm.s32 $_tile_overlayer_lowered  }
0x9b: {  	s22 =	simm.s32 $0x1BFF;
	s21 =	sshll.u32 s5, $0x1;
	s2 =	sadd.s32 s19, s18  }
0x9c: {  	s6 =	simm.s32 $0x0;
	s20 =	sshll.u32 s4, $0x1;
	s4 =	sadd.s32 s21, s2  }
0x9d: {  	[timem:s6], [sflag:s22] =	dma.local [hbm:s4], s20  }
0x9e: {  	_ =	swait.ge [sflag:s22], s20  }
0x9f: {  	s3 =	ssub.s32 $0x0, s20;
	[sflag:s22] =	ssyncset.done $0x0  }
0xa0: {  	[sflag:s22] =	ssyncadd.s32 s3;
	_ =	sdelay $0x1  }
0xa1: {  	s23 =	simm.s32 $0x1B8B  }
0xa2: {  	_ =	swait.ge [sflag:s23], $0x1  }
0xa3: {  	[sflag:s23] =	ssyncset.done $0x0  }
0xa4: {  	s25 =	simm.s32 $0x1B8E;
	s24 =	sld [smem:$0x3FFE];
	[sflag:s23] =	ssyncadd.s32 $0xFFFFFFFF  }
0xa5: {  	s26 =	simm.s32 $execute0_lowered;
	[smem:$0x3FD2] =	sst s25  }
0xa6: {  	s4 =	sshll.u32 s26, $0x1;
	_ =	strace $0x80000049;
	[dreg:$0x1] =	wrdreg $0xFFFFFFFF  }
0xa7: {  	s28 =	simm.s32 $_size_execute0_lowered;
	s2 =	sadd.s32 s2, s4;
	[dreg:$0x0] =	wrdreg $0x0  }
0xa8: {  	s4 =	sshll.u32 s28, $0x1;
	[dreg:$0x2] =	wrdreg s2  }
0xa9: {  	[dreg:$0x3] =	wrdreg s4  }
0xaa: {  	[dreg:$0x4] =	wrdreg $0xC0  }
0xab: {  	_ =	task [dreg:s6], $0x5FFFF  }
0xac: {  	[dreg:$0x1] =	wrdreg $0xFFFFFFFF  }
0xad: {  	[dreg:$0x0] =	wrdreg $0x60  }
0xae: {  	[dreg:$0x2] =	wrdreg s24  }
0xaf: {  	[dreg:$0x3] =	wrdreg $0x0  }
0xb0: {  	[dreg:$0x4] =	wrdreg $0x9  }
0xb1: {  	_ =	task.clear_ibuf [dreg:s6], $0x5FFFF;
	_ =	strace $0x90000049  }
0xb2: {  	s29 =	simm.s32 $0x9;
	_ =	strace $0x8000004B  }
0xb3: {  	_ =	swait.ge [sflag:s29], $0x1  }
0xb4: {  	[sflag:s29] =	ssyncadd.s32 $0xFFFFFFFF  }
0xb5: {  	_ =	strace $0x9000004B  }
0xb6: {  	_ =	sfence  }
0xb7: {  	s30 =	sld [smem:$0x0];
	_ =	sdelay $0x2  }
0xb8: {  	s31 =	sshll.u32 s1, $0xD;
	s1 =	sshrl.u32 s1, $0x2  }
0xb9: {  	s3 =	sand.u32 $0x4000, s31;
	s1 =	sadd.s32 s1, s30  }
0xba: {  	s0 =	sor.u32 s3, s0;
	s1 =	sshll.u32 s1, $0x11  }
0xbb: {  	s0 =	sor.u32 s1, s0  }
0xbc: {  	s0 =	sadd.s32 $0x8F2B, s0  }
0xbd: {  	[sflag:s0] =	ssyncadd.remote.s32 $0x1  }
0xbe: {  	_ =	sfence.sel $0xFFFF  }
0xbf: {  	[dreg:$0x0] =	wrdreg $0xFFFFFFFF;
	(pc) =	sbr.abs _section_cstart, $3  }
0xc0: {  	[dreg:$0x1] =	wrdreg $0xFFFFFFFF  }
0xc1: {  	_ =	task.clear_ibuf [dreg:s6], $0x2FFFF;
	_ =	strace $0x9FFFFFFF  }
0xc2: {  	(tm) =	ssettm $0x7FFFFFFF  }
0xc3: {  	_ =	shalt  }
tec
execute0_lowered:
.L_overlay_start_1:
0x0: {  	(tag) =	ssettag $0x1  }
0x1: {  	s0 =	rddreg [dreg:$0x0]  }
0x2: {  	s2 =	rddreg [dreg:$0x1];
	s3 =	simm.s32 $0x0  }
0x3: {  	s8 =	stileid.u32;
	s9 =	srdreg.scid;
	s28 =	simm.s32 $0x9  }
0x4: {  	s31 =	simm.s32 $0x100;
	s17 =	simm.s32 $0x6;
	s29 =	simm.s32 $0x0  }
0x5: {  	[smem:$0x7FF] =	sst s3;
	s4 =	sadd.s32 $0x68800, s0;
	s1 =	smul.u32 $0x18800, s8  }
0x6: {  	s5 =	sadd.s32 $0x37800, s0;
	s6 =	sadd.s32 $0x1B1800, s0;
	s7 =	sadd.s32 $0xE9800, s0  }
0x7: {  	s10 =	sand.u32 $0x1, s9;
	s9 =	smul.u32 $0x32000, s8;
	s13 =	sadd.s32 $0x2DB800, s0  }
0x8: {  	s26 =	sshll.u32 s8, $0x6;
	_ =	strace $0x8000004A;
	s12 =	ssub.s32 $0x2, s10  }
0x9: {  	[dreg:$0x4] =	wrdreg s13;
	p0 =	seq.s32 s10, $0x1;
	s11 =	sshrl.u32 s1, $0x3  }
0xa: {  	s19 =	sshrl.u32 s12, $0x1;
	s20 =	sshrl.u32 s9, $0x3;
	[dreg:$0x3] =	wrdreg s11  }
0xb: {  	s11 =	sadd.s32 s11, s0;
	s0 =	sadd.s32 $0x2AA800, s0;
	s21 =	sadd.s32 $0x64000, s20  }
0xc: {  	s14 =	sadd.s32 s6, s20;
	s23 =	sadd.s32 $0x64100, s20;
	[dreg:$0x5] =	wrdreg s0  }
0xd: {  	s10 =	sadd.s32 s7, s20;
	s0 =	ssub.s32 s12, s19;
	[dreg:$0x6] =	wrdreg s14  }
0xe: {  	s12 =	sadd.s32 s1, s2;
	s22 =	sadd.s32 s6, s21;
	[dreg:$0xa] =	wrdreg s10  }
0xf: {  	s13 =	sadd.s32 $0x279800, s11;
	s14 =	sadd.s32 $0x100, s14;
	[dreg:$0x7] =	wrdreg s22  }
0x10: {  	s24 =	sadd.s32 s6, s23;
	s1 =	sadd.s32 s7, s21;
	[dreg:$0x8] =	wrdreg s14  }
.Ltmp0:
0x11: {  	s25 =	sadd.s32 $0x100, s10;
	[dreg:$0x9] =	wrdreg s24;
	(pc) =	sbr.rel .LBB2_1-.Ltmp0, $4  }
0x12: {  	s30 =	sadd.s32 s7, s23;
	s23 =	sor.u32 $0x1C0A, s26;
	[dreg:$0xb] =	wrdreg s1  }
0x13: {  	s11 =	simm.s32 $0x4;
	s26 =	simm.s32 $0x7;
	[dreg:$0xc] =	wrdreg s25  }
0x14: {  	s19 =	simm.s32 $0x8;
	[dreg:$0xd] =	wrdreg s30;
	s22 =	smax.u32 s0, $0x1  }
0x15: {  	s24 =	simm.s32 $0xA;
	s0 =	simm.s32 $0x3;
	s25 =	simm.s32 $0x5  }
.LBB2_15:
0x16: {  	_ =	swait.ge [sflag:s0], $0x1000  }
0x17: {  	[sflag:s0] =	ssyncset.done $0x0  }
0x18: {  	s1 =	simm.s32 $0x1A600;
	s8 =	simm.s32 $0x1D800;
	[sflag:s0] =	ssyncadd.s32 $0xFFFFF000  }
0x19: {  	[spmem:s2] =	stream.indirect.scatter.add.f32 [tilespmem:s8], [sflag:$0x7], $0x10, s1, s31, $0xb8;
	[tilespmem:$0x1F800] =	vst v63  }
0x1a: {  	_ =	swait.ge [sflag:s11], $0x1000  }
0x1b: {  	s21 =	simm.s32 $0x1A700;
	[sflag:s11] =	ssyncset.done $0x0  }
0x1c: {  	s30 =	simm.s32 $0x1E800;
	s1 =	rddreg [dreg:$0x5];
	[sflag:s11] =	ssyncadd.s32 $0xFFFFF000  }
0x1d: {  	[spmem:s2] =	stream.indirect.scatter.add.f32 [tilespmem:s30], [sflag:$0x8], $0x10, s21, s31, $0xb8;
	[tilespmem:$0x1F800] =	vst v63  }
.LBB2_16:
0x1e: {  	_ =	swait.ge [sflag:s25], $0x1000  }
0x1f: {  	[sflag:s25] =	ssyncset.done $0x0  }
0x20: {  	[sflag:s25] =	ssyncadd.s32 $0xFFFFF000  }
0x21: {  	_ =	swait.ge [sflag:s17], $0x1000  }
0x22: {  	[sflag:s17] =	ssyncset.done $0x0  }
0x23: {  	[sflag:s17] =	ssyncadd.s32 $0xFFFFF000  }
0x24: {  	_ =	swait.ge [sflag:s26], $0x1000  }
0x25: {  	[sflag:s26] =	ssyncset.done $0x0  }
0x26: {  	[sflag:s26] =	ssyncadd.s32 $0xFFFFF000  }
0x27: {  	_ =	swait.ge [sflag:s19], $0x1000  }
0x28: {  	s29 =	sadd.s32 $0x1, s29;
	[sflag:s19] =	ssyncset.done $0x0  }
0x29: {  	p1 =	sne.s32 s29, s22;
	s8 =	rddreg [dreg:$0x3];
	[sflag:s19] =	ssyncadd.s32 $0xFFFFF000  }
.Ltmp1:
0x2a: {  	s1 =	sadd.s32 s1, s8;
	[bflag:$0x0] =	sbarrier.arrive $0xFFFF;
	(pc) =	sbr.rel @!p1 .LBB2_17-.Ltmp1, $4  }
0x2b: {  	[hbm:s1], [sflag:s23] =	dma.local [spmem:s20], $0x3100  }
0x2c: {  	_ =	swait.ge [sflag:s24], $0x3100  }
0x2d: {  	[sflag:s24] =	ssyncset.done $0x0  }
0x2e: {  	[sflag:s24] =	ssyncadd.s32 $0xFFFFCF00  }
.LBB2_1:
0x2f: {  	s20 =	sshrl.u32 s12, $0x3  }
0x30: {  	[spmem:s20], [sflag:s23] =	dma.local [hbm:s13], $0x3100  }
.Ltmp2:
0x31: {  	_ =	swait.ge [sflag:s24], $0x3100;
	(pc) =	sbr.rel @!p0 .LBB2_2-.Ltmp2, $3  }
0x32: {  	[sflag:s24] =	ssyncset.done $0x0  }
0x33: {  	[sflag:s24] =	ssyncadd.s32 $0xFFFFCF00  }
0x34: {  	[bflag:$0x0] =	sbarrier.arrive $0xFFFF;
	_ =	sdelay $0x1  }
0x35: {  	s1 =	rddreg [dreg:$0xa];
	s8 =	simm.s32 $0x18800  }
0x36: {  	[tilespmem:s8], [sflag:$0x9] =	stream.linear.gather [hbm4b:s1+s3], $0x800, $0x38;
	[tilespmem:$0x1F800] =	vst v63  }
0x37: {  	s10 =	rddreg [dreg:$0xb];
	s14 =	simm.s32 $0x1A000  }
0x38: {  	[tilespmem:s14], [sflag:$0x9] =	stream.linear.gather [hbm4b:s10+s3], $0x800, $0x38;
	[tilespmem:$0x1F800] =	vst v63  }
0x39: {  	_ =	swait.ge [sflag:s28], $0x800  }
0x3a: {  	[sflag:s28] =	ssyncset.done $0x0  }
0x3b: {  	[sflag:s28] =	ssyncadd.s32 $0xFFFFF800  }
0x3c: {  	_ =	swait.ge [sflag:s28], $0x800  }
0x3d: {  	s16 =	simm.s32 $0x19000;
	[sflag:s28] =	ssyncset.done $0x0  }
.Ltmp3:
0x3e: {  	s15 =	rddreg [dreg:$0xc];
	[sflag:s28] =	ssyncadd.s32 $0xFFFFF800;
	(pc) =	sbr.rel .LBB2_10-.Ltmp3, $4  }
0x3f: {  	[tilespmem:s16], [sflag:$0x9] =	stream.linear.gather [hbm4b:s15+s3], $0x800, $0x38;
	[tilespmem:$0x1F800] =	vst v63  }
0x40: {  	s21 =	simm.s32 $0x1A800;
	s18 =	rddreg [dreg:$0xd]  }
0x41: {  	[tilespmem:s21], [sflag:$0x9] =	stream.linear.gather [hbm4b:s18+s3], $0x800, $0x38;
	[tilespmem:$0x1F800] =	vst v63  }
0x42: {  	s30 =	simm.s32 $0xFFFFF800;
	s21 =	simm.s32 $0xFFFFFFFE  }
.LBB2_11:
0x43: {  	p1 =	sgt.u32 s10, $0x317  }
0x44: {  	s8 =	sadd.s32 @!p1 $0x1, s15  }
0x45: {  	s14 =	smul.u32 @!p1 $0xAB, s8;
	_ =	sdelay $0x1  }
0x46: {  	s14 =	sshrl.u32 @!p1 s14, $0x9  }
0x47: {  	s14 =	sand.u32 @!p1 $0x7F, s14  }
0x48: {  	_ =	swait.ge [sflag:s28], $0x800;
	s14 =	smul.u32 @!p1 $0x3, s14  }
0x49: {  	[sflag:s28] =	ssyncset.done $0x0;
	s16 =	simm.s32 @!p1 $0x0  }
0x4a: {  	[sflag:s28] =	ssyncadd.s32 $0xFFFFF800;
	s14 =	ssub.s32 @!p1 s8, s14;
	s8 =	sshll.u32 @!p1 s8, $0xB  }
0x4b: {  	_ =	swait.ge [sflag:s28], $0x800;
	s14 =	sand.u32 @!p1 $0xFF, s14;
	s8 =	sadd.s32 @!p1 s9, s8  }
0x4c: {  	[sflag:s28] =	ssyncset.done $0x0;
	s14 =	sshll.u32 @!p1 s14, $0xB;
	s8 =	sshrl.u32 @!p1 s8, $0x3  }
0x4d: {  	[sflag:s28] =	ssyncadd.s32 $0xFFFFF800;
	s18 =	sadd.s32 @!p1 $0x18800, s14;
	s8 =	sadd.s32 @!p1 s7, s8  }
0x4e: {  	[tilespmem:s18], [sflag:$0x9] =	stream.linear.gather @!p1 [hbm4b:s8+s16], $0x800, $0x38;
	[tilespmem:$0x1F800] =	vst v63  }
0x4f: {  	s14 =	sor.u32 @!p1 $0x1A000, s14;
	s8 =	sadd.s32 @!p1 $0x64000, s8  }
0x50: {  	[tilespmem:s14], [sflag:$0x9] =	stream.linear.gather @!p1 [hbm4b:s8+s16], $0x800, $0x38;
	[tilespmem:$0x1F800] =	vst v63  }
0x51: {  	s16 =	simm.s32 @p1 $0x0  }
.LBB2_13:
0x52: {  	s8 =	sadd.s32 $0x5, s16  }
0x53: {  	_ =	swait.ge [sflag:s8], $0x1000  }
0x54: {  	[sflag:s8] =	ssyncset.done $0x0  }
0x55: {  	[sflag:s8] =	ssyncadd.s32 $0xFFFFF000  }
.LBB2_14:
0x56: {  	s8 =	smul.u32 $0xAB, s15;
	_ =	sdelay $0x1  }
0x57: {  	s8 =	sshrl.u32 s8, $0x9  }
0x58: {  	s8 =	sand.u32 $0x7F, s8  }
0x59: {  	s8 =	smul.u32 $0x3, s8;
	_ =	sdelay $0x1  }
0x5a: {  	s8 =	ssub.s32 s15, s8  }
0x5b: {  	s14 =	sshll.u32 s16, $0xC;
	p1 =	slt.u32 s10, $0x2;
	s8 =	sand.u32 $0xFF, s8  }
0x5c: {  	s1 =	sshll.u32 s1, $0x8;
	s10 =	sshrl.u32 @!p1 s21, $0x3;
	s8 =	sshll.u32 s8, $0xB  }
0x5d: {  	s18 =	sadd.s32 $0x1, s16;
	s1 =	sor.u32 s1, s8;
	s8 =	sand.u32 @!p1 $0xFF, s10  }
0x5e: {  	s14 =	sadd.s32 $0x1B800, s14;
	s1 =	sadd.s32 $0x18800, s1;
	s8 =	smul.u32 @!p1 $0xAB, s8  }
0x5f: {  	[tilespmem:s14], [sflag:s18] =	stream.indirect.gather [hbm4b:s5+s31], $0x10, s1, s31, $0xb8;
	[tilespmem:$0x1F800] =	vst v63  }
0x60: {  	s1 =	sshrl.u32 @!p1 s8, $0x9  }
0x61: {  	s1 =	smul.u32 @!p1 $0x3, s1  }
0x62: {  	s8 =	sand.u32 @!p1 $0x3, s21;
	s21 =	sadd.s32 $0x1, s21  }
0x63: {  	s14 =	sshll.u32 @!p1 s8, $0xC;
	s15 =	sadd.s32 @!p1 $0x1, s8;
	s1 =	ssub.s32 @!p1 s10, s1  }
0x64: {  	s8 =	sadd.s32 @!p1 $0x5, s8;
	s10 =	sand.u32 @!p1 $0x1C00, s30;
	s1 =	sand.u32 @!p1 $0xCB, s1  }
0x65: {  	_ =	swait.ge @!p1 [sflag:s15], $0x1000;
	s10 =	sshrl.u32 @!p1 s10, $0x2;
	s1 =	sshll.u32 @!p1 s1, $0xB  }
0x66: {  	s14 =	sadd.s32 @!p1 $0x1B800, s14;
	[sflag:s15] =	ssyncset.done @!p1 $0x0;
	s1 =	sor.u32 @!p1 s10, s1  }
0x67: {  	[sflag:s15] =	ssyncadd.s32 @!p1 $0xFFFFF000;
	s10 =	simm.s32 @!p1 $0x100;
	s1 =	sor.u32 @!p1 $0x1A000, s1  }
0x68: {  	[spmem:s2] =	stream.indirect.scatter.add.f32 @!p1 [tilespmem:s14], [sflag:s8], $0x10, s1, s10, $0xb8;
	[tilespmem:$0x1F800] =	vst v63  }
0x69: {  	p1 =	sne.s32 s21, $0x31E  }
.Ltmp4:
0x6a: {  	_ = 	snop;
	(pc) =	sbr.rel @!p1 .LBB2_15-.Ltmp4, $2  }
0x6b: {  	_ =	sdelay $0x2  }
0x6c: {  	s30 =	sadd.s32 $0x400, s30  }
.LBB2_10:
0x6d: {  	s10 =	sadd.s32 $0x2, s21  }
0x6e: {  	s1 =	sand.u32 $0x7, s10;
	p1 =	slt.u32 s10, $0x8  }
0x6f: {  	p2 =	sne.s32 @!p1 s1, $0x0  }
0x70: {  	p1 =	por p1, p2  }
.Ltmp5:
0x71: {  	_ = 	snop;
	(pc) =	sbr.rel @!p1 .LBB2_11-.Ltmp5, $2  }
0x72: {  	_ =	sdelay $0x2  }
0x73: {  	s15 =	sshrl.u32 s10, $0x3  }
0x74: {  	p1 =	slt.u32 s10, $0x4  }
.Ltmp6:
0x75: {  	_ = 	snop;
	(pc) =	sbr.rel @p1 .LBB2_14-.Ltmp6, $4  }
.Ltmp7:
0x76: {  	_ = 	snop;
	(pc) =	sbr.rel @!p1 .LBB2_13-.Ltmp7, $4  }
0x77: {  	_ = 	snop  }
0x78: {  	_ = 	snop  }
0x79: {  	s16 =	sand.u32 $0x3, s10  }
0x7a: {  	_ = 	snop  }
.LBB2_2:
0x7b: {  	s1 =	rddreg [dreg:$0x6];
	s8 =	simm.s32 $0x18800  }
0x7c: {  	[tilespmem:s8], [sflag:$0x9] =	stream.linear.gather [hbm4b:s1+s3], $0x800, $0x38;
	[tilespmem:$0x1F800] =	vst v63  }
0x7d: {  	s10 =	rddreg [dreg:$0x7];
	s14 =	simm.s32 $0x1A000  }
0x7e: {  	[tilespmem:s14], [sflag:$0x9] =	stream.linear.gather [hbm4b:s10+s3], $0x800, $0x38;
	[tilespmem:$0x1F800] =	vst v63  }
0x7f: {  	_ =	swait.ge [sflag:s28], $0x800  }
0x80: {  	[sflag:s28] =	ssyncset.done $0x0  }
0x81: {  	[sflag:s28] =	ssyncadd.s32 $0xFFFFF800  }
0x82: {  	_ =	swait.ge [sflag:s28], $0x800  }
0x83: {  	s16 =	simm.s32 $0x19000;
	[sflag:s28] =	ssyncset.done $0x0  }
.Ltmp8:
0x84: {  	s15 =	rddreg [dreg:$0x8];
	[sflag:s28] =	ssyncadd.s32 $0xFFFFF800;
	(pc) =	sbr.rel .LBB2_3-.Ltmp8, $4  }
0x85: {  	[tilespmem:s16], [sflag:$0x9] =	stream.linear.gather [hbm4b:s15+s3], $0x800, $0x38;
	[tilespmem:$0x1F800] =	vst v63  }
0x86: {  	s21 =	simm.s32 $0x1A800;
	s18 =	rddreg [dreg:$0x9]  }
0x87: {  	[tilespmem:s21], [sflag:$0x9] =	stream.linear.gather [hbm4b:s18+s3], $0x800, $0x38;
	[tilespmem:$0x1F800] =	vst v63  }
0x88: {  	s30 =	simm.s32 $0xFFFFF800;
	s21 =	simm.s32 $0xFFFFFFFE  }
.LBB2_4:
0x89: {  	p1 =	sgt.u32 s10, $0x317  }
0x8a: {  	s16 =	sadd.s32 @!p1 $0x1, s15  }
0x8b: {  	s14 =	smul.u32 @!p1 $0xAB, s16;
	_ =	sdelay $0x1  }
0x8c: {  	s14 =	sshrl.u32 @!p1 s14, $0x9  }
0x8d: {  	_ =	swait.ge [sflag:s28], $0x800;
	s14 =	sand.u32 @!p1 $0x7F, s14  }
0x8e: {  	[sflag:s28] =	ssyncset.done $0x0;
	s14 =	smul.u32 @!p1 $0x3, s14  }
0x8f: {  	[sflag:s28] =	ssyncadd.s32 $0xFFFFF800  }
0x90: {  	_ =	swait.ge [sflag:s28], $0x800;
	s14 =	ssub.s32 @!p1 s16, s14;
	s16 =	sshll.u32 @!p1 s16, $0xB  }
0x91: {  	[sflag:s28] =	ssyncset.done $0x0;
	s14 =	sand.u32 @!p1 $0xFF, s14;
	s16 =	sadd.s32 @!p1 s9, s16  }
0x92: {  	[sflag:s28] =	ssyncadd.s32 $0xFFFFF800;
	s14 =	sshll.u32 @!p1 s14, $0xB;
	s16 =	sshrl.u32 @!p1 s16, $0x3  }
0x93: {  	s18 =	sadd.s32 @!p1 $0x18800, s14;
	s8 =	sadd.s32 @!p1 s6, s16;
	s16 =	simm.s32 @!p1 $0x0  }
0x94: {  	[tilespmem:s18], [sflag:$0x9] =	stream.linear.gather @!p1 [hbm4b:s8+s16], $0x800, $0x38;
	[tilespmem:$0x1F800] =	vst v63  }
0x95: {  	s14 =	sor.u32 @!p1 $0x1A000, s14;
	s8 =	sadd.s32 @!p1 $0x64000, s8  }
0x96: {  	[tilespmem:s14], [sflag:$0x9] =	stream.linear.gather @!p1 [hbm4b:s8+s16], $0x800, $0x38;
	[tilespmem:$0x1F800] =	vst v63  }
0x97: {  	s16 =	simm.s32 @p1 $0x0  }
.LBB2_6:
0x98: {  	s8 =	sadd.s32 $0x5, s16  }
0x99: {  	_ =	swait.ge [sflag:s8], $0x1000  }
0x9a: {  	[sflag:s8] =	ssyncset.done $0x0  }
0x9b: {  	[sflag:s8] =	ssyncadd.s32 $0xFFFFF000  }
.LBB2_7:
0x9c: {  	s8 =	smul.u32 $0xAB, s15;
	_ =	sdelay $0x1  }
0x9d: {  	s8 =	sshrl.u32 s8, $0x9  }
0x9e: {  	s8 =	sand.u32 $0x7F, s8  }
0x9f: {  	s8 =	smul.u32 $0x3, s8;
	_ =	sdelay $0x1  }
0xa0: {  	s8 =	ssub.s32 s15, s8  }
0xa1: {  	s14 =	sshll.u32 s16, $0xC;
	p1 =	slt.u32 s10, $0x2;
	s8 =	sand.u32 $0xFF, s8  }
0xa2: {  	s1 =	sshll.u32 s1, $0x8;
	s10 =	sshrl.u32 @!p1 s21, $0x3;
	s8 =	sshll.u32 s8, $0xB  }
0xa3: {  	s18 =	sadd.s32 $0x1, s16;
	s1 =	sor.u32 s1, s8;
	s8 =	sand.u32 @!p1 $0xFF, s10  }
0xa4: {  	s14 =	sadd.s32 $0x1B800, s14;
	s1 =	sadd.s32 $0x18800, s1;
	s8 =	smul.u32 @!p1 $0xAB, s8  }
0xa5: {  	[tilespmem:s14], [sflag:s18] =	stream.indirect.gather [hbm4b:s4+s31], $0x10, s1, s31, $0xb8;
	[tilespmem:$0x1F800] =	vst v63  }
0xa6: {  	s1 =	sshrl.u32 @!p1 s8, $0x9  }
0xa7: {  	s1 =	smul.u32 @!p1 $0x3, s1  }
0xa8: {  	s8 =	sand.u32 @!p1 $0x3, s21;
	s21 =	sadd.s32 $0x1, s21  }
0xa9: {  	s14 =	sshll.u32 @!p1 s8, $0xC;
	s15 =	sadd.s32 @!p1 $0x1, s8;
	s1 =	ssub.s32 @!p1 s10, s1  }
0xaa: {  	s8 =	sadd.s32 @!p1 $0x5, s8;
	s10 =	sand.u32 @!p1 $0x1C00, s30;
	s1 =	sand.u32 @!p1 $0xCB, s1  }
0xab: {  	_ =	swait.ge @!p1 [sflag:s15], $0x1000;
	s10 =	sshrl.u32 @!p1 s10, $0x2;
	s1 =	sshll.u32 @!p1 s1, $0xB  }
0xac: {  	s14 =	sadd.s32 @!p1 $0x1B800, s14;
	[sflag:s15] =	ssyncset.done @!p1 $0x0;
	s1 =	sor.u32 @!p1 s10, s1  }
0xad: {  	[sflag:s15] =	ssyncadd.s32 @!p1 $0xFFFFF000;
	s10 =	simm.s32 @!p1 $0x100;
	s1 =	sor.u32 @!p1 $0x1A000, s1  }
0xae: {  	[spmem:s2] =	stream.indirect.scatter.add.f32 @!p1 [tilespmem:s14], [sflag:s8], $0x10, s1, s10, $0xb8;
	[tilespmem:$0x1F800] =	vst v63  }
0xaf: {  	p1 =	sne.s32 s21, $0x31E  }
.Ltmp9:
0xb0: {  	_ = 	snop;
	(pc) =	sbr.rel @!p1 .LBB2_8-.Ltmp9, $2  }
0xb1: {  	_ =	sdelay $0x2  }
0xb2: {  	s30 =	sadd.s32 $0x400, s30  }
.LBB2_3:
0xb3: {  	s10 =	sadd.s32 $0x2, s21  }
0xb4: {  	s1 =	sand.u32 $0x7, s10;
	p1 =	slt.u32 s10, $0x8  }
0xb5: {  	p2 =	sne.s32 @!p1 s1, $0x0  }
0xb6: {  	p1 =	por p1, p2  }
.Ltmp10:
0xb7: {  	_ = 	snop;
	(pc) =	sbr.rel @!p1 .LBB2_4-.Ltmp10, $2  }
0xb8: {  	_ =	sdelay $0x2  }
0xb9: {  	s15 =	sshrl.u32 s10, $0x3  }
0xba: {  	p1 =	slt.u32 s10, $0x4  }
.Ltmp11:
0xbb: {  	_ = 	snop;
	(pc) =	sbr.rel @p1 .LBB2_7-.Ltmp11, $4  }
.Ltmp12:
0xbc: {  	_ = 	snop;
	(pc) =	sbr.rel @!p1 .LBB2_6-.Ltmp12, $4  }
0xbd: {  	_ = 	snop  }
0xbe: {  	_ = 	snop  }
0xbf: {  	s16 =	sand.u32 $0x3, s10  }
0xc0: {  	_ = 	snop  }
.LBB2_8:
0xc1: {  	_ =	swait.ge [sflag:s0], $0x1000  }
0xc2: {  	[sflag:s0] =	ssyncset.done $0x0  }
0xc3: {  	s1 =	simm.s32 $0x1A600;
	s8 =	simm.s32 $0x1D800;
	[sflag:s0] =	ssyncadd.s32 $0xFFFFF000  }
0xc4: {  	[spmem:s2] =	stream.indirect.scatter.add.f32 [tilespmem:s8], [sflag:$0x7], $0x10, s1, s31, $0xb8;
	[tilespmem:$0x1F800] =	vst v63  }
.Ltmp13:
0xc5: {  	_ = 	snop;
	(pc) =	sbr.rel .LBB2_16-.Ltmp13, $4  }
0xc6: {  	_ =	swait.ge [sflag:s11], $0x1000  }
0xc7: {  	s21 =	simm.s32 $0x1A700;
	[sflag:s11] =	ssyncset.done $0x0  }
0xc8: {  	s30 =	simm.s32 $0x1E800;
	s1 =	rddreg [dreg:$0x4];
	[sflag:s11] =	ssyncadd.s32 $0xFFFFF000  }
0xc9: {  	[spmem:s2] =	stream.indirect.scatter.add.f32 [tilespmem:s30], [sflag:$0x8], $0x10, s21, s31, $0xb8;
	[tilespmem:$0x1F800] =	vst v63  }
.LBB2_17:
0xca: {  	_ =	sfence.sel $0x180000  }
0xcb: {  	[bflag:$0x0] =	sbarrier.arrive $0xFFFF  }
0xcc: {  	_ =	strace $0x9000004A  }
0xcd: {  	s0 =	stileid.u32;
	[bflag:$0x2] =	sbarrier.arrive $0xFFFF  }
0xce: {  	p0 =	sne.s32 s0, $0x0;
	s0 =	rddreg [dreg:$0x2]  }
0xcf: {  	s0 =	sadd.s32 @!p0 $0x100000, s0  }
0xd0: {  	[sflag:s0] =	ssyncadd.tile.s32 @!p0 $0x1;
	_ =	shalt  }
.Lfunc_end2:
_tile_overlayer_lowered:
.L_overlay_start_2:
0xd1: {  	(tag) =	ssettag $0x2  }
0xd2: {  	s0 =	rddreg [dreg:$0x0];
	s2 =	stileid.u32  }
0xd3: {  	s1 =	rddreg [dreg:$0x1];
	p0 =	sne.s32 s2, $0x0  }
0xd4: {  	s3 =	rddreg [dreg:$0x2];
	[bflag:$0x3] =	sbarrier.arrive $0xFFFF;
	s2 =	simm.s32 @!p0 $0x1C0A  }
0xd5: {  	[timem:s3], [sflag:s2] =	dma.local @!p0 [hbm:s0], s1  }
0xd6: {  	s0 =	simm.s32 @!p0 $0xA  }
0xd7: {  	_ =	swait.ge @!p0 [sflag:s0], s1  }
0xd8: {  	s1 =	ssub.s32 @!p0 $0x0, s1;
	[sflag:s0] =	ssyncset.done @!p0 $0x0  }
0xd9: {  	[sflag:s0] =	ssyncadd.s32 @!p0 s1  }
0xda: {  	[bflag:$0x3] =	sbarrier.arrive $0xFFFF  }
0xdb: {  	_ =	shalt  }

// kernel: kernel.16.cloned.1.call-start
scs
__scs_entry_jumppad:
0x0: {  	(pc) =	sbr.rel $0x88, $3  }
0x1: {  	(tag) =	ssettag $0x0;
	lr =	simm.s32 $0x1  }
0x2: {  	[smem:$0x3F94] =	sst lr;
	_ =	strace $0xD0000000  }
0x3: {  	_ = 	snop  }
0x4: {  	_ = 	snop  }
0x5: {  	_ = 	snop  }
0x6: {  	_ = 	snop  }
0x7: {  	_ = 	snop  }
__scs_overlays_trampoline_lowered:
0x8: {  	[smem:$0x3FA3] =	sst s0  }
0x9: {  	[smem:$0x3FA4] =	sst s1  }
0xa: {  	[smem:$0x3FA5] =	sst s2  }
0xb: {  	[smem:$0x3FA6] =	sst s3  }
0xc: {  	[smem:$0x3FA7] =	sst s4  }
0xd: {  	[smem:$0x3FA8] =	sst s5  }
0xe: {  	[smem:$0x3FA9] =	sst s6  }
0xf: {  	[smem:$0x3FAA] =	sst s7  }
0x10: {  	[smem:$0x3FAB] =	sst s8  }
0x11: {  	[smem:$0x3FAC] =	sst s9;
	s0 =	simm.s32 @!p0 $0x0  }
0x12: {  	s1 =	sld [smem:$0x3F92];
	s0 =	simm.s32 @p0 $0x1  }
0x13: {  	[smem:$0x3FAD] =	sst s0;
	s0 =	simm.s32 @!p1 $0x0  }
0x14: {  	s2 =	sld [smem:$0x3F91];
	s0 =	simm.s32 @p1 $0x1  }
0x15: {  	[smem:$0x3FAE] =	sst s0;
	s0 =	simm.s32 @!p2 $0x0  }
0x16: {  	s3 =	sld [smem:$0x3FDB];
	s0 =	simm.s32 @p2 $0x1  }
0x17: {  	s4 =	simm.s32 $0x1BF5;
	[smem:$0x3FB0] =	sst s0  }
0x18: {  	s0 =	sld [smem:$0x3F93];
	_ =	swait.ge [sflag:s4], $0x0  }
0x19: {  	s7 =	sld [smem:$0x3F94]  }
0x1a: {  	s8 =	sadd.s32 $0xFFFFE003, lr  }
0x1b: {  	s9 =	sadd.s32 $0xFFFFFEF7, lr;
	s5 =	simm.s32 $0xFFFFFFFF;
	p2 =	slt.u32 s8, $0xFFFFF086  }
0x1c: {  	p1 =	slt.u32 s9, $0xF7A;
	s5 =	simm.s32 @!p2 $0x0  }
0x1d: {  	s5 =	simm.s32 @p1 $0x1;
	p0 =	seq.s32 s7, s2  }
0x1e: {  	s7 =	smul.u32 @!p0 $0xF7A, s2;
	p2 =	seq.s32 @!p0 s5, $0x0  }
0x1f: {  	s9 =	smul.u32 $0xF7A, s1;
	s8 =	simm.s32 @!p0 $0x1BF5;
	p2 =	por !p2, p0  }
0x20: {  	[sflag:s8] =	ssyncset.s32 @!p0 $0xFFFFF086;
	s6 =	sadd.s32 @!p0 s3, s7;
	s7 =	simm.s32 @!p0 $0x108  }
0x21: {  	s3 =	sadd.s32 s3, s9;
	s6 =	sadd.s32 @!p0 $0x88, s6;
	s7 =	simm.s32 @p2 $0x1082  }
0x22: {  	[simem:s7], [sflag:s8] =	dma.local @!p0 [hbm:s6], $0xF7A  }
0x23: {  	s9 =	sor.u32 $0xD0000000, s2;
	s6 =	simm.s32 $0x108;
	_ =	swait.ge @!p0 [sflag:s8], $0x0  }
0x24: {  	s3 =	sadd.s32 $0x88, s3;
	s6 =	simm.s32 @!p1 $0x1082;
	[sflag:s4] =	ssyncset.s32 $0xFFFFF086  }
0x25: {  	[simem:s6], [sflag:s4] =	dma.local [hbm:s3], $0xF7A  }
0x26: {  	[smem:$0x3F94] =	sst s1;
	(tag) =	ssettag s2;
	_ =	strace s9  }
0x27: {  	s1 =	sld [smem:$0x3FA4]  }
0x28: {  	s2 =	sld [smem:$0x3FA5]  }
0x29: {  	s4 =	sld [smem:$0x3FA7]  }
0x2a: {  	p0 =	seq.s32 s5, $0x0;
	s5 =	sld [smem:$0x3FA8]  }
0x2b: {  	s6 =	sld [smem:$0x3FA9]  }
0x2c: {  	s7 =	sld [smem:$0x3FAA]  }
0x2d: {  	s3 =	simm.s32 $0x108;
	s8 =	sld [smem:$0x3FAB]  }
0x2e: {  	s3 =	simm.s32 @!p0 $0x1082;
	s9 =	sld [smem:$0x3FAC]  }
0x2f: {  	lr =	sadd.s32 s0, s3;
	s0 =	sld [smem:$0x3FA3]  }
0x30: {  	s3 =	sld [smem:$0x3FA6]  }
0x31: {  	[smem:$0x3FAF] =	sst s10  }
0x32: {  	s10 =	sld [smem:$0x3FAD];
	_ =	sdelay $0x3  }
0x33: {  	p0 =	seq.s32 s10, $0x1;
	s10 =	sld [smem:$0x3FAF];
	_ =	sdelay $0x3  }
0x34: {  	[smem:$0x3FAF] =	sst s10  }
0x35: {  	s10 =	sld [smem:$0x3FAE];
	_ =	sdelay $0x3  }
0x36: {  	p1 =	seq.s32 s10, $0x1;
	s10 =	sld [smem:$0x3FAF];
	_ =	sdelay $0x3  }
0x37: {  	[smem:$0x3FAF] =	sst s10  }
0x38: {  	s10 =	sld [smem:$0x3FB0]  }
0x39: {  	_ = 	snop;
	(pc) =	sbr.ind lr, $3  }
0x3a: {  	_ = 	snop  }
0x3b: {  	_ = 	snop  }
0x3c: {  	p2 =	seq.s32 s10, $0x1;
	s10 =	sld [smem:$0x3FAF]  }
0x3d: {  	_ =	shalt  }
0x3e: {  	_ =	shalt  }
0x3f: {  	_ =	shalt  }
0x40: {  	_ =	shalt  }
0x41: {  	_ =	shalt  }
0x42: {  	_ =	shalt  }
0x43: {  	_ =	shalt  }
0x44: {  	_ =	shalt  }
0x45: {  	_ =	shalt  }
0x46: {  	_ =	shalt  }
0x47: {  	_ =	shalt  }
0x48: {  	_ =	shalt  }
0x49: {  	_ =	shalt  }
0x4a: {  	_ =	shalt  }
0x4b: {  	_ =	shalt  }
0x4c: {  	_ =	shalt  }
0x4d: {  	_ =	shalt  }
0x4e: {  	_ =	shalt  }
0x4f: {  	_ =	shalt  }
0x50: {  	_ =	shalt  }
0x51: {  	_ =	shalt  }
0x52: {  	_ =	shalt  }
0x53: {  	_ =	shalt  }
0x54: {  	_ =	shalt  }
0x55: {  	_ =	shalt  }
0x56: {  	_ =	shalt  }
0x57: {  	_ =	shalt  }
0x58: {  	_ =	shalt  }
0x59: {  	_ =	shalt  }
0x5a: {  	_ =	shalt  }
0x5b: {  	_ =	shalt  }
0x5c: {  	_ =	shalt  }
0x5d: {  	_ =	shalt  }
0x5e: {  	_ =	shalt  }
0x5f: {  	_ =	shalt  }
0x60: {  	_ =	shalt  }
0x61: {  	_ =	shalt  }
0x62: {  	_ =	shalt  }
0x63: {  	_ =	shalt  }
0x64: {  	_ =	shalt  }
0x65: {  	_ =	shalt  }
0x66: {  	_ =	shalt  }
0x67: {  	_ =	shalt  }
0x68: {  	_ =	shalt  }
0x69: {  	_ =	shalt  }
0x6a: {  	_ =	shalt  }
0x6b: {  	_ =	shalt  }
0x6c: {  	_ =	shalt  }
0x6d: {  	_ =	shalt  }
0x6e: {  	_ =	shalt  }
0x6f: {  	_ =	shalt  }
0x70: {  	_ =	shalt  }
0x71: {  	_ =	shalt  }
0x72: {  	_ =	shalt  }
0x73: {  	_ =	shalt  }
0x74: {  	_ =	shalt  }
0x75: {  	_ =	shalt  }
0x76: {  	_ =	shalt  }
0x77: {  	_ =	shalt  }
0x78: {  	_ =	shalt  }
0x79: {  	_ =	shalt  }
0x7a: {  	_ =	shalt  }
0x7b: {  	_ =	shalt  }
0x7c: {  	_ =	shalt  }
0x7d: {  	_ =	shalt  }
0x7e: {  	_ =	shalt  }
0x7f: {  	_ =	shalt  }
0x80: {  	_ =	shalt  }
0x81: {  	_ =	shalt  }
0x82: {  	_ =	shalt  }
0x83: {  	_ =	shalt  }
0x84: {  	_ =	shalt  }
0x85: {  	_ =	shalt  }
0x86: {  	_ =	shalt  }
0x87: {  	_ =	shalt  }
.Lfunc_end0:
.L_simem_size_0:
called_computation.2_lowered:
.L_overlay_start_0:
0x88: {  	s2 =	sld [smem:$0x3FD9]  }
0x89: {  	s3 =	sld [smem:$0x3FFE];
	_ =	sdelay $0x1  }
0x8a: {  	s1 =	srdreg.scid  }
0x8b: {  	s0 =	sand.u32 $0x1, s1  }
0x8c: {  	s16 =	sshll.u32 s0, $0xA;
	s2 =	sadd.s32 s3, s2  }
0x8d: {  	s2 =	sadd.s32 s2, s16  }
0x8e: {  	[smem:$0x3FBB] =	sst s2  }
0x8f: {  	_ = 	snop  }
0x90: {  	(tm) =	ssettm $0x1  }
0x91: {  	s17 =	sld [smem:$0x3FFB];
	_ =	sdelay $0x3  }
0x92: {  	_ =	strace s17  }
0x93: {  	s2 =	sld [smem:$0x3FFC];
	_ =	sdelay $0x3  }
0x94: {  	_ =	strace s2  }
0x95: {  	s2 =	sld [smem:$0x3FFD];
	_ =	sdelay $0x3  }
0x96: {  	_ =	strace s2  }
0x97: {  	_ =	strace $0x8FFFFFFF  }
0x98: {  	s18 =	sld [smem:$0x3FDB];
	_ =	sdelay $0x1  }
0x99: {  	s19 =	simm.s32 $_scs_section_size  }
0x9a: {  	s4 =	simm.s32 $_size__tile_overlayer_lowered;
	s5 =	simm.s32 $_tile_overlayer_lowered  }
0x9b: {  	s22 =	simm.s32 $0x1BFF;
	s21 =	sshll.u32 s5, $0x1;
	s2 =	sadd.s32 s19, s18  }
0x9c: {  	s6 =	simm.s32 $0x0;
	s20 =	sshll.u32 s4, $0x1;
	s4 =	sadd.s32 s21, s2  }
0x9d: {  	[timem:s6], [sflag:s22] =	dma.local [hbm:s4], s20  }
0x9e: {  	_ =	swait.ge [sflag:s22], s20  }
0x9f: {  	s3 =	ssub.s32 $0x0, s20;
	[sflag:s22] =	ssyncset.done $0x0  }
0xa0: {  	[sflag:s22] =	ssyncadd.s32 s3;
	_ =	sdelay $0x1  }
0xa1: {  	s23 =	simm.s32 $0x1B8B  }
0xa2: {  	_ =	swait.ge [sflag:s23], $0x1  }
0xa3: {  	[sflag:s23] =	ssyncset.done $0x0  }
0xa4: {  	s25 =	simm.s32 $0x1B8E;
	s24 =	sld [smem:$0x3FFE];
	[sflag:s23] =	ssyncadd.s32 $0xFFFFFFFF  }
0xa5: {  	s26 =	simm.s32 $execute0_lowered;
	[smem:$0x3FD2] =	sst s25  }
0xa6: {  	s4 =	sshll.u32 s26, $0x1;
	_ =	strace $0x8000004C;
	[dreg:$0x1] =	wrdreg $0xFFFFFFFF  }
0xa7: {  	s28 =	simm.s32 $_size_execute0_lowered;
	s2 =	sadd.s32 s2, s4;
	[dreg:$0x0] =	wrdreg $0x0  }
0xa8: {  	s4 =	sshll.u32 s28, $0x1;
	[dreg:$0x2] =	wrdreg s2  }
0xa9: {  	[dreg:$0x3] =	wrdreg s4  }
0xaa: {  	[dreg:$0x4] =	wrdreg $0xC0  }
0xab: {  	_ =	task [dreg:s6], $0x5FFFF  }
0xac: {  	[dreg:$0x1] =	wrdreg $0xFFFFFFFF  }
0xad: {  	[dreg:$0x0] =	wrdreg $0x60  }
0xae: {  	[dreg:$0x2] =	wrdreg s24  }
0xaf: {  	[dreg:$0x3] =	wrdreg $0x0  }
0xb0: {  	[dreg:$0x4] =	wrdreg $0x9  }
0xb1: {  	_ =	task.clear_ibuf [dreg:s6], $0x5FFFF;
	_ =	strace $0x9000004C  }
0xb2: {  	s29 =	simm.s32 $0x9;
	_ =	strace $0x8000004E  }
0xb3: {  	_ =	swait.ge [sflag:s29], $0x1  }
0xb4: {  	[sflag:s29] =	ssyncadd.s32 $0xFFFFFFFF  }
0xb5: {  	_ =	strace $0x9000004E  }
0xb6: {  	_ =	sfence  }
0xb7: {  	s30 =	sld [smem:$0x0];
	_ =	sdelay $0x2  }
0xb8: {  	s31 =	sshll.u32 s1, $0xD;
	s1 =	sshrl.u32 s1, $0x2  }
0xb9: {  	s3 =	sand.u32 $0x4000, s31;
	s1 =	sadd.s32 s1, s30  }
0xba: {  	s0 =	sor.u32 s3, s0;
	s1 =	sshll.u32 s1, $0x11  }
0xbb: {  	s0 =	sor.u32 s1, s0  }
0xbc: {  	s0 =	sadd.s32 $0x8F2B, s0  }
0xbd: {  	[sflag:s0] =	ssyncadd.remote.s32 $0x1  }
0xbe: {  	_ =	sfence.sel $0xFFFF  }
0xbf: {  	[dreg:$0x0] =	wrdreg $0xFFFFFFFF;
	(pc) =	sbr.abs _section_cstart, $3  }
0xc0: {  	[dreg:$0x1] =	wrdreg $0xFFFFFFFF  }
0xc1: {  	_ =	task.clear_ibuf [dreg:s6], $0x2FFFF;
	_ =	strace $0x9FFFFFFF  }
0xc2: {  	(tm) =	ssettm $0x7FFFFFFF  }
0xc3: {  	_ =	shalt  }
tec
execute0_lowered:
.L_overlay_start_1:
0x0: {  	(tag) =	ssettag $0x1  }
0x1: {  	s0 =	rddreg [dreg:$0x0]  }
0x2: {  	s2 =	rddreg [dreg:$0x1];
	s3 =	simm.s32 $0x0  }
0x3: {  	s8 =	stileid.u32;
	s9 =	srdreg.scid;
	s28 =	simm.s32 $0x9  }
0x4: {  	s31 =	simm.s32 $0x100;
	s17 =	simm.s32 $0x6;
	s29 =	simm.s32 $0x0  }
0x5: {  	[smem:$0x7FF] =	sst s3;
	s4 =	sadd.s32 $0x68800, s0;
	s1 =	smul.u32 $0x18800, s8  }
0x6: {  	s5 =	sadd.s32 $0x37800, s0;
	s6 =	sadd.s32 $0x1B1800, s0;
	s7 =	sadd.s32 $0xE9800, s0  }
0x7: {  	s10 =	sand.u32 $0x1, s9;
	s9 =	smul.u32 $0x32000, s8;
	s13 =	sadd.s32 $0x2AA800, s0  }
0x8: {  	s26 =	sshll.u32 s8, $0x6;
	_ =	strace $0x8000004D;
	s12 =	ssub.s32 $0x2, s10  }
0x9: {  	[dreg:$0x4] =	wrdreg s13;
	p0 =	seq.s32 s10, $0x1;
	s11 =	sshrl.u32 s1, $0x3  }
0xa: {  	s19 =	sshrl.u32 s12, $0x1;
	s20 =	sshrl.u32 s9, $0x3;
	[dreg:$0x3] =	wrdreg s11  }
0xb: {  	s11 =	sadd.s32 s11, s0;
	s0 =	sadd.s32 $0x2DB800, s0;
	s21 =	sadd.s32 $0x64000, s20  }
0xc: {  	s14 =	sadd.s32 s6, s20;
	s23 =	sadd.s32 $0x64100, s20;
	[dreg:$0x5] =	wrdreg s0  }
0xd: {  	s10 =	sadd.s32 s7, s20;
	s0 =	ssub.s32 s12, s19;
	[dreg:$0x6] =	wrdreg s14  }
0xe: {  	s12 =	sadd.s32 s1, s2;
	s22 =	sadd.s32 s6, s21;
	[dreg:$0xa] =	wrdreg s10  }
0xf: {  	s13 =	sadd.s32 $0x279800, s11;
	s14 =	sadd.s32 $0x100, s14;
	[dreg:$0x7] =	wrdreg s22  }
0x10: {  	s24 =	sadd.s32 s6, s23;
	s1 =	sadd.s32 s7, s21;
	[dreg:$0x8] =	wrdreg s14  }
.Ltmp0:
0x11: {  	s25 =	sadd.s32 $0x100, s10;
	[dreg:$0x9] =	wrdreg s24;
	(pc) =	sbr.rel .LBB2_1-.Ltmp0, $4  }
0x12: {  	s30 =	sadd.s32 s7, s23;
	s23 =	sor.u32 $0x1C0A, s26;
	[dreg:$0xb] =	wrdreg s1  }
0x13: {  	s11 =	simm.s32 $0x4;
	s26 =	simm.s32 $0x7;
	[dreg:$0xc] =	wrdreg s25  }
0x14: {  	s19 =	simm.s32 $0x8;
	[dreg:$0xd] =	wrdreg s30;
	s22 =	smax.u32 s0, $0x1  }
0x15: {  	s24 =	simm.s32 $0xA;
	s0 =	simm.s32 $0x3;
	s25 =	simm.s32 $0x5  }
.LBB2_15:
0x16: {  	_ =	swait.ge [sflag:s0], $0x1000  }
0x17: {  	[sflag:s0] =	ssyncset.done $0x0  }
0x18: {  	s1 =	simm.s32 $0x1A600;
	s8 =	simm.s32 $0x1D800;
	[sflag:s0] =	ssyncadd.s32 $0xFFFFF000  }
0x19: {  	[spmem:s2] =	stream.indirect.scatter.add.f32 [tilespmem:s8], [sflag:$0x7], $0x10, s1, s31, $0xb8;
	[tilespmem:$0x1F800] =	vst v63  }
0x1a: {  	_ =	swait.ge [sflag:s11], $0x1000  }
0x1b: {  	s21 =	simm.s32 $0x1A700;
	[sflag:s11] =	ssyncset.done $0x0  }
0x1c: {  	s30 =	simm.s32 $0x1E800;
	s1 =	rddreg [dreg:$0x5];
	[sflag:s11] =	ssyncadd.s32 $0xFFFFF000  }
0x1d: {  	[spmem:s2] =	stream.indirect.scatter.add.f32 [tilespmem:s30], [sflag:$0x8], $0x10, s21, s31, $0xb8;
	[tilespmem:$0x1F800] =	vst v63  }
.LBB2_16:
0x1e: {  	_ =	swait.ge [sflag:s25], $0x1000  }
0x1f: {  	[sflag:s25] =	ssyncset.done $0x0  }
0x20: {  	[sflag:s25] =	ssyncadd.s32 $0xFFFFF000  }
0x21: {  	_ =	swait.ge [sflag:s17], $0x1000  }
0x22: {  	[sflag:s17] =	ssyncset.done $0x0  }
0x23: {  	[sflag:s17] =	ssyncadd.s32 $0xFFFFF000  }
0x24: {  	_ =	swait.ge [sflag:s26], $0x1000  }
0x25: {  	[sflag:s26] =	ssyncset.done $0x0  }
0x26: {  	[sflag:s26] =	ssyncadd.s32 $0xFFFFF000  }
0x27: {  	_ =	swait.ge [sflag:s19], $0x1000  }
0x28: {  	s29 =	sadd.s32 $0x1, s29;
	[sflag:s19] =	ssyncset.done $0x0  }
0x29: {  	p1 =	sne.s32 s29, s22;
	s8 =	rddreg [dreg:$0x3];
	[sflag:s19] =	ssyncadd.s32 $0xFFFFF000  }
.Ltmp1:
0x2a: {  	s1 =	sadd.s32 s1, s8;
	[bflag:$0x0] =	sbarrier.arrive $0xFFFF;
	(pc) =	sbr.rel @!p1 .LBB2_17-.Ltmp1, $4  }
0x2b: {  	[hbm:s1], [sflag:s23] =	dma.local [spmem:s20], $0x3100  }
0x2c: {  	_ =	swait.ge [sflag:s24], $0x3100  }
0x2d: {  	[sflag:s24] =	ssyncset.done $0x0  }
0x2e: {  	[sflag:s24] =	ssyncadd.s32 $0xFFFFCF00  }
.LBB2_1:
0x2f: {  	s20 =	sshrl.u32 s12, $0x3  }
0x30: {  	[spmem:s20], [sflag:s23] =	dma.local [hbm:s13], $0x3100  }
.Ltmp2:
0x31: {  	_ =	swait.ge [sflag:s24], $0x3100;
	(pc) =	sbr.rel @!p0 .LBB2_2-.Ltmp2, $3  }
0x32: {  	[sflag:s24] =	ssyncset.done $0x0  }
0x33: {  	[sflag:s24] =	ssyncadd.s32 $0xFFFFCF00  }
0x34: {  	[bflag:$0x0] =	sbarrier.arrive $0xFFFF;
	_ =	sdelay $0x1  }
0x35: {  	s1 =	rddreg [dreg:$0xa];
	s8 =	simm.s32 $0x18800  }
0x36: {  	[tilespmem:s8], [sflag:$0x9] =	stream.linear.gather [hbm4b:s1+s3], $0x800, $0x38;
	[tilespmem:$0x1F800] =	vst v63  }
0x37: {  	s10 =	rddreg [dreg:$0xb];
	s14 =	simm.s32 $0x1A000  }
0x38: {  	[tilespmem:s14], [sflag:$0x9] =	stream.linear.gather [hbm4b:s10+s3], $0x800, $0x38;
	[tilespmem:$0x1F800] =	vst v63  }
0x39: {  	_ =	swait.ge [sflag:s28], $0x800  }
0x3a: {  	[sflag:s28] =	ssyncset.done $0x0  }
0x3b: {  	[sflag:s28] =	ssyncadd.s32 $0xFFFFF800  }
0x3c: {  	_ =	swait.ge [sflag:s28], $0x800  }
0x3d: {  	s16 =	simm.s32 $0x19000;
	[sflag:s28] =	ssyncset.done $0x0  }
.Ltmp3:
0x3e: {  	s15 =	rddreg [dreg:$0xc];
	[sflag:s28] =	ssyncadd.s32 $0xFFFFF800;
	(pc) =	sbr.rel .LBB2_10-.Ltmp3, $4  }
0x3f: {  	[tilespmem:s16], [sflag:$0x9] =	stream.linear.gather [hbm4b:s15+s3], $0x800, $0x38;
	[tilespmem:$0x1F800] =	vst v63  }
0x40: {  	s21 =	simm.s32 $0x1A800;
	s18 =	rddreg [dreg:$0xd]  }
0x41: {  	[tilespmem:s21], [sflag:$0x9] =	stream.linear.gather [hbm4b:s18+s3], $0x800, $0x38;
	[tilespmem:$0x1F800] =	vst v63  }
0x42: {  	s30 =	simm.s32 $0xFFFFF800;
	s21 =	simm.s32 $0xFFFFFFFE  }
.LBB2_11:
0x43: {  	p1 =	sgt.u32 s10, $0x317  }
0x44: {  	s8 =	sadd.s32 @!p1 $0x1, s15  }
0x45: {  	s14 =	smul.u32 @!p1 $0xAB, s8;
	_ =	sdelay $0x1  }
0x46: {  	s14 =	sshrl.u32 @!p1 s14, $0x9  }
0x47: {  	s14 =	sand.u32 @!p1 $0x7F, s14  }
0x48: {  	_ =	swait.ge [sflag:s28], $0x800;
	s14 =	smul.u32 @!p1 $0x3, s14  }
0x49: {  	[sflag:s28] =	ssyncset.done $0x0;
	s16 =	simm.s32 @!p1 $0x0  }
0x4a: {  	[sflag:s28] =	ssyncadd.s32 $0xFFFFF800;
	s14 =	ssub.s32 @!p1 s8, s14;
	s8 =	sshll.u32 @!p1 s8, $0xB  }
0x4b: {  	_ =	swait.ge [sflag:s28], $0x800;
	s14 =	sand.u32 @!p1 $0xFF, s14;
	s8 =	sadd.s32 @!p1 s9, s8  }
0x4c: {  	[sflag:s28] =	ssyncset.done $0x0;
	s14 =	sshll.u32 @!p1 s14, $0xB;
	s8 =	sshrl.u32 @!p1 s8, $0x3  }
0x4d: {  	[sflag:s28] =	ssyncadd.s32 $0xFFFFF800;
	s18 =	sadd.s32 @!p1 $0x18800, s14;
	s8 =	sadd.s32 @!p1 s7, s8  }
0x4e: {  	[tilespmem:s18], [sflag:$0x9] =	stream.linear.gather @!p1 [hbm4b:s8+s16], $0x800, $0x38;
	[tilespmem:$0x1F800] =	vst v63  }
0x4f: {  	s14 =	sor.u32 @!p1 $0x1A000, s14;
	s8 =	sadd.s32 @!p1 $0x64000, s8  }
0x50: {  	[tilespmem:s14], [sflag:$0x9] =	stream.linear.gather @!p1 [hbm4b:s8+s16], $0x800, $0x38;
	[tilespmem:$0x1F800] =	vst v63  }
0x51: {  	s16 =	simm.s32 @p1 $0x0  }
.LBB2_13:
0x52: {  	s8 =	sadd.s32 $0x5, s16  }
0x53: {  	_ =	swait.ge [sflag:s8], $0x1000  }
0x54: {  	[sflag:s8] =	ssyncset.done $0x0  }
0x55: {  	[sflag:s8] =	ssyncadd.s32 $0xFFFFF000  }
.LBB2_14:
0x56: {  	s8 =	smul.u32 $0xAB, s15;
	_ =	sdelay $0x1  }
0x57: {  	s8 =	sshrl.u32 s8, $0x9  }
0x58: {  	s8 =	sand.u32 $0x7F, s8  }
0x59: {  	s8 =	smul.u32 $0x3, s8;
	_ =	sdelay $0x1  }
0x5a: {  	s8 =	ssub.s32 s15, s8  }
0x5b: {  	s14 =	sshll.u32 s16, $0xC;
	p1 =	slt.u32 s10, $0x2;
	s8 =	sand.u32 $0xFF, s8  }
0x5c: {  	s1 =	sshll.u32 s1, $0x8;
	s10 =	sshrl.u32 @!p1 s21, $0x3;
	s8 =	sshll.u32 s8, $0xB  }
0x5d: {  	s18 =	sadd.s32 $0x1, s16;
	s1 =	sor.u32 s1, s8;
	s8 =	sand.u32 @!p1 $0xFF, s10  }
0x5e: {  	s14 =	sadd.s32 $0x1B800, s14;
	s1 =	sadd.s32 $0x18800, s1;
	s8 =	smul.u32 @!p1 $0xAB, s8  }
0x5f: {  	[tilespmem:s14], [sflag:s18] =	stream.indirect.gather [hbm4b:s5+s31], $0x10, s1, s31, $0xb8;
	[tilespmem:$0x1F800] =	vst v63  }
0x60: {  	s1 =	sshrl.u32 @!p1 s8, $0x9  }
0x61: {  	s1 =	smul.u32 @!p1 $0x3, s1  }
0x62: {  	s8 =	sand.u32 @!p1 $0x3, s21;
	s21 =	sadd.s32 $0x1, s21  }
0x63: {  	s14 =	sshll.u32 @!p1 s8, $0xC;
	s15 =	sadd.s32 @!p1 $0x1, s8;
	s1 =	ssub.s32 @!p1 s10, s1  }
0x64: {  	s8 =	sadd.s32 @!p1 $0x5, s8;
	s10 =	sand.u32 @!p1 $0x1C00, s30;
	s1 =	sand.u32 @!p1 $0xCB, s1  }
0x65: {  	_ =	swait.ge @!p1 [sflag:s15], $0x1000;
	s10 =	sshrl.u32 @!p1 s10, $0x2;
	s1 =	sshll.u32 @!p1 s1, $0xB  }
0x66: {  	s14 =	sadd.s32 @!p1 $0x1B800, s14;
	[sflag:s15] =	ssyncset.done @!p1 $0x0;
	s1 =	sor.u32 @!p1 s10, s1  }
0x67: {  	[sflag:s15] =	ssyncadd.s32 @!p1 $0xFFFFF000;
	s10 =	simm.s32 @!p1 $0x100;
	s1 =	sor.u32 @!p1 $0x1A000, s1  }
0x68: {  	[spmem:s2] =	stream.indirect.scatter.add.f32 @!p1 [tilespmem:s14], [sflag:s8], $0x10, s1, s10, $0xb8;
	[tilespmem:$0x1F800] =	vst v63  }
0x69: {  	p1 =	sne.s32 s21, $0x31E  }
.Ltmp4:
0x6a: {  	_ = 	snop;
	(pc) =	sbr.rel @!p1 .LBB2_15-.Ltmp4, $2  }
0x6b: {  	_ =	sdelay $0x2  }
0x6c: {  	s30 =	sadd.s32 $0x400, s30  }
.LBB2_10:
0x6d: {  	s10 =	sadd.s32 $0x2, s21  }
0x6e: {  	s1 =	sand.u32 $0x7, s10;
	p1 =	slt.u32 s10, $0x8  }
0x6f: {  	p2 =	sne.s32 @!p1 s1, $0x0  }
0x70: {  	p1 =	por p1, p2  }
.Ltmp5:
0x71: {  	_ = 	snop;
	(pc) =	sbr.rel @!p1 .LBB2_11-.Ltmp5, $2  }
0x72: {  	_ =	sdelay $0x2  }
0x73: {  	s15 =	sshrl.u32 s10, $0x3  }
0x74: {  	p1 =	slt.u32 s10, $0x4  }
.Ltmp6:
0x75: {  	_ = 	snop;
	(pc) =	sbr.rel @p1 .LBB2_14-.Ltmp6, $4  }
.Ltmp7:
0x76: {  	_ = 	snop;
	(pc) =	sbr.rel @!p1 .LBB2_13-.Ltmp7, $4  }
0x77: {  	_ = 	snop  }
0x78: {  	_ = 	snop  }
0x79: {  	s16 =	sand.u32 $0x3, s10  }
0x7a: {  	_ = 	snop  }
.LBB2_2:
0x7b: {  	s1 =	rddreg [dreg:$0x6];
	s8 =	simm.s32 $0x18800  }
0x7c: {  	[tilespmem:s8], [sflag:$0x9] =	stream.linear.gather [hbm4b:s1+s3], $0x800, $0x38;
	[tilespmem:$0x1F800] =	vst v63  }
0x7d: {  	s10 =	rddreg [dreg:$0x7];
	s14 =	simm.s32 $0x1A000  }
0x7e: {  	[tilespmem:s14], [sflag:$0x9] =	stream.linear.gather [hbm4b:s10+s3], $0x800, $0x38;
	[tilespmem:$0x1F800] =	vst v63  }
0x7f: {  	_ =	swait.ge [sflag:s28], $0x800  }
0x80: {  	[sflag:s28] =	ssyncset.done $0x0  }
0x81: {  	[sflag:s28] =	ssyncadd.s32 $0xFFFFF800  }
0x82: {  	_ =	swait.ge [sflag:s28], $0x800  }
0x83: {  	s16 =	simm.s32 $0x19000;
	[sflag:s28] =	ssyncset.done $0x0  }
.Ltmp8:
0x84: {  	s15 =	rddreg [dreg:$0x8];
	[sflag:s28] =	ssyncadd.s32 $0xFFFFF800;
	(pc) =	sbr.rel .LBB2_3-.Ltmp8, $4  }
0x85: {  	[tilespmem:s16], [sflag:$0x9] =	stream.linear.gather [hbm4b:s15+s3], $0x800, $0x38;
	[tilespmem:$0x1F800] =	vst v63  }
0x86: {  	s21 =	simm.s32 $0x1A800;
	s18 =	rddreg [dreg:$0x9]  }
0x87: {  	[tilespmem:s21], [sflag:$0x9] =	stream.linear.gather [hbm4b:s18+s3], $0x800, $0x38;
	[tilespmem:$0x1F800] =	vst v63  }
0x88: {  	s30 =	simm.s32 $0xFFFFF800;
	s21 =	simm.s32 $0xFFFFFFFE  }
.LBB2_4:
0x89: {  	p1 =	sgt.u32 s10, $0x317  }
0x8a: {  	s16 =	sadd.s32 @!p1 $0x1, s15  }
0x8b: {  	s14 =	smul.u32 @!p1 $0xAB, s16;
	_ =	sdelay $0x1  }
0x8c: {  	s14 =	sshrl.u32 @!p1 s14, $0x9  }
0x8d: {  	_ =	swait.ge [sflag:s28], $0x800;
	s14 =	sand.u32 @!p1 $0x7F, s14  }
0x8e: {  	[sflag:s28] =	ssyncset.done $0x0;
	s14 =	smul.u32 @!p1 $0x3, s14  }
0x8f: {  	[sflag:s28] =	ssyncadd.s32 $0xFFFFF800  }
0x90: {  	_ =	swait.ge [sflag:s28], $0x800;
	s14 =	ssub.s32 @!p1 s16, s14;
	s16 =	sshll.u32 @!p1 s16, $0xB  }
0x91: {  	[sflag:s28] =	ssyncset.done $0x0;
	s14 =	sand.u32 @!p1 $0xFF, s14;
	s16 =	sadd.s32 @!p1 s9, s16  }
0x92: {  	[sflag:s28] =	ssyncadd.s32 $0xFFFFF800;
	s14 =	sshll.u32 @!p1 s14, $0xB;
	s16 =	sshrl.u32 @!p1 s16, $0x3  }
0x93: {  	s18 =	sadd.s32 @!p1 $0x18800, s14;
	s8 =	sadd.s32 @!p1 s6, s16;
	s16 =	simm.s32 @!p1 $0x0  }
0x94: {  	[tilespmem:s18], [sflag:$0x9] =	stream.linear.gather @!p1 [hbm4b:s8+s16], $0x800, $0x38;
	[tilespmem:$0x1F800] =	vst v63  }
0x95: {  	s14 =	sor.u32 @!p1 $0x1A000, s14;
	s8 =	sadd.s32 @!p1 $0x64000, s8  }
0x96: {  	[tilespmem:s14], [sflag:$0x9] =	stream.linear.gather @!p1 [hbm4b:s8+s16], $0x800, $0x38;
	[tilespmem:$0x1F800] =	vst v63  }
0x97: {  	s16 =	simm.s32 @p1 $0x0  }
.LBB2_6:
0x98: {  	s8 =	sadd.s32 $0x5, s16  }
0x99: {  	_ =	swait.ge [sflag:s8], $0x1000  }
0x9a: {  	[sflag:s8] =	ssyncset.done $0x0  }
0x9b: {  	[sflag:s8] =	ssyncadd.s32 $0xFFFFF000  }
.LBB2_7:
0x9c: {  	s8 =	smul.u32 $0xAB, s15;
	_ =	sdelay $0x1  }
0x9d: {  	s8 =	sshrl.u32 s8, $0x9  }
0x9e: {  	s8 =	sand.u32 $0x7F, s8  }
0x9f: {  	s8 =	smul.u32 $0x3, s8;
	_ =	sdelay $0x1  }
0xa0: {  	s8 =	ssub.s32 s15, s8  }
0xa1: {  	s14 =	sshll.u32 s16, $0xC;
	p1 =	slt.u32 s10, $0x2;
	s8 =	sand.u32 $0xFF, s8  }
0xa2: {  	s1 =	sshll.u32 s1, $0x8;
	s10 =	sshrl.u32 @!p1 s21, $0x3;
	s8 =	sshll.u32 s8, $0xB  }
0xa3: {  	s18 =	sadd.s32 $0x1, s16;
	s1 =	sor.u32 s1, s8;
	s8 =	sand.u32 @!p1 $0xFF, s10  }
0xa4: {  	s14 =	sadd.s32 $0x1B800, s14;
	s1 =	sadd.s32 $0x18800, s1;
	s8 =	smul.u32 @!p1 $0xAB, s8  }
0xa5: {  	[tilespmem:s14], [sflag:s18] =	stream.indirect.gather [hbm4b:s4+s31], $0x10, s1, s31, $0xb8;
	[tilespmem:$0x1F800] =	vst v63  }
0xa6: {  	s1 =	sshrl.u32 @!p1 s8, $0x9  }
0xa7: {  	s1 =	smul.u32 @!p1 $0x3, s1  }
0xa8: {  	s8 =	sand.u32 @!p1 $0x3, s21;
	s21 =	sadd.s32 $0x1, s21  }
0xa9: {  	s14 =	sshll.u32 @!p1 s8, $0xC;
	s15 =	sadd.s32 @!p1 $0x1, s8;
	s1 =	ssub.s32 @!p1 s10, s1  }
0xaa: {  	s8 =	sadd.s32 @!p1 $0x5, s8;
	s10 =	sand.u32 @!p1 $0x1C00, s30;
	s1 =	sand.u32 @!p1 $0xCB, s1  }
0xab: {  	_ =	swait.ge @!p1 [sflag:s15], $0x1000;
	s10 =	sshrl.u32 @!p1 s10, $0x2;
	s1 =	sshll.u32 @!p1 s1, $0xB  }
0xac: {  	s14 =	sadd.s32 @!p1 $0x1B800, s14;
	[sflag:s15] =	ssyncset.done @!p1 $0x0;
	s1 =	sor.u32 @!p1 s10, s1  }
0xad: {  	[sflag:s15] =	ssyncadd.s32 @!p1 $0xFFFFF000;
	s10 =	simm.s32 @!p1 $0x100;
	s1 =	sor.u32 @!p1 $0x1A000, s1  }
0xae: {  	[spmem:s2] =	stream.indirect.scatter.add.f32 @!p1 [tilespmem:s14], [sflag:s8], $0x10, s1, s10, $0xb8;
	[tilespmem:$0x1F800] =	vst v63  }
0xaf: {  	p1 =	sne.s32 s21, $0x31E  }
.Ltmp9:
0xb0: {  	_ = 	snop;
	(pc) =	sbr.rel @!p1 .LBB2_8-.Ltmp9, $2  }
0xb1: {  	_ =	sdelay $0x2  }
0xb2: {  	s30 =	sadd.s32 $0x400, s30  }
.LBB2_3:
0xb3: {  	s10 =	sadd.s32 $0x2, s21  }
0xb4: {  	s1 =	sand.u32 $0x7, s10;
	p1 =	slt.u32 s10, $0x8  }
0xb5: {  	p2 =	sne.s32 @!p1 s1, $0x0  }
0xb6: {  	p1 =	por p1, p2  }
.Ltmp10:
0xb7: {  	_ = 	snop;
	(pc) =	sbr.rel @!p1 .LBB2_4-.Ltmp10, $2  }
0xb8: {  	_ =	sdelay $0x2  }
0xb9: {  	s15 =	sshrl.u32 s10, $0x3  }
0xba: {  	p1 =	slt.u32 s10, $0x4  }
.Ltmp11:
0xbb: {  	_ = 	snop;
	(pc) =	sbr.rel @p1 .LBB2_7-.Ltmp11, $4  }
.Ltmp12:
0xbc: {  	_ = 	snop;
	(pc) =	sbr.rel @!p1 .LBB2_6-.Ltmp12, $4  }
0xbd: {  	_ = 	snop  }
0xbe: {  	_ = 	snop  }
0xbf: {  	s16 =	sand.u32 $0x3, s10  }
0xc0: {  	_ = 	snop  }
.LBB2_8:
0xc1: {  	_ =	swait.ge [sflag:s0], $0x1000  }
0xc2: {  	[sflag:s0] =	ssyncset.done $0x0  }
0xc3: {  	s1 =	simm.s32 $0x1A600;
	s8 =	simm.s32 $0x1D800;
	[sflag:s0] =	ssyncadd.s32 $0xFFFFF000  }
0xc4: {  	[spmem:s2] =	stream.indirect.scatter.add.f32 [tilespmem:s8], [sflag:$0x7], $0x10, s1, s31, $0xb8;
	[tilespmem:$0x1F800] =	vst v63  }
.Ltmp13:
0xc5: {  	_ = 	snop;
	(pc) =	sbr.rel .LBB2_16-.Ltmp13, $4  }
0xc6: {  	_ =	swait.ge [sflag:s11], $0x1000  }
0xc7: {  	s21 =	simm.s32 $0x1A700;
	[sflag:s11] =	ssyncset.done $0x0  }
0xc8: {  	s30 =	simm.s32 $0x1E800;
	s1 =	rddreg [dreg:$0x4];
	[sflag:s11] =	ssyncadd.s32 $0xFFFFF000  }
0xc9: {  	[spmem:s2] =	stream.indirect.scatter.add.f32 [tilespmem:s30], [sflag:$0x8], $0x10, s21, s31, $0xb8;
	[tilespmem:$0x1F800] =	vst v63  }
.LBB2_17:
0xca: {  	_ =	sfence.sel $0x180000  }
0xcb: {  	[bflag:$0x0] =	sbarrier.arrive $0xFFFF  }
0xcc: {  	_ =	strace $0x9000004D  }
0xcd: {  	s0 =	stileid.u32;
	[bflag:$0x2] =	sbarrier.arrive $0xFFFF  }
0xce: {  	p0 =	sne.s32 s0, $0x0;
	s0 =	rddreg [dreg:$0x2]  }
0xcf: {  	s0 =	sadd.s32 @!p0 $0x100000, s0  }
0xd0: {  	[sflag:s0] =	ssyncadd.tile.s32 @!p0 $0x1;
	_ =	shalt  }
.Lfunc_end2:
_tile_overlayer_lowered:
.L_overlay_start_2:
0xd1: {  	(tag) =	ssettag $0x2  }
0xd2: {  	s0 =	rddreg [dreg:$0x0];
	s2 =	stileid.u32  }
0xd3: {  	s1 =	rddreg [dreg:$0x1];
	p0 =	sne.s32 s2, $0x0  }
0xd4: {  	s3 =	rddreg [dreg:$0x2];
	[bflag:$0x3] =	sbarrier.arrive $0xFFFF;
	s2 =	simm.s32 @!p0 $0x1C0A  }
0xd5: {  	[timem:s3], [sflag:s2] =	dma.local @!p0 [hbm:s0], s1  }
0xd6: {  	s0 =	simm.s32 @!p0 $0xA  }
0xd7: {  	_ =	swait.ge @!p0 [sflag:s0], s1  }
0xd8: {  	s1 =	ssub.s32 @!p0 $0x0, s1;
	[sflag:s0] =	ssyncset.done @!p0 $0x0  }
0xd9: {  	[sflag:s0] =	ssyncadd.s32 @!p0 s1  }
0xda: {  	[bflag:$0x3] =	sbarrier.arrive $0xFFFF  }
0xdb: {  	_ =	shalt  }

</sc_bundles>
